<compile_context>
chip_gen: v7x
topology: tpu7x:2x2x1
jax: 0.10.2.dev20260603
libtpu: 0.0.44.dev20260713+nightly
codegen_flags: <defaults>
</compile_context>

<pallas_src>
import jax
import jax.numpy as jnp
import numpy as np
from jax import lax
from jax.experimental import pallas as pl
from jax.experimental.pallas import tpu as pltpu
from jax.experimental.pallas import tpu_sc as plsc

_SIGNAL_DIM = 75
_EMBED_DIM = 9
_NUM_SEG = 12
_SEG_STARTS = [int(v) for v in np.linspace(0, _SIGNAL_DIM - _EMBED_DIM, _NUM_SEG)]
_BATCH = 524288

_LANES = 16
_NUM_WORKERS = 32
_COLS_PER_WORKER = _BATCH // _NUM_WORKERS
_CHUNK_COLS = 512
_NUM_CHUNKS = _COLS_PER_WORKER // _CHUNK_COLS
_CVECS = _CHUNK_COLS // _LANES


def _sc_body(x_hbm, out_hbm, buf0, buf1, buf2, cnt, inv,
             isem0, isem1, isem2, osem0, osem1, osem2):
    wid = lax.axis_index("s") * 2 + lax.axis_index("c")
    base_col = wid * _COLS_PER_WORKER

    lanes = lax.iota(jnp.int32, _LANES)
    zeros = jnp.zeros((_LANES,), jnp.float32)
    ones = jnp.ones((_LANES,), jnp.float32)

    @pl.loop(0, _SIGNAL_DIM)
    def _(j):
        cnt[pl.ds(j * _LANES, _LANES)] = zeros

    for s in _SEG_STARTS:
        for o in range(_EMBED_DIM):
            plsc.addupdate_scatter(cnt, [lanes + (s + o) * _LANES], ones)

    @pl.loop(0, _SIGNAL_DIM)
    def _(j):
        c = cnt[pl.ds(j * _LANES, _LANES)]
        inv[pl.ds(j * _LANES, _LANES)] = 1.0 / c

    bufs = (buf0, buf1, buf2)
    isems = (isem0, isem1, isem2)
    osems = (osem0, osem1, osem2)

    def start_in(g, b):
        pltpu.async_copy(
            x_hbm.at[:, pl.ds(base_col + g * _CHUNK_COLS, _CHUNK_COLS)],
            bufs[b], isems[b])

    def wait_in(g, b):
        pltpu.make_async_copy(
            x_hbm.at[:, pl.ds(base_col + g * _CHUNK_COLS, _CHUNK_COLS)],
            bufs[b], isems[b]).wait()

    def start_out(g, b):
        pltpu.async_copy(
            bufs[b], out_hbm.at[:, pl.ds(base_col + g * _CHUNK_COLS, _CHUNK_COLS)],
            osems[b])

    def wait_out(g, b):
        pltpu.make_async_copy(
            bufs[b], out_hbm.at[:, pl.ds(base_col + g * _CHUNK_COLS, _CHUNK_COLS)],
            osems[b]).wait()

    def compute(buf):
        @pl.loop(0, _SIGNAL_DIM)
        def _(r):
            c = cnt[pl.ds(r * _LANES, _LANES)]
            v = inv[pl.ds(r * _LANES, _LANES)]
            for cv in range(_CVECS):
                x = buf[r, pl.ds(cv * _LANES, _LANES)]
                buf[r, pl.ds(cv * _LANES, _LANES)] = (x * c) * v

    def steady(c, b):
        b1 = (b + 2) % 3
        wait_in(c, b)
        wait_out(c - 1, b1)
        start_in(c + 2, b1)
        compute(bufs[b])
        start_out(c, b)

    start_in(0, 0)
    start_in(1, 1)
    wait_in(0, 0)
    start_in(2, 2)
    compute(buf0)
    start_out(0, 0)
    steady(1, 1)
    steady(2, 2)

    @pl.loop(3, _NUM_CHUNKS - 2, step=3)
    def _(c):
        steady(c, 0)
        steady(c + 1, 1)
        steady(c + 2, 2)

    for c in (_NUM_CHUNKS - 2, _NUM_CHUNKS - 1):
        b = c % 3
        wait_in(c, b)
        compute(bufs[b])
        start_out(c, b)
    wait_out(_NUM_CHUNKS - 3, (_NUM_CHUNKS - 3) % 3)
    wait_out(_NUM_CHUNKS - 2, (_NUM_CHUNKS - 2) % 3)
    wait_out(_NUM_CHUNKS - 1, (_NUM_CHUNKS - 1) % 3)


@jax.jit
def kernel(inputData):
    xt = inputData.T
    mesh = plsc.VectorSubcoreMesh(core_axis_name="c", subcore_axis_name="s")
    out_t = pl.kernel(
        _sc_body,
        out_type=jax.ShapeDtypeStruct((_SIGNAL_DIM, _BATCH), jnp.float32),
        mesh=mesh,
        compiler_params=pltpu.CompilerParams(
            needs_layout_passes=False, use_tc_tiling_on_sc=True),
        scratch_types=[
            pltpu.VMEM((_SIGNAL_DIM, _CHUNK_COLS), jnp.float32),
            pltpu.VMEM((_SIGNAL_DIM, _CHUNK_COLS), jnp.float32),
            pltpu.VMEM((_SIGNAL_DIM, _CHUNK_COLS), jnp.float32),
            pltpu.VMEM((_SIGNAL_DIM * _LANES,), jnp.float32),
            pltpu.VMEM((_SIGNAL_DIM * _LANES,), jnp.float32),
            pltpu.SemaphoreType.DMA,
            pltpu.SemaphoreType.DMA,
            pltpu.SemaphoreType.DMA,
            pltpu.SemaphoreType.DMA,
            pltpu.SemaphoreType.DMA,
            pltpu.SemaphoreType.DMA,
        ],
    )(xt)
    return out_t.T

# --- scband reference (transcript-rebuilt; emitter-appended) ---
"""Pipeline reference for scband-variational-autoencoder-parameters-72885595013478 (READ-ONLY COPY).

The authoritative reference and input builder live on the scoring server;
editing this copy changes nothing except your own understanding.
"""

import jax, jax.numpy as jnp
import numpy as np

SIGNAL_DIM = 75
EMBED_DIM = 9
NUM_SEG = 12
SLICE_IDX = [int(v) for v in np.linspace(0, SIGNAL_DIM - EMBED_DIM, NUM_SEG)]
BATCH = 524288


def setup_inputs(seed: int = 0) -> dict:
    key = jax.random.key(seed)
    inputData = jax.random.normal(key, (BATCH, SIGNAL_DIM), dtype=jnp.float32)
    return {"inputData": inputData}


def reference(inputData):
    # embedSignals: gather overlapping slices -> [B, numSegments, embeddedDim]
    segmentedData = jnp.stack([inputData[:, s:s + EMBED_DIM] for s in SLICE_IDX], axis=1)
    # signalDefragmentation: overlapping scatter-add + contribution normalization
    batchSize = segmentedData.shape[0]
    reconstructedData = jnp.zeros((batchSize, SIGNAL_DIM), dtype=segmentedData.dtype)
    contributions = jnp.zeros((batchSize, SIGNAL_DIM), dtype=segmentedData.dtype)
    for i, s in enumerate(SLICE_IDX):
        reconstructedData = reconstructedData.at[:, s:s + EMBED_DIM].add(segmentedData[:, i, :])
        contributions = contributions.at[:, s:s + EMBED_DIM].add(1.0)
    reconstructedData = reconstructedData / contributions
    return reconstructedData

if __name__ == "__main__":
    import jax
    _d = setup_inputs()
    print(jax.jit(kernel)(*tuple(_d.values())))

</pallas_src>

<mosaic_0001>
#map = affine_map<(d0, d1) -> (0, 0)>
module attributes {stable_mosaic.version = 14 : i64} {
  func.func @_sc_body(%arg0: i32, %arg1: i32, %arg2: memref<75x524288xf32, #tpu.memory_space<hbm>>, %arg3: memref<75x524288xf32, #tpu.memory_space<hbm>>, %arg4: memref<75x512xf32, #tpu.memory_space<vmem>>, %arg5: memref<75x512xf32, #tpu.memory_space<vmem>>, %arg6: memref<75x512xf32, #tpu.memory_space<vmem>>, %arg7: memref<1200xf32, #tpu.memory_space<vmem>>, %arg8: memref<1200xf32, #tpu.memory_space<vmem>>, %arg9: memref<!tpu.dma_semaphore, #tpu.memory_space<semaphore_mem>>, %arg10: memref<!tpu.dma_semaphore, #tpu.memory_space<semaphore_mem>>, %arg11: memref<!tpu.dma_semaphore, #tpu.memory_space<semaphore_mem>>, %arg12: memref<!tpu.dma_semaphore, #tpu.memory_space<semaphore_mem>>, %arg13: memref<!tpu.dma_semaphore, #tpu.memory_space<semaphore_mem>>, %arg14: memref<!tpu.dma_semaphore, #tpu.memory_space<semaphore_mem>>) attributes {dimension_semantics = [#tpu.dimension_semantics<core_parallel>, #tpu.dimension_semantics<subcore_parallel>], iteration_bounds = array<i64: 2, 16>, scalar_prefetch = 0 : i64, scratch_operands = 11 : i64, tpu.core_type = #tpu.core_type<sc_vector_subcore>, window_params = [{transform_indices = #map}, {transform_indices = #map}]} {
    %mul3A = arith.constant 2 : i32
    %mul3A_0 = arith.muli %arg1, %mul3A : i32
    %add3A = arith.addi %mul3A_0, %arg0 : i32
    %mul3A_1 = arith.constant 16384 : i32
    %mul3A_2 = arith.muli %add3A, %mul3A_1 : i32
    %iota3A = tpu.iota {dimensions = array<i32: 0>} : vector<16xi32>
    %broadcast_in_dim3A = arith.constant 0.000000e+00 : f32
    %broadcast_in_dim3A_3 = vector.broadcast %broadcast_in_dim3A : f32 to vector<16xf32>
    %broadcast_in_dim3A_4 = arith.constant 1.000000e+00 : f32
    %broadcast_in_dim3A_5 = vector.broadcast %broadcast_in_dim3A_4 : f32 to vector<16xf32>
    %scan3A = arith.constant 0 : i32
    %scan3A_6 = arith.constant 75 : i32
    %scan3A_7 = arith.addi %scan3A, %scan3A_6 : i32
    %scan3A_8 = arith.constant 1 : i32
    scf.for %scan3A_487 = %scan3A to %scan3A_7 step %scan3A_8  : i32 {
      %mul3A_488 = arith.constant 1 : i32
      %mul3A_489 = arith.muli %scan3A_487, %mul3A_488 : i32
      %add3A_490 = arith.constant 0 : i32
      %add3A_491 = arith.addi %add3A_490, %mul3A_489 : i32
      %mul3A_492 = arith.constant 16 : i32
      %mul3A_493 = arith.muli %add3A_491, %mul3A_492 : i32
      %swap3A = arith.index_cast %mul3A_493 : i32 to index
      %swap3A_494 = tpu.vector_load %arg7[%swap3A] {strides = array<i32>} : memref<1200xf32, #tpu.memory_space<vmem>>, vector<16xf32>,
      tpu.vector_store %arg7[%swap3A], %broadcast_in_dim3A_3 {strides = array<i32>} : memref<1200xf32, #tpu.memory_space<vmem>>, vector<16xf32>,
    }
    %scan3A_9 = arith.constant 75 : i32
    %add3A_10 = arith.constant 0 : i32
    %add3A_11 = vector.broadcast %add3A_10 : i32 to vector<16xi32>
    %add3A_12 = arith.addi %iota3A, %add3A_11 : vector<16xi32>
    tpu.vector_store_idx %arg7[%add3A_12], %broadcast_in_dim3A_5 {add = true} : memref<1200xf32, #tpu.memory_space<vmem>>[vector<16xi32>], vector<16xf32>,
    %add3A_13 = arith.constant 16 : i32
    %add3A_14 = vector.broadcast %add3A_13 : i32 to vector<16xi32>
    %add3A_15 = arith.addi %iota3A, %add3A_14 : vector<16xi32>
    tpu.vector_store_idx %arg7[%add3A_15], %broadcast_in_dim3A_5 {add = true} : memref<1200xf32, #tpu.memory_space<vmem>>[vector<16xi32>], vector<16xf32>,
    %add3A_16 = arith.constant 32 : i32
    %add3A_17 = vector.broadcast %add3A_16 : i32 to vector<16xi32>
    %add3A_18 = arith.addi %iota3A, %add3A_17 : vector<16xi32>
    tpu.vector_store_idx %arg7[%add3A_18], %broadcast_in_dim3A_5 {add = true} : memref<1200xf32, #tpu.memory_space<vmem>>[vector<16xi32>], vector<16xf32>,
    %add3A_19 = arith.constant 48 : i32
    %add3A_20 = vector.broadcast %add3A_19 : i32 to vector<16xi32>
    %add3A_21 = arith.addi %iota3A, %add3A_20 : vector<16xi32>
    tpu.vector_store_idx %arg7[%add3A_21], %broadcast_in_dim3A_5 {add = true} : memref<1200xf32, #tpu.memory_space<vmem>>[vector<16xi32>], vector<16xf32>,
    %add3A_22 = arith.constant 64 : i32
    %add3A_23 = vector.broadcast %add3A_22 : i32 to vector<16xi32>
    %add3A_24 = arith.addi %iota3A, %add3A_23 : vector<16xi32>
    tpu.vector_store_idx %arg7[%add3A_24], %broadcast_in_dim3A_5 {add = true} : memref<1200xf32, #tpu.memory_space<vmem>>[vector<16xi32>], vector<16xf32>,
    %add3A_25 = arith.constant 80 : i32
    %add3A_26 = vector.broadcast %add3A_25 : i32 to vector<16xi32>
    %add3A_27 = arith.addi %iota3A, %add3A_26 : vector<16xi32>
    tpu.vector_store_idx %arg7[%add3A_27], %broadcast_in_dim3A_5 {add = true} : memref<1200xf32, #tpu.memory_space<vmem>>[vector<16xi32>], vector<16xf32>,
    %add3A_28 = arith.constant 96 : i32
    %add3A_29 = vector.broadcast %add3A_28 : i32 to vector<16xi32>
    %add3A_30 = arith.addi %iota3A, %add3A_29 : vector<16xi32>
    tpu.vector_store_idx %arg7[%add3A_30], %broadcast_in_dim3A_5 {add = true} : memref<1200xf32, #tpu.memory_space<vmem>>[vector<16xi32>], vector<16xf32>,
    %add3A_31 = arith.constant 112 : i32
    %add3A_32 = vector.broadcast %add3A_31 : i32 to vector<16xi32>
    %add3A_33 = arith.addi %iota3A, %add3A_32 : vector<16xi32>
    tpu.vector_store_idx %arg7[%add3A_33], %broadcast_in_dim3A_5 {add = true} : memref<1200xf32, #tpu.memory_space<vmem>>[vector<16xi32>], vector<16xf32>,
    %add3A_34 = arith.constant 128 : i32
    %add3A_35 = vector.broadcast %add3A_34 : i32 to vector<16xi32>
    %add3A_36 = arith.addi %iota3A, %add3A_35 : vector<16xi32>
    tpu.vector_store_idx %arg7[%add3A_36], %broadcast_in_dim3A_5 {add = true} : memref<1200xf32, #tpu.memory_space<vmem>>[vector<16xi32>], vector<16xf32>,
    %add3A_37 = arith.constant 96 : i32
    %add3A_38 = vector.broadcast %add3A_37 : i32 to vector<16xi32>
    %add3A_39 = arith.addi %iota3A, %add3A_38 : vector<16xi32>
    tpu.vector_store_idx %arg7[%add3A_39], %broadcast_in_dim3A_5 {add = true} : memref<1200xf32, #tpu.memory_space<vmem>>[vector<16xi32>], vector<16xf32>,
    %add3A_40 = arith.constant 112 : i32
    %add3A_41 = vector.broadcast %add3A_40 : i32 to vector<16xi32>
    %add3A_42 = arith.addi %iota3A, %add3A_41 : vector<16xi32>
    tpu.vector_store_idx %arg7[%add3A_42], %broadcast_in_dim3A_5 {add = true} : memref<1200xf32, #tpu.memory_space<vmem>>[vector<16xi32>], vector<16xf32>,
    %add3A_43 = arith.constant 128 : i32
    %add3A_44 = vector.broadcast %add3A_43 : i32 to vector<16xi32>
    %add3A_45 = arith.addi %iota3A, %add3A_44 : vector<16xi32>
    tpu.vector_store_idx %arg7[%add3A_45], %broadcast_in_dim3A_5 {add = true} : memref<1200xf32, #tpu.memory_space<vmem>>[vector<16xi32>], vector<16xf32>,
    %add3A_46 = arith.constant 144 : i32
    %add3A_47 = vector.broadcast %add3A_46 : i32 to vector<16xi32>
    %add3A_48 = arith.addi %iota3A, %add3A_47 : vector<16xi32>
    tpu.vector_store_idx %arg7[%add3A_48], %broadcast_in_dim3A_5 {add = true} : memref<1200xf32, #tpu.memory_space<vmem>>[vector<16xi32>], vector<16xf32>,
    %add3A_49 = arith.constant 160 : i32
    %add3A_50 = vector.broadcast %add3A_49 : i32 to vector<16xi32>
    %add3A_51 = arith.addi %iota3A, %add3A_50 : vector<16xi32>
    tpu.vector_store_idx %arg7[%add3A_51], %broadcast_in_dim3A_5 {add = true} : memref<1200xf32, #tpu.memory_space<vmem>>[vector<16xi32>], vector<16xf32>,
    %add3A_52 = arith.constant 176 : i32
    %add3A_53 = vector.broadcast %add3A_52 : i32 to vector<16xi32>
    %add3A_54 = arith.addi %iota3A, %add3A_53 : vector<16xi32>
    tpu.vector_store_idx %arg7[%add3A_54], %broadcast_in_dim3A_5 {add = true} : memref<1200xf32, #tpu.memory_space<vmem>>[vector<16xi32>], vector<16xf32>,
    %add3A_55 = arith.constant 192 : i32
    %add3A_56 = vector.broadcast %add3A_55 : i32 to vector<16xi32>
    %add3A_57 = arith.addi %iota3A, %add3A_56 : vector<16xi32>
    tpu.vector_store_idx %arg7[%add3A_57], %broadcast_in_dim3A_5 {add = true} : memref<1200xf32, #tpu.memory_space<vmem>>[vector<16xi32>], vector<16xf32>,
    %add3A_58 = arith.constant 208 : i32
    %add3A_59 = vector.broadcast %add3A_58 : i32 to vector<16xi32>
    %add3A_60 = arith.addi %iota3A, %add3A_59 : vector<16xi32>
    tpu.vector_store_idx %arg7[%add3A_60], %broadcast_in_dim3A_5 {add = true} : memref<1200xf32, #tpu.memory_space<vmem>>[vector<16xi32>], vector<16xf32>,
    %add3A_61 = arith.constant 224 : i32
    %add3A_62 = vector.broadcast %add3A_61 : i32 to vector<16xi32>
    %add3A_63 = arith.addi %iota3A, %add3A_62 : vector<16xi32>
    tpu.vector_store_idx %arg7[%add3A_63], %broadcast_in_dim3A_5 {add = true} : memref<1200xf32, #tpu.memory_space<vmem>>[vector<16xi32>], vector<16xf32>,
    %add3A_64 = arith.constant 192 : i32
    %add3A_65 = vector.broadcast %add3A_64 : i32 to vector<16xi32>
    %add3A_66 = arith.addi %iota3A, %add3A_65 : vector<16xi32>
    tpu.vector_store_idx %arg7[%add3A_66], %broadcast_in_dim3A_5 {add = true} : memref<1200xf32, #tpu.memory_space<vmem>>[vector<16xi32>], vector<16xf32>,
    %add3A_67 = arith.constant 208 : i32
    %add3A_68 = vector.broadcast %add3A_67 : i32 to vector<16xi32>
    %add3A_69 = arith.addi %iota3A, %add3A_68 : vector<16xi32>
    tpu.vector_store_idx %arg7[%add3A_69], %broadcast_in_dim3A_5 {add = true} : memref<1200xf32, #tpu.memory_space<vmem>>[vector<16xi32>], vector<16xf32>,
    %add3A_70 = arith.constant 224 : i32
    %add3A_71 = vector.broadcast %add3A_70 : i32 to vector<16xi32>
    %add3A_72 = arith.addi %iota3A, %add3A_71 : vector<16xi32>
    tpu.vector_store_idx %arg7[%add3A_72], %broadcast_in_dim3A_5 {add = true} : memref<1200xf32, #tpu.memory_space<vmem>>[vector<16xi32>], vector<16xf32>,
    %add3A_73 = arith.constant 240 : i32
    %add3A_74 = vector.broadcast %add3A_73 : i32 to vector<16xi32>
    %add3A_75 = arith.addi %iota3A, %add3A_74 : vector<16xi32>
    tpu.vector_store_idx %arg7[%add3A_75], %broadcast_in_dim3A_5 {add = true} : memref<1200xf32, #tpu.memory_space<vmem>>[vector<16xi32>], vector<16xf32>,
    %add3A_76 = arith.constant 256 : i32
    %add3A_77 = vector.broadcast %add3A_76 : i32 to vector<16xi32>
    %add3A_78 = arith.addi %iota3A, %add3A_77 : vector<16xi32>
    tpu.vector_store_idx %arg7[%add3A_78], %broadcast_in_dim3A_5 {add = true} : memref<1200xf32, #tpu.memory_space<vmem>>[vector<16xi32>], vector<16xf32>,
    %add3A_79 = arith.constant 272 : i32
    %add3A_80 = vector.broadcast %add3A_79 : i32 to vector<16xi32>
    %add3A_81 = arith.addi %iota3A, %add3A_80 : vector<16xi32>
    tpu.vector_store_idx %arg7[%add3A_81], %broadcast_in_dim3A_5 {add = true} : memref<1200xf32, #tpu.memory_space<vmem>>[vector<16xi32>], vector<16xf32>,
    %add3A_82 = arith.constant 288 : i32
    %add3A_83 = vector.broadcast %add3A_82 : i32 to vector<16xi32>
    %add3A_84 = arith.addi %iota3A, %add3A_83 : vector<16xi32>
    tpu.vector_store_idx %arg7[%add3A_84], %broadcast_in_dim3A_5 {add = true} : memref<1200xf32, #tpu.memory_space<vmem>>[vector<16xi32>], vector<16xf32>,
    %add3A_85 = arith.constant 304 : i32
    %add3A_86 = vector.broadcast %add3A_85 : i32 to vector<16xi32>
    %add3A_87 = arith.addi %iota3A, %add3A_86 : vector<16xi32>
    tpu.vector_store_idx %arg7[%add3A_87], %broadcast_in_dim3A_5 {add = true} : memref<1200xf32, #tpu.memory_space<vmem>>[vector<16xi32>], vector<16xf32>,
    %add3A_88 = arith.constant 320 : i32
    %add3A_89 = vector.broadcast %add3A_88 : i32 to vector<16xi32>
    %add3A_90 = arith.addi %iota3A, %add3A_89 : vector<16xi32>
    tpu.vector_store_idx %arg7[%add3A_90], %broadcast_in_dim3A_5 {add = true} : memref<1200xf32, #tpu.memory_space<vmem>>[vector<16xi32>], vector<16xf32>,
    %add3A_91 = arith.constant 288 : i32
    %add3A_92 = vector.broadcast %add3A_91 : i32 to vector<16xi32>
    %add3A_93 = arith.addi %iota3A, %add3A_92 : vector<16xi32>
    tpu.vector_store_idx %arg7[%add3A_93], %broadcast_in_dim3A_5 {add = true} : memref<1200xf32, #tpu.memory_space<vmem>>[vector<16xi32>], vector<16xf32>,
    %add3A_94 = arith.constant 304 : i32
    %add3A_95 = vector.broadcast %add3A_94 : i32 to vector<16xi32>
    %add3A_96 = arith.addi %iota3A, %add3A_95 : vector<16xi32>
    tpu.vector_store_idx %arg7[%add3A_96], %broadcast_in_dim3A_5 {add = true} : memref<1200xf32, #tpu.memory_space<vmem>>[vector<16xi32>], vector<16xf32>,
    %add3A_97 = arith.constant 320 : i32
    %add3A_98 = vector.broadcast %add3A_97 : i32 to vector<16xi32>
    %add3A_99 = arith.addi %iota3A, %add3A_98 : vector<16xi32>
    tpu.vector_store_idx %arg7[%add3A_99], %broadcast_in_dim3A_5 {add = true} : memref<1200xf32, #tpu.memory_space<vmem>>[vector<16xi32>], vector<16xf32>,
    %add3A_100 = arith.constant 336 : i32
    %add3A_101 = vector.broadcast %add3A_100 : i32 to vector<16xi32>
    %add3A_102 = arith.addi %iota3A, %add3A_101 : vector<16xi32>
    tpu.vector_store_idx %arg7[%add3A_102], %broadcast_in_dim3A_5 {add = true} : memref<1200xf32, #tpu.memory_space<vmem>>[vector<16xi32>], vector<16xf32>,
    %add3A_103 = arith.constant 352 : i32
    %add3A_104 = vector.broadcast %add3A_103 : i32 to vector<16xi32>
    %add3A_105 = arith.addi %iota3A, %add3A_104 : vector<16xi32>
    tpu.vector_store_idx %arg7[%add3A_105], %broadcast_in_dim3A_5 {add = true} : memref<1200xf32, #tpu.memory_space<vmem>>[vector<16xi32>], vector<16xf32>,
    %add3A_106 = arith.constant 368 : i32
    %add3A_107 = vector.broadcast %add3A_106 : i32 to vector<16xi32>
    %add3A_108 = arith.addi %iota3A, %add3A_107 : vector<16xi32>
    tpu.vector_store_idx %arg7[%add3A_108], %broadcast_in_dim3A_5 {add = true} : memref<1200xf32, #tpu.memory_space<vmem>>[vector<16xi32>], vector<16xf32>,
    %add3A_109 = arith.constant 384 : i32
    %add3A_110 = vector.broadcast %add3A_109 : i32 to vector<16xi32>
    %add3A_111 = arith.addi %iota3A, %add3A_110 : vector<16xi32>
    tpu.vector_store_idx %arg7[%add3A_111], %broadcast_in_dim3A_5 {add = true} : memref<1200xf32, #tpu.memory_space<vmem>>[vector<16xi32>], vector<16xf32>,
    %add3A_112 = arith.constant 400 : i32
    %add3A_113 = vector.broadcast %add3A_112 : i32 to vector<16xi32>
    %add3A_114 = arith.addi %iota3A, %add3A_113 : vector<16xi32>
    tpu.vector_store_idx %arg7[%add3A_114], %broadcast_in_dim3A_5 {add = true} : memref<1200xf32, #tpu.memory_space<vmem>>[vector<16xi32>], vector<16xf32>,
    %add3A_115 = arith.constant 416 : i32
    %add3A_116 = vector.broadcast %add3A_115 : i32 to vector<16xi32>
    %add3A_117 = arith.addi %iota3A, %add3A_116 : vector<16xi32>
    tpu.vector_store_idx %arg7[%add3A_117], %broadcast_in_dim3A_5 {add = true} : memref<1200xf32, #tpu.memory_space<vmem>>[vector<16xi32>], vector<16xf32>,
    %add3A_118 = arith.constant 384 : i32
    %add3A_119 = vector.broadcast %add3A_118 : i32 to vector<16xi32>
    %add3A_120 = arith.addi %iota3A, %add3A_119 : vector<16xi32>
    tpu.vector_store_idx %arg7[%add3A_120], %broadcast_in_dim3A_5 {add = true} : memref<1200xf32, #tpu.memory_space<vmem>>[vector<16xi32>], vector<16xf32>,
    %add3A_121 = arith.constant 400 : i32
    %add3A_122 = vector.broadcast %add3A_121 : i32 to vector<16xi32>
    %add3A_123 = arith.addi %iota3A, %add3A_122 : vector<16xi32>
    tpu.vector_store_idx %arg7[%add3A_123], %broadcast_in_dim3A_5 {add = true} : memref<1200xf32, #tpu.memory_space<vmem>>[vector<16xi32>], vector<16xf32>,
    %add3A_124 = arith.constant 416 : i32
    %add3A_125 = vector.broadcast %add3A_124 : i32 to vector<16xi32>
    %add3A_126 = arith.addi %iota3A, %add3A_125 : vector<16xi32>
    tpu.vector_store_idx %arg7[%add3A_126], %broadcast_in_dim3A_5 {add = true} : memref<1200xf32, #tpu.memory_space<vmem>>[vector<16xi32>], vector<16xf32>,
    %add3A_127 = arith.constant 432 : i32
    %add3A_128 = vector.broadcast %add3A_127 : i32 to vector<16xi32>
    %add3A_129 = arith.addi %iota3A, %add3A_128 : vector<16xi32>
    tpu.vector_store_idx %arg7[%add3A_129], %broadcast_in_dim3A_5 {add = true} : memref<1200xf32, #tpu.memory_space<vmem>>[vector<16xi32>], vector<16xf32>,
    %add3A_130 = arith.constant 448 : i32
    %add3A_131 = vector.broadcast %add3A_130 : i32 to vector<16xi32>
    %add3A_132 = arith.addi %iota3A, %add3A_131 : vector<16xi32>
    tpu.vector_store_idx %arg7[%add3A_132], %broadcast_in_dim3A_5 {add = true} : memref<1200xf32, #tpu.memory_space<vmem>>[vector<16xi32>], vector<16xf32>,
    %add3A_133 = arith.constant 464 : i32
    %add3A_134 = vector.broadcast %add3A_133 : i32 to vector<16xi32>
    %add3A_135 = arith.addi %iota3A, %add3A_134 : vector<16xi32>
    tpu.vector_store_idx %arg7[%add3A_135], %broadcast_in_dim3A_5 {add = true} : memref<1200xf32, #tpu.memory_space<vmem>>[vector<16xi32>], vector<16xf32>,
    %add3A_136 = arith.constant 480 : i32
    %add3A_137 = vector.broadcast %add3A_136 : i32 to vector<16xi32>
    %add3A_138 = arith.addi %iota3A, %add3A_137 : vector<16xi32>
    tpu.vector_store_idx %arg7[%add3A_138], %broadcast_in_dim3A_5 {add = true} : memref<1200xf32, #tpu.memory_space<vmem>>[vector<16xi32>], vector<16xf32>,
    %add3A_139 = arith.constant 496 : i32
    %add3A_140 = vector.broadcast %add3A_139 : i32 to vector<16xi32>
    %add3A_141 = arith.addi %iota3A, %add3A_140 : vector<16xi32>
    tpu.vector_store_idx %arg7[%add3A_141], %broadcast_in_dim3A_5 {add = true} : memref<1200xf32, #tpu.memory_space<vmem>>[vector<16xi32>], vector<16xf32>,
    %add3A_142 = arith.constant 512 : i32
    %add3A_143 = vector.broadcast %add3A_142 : i32 to vector<16xi32>
    %add3A_144 = arith.addi %iota3A, %add3A_143 : vector<16xi32>
    tpu.vector_store_idx %arg7[%add3A_144], %broadcast_in_dim3A_5 {add = true} : memref<1200xf32, #tpu.memory_space<vmem>>[vector<16xi32>], vector<16xf32>,
    %add3A_145 = arith.constant 480 : i32
    %add3A_146 = vector.broadcast %add3A_145 : i32 to vector<16xi32>
    %add3A_147 = arith.addi %iota3A, %add3A_146 : vector<16xi32>
    tpu.vector_store_idx %arg7[%add3A_147], %broadcast_in_dim3A_5 {add = true} : memref<1200xf32, #tpu.memory_space<vmem>>[vector<16xi32>], vector<16xf32>,
    %add3A_148 = arith.constant 496 : i32
    %add3A_149 = vector.broadcast %add3A_148 : i32 to vector<16xi32>
    %add3A_150 = arith.addi %iota3A, %add3A_149 : vector<16xi32>
    tpu.vector_store_idx %arg7[%add3A_150], %broadcast_in_dim3A_5 {add = true} : memref<1200xf32, #tpu.memory_space<vmem>>[vector<16xi32>], vector<16xf32>,
    %add3A_151 = arith.constant 512 : i32
    %add3A_152 = vector.broadcast %add3A_151 : i32 to vector<16xi32>
    %add3A_153 = arith.addi %iota3A, %add3A_152 : vector<16xi32>
    tpu.vector_store_idx %arg7[%add3A_153], %broadcast_in_dim3A_5 {add = true} : memref<1200xf32, #tpu.memory_space<vmem>>[vector<16xi32>], vector<16xf32>,
    %add3A_154 = arith.constant 528 : i32
    %add3A_155 = vector.broadcast %add3A_154 : i32 to vector<16xi32>
    %add3A_156 = arith.addi %iota3A, %add3A_155 : vector<16xi32>
    tpu.vector_store_idx %arg7[%add3A_156], %broadcast_in_dim3A_5 {add = true} : memref<1200xf32, #tpu.memory_space<vmem>>[vector<16xi32>], vector<16xf32>,
    %add3A_157 = arith.constant 544 : i32
    %add3A_158 = vector.broadcast %add3A_157 : i32 to vector<16xi32>
    %add3A_159 = arith.addi %iota3A, %add3A_158 : vector<16xi32>
    tpu.vector_store_idx %arg7[%add3A_159], %broadcast_in_dim3A_5 {add = true} : memref<1200xf32, #tpu.memory_space<vmem>>[vector<16xi32>], vector<16xf32>,
    %add3A_160 = arith.constant 560 : i32
    %add3A_161 = vector.broadcast %add3A_160 : i32 to vector<16xi32>
    %add3A_162 = arith.addi %iota3A, %add3A_161 : vector<16xi32>
    tpu.vector_store_idx %arg7[%add3A_162], %broadcast_in_dim3A_5 {add = true} : memref<1200xf32, #tpu.memory_space<vmem>>[vector<16xi32>], vector<16xf32>,
    %add3A_163 = arith.constant 576 : i32
    %add3A_164 = vector.broadcast %add3A_163 : i32 to vector<16xi32>
    %add3A_165 = arith.addi %iota3A, %add3A_164 : vector<16xi32>
    tpu.vector_store_idx %arg7[%add3A_165], %broadcast_in_dim3A_5 {add = true} : memref<1200xf32, #tpu.memory_space<vmem>>[vector<16xi32>], vector<16xf32>,
    %add3A_166 = arith.constant 592 : i32
    %add3A_167 = vector.broadcast %add3A_166 : i32 to vector<16xi32>
    %add3A_168 = arith.addi %iota3A, %add3A_167 : vector<16xi32>
    tpu.vector_store_idx %arg7[%add3A_168], %broadcast_in_dim3A_5 {add = true} : memref<1200xf32, #tpu.memory_space<vmem>>[vector<16xi32>], vector<16xf32>,
    %add3A_169 = arith.constant 608 : i32
    %add3A_170 = vector.broadcast %add3A_169 : i32 to vector<16xi32>
    %add3A_171 = arith.addi %iota3A, %add3A_170 : vector<16xi32>
    tpu.vector_store_idx %arg7[%add3A_171], %broadcast_in_dim3A_5 {add = true} : memref<1200xf32, #tpu.memory_space<vmem>>[vector<16xi32>], vector<16xf32>,
    %add3A_172 = arith.constant 576 : i32
    %add3A_173 = vector.broadcast %add3A_172 : i32 to vector<16xi32>
    %add3A_174 = arith.addi %iota3A, %add3A_173 : vector<16xi32>
    tpu.vector_store_idx %arg7[%add3A_174], %broadcast_in_dim3A_5 {add = true} : memref<1200xf32, #tpu.memory_space<vmem>>[vector<16xi32>], vector<16xf32>,
    %add3A_175 = arith.constant 592 : i32
    %add3A_176 = vector.broadcast %add3A_175 : i32 to vector<16xi32>
    %add3A_177 = arith.addi %iota3A, %add3A_176 : vector<16xi32>
    tpu.vector_store_idx %arg7[%add3A_177], %broadcast_in_dim3A_5 {add = true} : memref<1200xf32, #tpu.memory_space<vmem>>[vector<16xi32>], vector<16xf32>,
    %add3A_178 = arith.constant 608 : i32
    %add3A_179 = vector.broadcast %add3A_178 : i32 to vector<16xi32>
    %add3A_180 = arith.addi %iota3A, %add3A_179 : vector<16xi32>
    tpu.vector_store_idx %arg7[%add3A_180], %broadcast_in_dim3A_5 {add = true} : memref<1200xf32, #tpu.memory_space<vmem>>[vector<16xi32>], vector<16xf32>,
    %add3A_181 = arith.constant 624 : i32
    %add3A_182 = vector.broadcast %add3A_181 : i32 to vector<16xi32>
    %add3A_183 = arith.addi %iota3A, %add3A_182 : vector<16xi32>
    tpu.vector_store_idx %arg7[%add3A_183], %broadcast_in_dim3A_5 {add = true} : memref<1200xf32, #tpu.memory_space<vmem>>[vector<16xi32>], vector<16xf32>,
    %add3A_184 = arith.constant 640 : i32
    %add3A_185 = vector.broadcast %add3A_184 : i32 to vector<16xi32>
    %add3A_186 = arith.addi %iota3A, %add3A_185 : vector<16xi32>
    tpu.vector_store_idx %arg7[%add3A_186], %broadcast_in_dim3A_5 {add = true} : memref<1200xf32, #tpu.memory_space<vmem>>[vector<16xi32>], vector<16xf32>,
    %add3A_187 = arith.constant 656 : i32
    %add3A_188 = vector.broadcast %add3A_187 : i32 to vector<16xi32>
    %add3A_189 = arith.addi %iota3A, %add3A_188 : vector<16xi32>
    tpu.vector_store_idx %arg7[%add3A_189], %broadcast_in_dim3A_5 {add = true} : memref<1200xf32, #tpu.memory_space<vmem>>[vector<16xi32>], vector<16xf32>,
    %add3A_190 = arith.constant 672 : i32
    %add3A_191 = vector.broadcast %add3A_190 : i32 to vector<16xi32>
    %add3A_192 = arith.addi %iota3A, %add3A_191 : vector<16xi32>
    tpu.vector_store_idx %arg7[%add3A_192], %broadcast_in_dim3A_5 {add = true} : memref<1200xf32, #tpu.memory_space<vmem>>[vector<16xi32>], vector<16xf32>,
    %add3A_193 = arith.constant 688 : i32
    %add3A_194 = vector.broadcast %add3A_193 : i32 to vector<16xi32>
    %add3A_195 = arith.addi %iota3A, %add3A_194 : vector<16xi32>
    tpu.vector_store_idx %arg7[%add3A_195], %broadcast_in_dim3A_5 {add = true} : memref<1200xf32, #tpu.memory_space<vmem>>[vector<16xi32>], vector<16xf32>,
    %add3A_196 = arith.constant 704 : i32
    %add3A_197 = vector.broadcast %add3A_196 : i32 to vector<16xi32>
    %add3A_198 = arith.addi %iota3A, %add3A_197 : vector<16xi32>
    tpu.vector_store_idx %arg7[%add3A_198], %broadcast_in_dim3A_5 {add = true} : memref<1200xf32, #tpu.memory_space<vmem>>[vector<16xi32>], vector<16xf32>,
    %add3A_199 = arith.constant 672 : i32
    %add3A_200 = vector.broadcast %add3A_199 : i32 to vector<16xi32>
    %add3A_201 = arith.addi %iota3A, %add3A_200 : vector<16xi32>
    tpu.vector_store_idx %arg7[%add3A_201], %broadcast_in_dim3A_5 {add = true} : memref<1200xf32, #tpu.memory_space<vmem>>[vector<16xi32>], vector<16xf32>,
    %add3A_202 = arith.constant 688 : i32
    %add3A_203 = vector.broadcast %add3A_202 : i32 to vector<16xi32>
    %add3A_204 = arith.addi %iota3A, %add3A_203 : vector<16xi32>
    tpu.vector_store_idx %arg7[%add3A_204], %broadcast_in_dim3A_5 {add = true} : memref<1200xf32, #tpu.memory_space<vmem>>[vector<16xi32>], vector<16xf32>,
    %add3A_205 = arith.constant 704 : i32
    %add3A_206 = vector.broadcast %add3A_205 : i32 to vector<16xi32>
    %add3A_207 = arith.addi %iota3A, %add3A_206 : vector<16xi32>
    tpu.vector_store_idx %arg7[%add3A_207], %broadcast_in_dim3A_5 {add = true} : memref<1200xf32, #tpu.memory_space<vmem>>[vector<16xi32>], vector<16xf32>,
    %add3A_208 = arith.constant 720 : i32
    %add3A_209 = vector.broadcast %add3A_208 : i32 to vector<16xi32>
    %add3A_210 = arith.addi %iota3A, %add3A_209 : vector<16xi32>
    tpu.vector_store_idx %arg7[%add3A_210], %broadcast_in_dim3A_5 {add = true} : memref<1200xf32, #tpu.memory_space<vmem>>[vector<16xi32>], vector<16xf32>,
    %add3A_211 = arith.constant 736 : i32
    %add3A_212 = vector.broadcast %add3A_211 : i32 to vector<16xi32>
    %add3A_213 = arith.addi %iota3A, %add3A_212 : vector<16xi32>
    tpu.vector_store_idx %arg7[%add3A_213], %broadcast_in_dim3A_5 {add = true} : memref<1200xf32, #tpu.memory_space<vmem>>[vector<16xi32>], vector<16xf32>,
    %add3A_214 = arith.constant 752 : i32
    %add3A_215 = vector.broadcast %add3A_214 : i32 to vector<16xi32>
    %add3A_216 = arith.addi %iota3A, %add3A_215 : vector<16xi32>
    tpu.vector_store_idx %arg7[%add3A_216], %broadcast_in_dim3A_5 {add = true} : memref<1200xf32, #tpu.memory_space<vmem>>[vector<16xi32>], vector<16xf32>,
    %add3A_217 = arith.constant 768 : i32
    %add3A_218 = vector.broadcast %add3A_217 : i32 to vector<16xi32>
    %add3A_219 = arith.addi %iota3A, %add3A_218 : vector<16xi32>
    tpu.vector_store_idx %arg7[%add3A_219], %broadcast_in_dim3A_5 {add = true} : memref<1200xf32, #tpu.memory_space<vmem>>[vector<16xi32>], vector<16xf32>,
    %add3A_220 = arith.constant 784 : i32
    %add3A_221 = vector.broadcast %add3A_220 : i32 to vector<16xi32>
    %add3A_222 = arith.addi %iota3A, %add3A_221 : vector<16xi32>
    tpu.vector_store_idx %arg7[%add3A_222], %broadcast_in_dim3A_5 {add = true} : memref<1200xf32, #tpu.memory_space<vmem>>[vector<16xi32>], vector<16xf32>,
    %add3A_223 = arith.constant 800 : i32
    %add3A_224 = vector.broadcast %add3A_223 : i32 to vector<16xi32>
    %add3A_225 = arith.addi %iota3A, %add3A_224 : vector<16xi32>
    tpu.vector_store_idx %arg7[%add3A_225], %broadcast_in_dim3A_5 {add = true} : memref<1200xf32, #tpu.memory_space<vmem>>[vector<16xi32>], vector<16xf32>,
    %add3A_226 = arith.constant 768 : i32
    %add3A_227 = vector.broadcast %add3A_226 : i32 to vector<16xi32>
    %add3A_228 = arith.addi %iota3A, %add3A_227 : vector<16xi32>
    tpu.vector_store_idx %arg7[%add3A_228], %broadcast_in_dim3A_5 {add = true} : memref<1200xf32, #tpu.memory_space<vmem>>[vector<16xi32>], vector<16xf32>,
    %add3A_229 = arith.constant 784 : i32
    %add3A_230 = vector.broadcast %add3A_229 : i32 to vector<16xi32>
    %add3A_231 = arith.addi %iota3A, %add3A_230 : vector<16xi32>
    tpu.vector_store_idx %arg7[%add3A_231], %broadcast_in_dim3A_5 {add = true} : memref<1200xf32, #tpu.memory_space<vmem>>[vector<16xi32>], vector<16xf32>,
    %add3A_232 = arith.constant 800 : i32
    %add3A_233 = vector.broadcast %add3A_232 : i32 to vector<16xi32>
    %add3A_234 = arith.addi %iota3A, %add3A_233 : vector<16xi32>
    tpu.vector_store_idx %arg7[%add3A_234], %broadcast_in_dim3A_5 {add = true} : memref<1200xf32, #tpu.memory_space<vmem>>[vector<16xi32>], vector<16xf32>,
    %add3A_235 = arith.constant 816 : i32
    %add3A_236 = vector.broadcast %add3A_235 : i32 to vector<16xi32>
    %add3A_237 = arith.addi %iota3A, %add3A_236 : vector<16xi32>
    tpu.vector_store_idx %arg7[%add3A_237], %broadcast_in_dim3A_5 {add = true} : memref<1200xf32, #tpu.memory_space<vmem>>[vector<16xi32>], vector<16xf32>,
    %add3A_238 = arith.constant 832 : i32
    %add3A_239 = vector.broadcast %add3A_238 : i32 to vector<16xi32>
    %add3A_240 = arith.addi %iota3A, %add3A_239 : vector<16xi32>
    tpu.vector_store_idx %arg7[%add3A_240], %broadcast_in_dim3A_5 {add = true} : memref<1200xf32, #tpu.memory_space<vmem>>[vector<16xi32>], vector<16xf32>,
    %add3A_241 = arith.constant 848 : i32
    %add3A_242 = vector.broadcast %add3A_241 : i32 to vector<16xi32>
    %add3A_243 = arith.addi %iota3A, %add3A_242 : vector<16xi32>
    tpu.vector_store_idx %arg7[%add3A_243], %broadcast_in_dim3A_5 {add = true} : memref<1200xf32, #tpu.memory_space<vmem>>[vector<16xi32>], vector<16xf32>,
    %add3A_244 = arith.constant 864 : i32
    %add3A_245 = vector.broadcast %add3A_244 : i32 to vector<16xi32>
    %add3A_246 = arith.addi %iota3A, %add3A_245 : vector<16xi32>
    tpu.vector_store_idx %arg7[%add3A_246], %broadcast_in_dim3A_5 {add = true} : memref<1200xf32, #tpu.memory_space<vmem>>[vector<16xi32>], vector<16xf32>,
    %add3A_247 = arith.constant 880 : i32
    %add3A_248 = vector.broadcast %add3A_247 : i32 to vector<16xi32>
    %add3A_249 = arith.addi %iota3A, %add3A_248 : vector<16xi32>
    tpu.vector_store_idx %arg7[%add3A_249], %broadcast_in_dim3A_5 {add = true} : memref<1200xf32, #tpu.memory_space<vmem>>[vector<16xi32>], vector<16xf32>,
    %add3A_250 = arith.constant 896 : i32
    %add3A_251 = vector.broadcast %add3A_250 : i32 to vector<16xi32>
    %add3A_252 = arith.addi %iota3A, %add3A_251 : vector<16xi32>
    tpu.vector_store_idx %arg7[%add3A_252], %broadcast_in_dim3A_5 {add = true} : memref<1200xf32, #tpu.memory_space<vmem>>[vector<16xi32>], vector<16xf32>,
    %add3A_253 = arith.constant 864 : i32
    %add3A_254 = vector.broadcast %add3A_253 : i32 to vector<16xi32>
    %add3A_255 = arith.addi %iota3A, %add3A_254 : vector<16xi32>
    tpu.vector_store_idx %arg7[%add3A_255], %broadcast_in_dim3A_5 {add = true} : memref<1200xf32, #tpu.memory_space<vmem>>[vector<16xi32>], vector<16xf32>,
    %add3A_256 = arith.constant 880 : i32
    %add3A_257 = vector.broadcast %add3A_256 : i32 to vector<16xi32>
    %add3A_258 = arith.addi %iota3A, %add3A_257 : vector<16xi32>
    tpu.vector_store_idx %arg7[%add3A_258], %broadcast_in_dim3A_5 {add = true} : memref<1200xf32, #tpu.memory_space<vmem>>[vector<16xi32>], vector<16xf32>,
    %add3A_259 = arith.constant 896 : i32
    %add3A_260 = vector.broadcast %add3A_259 : i32 to vector<16xi32>
    %add3A_261 = arith.addi %iota3A, %add3A_260 : vector<16xi32>
    tpu.vector_store_idx %arg7[%add3A_261], %broadcast_in_dim3A_5 {add = true} : memref<1200xf32, #tpu.memory_space<vmem>>[vector<16xi32>], vector<16xf32>,
    %add3A_262 = arith.constant 912 : i32
    %add3A_263 = vector.broadcast %add3A_262 : i32 to vector<16xi32>
    %add3A_264 = arith.addi %iota3A, %add3A_263 : vector<16xi32>
    tpu.vector_store_idx %arg7[%add3A_264], %broadcast_in_dim3A_5 {add = true} : memref<1200xf32, #tpu.memory_space<vmem>>[vector<16xi32>], vector<16xf32>,
    %add3A_265 = arith.constant 928 : i32
    %add3A_266 = vector.broadcast %add3A_265 : i32 to vector<16xi32>
    %add3A_267 = arith.addi %iota3A, %add3A_266 : vector<16xi32>
    tpu.vector_store_idx %arg7[%add3A_267], %broadcast_in_dim3A_5 {add = true} : memref<1200xf32, #tpu.memory_space<vmem>>[vector<16xi32>], vector<16xf32>,
    %add3A_268 = arith.constant 944 : i32
    %add3A_269 = vector.broadcast %add3A_268 : i32 to vector<16xi32>
    %add3A_270 = arith.addi %iota3A, %add3A_269 : vector<16xi32>
    tpu.vector_store_idx %arg7[%add3A_270], %broadcast_in_dim3A_5 {add = true} : memref<1200xf32, #tpu.memory_space<vmem>>[vector<16xi32>], vector<16xf32>,
    %add3A_271 = arith.constant 960 : i32
    %add3A_272 = vector.broadcast %add3A_271 : i32 to vector<16xi32>
    %add3A_273 = arith.addi %iota3A, %add3A_272 : vector<16xi32>
    tpu.vector_store_idx %arg7[%add3A_273], %broadcast_in_dim3A_5 {add = true} : memref<1200xf32, #tpu.memory_space<vmem>>[vector<16xi32>], vector<16xf32>,
    %add3A_274 = arith.constant 976 : i32
    %add3A_275 = vector.broadcast %add3A_274 : i32 to vector<16xi32>
    %add3A_276 = arith.addi %iota3A, %add3A_275 : vector<16xi32>
    tpu.vector_store_idx %arg7[%add3A_276], %broadcast_in_dim3A_5 {add = true} : memref<1200xf32, #tpu.memory_space<vmem>>[vector<16xi32>], vector<16xf32>,
    %add3A_277 = arith.constant 992 : i32
    %add3A_278 = vector.broadcast %add3A_277 : i32 to vector<16xi32>
    %add3A_279 = arith.addi %iota3A, %add3A_278 : vector<16xi32>
    tpu.vector_store_idx %arg7[%add3A_279], %broadcast_in_dim3A_5 {add = true} : memref<1200xf32, #tpu.memory_space<vmem>>[vector<16xi32>], vector<16xf32>,
    %add3A_280 = arith.constant 960 : i32
    %add3A_281 = vector.broadcast %add3A_280 : i32 to vector<16xi32>
    %add3A_282 = arith.addi %iota3A, %add3A_281 : vector<16xi32>
    tpu.vector_store_idx %arg7[%add3A_282], %broadcast_in_dim3A_5 {add = true} : memref<1200xf32, #tpu.memory_space<vmem>>[vector<16xi32>], vector<16xf32>,
    %add3A_283 = arith.constant 976 : i32
    %add3A_284 = vector.broadcast %add3A_283 : i32 to vector<16xi32>
    %add3A_285 = arith.addi %iota3A, %add3A_284 : vector<16xi32>
    tpu.vector_store_idx %arg7[%add3A_285], %broadcast_in_dim3A_5 {add = true} : memref<1200xf32, #tpu.memory_space<vmem>>[vector<16xi32>], vector<16xf32>,
    %add3A_286 = arith.constant 992 : i32
    %add3A_287 = vector.broadcast %add3A_286 : i32 to vector<16xi32>
    %add3A_288 = arith.addi %iota3A, %add3A_287 : vector<16xi32>
    tpu.vector_store_idx %arg7[%add3A_288], %broadcast_in_dim3A_5 {add = true} : memref<1200xf32, #tpu.memory_space<vmem>>[vector<16xi32>], vector<16xf32>,
    %add3A_289 = arith.constant 1008 : i32
    %add3A_290 = vector.broadcast %add3A_289 : i32 to vector<16xi32>
    %add3A_291 = arith.addi %iota3A, %add3A_290 : vector<16xi32>
    tpu.vector_store_idx %arg7[%add3A_291], %broadcast_in_dim3A_5 {add = true} : memref<1200xf32, #tpu.memory_space<vmem>>[vector<16xi32>], vector<16xf32>,
    %add3A_292 = arith.constant 1024 : i32
    %add3A_293 = vector.broadcast %add3A_292 : i32 to vector<16xi32>
    %add3A_294 = arith.addi %iota3A, %add3A_293 : vector<16xi32>
    tpu.vector_store_idx %arg7[%add3A_294], %broadcast_in_dim3A_5 {add = true} : memref<1200xf32, #tpu.memory_space<vmem>>[vector<16xi32>], vector<16xf32>,
    %add3A_295 = arith.constant 1040 : i32
    %add3A_296 = vector.broadcast %add3A_295 : i32 to vector<16xi32>
    %add3A_297 = arith.addi %iota3A, %add3A_296 : vector<16xi32>
    tpu.vector_store_idx %arg7[%add3A_297], %broadcast_in_dim3A_5 {add = true} : memref<1200xf32, #tpu.memory_space<vmem>>[vector<16xi32>], vector<16xf32>,
    %add3A_298 = arith.constant 1056 : i32
    %add3A_299 = vector.broadcast %add3A_298 : i32 to vector<16xi32>
    %add3A_300 = arith.addi %iota3A, %add3A_299 : vector<16xi32>
    tpu.vector_store_idx %arg7[%add3A_300], %broadcast_in_dim3A_5 {add = true} : memref<1200xf32, #tpu.memory_space<vmem>>[vector<16xi32>], vector<16xf32>,
    %add3A_301 = arith.constant 1072 : i32
    %add3A_302 = vector.broadcast %add3A_301 : i32 to vector<16xi32>
    %add3A_303 = arith.addi %iota3A, %add3A_302 : vector<16xi32>
    tpu.vector_store_idx %arg7[%add3A_303], %broadcast_in_dim3A_5 {add = true} : memref<1200xf32, #tpu.memory_space<vmem>>[vector<16xi32>], vector<16xf32>,
    %add3A_304 = arith.constant 1088 : i32
    %add3A_305 = vector.broadcast %add3A_304 : i32 to vector<16xi32>
    %add3A_306 = arith.addi %iota3A, %add3A_305 : vector<16xi32>
    tpu.vector_store_idx %arg7[%add3A_306], %broadcast_in_dim3A_5 {add = true} : memref<1200xf32, #tpu.memory_space<vmem>>[vector<16xi32>], vector<16xf32>,
    %add3A_307 = arith.constant 1056 : i32
    %add3A_308 = vector.broadcast %add3A_307 : i32 to vector<16xi32>
    %add3A_309 = arith.addi %iota3A, %add3A_308 : vector<16xi32>
    tpu.vector_store_idx %arg7[%add3A_309], %broadcast_in_dim3A_5 {add = true} : memref<1200xf32, #tpu.memory_space<vmem>>[vector<16xi32>], vector<16xf32>,
    %add3A_310 = arith.constant 1072 : i32
    %add3A_311 = vector.broadcast %add3A_310 : i32 to vector<16xi32>
    %add3A_312 = arith.addi %iota3A, %add3A_311 : vector<16xi32>
    tpu.vector_store_idx %arg7[%add3A_312], %broadcast_in_dim3A_5 {add = true} : memref<1200xf32, #tpu.memory_space<vmem>>[vector<16xi32>], vector<16xf32>,
    %add3A_313 = arith.constant 1088 : i32
    %add3A_314 = vector.broadcast %add3A_313 : i32 to vector<16xi32>
    %add3A_315 = arith.addi %iota3A, %add3A_314 : vector<16xi32>
    tpu.vector_store_idx %arg7[%add3A_315], %broadcast_in_dim3A_5 {add = true} : memref<1200xf32, #tpu.memory_space<vmem>>[vector<16xi32>], vector<16xf32>,
    %add3A_316 = arith.constant 1104 : i32
    %add3A_317 = vector.broadcast %add3A_316 : i32 to vector<16xi32>
    %add3A_318 = arith.addi %iota3A, %add3A_317 : vector<16xi32>
    tpu.vector_store_idx %arg7[%add3A_318], %broadcast_in_dim3A_5 {add = true} : memref<1200xf32, #tpu.memory_space<vmem>>[vector<16xi32>], vector<16xf32>,
    %add3A_319 = arith.constant 1120 : i32
    %add3A_320 = vector.broadcast %add3A_319 : i32 to vector<16xi32>
    %add3A_321 = arith.addi %iota3A, %add3A_320 : vector<16xi32>
    tpu.vector_store_idx %arg7[%add3A_321], %broadcast_in_dim3A_5 {add = true} : memref<1200xf32, #tpu.memory_space<vmem>>[vector<16xi32>], vector<16xf32>,
    %add3A_322 = arith.constant 1136 : i32
    %add3A_323 = vector.broadcast %add3A_322 : i32 to vector<16xi32>
    %add3A_324 = arith.addi %iota3A, %add3A_323 : vector<16xi32>
    tpu.vector_store_idx %arg7[%add3A_324], %broadcast_in_dim3A_5 {add = true} : memref<1200xf32, #tpu.memory_space<vmem>>[vector<16xi32>], vector<16xf32>,
    %add3A_325 = arith.constant 1152 : i32
    %add3A_326 = vector.broadcast %add3A_325 : i32 to vector<16xi32>
    %add3A_327 = arith.addi %iota3A, %add3A_326 : vector<16xi32>
    tpu.vector_store_idx %arg7[%add3A_327], %broadcast_in_dim3A_5 {add = true} : memref<1200xf32, #tpu.memory_space<vmem>>[vector<16xi32>], vector<16xf32>,
    %add3A_328 = arith.constant 1168 : i32
    %add3A_329 = vector.broadcast %add3A_328 : i32 to vector<16xi32>
    %add3A_330 = arith.addi %iota3A, %add3A_329 : vector<16xi32>
    tpu.vector_store_idx %arg7[%add3A_330], %broadcast_in_dim3A_5 {add = true} : memref<1200xf32, #tpu.memory_space<vmem>>[vector<16xi32>], vector<16xf32>,
    %add3A_331 = arith.constant 1184 : i32
    %add3A_332 = vector.broadcast %add3A_331 : i32 to vector<16xi32>
    %add3A_333 = arith.addi %iota3A, %add3A_332 : vector<16xi32>
    tpu.vector_store_idx %arg7[%add3A_333], %broadcast_in_dim3A_5 {add = true} : memref<1200xf32, #tpu.memory_space<vmem>>[vector<16xi32>], vector<16xf32>,
    %scan3A_334 = arith.constant 0 : i32
    %scan3A_335 = arith.constant 75 : i32
    %scan3A_336 = arith.addi %scan3A_334, %scan3A_335 : i32
    %scan3A_337 = arith.constant 1 : i32
    scf.for %scan3A_487 = %scan3A_334 to %scan3A_336 step %scan3A_337  : i32 {
      %mul3A_488 = arith.constant 1 : i32
      %mul3A_489 = arith.muli %scan3A_487, %mul3A_488 : i32
      %add3A_490 = arith.constant 0 : i32
      %add3A_491 = arith.addi %add3A_490, %mul3A_489 : i32
      %mul3A_492 = arith.constant 16 : i32
      %mul3A_493 = arith.muli %add3A_491, %mul3A_492 : i32
      %get3A = arith.index_cast %mul3A_493 : i32 to index
      %get3A_494 = tpu.vector_load %arg7[%get3A] {strides = array<i32>} : memref<1200xf32, #tpu.memory_space<vmem>>, vector<16xf32>,
      %div3A = arith.constant 1.000000e+00 : f32
      %div3A_495 = vector.broadcast %div3A : f32 to vector<16xf32>
      %div3A_496 = arith.divf %div3A_495, %get3A_494 : vector<16xf32>
      %mul3A_497 = arith.constant 16 : i32
      %mul3A_498 = arith.muli %add3A_491, %mul3A_497 : i32
      %swap3A = arith.index_cast %mul3A_498 : i32 to index
      %swap3A_499 = tpu.vector_load %arg8[%swap3A] {strides = array<i32>} : memref<1200xf32, #tpu.memory_space<vmem>>, vector<16xf32>,
      tpu.vector_store %arg8[%swap3A], %div3A_496 {strides = array<i32>} : memref<1200xf32, #tpu.memory_space<vmem>>, vector<16xf32>,
    }
    %scan3A_338 = arith.constant 75 : i32
    %add3A_339 = arith.constant 0 : i32
    %add3A_340 = arith.addi %mul3A_2, %add3A_339 : i32
    %dma_start3A = arith.constant 0 : i32
    %dma_start3A_341 = tpu.memref_slice %arg2[%dma_start3A, %add3A_340] : memref<75x524288xf32, #tpu.memory_space<hbm>> -> memref<75x512xf32, #tpu.memory_space<hbm>>
    %dma_start3A_342 = arith.constant 0 : i32
    %dma_start3A_343 = tpu.memref_slice %arg2[%dma_start3A_342, %add3A_340] : memref<75x524288xf32, #tpu.memory_space<hbm>> -> memref<75x512xf32, #tpu.memory_space<hbm>>
    tpu.enqueue_dma source(%dma_start3A_343 : memref<75x512xf32, #tpu.memory_space<hbm>>) target(%arg4 : memref<75x512xf32, #tpu.memory_space<vmem>>) target_semaphore(%arg9 : memref<!tpu.dma_semaphore, #tpu.memory_space<semaphore_mem>>)
    %add3A_344 = arith.constant 512 : i32
    %add3A_345 = arith.addi %mul3A_2, %add3A_344 : i32
    %dma_start3A_346 = arith.constant 0 : i32
    %dma_start3A_347 = tpu.memref_slice %arg2[%dma_start3A_346, %add3A_345] : memref<75x524288xf32, #tpu.memory_space<hbm>> -> memref<75x512xf32, #tpu.memory_space<hbm>>
    %dma_start3A_348 = arith.constant 0 : i32
    %dma_start3A_349 = tpu.memref_slice %arg2[%dma_start3A_348, %add3A_345] : memref<75x524288xf32, #tpu.memory_space<hbm>> -> memref<75x512xf32, #tpu.memory_space<hbm>>
    tpu.enqueue_dma source(%dma_start3A_349 : memref<75x512xf32, #tpu.memory_space<hbm>>) target(%arg5 : memref<75x512xf32, #tpu.memory_space<vmem>>) target_semaphore(%arg10 : memref<!tpu.dma_semaphore, #tpu.memory_space<semaphore_mem>>)
    %add3A_350 = arith.constant 0 : i32
    %add3A_351 = arith.addi %mul3A_2, %add3A_350 : i32
    %dma_wait3A = arith.constant 0 : i32
    %dma_wait3A_352 = tpu.memref_slice %arg2[%dma_wait3A, %add3A_351] : memref<75x524288xf32, #tpu.memory_space<hbm>> -> memref<75x512xf32, #tpu.memory_space<hbm>>
    %dma_wait3A_353 = arith.constant 0 : i32
    %dma_wait3A_354 = tpu.memref_slice %arg2[%dma_wait3A_353, %add3A_351] : memref<75x524288xf32, #tpu.memory_space<hbm>> -> memref<75x512xf32, #tpu.memory_space<hbm>>
    tpu.wait_dma2 semaphore(%arg9 : memref<!tpu.dma_semaphore, #tpu.memory_space<semaphore_mem>>) src(%dma_wait3A_354 : memref<75x512xf32, #tpu.memory_space<hbm>>) dst(%arg4 : memref<75x512xf32, #tpu.memory_space<vmem>>)
    %add3A_355 = arith.constant 1024 : i32
    %add3A_356 = arith.addi %mul3A_2, %add3A_355 : i32
    %dma_start3A_357 = arith.constant 0 : i32
    %dma_start3A_358 = tpu.memref_slice %arg2[%dma_start3A_357, %add3A_356] : memref<75x524288xf32, #tpu.memory_space<hbm>> -> memref<75x512xf32, #tpu.memory_space<hbm>>
    %dma_start3A_359 = arith.constant 0 : i32
    %dma_start3A_360 = tpu.memref_slice %arg2[%dma_start3A_359, %add3A_356] : memref<75x524288xf32, #tpu.memory_space<hbm>> -> memref<75x512xf32, #tpu.memory_space<hbm>>
    tpu.enqueue_dma source(%dma_start3A_360 : memref<75x512xf32, #tpu.memory_space<hbm>>) target(%arg6 : memref<75x512xf32, #tpu.memory_space<vmem>>) target_semaphore(%arg11 : memref<!tpu.dma_semaphore, #tpu.memory_space<semaphore_mem>>)
    %scan3A_361 = arith.constant 0 : i32
    %scan3A_362 = arith.constant 75 : i32
    %scan3A_363 = arith.addi %scan3A_361, %scan3A_362 : i32
    %scan3A_364 = arith.constant 1 : i32
    scf.for %scan3A_487 = %scan3A_361 to %scan3A_363 step %scan3A_364  : i32 {
      %mul3A_488 = arith.constant 1 : i32
      %mul3A_489 = arith.muli %scan3A_487, %mul3A_488 : i32
      %add3A_490 = arith.constant 0 : i32
      %add3A_491 = arith.addi %add3A_490, %mul3A_489 : i32
      %mul3A_492 = arith.constant 16 : i32
      %mul3A_493 = arith.muli %add3A_491, %mul3A_492 : i32
      %get3A = arith.index_cast %mul3A_493 : i32 to index
      %get3A_494 = tpu.vector_load %arg7[%get3A] {strides = array<i32>} : memref<1200xf32, #tpu.memory_space<vmem>>, vector<16xf32>,
      %mul3A_495 = arith.constant 16 : i32
      %mul3A_496 = arith.muli %add3A_491, %mul3A_495 : i32
      %get3A_497 = arith.index_cast %mul3A_496 : i32 to index
      %get3A_498 = tpu.vector_load %arg8[%get3A_497] {strides = array<i32>} : memref<1200xf32, #tpu.memory_space<vmem>>, vector<16xf32>,
      %get3A_499 = arith.index_cast %add3A_491 : i32 to index
      %get3A_500 = arith.constant 0 : index
      %get3A_501 = tpu.vector_load %arg4[%get3A_499, %get3A_500] {strides = array<i32>} : memref<75x512xf32, #tpu.memory_space<vmem>>, vector<16xf32>,
      %mul3A_502 = arith.mulf %get3A_501, %get3A_494 : vector<16xf32>
      %mul3A_503 = arith.mulf %mul3A_502, %get3A_498 : vector<16xf32>
      %swap3A = arith.index_cast %add3A_491 : i32 to index
      %swap3A_504 = arith.constant 0 : index
      %swap3A_505 = tpu.vector_load %arg4[%swap3A, %swap3A_504] {strides = array<i32>} : memref<75x512xf32, #tpu.memory_space<vmem>>, vector<16xf32>,
      tpu.vector_store %arg4[%swap3A, %swap3A_504], %mul3A_503 {strides = array<i32>} : memref<75x512xf32, #tpu.memory_space<vmem>>, vector<16xf32>,
      %get3A_506 = arith.index_cast %add3A_491 : i32 to index
      %get3A_507 = arith.constant 16 : index
      %get3A_508 = tpu.vector_load %arg4[%get3A_506, %get3A_507] {strides = array<i32>} : memref<75x512xf32, #tpu.memory_space<vmem>>, vector<16xf32>,
      %mul3A_509 = arith.mulf %get3A_508, %get3A_494 : vector<16xf32>
      %mul3A_510 = arith.mulf %mul3A_509, %get3A_498 : vector<16xf32>
      %swap3A_511 = arith.index_cast %add3A_491 : i32 to index
      %swap3A_512 = arith.constant 16 : index
      %swap3A_513 = tpu.vector_load %arg4[%swap3A_511, %swap3A_512] {strides = array<i32>} : memref<75x512xf32, #tpu.memory_space<vmem>>, vector<16xf32>,
      tpu.vector_store %arg4[%swap3A_511, %swap3A_512], %mul3A_510 {strides = array<i32>} : memref<75x512xf32, #tpu.memory_space<vmem>>, vector<16xf32>,
      %get3A_514 = arith.index_cast %add3A_491 : i32 to index
      %get3A_515 = arith.constant 32 : index
      %get3A_516 = tpu.vector_load %arg4[%get3A_514, %get3A_515] {strides = array<i32>} : memref<75x512xf32, #tpu.memory_space<vmem>>, vector<16xf32>,
      %mul3A_517 = arith.mulf %get3A_516, %get3A_494 : vector<16xf32>
      %mul3A_518 = arith.mulf %mul3A_517, %get3A_498 : vector<16xf32>
      %swap3A_519 = arith.index_cast %add3A_491 : i32 to index
      %swap3A_520 = arith.constant 32 : index
      %swap3A_521 = tpu.vector_load %arg4[%swap3A_519, %swap3A_520] {strides = array<i32>} : memref<75x512xf32, #tpu.memory_space<vmem>>, vector<16xf32>,
      tpu.vector_store %arg4[%swap3A_519, %swap3A_520], %mul3A_518 {strides = array<i32>} : memref<75x512xf32, #tpu.memory_space<vmem>>, vector<16xf32>,
      %get3A_522 = arith.index_cast %add3A_491 : i32 to index
      %get3A_523 = arith.constant 48 : index
      %get3A_524 = tpu.vector_load %arg4[%get3A_522, %get3A_523] {strides = array<i32>} : memref<75x512xf32, #tpu.memory_space<vmem>>, vector<16xf32>,
      %mul3A_525 = arith.mulf %get3A_524, %get3A_494 : vector<16xf32>
      %mul3A_526 = arith.mulf %mul3A_525, %get3A_498 : vector<16xf32>
      %swap3A_527 = arith.index_cast %add3A_491 : i32 to index
      %swap3A_528 = arith.constant 48 : index
      %swap3A_529 = tpu.vector_load %arg4[%swap3A_527, %swap3A_528] {strides = array<i32>} : memref<75x512xf32, #tpu.memory_space<vmem>>, vector<16xf32>,
      tpu.vector_store %arg4[%swap3A_527, %swap3A_528], %mul3A_526 {strides = array<i32>} : memref<75x512xf32, #tpu.memory_space<vmem>>, vector<16xf32>,
      %get3A_530 = arith.index_cast %add3A_491 : i32 to index
      %get3A_531 = arith.constant 64 : index
      %get3A_532 = tpu.vector_load %arg4[%get3A_530, %get3A_531] {strides = array<i32>} : memref<75x512xf32, #tpu.memory_space<vmem>>, vector<16xf32>,
      %mul3A_533 = arith.mulf %get3A_532, %get3A_494 : vector<16xf32>
      %mul3A_534 = arith.mulf %mul3A_533, %get3A_498 : vector<16xf32>
      %swap3A_535 = arith.index_cast %add3A_491 : i32 to index
      %swap3A_536 = arith.constant 64 : index
      %swap3A_537 = tpu.vector_load %arg4[%swap3A_535, %swap3A_536] {strides = array<i32>} : memref<75x512xf32, #tpu.memory_space<vmem>>, vector<16xf32>,
      tpu.vector_store %arg4[%swap3A_535, %swap3A_536], %mul3A_534 {strides = array<i32>} : memref<75x512xf32, #tpu.memory_space<vmem>>, vector<16xf32>,
      %get3A_538 = arith.index_cast %add3A_491 : i32 to index
      %get3A_539 = arith.constant 80 : index
      %get3A_540 = tpu.vector_load %arg4[%get3A_538, %get3A_539] {strides = array<i32>} : memref<75x512xf32, #tpu.memory_space<vmem>>, vector<16xf32>,
      %mul3A_541 = arith.mulf %get3A_540, %get3A_494 : vector<16xf32>
      %mul3A_542 = arith.mulf %mul3A_541, %get3A_498 : vector<16xf32>
      %swap3A_543 = arith.index_cast %add3A_491 : i32 to index
      %swap3A_544 = arith.constant 80 : index
      %swap3A_545 = tpu.vector_load %arg4[%swap3A_543, %swap3A_544] {strides = array<i32>} : memref<75x512xf32, #tpu.memory_space<vmem>>, vector<16xf32>,
      tpu.vector_store %arg4[%swap3A_543, %swap3A_544], %mul3A_542 {strides = array<i32>} : memref<75x512xf32, #tpu.memory_space<vmem>>, vector<16xf32>,
      %get3A_546 = arith.index_cast %add3A_491 : i32 to index
      %get3A_547 = arith.constant 96 : index
      %get3A_548 = tpu.vector_load %arg4[%get3A_546, %get3A_547] {strides = array<i32>} : memref<75x512xf32, #tpu.memory_space<vmem>>, vector<16xf32>,
      %mul3A_549 = arith.mulf %get3A_548, %get3A_494 : vector<16xf32>
      %mul3A_550 = arith.mulf %mul3A_549, %get3A_498 : vector<16xf32>
      %swap3A_551 = arith.index_cast %add3A_491 : i32 to index
      %swap3A_552 = arith.constant 96 : index
      %swap3A_553 = tpu.vector_load %arg4[%swap3A_551, %swap3A_552] {strides = array<i32>} : memref<75x512xf32, #tpu.memory_space<vmem>>, vector<16xf32>,
      tpu.vector_store %arg4[%swap3A_551, %swap3A_552], %mul3A_550 {strides = array<i32>} : memref<75x512xf32, #tpu.memory_space<vmem>>, vector<16xf32>,
      %get3A_554 = arith.index_cast %add3A_491 : i32 to index
      %get3A_555 = arith.constant 112 : index
      %get3A_556 = tpu.vector_load %arg4[%get3A_554, %get3A_555] {strides = array<i32>} : memref<75x512xf32, #tpu.memory_space<vmem>>, vector<16xf32>,
      %mul3A_557 = arith.mulf %get3A_556, %get3A_494 : vector<16xf32>
      %mul3A_558 = arith.mulf %mul3A_557, %get3A_498 : vector<16xf32>
      %swap3A_559 = arith.index_cast %add3A_491 : i32 to index
      %swap3A_560 = arith.constant 112 : index
      %swap3A_561 = tpu.vector_load %arg4[%swap3A_559, %swap3A_560] {strides = array<i32>} : memref<75x512xf32, #tpu.memory_space<vmem>>, vector<16xf32>,
      tpu.vector_store %arg4[%swap3A_559, %swap3A_560], %mul3A_558 {strides = array<i32>} : memref<75x512xf32, #tpu.memory_space<vmem>>, vector<16xf32>,
      %get3A_562 = arith.index_cast %add3A_491 : i32 to index
      %get3A_563 = arith.constant 128 : index
      %get3A_564 = tpu.vector_load %arg4[%get3A_562, %get3A_563] {strides = array<i32>} : memref<75x512xf32, #tpu.memory_space<vmem>>, vector<16xf32>,
      %mul3A_565 = arith.mulf %get3A_564, %get3A_494 : vector<16xf32>
      %mul3A_566 = arith.mulf %mul3A_565, %get3A_498 : vector<16xf32>
      %swap3A_567 = arith.index_cast %add3A_491 : i32 to index
      %swap3A_568 = arith.constant 128 : index
      %swap3A_569 = tpu.vector_load %arg4[%swap3A_567, %swap3A_568] {strides = array<i32>} : memref<75x512xf32, #tpu.memory_space<vmem>>, vector<16xf32>,
      tpu.vector_store %arg4[%swap3A_567, %swap3A_568], %mul3A_566 {strides = array<i32>} : memref<75x512xf32, #tpu.memory_space<vmem>>, vector<16xf32>,
      %get3A_570 = arith.index_cast %add3A_491 : i32 to index
      %get3A_571 = arith.constant 144 : index
      %get3A_572 = tpu.vector_load %arg4[%get3A_570, %get3A_571] {strides = array<i32>} : memref<75x512xf32, #tpu.memory_space<vmem>>, vector<16xf32>,
      %mul3A_573 = arith.mulf %get3A_572, %get3A_494 : vector<16xf32>
      %mul3A_574 = arith.mulf %mul3A_573, %get3A_498 : vector<16xf32>
      %swap3A_575 = arith.index_cast %add3A_491 : i32 to index
      %swap3A_576 = arith.constant 144 : index
      %swap3A_577 = tpu.vector_load %arg4[%swap3A_575, %swap3A_576] {strides = array<i32>} : memref<75x512xf32, #tpu.memory_space<vmem>>, vector<16xf32>,
      tpu.vector_store %arg4[%swap3A_575, %swap3A_576], %mul3A_574 {strides = array<i32>} : memref<75x512xf32, #tpu.memory_space<vmem>>, vector<16xf32>,
      %get3A_578 = arith.index_cast %add3A_491 : i32 to index
      %get3A_579 = arith.constant 160 : index
      %get3A_580 = tpu.vector_load %arg4[%get3A_578, %get3A_579] {strides = array<i32>} : memref<75x512xf32, #tpu.memory_space<vmem>>, vector<16xf32>,
      %mul3A_581 = arith.mulf %get3A_580, %get3A_494 : vector<16xf32>
      %mul3A_582 = arith.mulf %mul3A_581, %get3A_498 : vector<16xf32>
      %swap3A_583 = arith.index_cast %add3A_491 : i32 to index
      %swap3A_584 = arith.constant 160 : index
      %swap3A_585 = tpu.vector_load %arg4[%swap3A_583, %swap3A_584] {strides = array<i32>} : memref<75x512xf32, #tpu.memory_space<vmem>>, vector<16xf32>,
      tpu.vector_store %arg4[%swap3A_583, %swap3A_584], %mul3A_582 {strides = array<i32>} : memref<75x512xf32, #tpu.memory_space<vmem>>, vector<16xf32>,
      %get3A_586 = arith.index_cast %add3A_491 : i32 to index
      %get3A_587 = arith.constant 176 : index
      %get3A_588 = tpu.vector_load %arg4[%get3A_586, %get3A_587] {strides = array<i32>} : memref<75x512xf32, #tpu.memory_space<vmem>>, vector<16xf32>,
      %mul3A_589 = arith.mulf %get3A_588, %get3A_494 : vector<16xf32>
      %mul3A_590 = arith.mulf %mul3A_589, %get3A_498 : vector<16xf32>
      %swap3A_591 = arith.index_cast %add3A_491 : i32 to index
      %swap3A_592 = arith.constant 176 : index
      %swap3A_593 = tpu.vector_load %arg4[%swap3A_591, %swap3A_592] {strides = array<i32>} : memref<75x512xf32, #tpu.memory_space<vmem>>, vector<16xf32>,
      tpu.vector_store %arg4[%swap3A_591, %swap3A_592], %mul3A_590 {strides = array<i32>} : memref<75x512xf32, #tpu.memory_space<vmem>>, vector<16xf32>,
      %get3A_594 = arith.index_cast %add3A_491 : i32 to index
      %get3A_595 = arith.constant 192 : index
      %get3A_596 = tpu.vector_load %arg4[%get3A_594, %get3A_595] {strides = array<i32>} : memref<75x512xf32, #tpu.memory_space<vmem>>, vector<16xf32>,
      %mul3A_597 = arith.mulf %get3A_596, %get3A_494 : vector<16xf32>
      %mul3A_598 = arith.mulf %mul3A_597, %get3A_498 : vector<16xf32>
      %swap3A_599 = arith.index_cast %add3A_491 : i32 to index
      %swap3A_600 = arith.constant 192 : index
      %swap3A_601 = tpu.vector_load %arg4[%swap3A_599, %swap3A_600] {strides = array<i32>} : memref<75x512xf32, #tpu.memory_space<vmem>>, vector<16xf32>,
      tpu.vector_store %arg4[%swap3A_599, %swap3A_600], %mul3A_598 {strides = array<i32>} : memref<75x512xf32, #tpu.memory_space<vmem>>, vector<16xf32>,
      %get3A_602 = arith.index_cast %add3A_491 : i32 to index
      %get3A_603 = arith.constant 208 : index
      %get3A_604 = tpu.vector_load %arg4[%get3A_602, %get3A_603] {strides = array<i32>} : memref<75x512xf32, #tpu.memory_space<vmem>>, vector<16xf32>,
      %mul3A_605 = arith.mulf %get3A_604, %get3A_494 : vector<16xf32>
      %mul3A_606 = arith.mulf %mul3A_605, %get3A_498 : vector<16xf32>
      %swap3A_607 = arith.index_cast %add3A_491 : i32 to index
      %swap3A_608 = arith.constant 208 : index
      %swap3A_609 = tpu.vector_load %arg4[%swap3A_607, %swap3A_608] {strides = array<i32>} : memref<75x512xf32, #tpu.memory_space<vmem>>, vector<16xf32>,
      tpu.vector_store %arg4[%swap3A_607, %swap3A_608], %mul3A_606 {strides = array<i32>} : memref<75x512xf32, #tpu.memory_space<vmem>>, vector<16xf32>,
      %get3A_610 = arith.index_cast %add3A_491 : i32 to index
      %get3A_611 = arith.constant 224 : index
      %get3A_612 = tpu.vector_load %arg4[%get3A_610, %get3A_611] {strides = array<i32>} : memref<75x512xf32, #tpu.memory_space<vmem>>, vector<16xf32>,
      %mul3A_613 = arith.mulf %get3A_612, %get3A_494 : vector<16xf32>
      %mul3A_614 = arith.mulf %mul3A_613, %get3A_498 : vector<16xf32>
      %swap3A_615 = arith.index_cast %add3A_491 : i32 to index
      %swap3A_616 = arith.constant 224 : index
      %swap3A_617 = tpu.vector_load %arg4[%swap3A_615, %swap3A_616] {strides = array<i32>} : memref<75x512xf32, #tpu.memory_space<vmem>>, vector<16xf32>,
      tpu.vector_store %arg4[%swap3A_615, %swap3A_616], %mul3A_614 {strides = array<i32>} : memref<75x512xf32, #tpu.memory_space<vmem>>, vector<16xf32>,
      %get3A_618 = arith.index_cast %add3A_491 : i32 to index
      %get3A_619 = arith.constant 240 : index
      %get3A_620 = tpu.vector_load %arg4[%get3A_618, %get3A_619] {strides = array<i32>} : memref<75x512xf32, #tpu.memory_space<vmem>>, vector<16xf32>,
      %mul3A_621 = arith.mulf %get3A_620, %get3A_494 : vector<16xf32>
      %mul3A_622 = arith.mulf %mul3A_621, %get3A_498 : vector<16xf32>
      %swap3A_623 = arith.index_cast %add3A_491 : i32 to index
      %swap3A_624 = arith.constant 240 : index
      %swap3A_625 = tpu.vector_load %arg4[%swap3A_623, %swap3A_624] {strides = array<i32>} : memref<75x512xf32, #tpu.memory_space<vmem>>, vector<16xf32>,
      tpu.vector_store %arg4[%swap3A_623, %swap3A_624], %mul3A_622 {strides = array<i32>} : memref<75x512xf32, #tpu.memory_space<vmem>>, vector<16xf32>,
      %get3A_626 = arith.index_cast %add3A_491 : i32 to index
      %get3A_627 = arith.constant 256 : index
      %get3A_628 = tpu.vector_load %arg4[%get3A_626, %get3A_627] {strides = array<i32>} : memref<75x512xf32, #tpu.memory_space<vmem>>, vector<16xf32>,
      %mul3A_629 = arith.mulf %get3A_628, %get3A_494 : vector<16xf32>
      %mul3A_630 = arith.mulf %mul3A_629, %get3A_498 : vector<16xf32>
      %swap3A_631 = arith.index_cast %add3A_491 : i32 to index
      %swap3A_632 = arith.constant 256 : index
      %swap3A_633 = tpu.vector_load %arg4[%swap3A_631, %swap3A_632] {strides = array<i32>} : memref<75x512xf32, #tpu.memory_space<vmem>>, vector<16xf32>,
      tpu.vector_store %arg4[%swap3A_631, %swap3A_632], %mul3A_630 {strides = array<i32>} : memref<75x512xf32, #tpu.memory_space<vmem>>, vector<16xf32>,
      %get3A_634 = arith.index_cast %add3A_491 : i32 to index
      %get3A_635 = arith.constant 272 : index
      %get3A_636 = tpu.vector_load %arg4[%get3A_634, %get3A_635] {strides = array<i32>} : memref<75x512xf32, #tpu.memory_space<vmem>>, vector<16xf32>,
      %mul3A_637 = arith.mulf %get3A_636, %get3A_494 : vector<16xf32>
      %mul3A_638 = arith.mulf %mul3A_637, %get3A_498 : vector<16xf32>
      %swap3A_639 = arith.index_cast %add3A_491 : i32 to index
      %swap3A_640 = arith.constant 272 : index
      %swap3A_641 = tpu.vector_load %arg4[%swap3A_639, %swap3A_640] {strides = array<i32>} : memref<75x512xf32, #tpu.memory_space<vmem>>, vector<16xf32>,
      tpu.vector_store %arg4[%swap3A_639, %swap3A_640], %mul3A_638 {strides = array<i32>} : memref<75x512xf32, #tpu.memory_space<vmem>>, vector<16xf32>,
      %get3A_642 = arith.index_cast %add3A_491 : i32 to index
      %get3A_643 = arith.constant 288 : index
      %get3A_644 = tpu.vector_load %arg4[%get3A_642, %get3A_643] {strides = array<i32>} : memref<75x512xf32, #tpu.memory_space<vmem>>, vector<16xf32>,
      %mul3A_645 = arith.mulf %get3A_644, %get3A_494 : vector<16xf32>
      %mul3A_646 = arith.mulf %mul3A_645, %get3A_498 : vector<16xf32>
      %swap3A_647 = arith.index_cast %add3A_491 : i32 to index
      %swap3A_648 = arith.constant 288 : index
      %swap3A_649 = tpu.vector_load %arg4[%swap3A_647, %swap3A_648] {strides = array<i32>} : memref<75x512xf32, #tpu.memory_space<vmem>>, vector<16xf32>,
      tpu.vector_store %arg4[%swap3A_647, %swap3A_648], %mul3A_646 {strides = array<i32>} : memref<75x512xf32, #tpu.memory_space<vmem>>, vector<16xf32>,
      %get3A_650 = arith.index_cast %add3A_491 : i32 to index
      %get3A_651 = arith.constant 304 : index
      %get3A_652 = tpu.vector_load %arg4[%get3A_650, %get3A_651] {strides = array<i32>} : memref<75x512xf32, #tpu.memory_space<vmem>>, vector<16xf32>,
      %mul3A_653 = arith.mulf %get3A_652, %get3A_494 : vector<16xf32>
      %mul3A_654 = arith.mulf %mul3A_653, %get3A_498 : vector<16xf32>
      %swap3A_655 = arith.index_cast %add3A_491 : i32 to index
      %swap3A_656 = arith.constant 304 : index
      %swap3A_657 = tpu.vector_load %arg4[%swap3A_655, %swap3A_656] {strides = array<i32>} : memref<75x512xf32, #tpu.memory_space<vmem>>, vector<16xf32>,
      tpu.vector_store %arg4[%swap3A_655, %swap3A_656], %mul3A_654 {strides = array<i32>} : memref<75x512xf32, #tpu.memory_space<vmem>>, vector<16xf32>,
      %get3A_658 = arith.index_cast %add3A_491 : i32 to index
      %get3A_659 = arith.constant 320 : index
      %get3A_660 = tpu.vector_load %arg4[%get3A_658, %get3A_659] {strides = array<i32>} : memref<75x512xf32, #tpu.memory_space<vmem>>, vector<16xf32>,
      %mul3A_661 = arith.mulf %get3A_660, %get3A_494 : vector<16xf32>
      %mul3A_662 = arith.mulf %mul3A_661, %get3A_498 : vector<16xf32>
      %swap3A_663 = arith.index_cast %add3A_491 : i32 to index
      %swap3A_664 = arith.constant 320 : index
      %swap3A_665 = tpu.vector_load %arg4[%swap3A_663, %swap3A_664] {strides = array<i32>} : memref<75x512xf32, #tpu.memory_space<vmem>>, vector<16xf32>,
      tpu.vector_store %arg4[%swap3A_663, %swap3A_664], %mul3A_662 {strides = array<i32>} : memref<75x512xf32, #tpu.memory_space<vmem>>, vector<16xf32>,
      %get3A_666 = arith.index_cast %add3A_491 : i32 to index
      %get3A_667 = arith.constant 336 : index
      %get3A_668 = tpu.vector_load %arg4[%get3A_666, %get3A_667] {strides = array<i32>} : memref<75x512xf32, #tpu.memory_space<vmem>>, vector<16xf32>,
      %mul3A_669 = arith.mulf %get3A_668, %get3A_494 : vector<16xf32>
      %mul3A_670 = arith.mulf %mul3A_669, %get3A_498 : vector<16xf32>
      %swap3A_671 = arith.index_cast %add3A_491 : i32 to index
      %swap3A_672 = arith.constant 336 : index
      %swap3A_673 = tpu.vector_load %arg4[%swap3A_671, %swap3A_672] {strides = array<i32>} : memref<75x512xf32, #tpu.memory_space<vmem>>, vector<16xf32>,
      tpu.vector_store %arg4[%swap3A_671, %swap3A_672], %mul3A_670 {strides = array<i32>} : memref<75x512xf32, #tpu.memory_space<vmem>>, vector<16xf32>,
      %get3A_674 = arith.index_cast %add3A_491 : i32 to index
      %get3A_675 = arith.constant 352 : index
      %get3A_676 = tpu.vector_load %arg4[%get3A_674, %get3A_675] {strides = array<i32>} : memref<75x512xf32, #tpu.memory_space<vmem>>, vector<16xf32>,
      %mul3A_677 = arith.mulf %get3A_676, %get3A_494 : vector<16xf32>
      %mul3A_678 = arith.mulf %mul3A_677, %get3A_498 : vector<16xf32>
      %swap3A_679 = arith.index_cast %add3A_491 : i32 to index
      %swap3A_680 = arith.constant 352 : index
      %swap3A_681 = tpu.vector_load %arg4[%swap3A_679, %swap3A_680] {strides = array<i32>} : memref<75x512xf32, #tpu.memory_space<vmem>>, vector<16xf32>,
      tpu.vector_store %arg4[%swap3A_679, %swap3A_680], %mul3A_678 {strides = array<i32>} : memref<75x512xf32, #tpu.memory_space<vmem>>, vector<16xf32>,
      %get3A_682 = arith.index_cast %add3A_491 : i32 to index
      %get3A_683 = arith.constant 368 : index
      %get3A_684 = tpu.vector_load %arg4[%get3A_682, %get3A_683] {strides = array<i32>} : memref<75x512xf32, #tpu.memory_space<vmem>>, vector<16xf32>,
      %mul3A_685 = arith.mulf %get3A_684, %get3A_494 : vector<16xf32>
      %mul3A_686 = arith.mulf %mul3A_685, %get3A_498 : vector<16xf32>
      %swap3A_687 = arith.index_cast %add3A_491 : i32 to index
      %swap3A_688 = arith.constant 368 : index
      %swap3A_689 = tpu.vector_load %arg4[%swap3A_687, %swap3A_688] {strides = array<i32>} : memref<75x512xf32, #tpu.memory_space<vmem>>, vector<16xf32>,
      tpu.vector_store %arg4[%swap3A_687, %swap3A_688], %mul3A_686 {strides = array<i32>} : memref<75x512xf32, #tpu.memory_space<vmem>>, vector<16xf32>,
      %get3A_690 = arith.index_cast %add3A_491 : i32 to index
      %get3A_691 = arith.constant 384 : index
      %get3A_692 = tpu.vector_load %arg4[%get3A_690, %get3A_691] {strides = array<i32>} : memref<75x512xf32, #tpu.memory_space<vmem>>, vector<16xf32>,
      %mul3A_693 = arith.mulf %get3A_692, %get3A_494 : vector<16xf32>
      %mul3A_694 = arith.mulf %mul3A_693, %get3A_498 : vector<16xf32>
      %swap3A_695 = arith.index_cast %add3A_491 : i32 to index
      %swap3A_696 = arith.constant 384 : index
      %swap3A_697 = tpu.vector_load %arg4[%swap3A_695, %swap3A_696] {strides = array<i32>} : memref<75x512xf32, #tpu.memory_space<vmem>>, vector<16xf32>,
      tpu.vector_store %arg4[%swap3A_695, %swap3A_696], %mul3A_694 {strides = array<i32>} : memref<75x512xf32, #tpu.memory_space<vmem>>, vector<16xf32>,
      %get3A_698 = arith.index_cast %add3A_491 : i32 to index
      %get3A_699 = arith.constant 400 : index
      %get3A_700 = tpu.vector_load %arg4[%get3A_698, %get3A_699] {strides = array<i32>} : memref<75x512xf32, #tpu.memory_space<vmem>>, vector<16xf32>,
      %mul3A_701 = arith.mulf %get3A_700, %get3A_494 : vector<16xf32>
      %mul3A_702 = arith.mulf %mul3A_701, %get3A_498 : vector<16xf32>
      %swap3A_703 = arith.index_cast %add3A_491 : i32 to index
      %swap3A_704 = arith.constant 400 : index
      %swap3A_705 = tpu.vector_load %arg4[%swap3A_703, %swap3A_704] {strides = array<i32>} : memref<75x512xf32, #tpu.memory_space<vmem>>, vector<16xf32>,
      tpu.vector_store %arg4[%swap3A_703, %swap3A_704], %mul3A_702 {strides = array<i32>} : memref<75x512xf32, #tpu.memory_space<vmem>>, vector<16xf32>,
      %get3A_706 = arith.index_cast %add3A_491 : i32 to index
      %get3A_707 = arith.constant 416 : index
      %get3A_708 = tpu.vector_load %arg4[%get3A_706, %get3A_707] {strides = array<i32>} : memref<75x512xf32, #tpu.memory_space<vmem>>, vector<16xf32>,
      %mul3A_709 = arith.mulf %get3A_708, %get3A_494 : vector<16xf32>
      %mul3A_710 = arith.mulf %mul3A_709, %get3A_498 : vector<16xf32>
      %swap3A_711 = arith.index_cast %add3A_491 : i32 to index
      %swap3A_712 = arith.constant 416 : index
      %swap3A_713 = tpu.vector_load %arg4[%swap3A_711, %swap3A_712] {strides = array<i32>} : memref<75x512xf32, #tpu.memory_space<vmem>>, vector<16xf32>,
      tpu.vector_store %arg4[%swap3A_711, %swap3A_712], %mul3A_710 {strides = array<i32>} : memref<75x512xf32, #tpu.memory_space<vmem>>, vector<16xf32>,
      %get3A_714 = arith.index_cast %add3A_491 : i32 to index
      %get3A_715 = arith.constant 432 : index
      %get3A_716 = tpu.vector_load %arg4[%get3A_714, %get3A_715] {strides = array<i32>} : memref<75x512xf32, #tpu.memory_space<vmem>>, vector<16xf32>,
      %mul3A_717 = arith.mulf %get3A_716, %get3A_494 : vector<16xf32>
      %mul3A_718 = arith.mulf %mul3A_717, %get3A_498 : vector<16xf32>
      %swap3A_719 = arith.index_cast %add3A_491 : i32 to index
      %swap3A_720 = arith.constant 432 : index
      %swap3A_721 = tpu.vector_load %arg4[%swap3A_719, %swap3A_720] {strides = array<i32>} : memref<75x512xf32, #tpu.memory_space<vmem>>, vector<16xf32>,
      tpu.vector_store %arg4[%swap3A_719, %swap3A_720], %mul3A_718 {strides = array<i32>} : memref<75x512xf32, #tpu.memory_space<vmem>>, vector<16xf32>,
      %get3A_722 = arith.index_cast %add3A_491 : i32 to index
      %get3A_723 = arith.constant 448 : index
      %get3A_724 = tpu.vector_load %arg4[%get3A_722, %get3A_723] {strides = array<i32>} : memref<75x512xf32, #tpu.memory_space<vmem>>, vector<16xf32>,
      %mul3A_725 = arith.mulf %get3A_724, %get3A_494 : vector<16xf32>
      %mul3A_726 = arith.mulf %mul3A_725, %get3A_498 : vector<16xf32>
      %swap3A_727 = arith.index_cast %add3A_491 : i32 to index
      %swap3A_728 = arith.constant 448 : index
      %swap3A_729 = tpu.vector_load %arg4[%swap3A_727, %swap3A_728] {strides = array<i32>} : memref<75x512xf32, #tpu.memory_space<vmem>>, vector<16xf32>,
      tpu.vector_store %arg4[%swap3A_727, %swap3A_728], %mul3A_726 {strides = array<i32>} : memref<75x512xf32, #tpu.memory_space<vmem>>, vector<16xf32>,
      %get3A_730 = arith.index_cast %add3A_491 : i32 to index
      %get3A_731 = arith.constant 464 : index
      %get3A_732 = tpu.vector_load %arg4[%get3A_730, %get3A_731] {strides = array<i32>} : memref<75x512xf32, #tpu.memory_space<vmem>>, vector<16xf32>,
      %mul3A_733 = arith.mulf %get3A_732, %get3A_494 : vector<16xf32>
      %mul3A_734 = arith.mulf %mul3A_733, %get3A_498 : vector<16xf32>
      %swap3A_735 = arith.index_cast %add3A_491 : i32 to index
      %swap3A_736 = arith.constant 464 : index
      %swap3A_737 = tpu.vector_load %arg4[%swap3A_735, %swap3A_736] {strides = array<i32>} : memref<75x512xf32, #tpu.memory_space<vmem>>, vector<16xf32>,
      tpu.vector_store %arg4[%swap3A_735, %swap3A_736], %mul3A_734 {strides = array<i32>} : memref<75x512xf32, #tpu.memory_space<vmem>>, vector<16xf32>,
      %get3A_738 = arith.index_cast %add3A_491 : i32 to index
      %get3A_739 = arith.constant 480 : index
      %get3A_740 = tpu.vector_load %arg4[%get3A_738, %get3A_739] {strides = array<i32>} : memref<75x512xf32, #tpu.memory_space<vmem>>, vector<16xf32>,
      %mul3A_741 = arith.mulf %get3A_740, %get3A_494 : vector<16xf32>
      %mul3A_742 = arith.mulf %mul3A_741, %get3A_498 : vector<16xf32>
      %swap3A_743 = arith.index_cast %add3A_491 : i32 to index
      %swap3A_744 = arith.constant 480 : index
      %swap3A_745 = tpu.vector_load %arg4[%swap3A_743, %swap3A_744] {strides = array<i32>} : memref<75x512xf32, #tpu.memory_space<vmem>>, vector<16xf32>,
      tpu.vector_store %arg4[%swap3A_743, %swap3A_744], %mul3A_742 {strides = array<i32>} : memref<75x512xf32, #tpu.memory_space<vmem>>, vector<16xf32>,
      %get3A_746 = arith.index_cast %add3A_491 : i32 to index
      %get3A_747 = arith.constant 496 : index
      %get3A_748 = tpu.vector_load %arg4[%get3A_746, %get3A_747] {strides = array<i32>} : memref<75x512xf32, #tpu.memory_space<vmem>>, vector<16xf32>,
      %mul3A_749 = arith.mulf %get3A_748, %get3A_494 : vector<16xf32>
      %mul3A_750 = arith.mulf %mul3A_749, %get3A_498 : vector<16xf32>
      %swap3A_751 = arith.index_cast %add3A_491 : i32 to index
      %swap3A_752 = arith.constant 496 : index
      %swap3A_753 = tpu.vector_load %arg4[%swap3A_751, %swap3A_752] {strides = array<i32>} : memref<75x512xf32, #tpu.memory_space<vmem>>, vector<16xf32>,
      tpu.vector_store %arg4[%swap3A_751, %swap3A_752], %mul3A_750 {strides = array<i32>} : memref<75x512xf32, #tpu.memory_space<vmem>>, vector<16xf32>,
    }
    %scan3A_365 = arith.constant 75 : i32
    %add3A_366 = arith.constant 0 : i32
    %add3A_367 = arith.addi %mul3A_2, %add3A_366 : i32
    %dma_start3A_368 = arith.constant 0 : i32
    %dma_start3A_369 = tpu.memref_slice %arg3[%dma_start3A_368, %add3A_367] : memref<75x524288xf32, #tpu.memory_space<hbm>> -> memref<75x512xf32, #tpu.memory_space<hbm>>
    %dma_start3A_370 = arith.constant 0 : i32
    %dma_start3A_371 = tpu.memref_slice %arg3[%dma_start3A_370, %add3A_367] : memref<75x524288xf32, #tpu.memory_space<hbm>> -> memref<75x512xf32, #tpu.memory_space<hbm>>
    tpu.enqueue_dma source(%arg4 : memref<75x512xf32, #tpu.memory_space<vmem>>) target(%dma_start3A_371 : memref<75x512xf32, #tpu.memory_space<hbm>>) target_semaphore(%arg12 : memref<!tpu.dma_semaphore, #tpu.memory_space<semaphore_mem>>)
    %add3A_372 = arith.constant 512 : i32
    %add3A_373 = arith.addi %mul3A_2, %add3A_372 : i32
    %dma_wait3A_374 = arith.constant 0 : i32
    %dma_wait3A_375 = tpu.memref_slice %arg2[%dma_wait3A_374, %add3A_373] : memref<75x524288xf32, #tpu.memory_space<hbm>> -> memref<75x512xf32, #tpu.memory_space<hbm>>
    %dma_wait3A_376 = arith.constant 0 : i32
    %dma_wait3A_377 = tpu.memref_slice %arg2[%dma_wait3A_376, %add3A_373] : memref<75x524288xf32, #tpu.memory_space<hbm>> -> memref<75x512xf32, #tpu.memory_space<hbm>>
    tpu.wait_dma2 semaphore(%arg10 : memref<!tpu.dma_semaphore, #tpu.memory_space<semaphore_mem>>) src(%dma_wait3A_377 : memref<75x512xf32, #tpu.memory_space<hbm>>) dst(%arg5 : memref<75x512xf32, #tpu.memory_space<vmem>>)
    %add3A_378 = arith.constant 0 : i32
    %add3A_379 = arith.addi %mul3A_2, %add3A_378 : i32
    %dma_wait3A_380 = arith.constant 0 : i32
    %dma_wait3A_381 = tpu.memref_slice %arg3[%dma_wait3A_380, %add3A_379] : memref<75x524288xf32, #tpu.memory_space<hbm>> -> memref<75x512xf32, #tpu.memory_space<hbm>>
    %dma_wait3A_382 = arith.constant 0 : i32
    %dma_wait3A_383 = tpu.memref_slice %arg3[%dma_wait3A_382, %add3A_379] : memref<75x524288xf32, #tpu.memory_space<hbm>> -> memref<75x512xf32, #tpu.memory_space<hbm>>
    tpu.wait_dma2 semaphore(%arg12 : memref<!tpu.dma_semaphore, #tpu.memory_space<semaphore_mem>>) src(%arg4 : memref<75x512xf32, #tpu.memory_space<vmem>>) dst(%dma_wait3A_383 : memref<75x512xf32, #tpu.memory_space<hbm>>)
    %add3A_384 = arith.constant 1536 : i32
    %add3A_385 = arith.addi %mul3A_2, %add3A_384 : i32
    %dma_start3A_386 = arith.constant 0 : i32
    %dma_start3A_387 = tpu.memref_slice %arg2[%dma_start3A_386, %add3A_385] : memref<75x524288xf32, #tpu.memory_space<hbm>> -> memref<75x512xf32, #tpu.memory_space<hbm>>
    %dma_start3A_388 = arith.constant 0 : i32
    %dma_start3A_389 = tpu.memref_slice %arg2[%dma_start3A_388, %add3A_385] : memref<75x524288xf32, #tpu.memory_space<hbm>> -> memref<75x512xf32, #tpu.memory_space<hbm>>
    tpu.enqueue_dma source(%dma_start3A_389 : memref<75x512xf32, #tpu.memory_space<hbm>>) target(%arg4 : memref<75x512xf32, #tpu.memory_space<vmem>>) target_semaphore(%arg9 : memref<!tpu.dma_semaphore, #tpu.memory_space<semaphore_mem>>)
    %scan3A_390 = arith.constant 0 : i32
    %scan3A_391 = arith.constant 75 : i32
    %scan3A_392 = arith.addi %scan3A_390, %scan3A_391 : i32
    %scan3A_393 = arith.constant 1 : i32
    scf.for %scan3A_487 = %scan3A_390 to %scan3A_392 step %scan3A_393  : i32 {
      %mul3A_488 = arith.constant 1 : i32
      %mul3A_489 = arith.muli %scan3A_487, %mul3A_488 : i32
      %add3A_490 = arith.constant 0 : i32
      %add3A_491 = arith.addi %add3A_490, %mul3A_489 : i32
      %mul3A_492 = arith.constant 16 : i32
      %mul3A_493 = arith.muli %add3A_491, %mul3A_492 : i32
      %get3A = arith.index_cast %mul3A_493 : i32 to index
      %get3A_494 = tpu.vector_load %arg7[%get3A] {strides = array<i32>} : memref<1200xf32, #tpu.memory_space<vmem>>, vector<16xf32>,
      %mul3A_495 = arith.constant 16 : i32
      %mul3A_496 = arith.muli %add3A_491, %mul3A_495 : i32
      %get3A_497 = arith.index_cast %mul3A_496 : i32 to index
      %get3A_498 = tpu.vector_load %arg8[%get3A_497] {strides = array<i32>} : memref<1200xf32, #tpu.memory_space<vmem>>, vector<16xf32>,
      %get3A_499 = arith.index_cast %add3A_491 : i32 to index
      %get3A_500 = arith.constant 0 : index
      %get3A_501 = tpu.vector_load %arg5[%get3A_499, %get3A_500] {strides = array<i32>} : memref<75x512xf32, #tpu.memory_space<vmem>>, vector<16xf32>,
      %mul3A_502 = arith.mulf %get3A_501, %get3A_494 : vector<16xf32>
      %mul3A_503 = arith.mulf %mul3A_502, %get3A_498 : vector<16xf32>
      %swap3A = arith.index_cast %add3A_491 : i32 to index
      %swap3A_504 = arith.constant 0 : index
      %swap3A_505 = tpu.vector_load %arg5[%swap3A, %swap3A_504] {strides = array<i32>} : memref<75x512xf32, #tpu.memory_space<vmem>>, vector<16xf32>,
      tpu.vector_store %arg5[%swap3A, %swap3A_504], %mul3A_503 {strides = array<i32>} : memref<75x512xf32, #tpu.memory_space<vmem>>, vector<16xf32>,
      %get3A_506 = arith.index_cast %add3A_491 : i32 to index
      %get3A_507 = arith.constant 16 : index
      %get3A_508 = tpu.vector_load %arg5[%get3A_506, %get3A_507] {strides = array<i32>} : memref<75x512xf32, #tpu.memory_space<vmem>>, vector<16xf32>,
      %mul3A_509 = arith.mulf %get3A_508, %get3A_494 : vector<16xf32>
      %mul3A_510 = arith.mulf %mul3A_509, %get3A_498 : vector<16xf32>
      %swap3A_511 = arith.index_cast %add3A_491 : i32 to index
      %swap3A_512 = arith.constant 16 : index
      %swap3A_513 = tpu.vector_load %arg5[%swap3A_511, %swap3A_512] {strides = array<i32>} : memref<75x512xf32, #tpu.memory_space<vmem>>, vector<16xf32>,
      tpu.vector_store %arg5[%swap3A_511, %swap3A_512], %mul3A_510 {strides = array<i32>} : memref<75x512xf32, #tpu.memory_space<vmem>>, vector<16xf32>,
      %get3A_514 = arith.index_cast %add3A_491 : i32 to index
      %get3A_515 = arith.constant 32 : index
      %get3A_516 = tpu.vector_load %arg5[%get3A_514, %get3A_515] {strides = array<i32>} : memref<75x512xf32, #tpu.memory_space<vmem>>, vector<16xf32>,
      %mul3A_517 = arith.mulf %get3A_516, %get3A_494 : vector<16xf32>
      %mul3A_518 = arith.mulf %mul3A_517, %get3A_498 : vector<16xf32>
      %swap3A_519 = arith.index_cast %add3A_491 : i32 to index
      %swap3A_520 = arith.constant 32 : index
      %swap3A_521 = tpu.vector_load %arg5[%swap3A_519, %swap3A_520] {strides = array<i32>} : memref<75x512xf32, #tpu.memory_space<vmem>>, vector<16xf32>,
      tpu.vector_store %arg5[%swap3A_519, %swap3A_520], %mul3A_518 {strides = array<i32>} : memref<75x512xf32, #tpu.memory_space<vmem>>, vector<16xf32>,
      %get3A_522 = arith.index_cast %add3A_491 : i32 to index
      %get3A_523 = arith.constant 48 : index
      %get3A_524 = tpu.vector_load %arg5[%get3A_522, %get3A_523] {strides = array<i32>} : memref<75x512xf32, #tpu.memory_space<vmem>>, vector<16xf32>,
      %mul3A_525 = arith.mulf %get3A_524, %get3A_494 : vector<16xf32>
      %mul3A_526 = arith.mulf %mul3A_525, %get3A_498 : vector<16xf32>
      %swap3A_527 = arith.index_cast %add3A_491 : i32 to index
      %swap3A_528 = arith.constant 48 : index
      %swap3A_529 = tpu.vector_load %arg5[%swap3A_527, %swap3A_528] {strides = array<i32>} : memref<75x512xf32, #tpu.memory_space<vmem>>, vector<16xf32>,
      tpu.vector_store %arg5[%swap3A_527, %swap3A_528], %mul3A_526 {strides = array<i32>} : memref<75x512xf32, #tpu.memory_space<vmem>>, vector<16xf32>,
      %get3A_530 = arith.index_cast %add3A_491 : i32 to index
      %get3A_531 = arith.constant 64 : index
      %get3A_532 = tpu.vector_load %arg5[%get3A_530, %get3A_531] {strides = array<i32>} : memref<75x512xf32, #tpu.memory_space<vmem>>, vector<16xf32>,
      %mul3A_533 = arith.mulf %get3A_532, %get3A_494 : vector<16xf32>
      %mul3A_534 = arith.mulf %mul3A_533, %get3A_498 : vector<16xf32>
      %swap3A_535 = arith.index_cast %add3A_491 : i32 to index
      %swap3A_536 = arith.constant 64 : index
      %swap3A_537 = tpu.vector_load %arg5[%swap3A_535, %swap3A_536] {strides = array<i32>} : memref<75x512xf32, #tpu.memory_space<vmem>>, vector<16xf32>,
      tpu.vector_store %arg5[%swap3A_535, %swap3A_536], %mul3A_534 {strides = array<i32>} : memref<75x512xf32, #tpu.memory_space<vmem>>, vector<16xf32>,
      %get3A_538 = arith.index_cast %add3A_491 : i32 to index
      %get3A_539 = arith.constant 80 : index
      %get3A_540 = tpu.vector_load %arg5[%get3A_538, %get3A_539] {strides = array<i32>} : memref<75x512xf32, #tpu.memory_space<vmem>>, vector<16xf32>,
      %mul3A_541 = arith.mulf %get3A_540, %get3A_494 : vector<16xf32>
      %mul3A_542 = arith.mulf %mul3A_541, %get3A_498 : vector<16xf32>
      %swap3A_543 = arith.index_cast %add3A_491 : i32 to index
      %swap3A_544 = arith.constant 80 : index
      %swap3A_545 = tpu.vector_load %arg5[%swap3A_543, %swap3A_544] {strides = array<i32>} : memref<75x512xf32, #tpu.memory_space<vmem>>, vector<16xf32>,
      tpu.vector_store %arg5[%swap3A_543, %swap3A_544], %mul3A_542 {strides = array<i32>} : memref<75x512xf32, #tpu.memory_space<vmem>>, vector<16xf32>,
      %get3A_546 = arith.index_cast %add3A_491 : i32 to index
      %get3A_547 = arith.constant 96 : index
      %get3A_548 = tpu.vector_load %arg5[%get3A_546, %get3A_547] {strides = array<i32>} : memref<75x512xf32, #tpu.memory_space<vmem>>, vector<16xf32>,
      %mul3A_549 = arith.mulf %get3A_548, %get3A_494 : vector<16xf32>
      %mul3A_550 = arith.mulf %mul3A_549, %get3A_498 : vector<16xf32>
      %swap3A_551 = arith.index_cast %add3A_491 : i32 to index
      %swap3A_552 = arith.constant 96 : index
      %swap3A_553 = tpu.vector_load %arg5[%swap3A_551, %swap3A_552] {strides = array<i32>} : memref<75x512xf32, #tpu.memory_space<vmem>>, vector<16xf32>,
      tpu.vector_store %arg5[%swap3A_551, %swap3A_552], %mul3A_550 {strides = array<i32>} : memref<75x512xf32, #tpu.memory_space<vmem>>, vector<16xf32>,
      %get3A_554 = arith.index_cast %add3A_491 : i32 to index
      %get3A_555 = arith.constant 112 : index
      %get3A_556 = tpu.vector_load %arg5[%get3A_554, %get3A_555] {strides = array<i32>} : memref<75x512xf32, #tpu.memory_space<vmem>>, vector<16xf32>,
      %mul3A_557 = arith.mulf %get3A_556, %get3A_494 : vector<16xf32>
      %mul3A_558 = arith.mulf %mul3A_557, %get3A_498 : vector<16xf32>
      %swap3A_559 = arith.index_cast %add3A_491 : i32 to index
      %swap3A_560 = arith.constant 112 : index
      %swap3A_561 = tpu.vector_load %arg5[%swap3A_559, %swap3A_560] {strides = array<i32>} : memref<75x512xf32, #tpu.memory_space<vmem>>, vector<16xf32>,
      tpu.vector_store %arg5[%swap3A_559, %swap3A_560], %mul3A_558 {strides = array<i32>} : memref<75x512xf32, #tpu.memory_space<vmem>>, vector<16xf32>,
      %get3A_562 = arith.index_cast %add3A_491 : i32 to index
      %get3A_563 = arith.constant 128 : index
      %get3A_564 = tpu.vector_load %arg5[%get3A_562, %get3A_563] {strides = array<i32>} : memref<75x512xf32, #tpu.memory_space<vmem>>, vector<16xf32>,
      %mul3A_565 = arith.mulf %get3A_564, %get3A_494 : vector<16xf32>
      %mul3A_566 = arith.mulf %mul3A_565, %get3A_498 : vector<16xf32>
      %swap3A_567 = arith.index_cast %add3A_491 : i32 to index
      %swap3A_568 = arith.constant 128 : index
      %swap3A_569 = tpu.vector_load %arg5[%swap3A_567, %swap3A_568] {strides = array<i32>} : memref<75x512xf32, #tpu.memory_space<vmem>>, vector<16xf32>,
      tpu.vector_store %arg5[%swap3A_567, %swap3A_568], %mul3A_566 {strides = array<i32>} : memref<75x512xf32, #tpu.memory_space<vmem>>, vector<16xf32>,
      %get3A_570 = arith.index_cast %add3A_491 : i32 to index
      %get3A_571 = arith.constant 144 : index
      %get3A_572 = tpu.vector_load %arg5[%get3A_570, %get3A_571] {strides = array<i32>} : memref<75x512xf32, #tpu.memory_space<vmem>>, vector<16xf32>,
      %mul3A_573 = arith.mulf %get3A_572, %get3A_494 : vector<16xf32>
      %mul3A_574 = arith.mulf %mul3A_573, %get3A_498 : vector<16xf32>
      %swap3A_575 = arith.index_cast %add3A_491 : i32 to index
      %swap3A_576 = arith.constant 144 : index
      %swap3A_577 = tpu.vector_load %arg5[%swap3A_575, %swap3A_576] {strides = array<i32>} : memref<75x512xf32, #tpu.memory_space<vmem>>, vector<16xf32>,
      tpu.vector_store %arg5[%swap3A_575, %swap3A_576], %mul3A_574 {strides = array<i32>} : memref<75x512xf32, #tpu.memory_space<vmem>>, vector<16xf32>,
      %get3A_578 = arith.index_cast %add3A_491 : i32 to index
      %get3A_579 = arith.constant 160 : index
      %get3A_580 = tpu.vector_load %arg5[%get3A_578, %get3A_579] {strides = array<i32>} : memref<75x512xf32, #tpu.memory_space<vmem>>, vector<16xf32>,
      %mul3A_581 = arith.mulf %get3A_580, %get3A_494 : vector<16xf32>
      %mul3A_582 = arith.mulf %mul3A_581, %get3A_498 : vector<16xf32>
      %swap3A_583 = arith.index_cast %add3A_491 : i32 to index
      %swap3A_584 = arith.constant 160 : index
      %swap3A_585 = tpu.vector_load %arg5[%swap3A_583, %swap3A_584] {strides = array<i32>} : memref<75x512xf32, #tpu.memory_space<vmem>>, vector<16xf32>,
      tpu.vector_store %arg5[%swap3A_583, %swap3A_584], %mul3A_582 {strides = array<i32>} : memref<75x512xf32, #tpu.memory_space<vmem>>, vector<16xf32>,
      %get3A_586 = arith.index_cast %add3A_491 : i32 to index
      %get3A_587 = arith.constant 176 : index
      %get3A_588 = tpu.vector_load %arg5[%get3A_586, %get3A_587] {strides = array<i32>} : memref<75x512xf32, #tpu.memory_space<vmem>>, vector<16xf32>,
      %mul3A_589 = arith.mulf %get3A_588, %get3A_494 : vector<16xf32>
      %mul3A_590 = arith.mulf %mul3A_589, %get3A_498 : vector<16xf32>
      %swap3A_591 = arith.index_cast %add3A_491 : i32 to index
      %swap3A_592 = arith.constant 176 : index
      %swap3A_593 = tpu.vector_load %arg5[%swap3A_591, %swap3A_592] {strides = array<i32>} : memref<75x512xf32, #tpu.memory_space<vmem>>, vector<16xf32>,
      tpu.vector_store %arg5[%swap3A_591, %swap3A_592], %mul3A_590 {strides = array<i32>} : memref<75x512xf32, #tpu.memory_space<vmem>>, vector<16xf32>,
      %get3A_594 = arith.index_cast %add3A_491 : i32 to index
      %get3A_595 = arith.constant 192 : index
      %get3A_596 = tpu.vector_load %arg5[%get3A_594, %get3A_595] {strides = array<i32>} : memref<75x512xf32, #tpu.memory_space<vmem>>, vector<16xf32>,
      %mul3A_597 = arith.mulf %get3A_596, %get3A_494 : vector<16xf32>
      %mul3A_598 = arith.mulf %mul3A_597, %get3A_498 : vector<16xf32>
      %swap3A_599 = arith.index_cast %add3A_491 : i32 to index
      %swap3A_600 = arith.constant 192 : index
      %swap3A_601 = tpu.vector_load %arg5[%swap3A_599, %swap3A_600] {strides = array<i32>} : memref<75x512xf32, #tpu.memory_space<vmem>>, vector<16xf32>,
      tpu.vector_store %arg5[%swap3A_599, %swap3A_600], %mul3A_598 {strides = array<i32>} : memref<75x512xf32, #tpu.memory_space<vmem>>, vector<16xf32>,
      %get3A_602 = arith.index_cast %add3A_491 : i32 to index
      %get3A_603 = arith.constant 208 : index
      %get3A_604 = tpu.vector_load %arg5[%get3A_602, %get3A_603] {strides = array<i32>} : memref<75x512xf32, #tpu.memory_space<vmem>>, vector<16xf32>,
      %mul3A_605 = arith.mulf %get3A_604, %get3A_494 : vector<16xf32>
      %mul3A_606 = arith.mulf %mul3A_605, %get3A_498 : vector<16xf32>
      %swap3A_607 = arith.index_cast %add3A_491 : i32 to index
      %swap3A_608 = arith.constant 208 : index
      %swap3A_609 = tpu.vector_load %arg5[%swap3A_607, %swap3A_608] {strides = array<i32>} : memref<75x512xf32, #tpu.memory_space<vmem>>, vector<16xf32>,
      tpu.vector_store %arg5[%swap3A_607, %swap3A_608], %mul3A_606 {strides = array<i32>} : memref<75x512xf32, #tpu.memory_space<vmem>>, vector<16xf32>,
      %get3A_610 = arith.index_cast %add3A_491 : i32 to index
      %get3A_611 = arith.constant 224 : index
      %get3A_612 = tpu.vector_load %arg5[%get3A_610, %get3A_611] {strides = array<i32>} : memref<75x512xf32, #tpu.memory_space<vmem>>, vector<16xf32>,
      %mul3A_613 = arith.mulf %get3A_612, %get3A_494 : vector<16xf32>
      %mul3A_614 = arith.mulf %mul3A_613, %get3A_498 : vector<16xf32>
      %swap3A_615 = arith.index_cast %add3A_491 : i32 to index
      %swap3A_616 = arith.constant 224 : index
      %swap3A_617 = tpu.vector_load %arg5[%swap3A_615, %swap3A_616] {strides = array<i32>} : memref<75x512xf32, #tpu.memory_space<vmem>>, vector<16xf32>,
      tpu.vector_store %arg5[%swap3A_615, %swap3A_616], %mul3A_614 {strides = array<i32>} : memref<75x512xf32, #tpu.memory_space<vmem>>, vector<16xf32>,
      %get3A_618 = arith.index_cast %add3A_491 : i32 to index
      %get3A_619 = arith.constant 240 : index
      %get3A_620 = tpu.vector_load %arg5[%get3A_618, %get3A_619] {strides = array<i32>} : memref<75x512xf32, #tpu.memory_space<vmem>>, vector<16xf32>,
      %mul3A_621 = arith.mulf %get3A_620, %get3A_494 : vector<16xf32>
      %mul3A_622 = arith.mulf %mul3A_621, %get3A_498 : vector<16xf32>
      %swap3A_623 = arith.index_cast %add3A_491 : i32 to index
      %swap3A_624 = arith.constant 240 : index
      %swap3A_625 = tpu.vector_load %arg5[%swap3A_623, %swap3A_624] {strides = array<i32>} : memref<75x512xf32, #tpu.memory_space<vmem>>, vector<16xf32>,
      tpu.vector_store %arg5[%swap3A_623, %swap3A_624], %mul3A_622 {strides = array<i32>} : memref<75x512xf32, #tpu.memory_space<vmem>>, vector<16xf32>,
      %get3A_626 = arith.index_cast %add3A_491 : i32 to index
      %get3A_627 = arith.constant 256 : index
      %get3A_628 = tpu.vector_load %arg5[%get3A_626, %get3A_627] {strides = array<i32>} : memref<75x512xf32, #tpu.memory_space<vmem>>, vector<16xf32>,
      %mul3A_629 = arith.mulf %get3A_628, %get3A_494 : vector<16xf32>
      %mul3A_630 = arith.mulf %mul3A_629, %get3A_498 : vector<16xf32>
      %swap3A_631 = arith.index_cast %add3A_491 : i32 to index
      %swap3A_632 = arith.constant 256 : index
      %swap3A_633 = tpu.vector_load %arg5[%swap3A_631, %swap3A_632] {strides = array<i32>} : memref<75x512xf32, #tpu.memory_space<vmem>>, vector<16xf32>,
      tpu.vector_store %arg5[%swap3A_631, %swap3A_632], %mul3A_630 {strides = array<i32>} : memref<75x512xf32, #tpu.memory_space<vmem>>, vector<16xf32>,
      %get3A_634 = arith.index_cast %add3A_491 : i32 to index
      %get3A_635 = arith.constant 272 : index
      %get3A_636 = tpu.vector_load %arg5[%get3A_634, %get3A_635] {strides = array<i32>} : memref<75x512xf32, #tpu.memory_space<vmem>>, vector<16xf32>,
      %mul3A_637 = arith.mulf %get3A_636, %get3A_494 : vector<16xf32>
      %mul3A_638 = arith.mulf %mul3A_637, %get3A_498 : vector<16xf32>
      %swap3A_639 = arith.index_cast %add3A_491 : i32 to index
      %swap3A_640 = arith.constant 272 : index
      %swap3A_641 = tpu.vector_load %arg5[%swap3A_639, %swap3A_640] {strides = array<i32>} : memref<75x512xf32, #tpu.memory_space<vmem>>, vector<16xf32>,
      tpu.vector_store %arg5[%swap3A_639, %swap3A_640], %mul3A_638 {strides = array<i32>} : memref<75x512xf32, #tpu.memory_space<vmem>>, vector<16xf32>,
      %get3A_642 = arith.index_cast %add3A_491 : i32 to index
      %get3A_643 = arith.constant 288 : index
      %get3A_644 = tpu.vector_load %arg5[%get3A_642, %get3A_643] {strides = array<i32>} : memref<75x512xf32, #tpu.memory_space<vmem>>, vector<16xf32>,
      %mul3A_645 = arith.mulf %get3A_644, %get3A_494 : vector<16xf32>
      %mul3A_646 = arith.mulf %mul3A_645, %get3A_498 : vector<16xf32>
      %swap3A_647 = arith.index_cast %add3A_491 : i32 to index
      %swap3A_648 = arith.constant 288 : index
      %swap3A_649 = tpu.vector_load %arg5[%swap3A_647, %swap3A_648] {strides = array<i32>} : memref<75x512xf32, #tpu.memory_space<vmem>>, vector<16xf32>,
      tpu.vector_store %arg5[%swap3A_647, %swap3A_648], %mul3A_646 {strides = array<i32>} : memref<75x512xf32, #tpu.memory_space<vmem>>, vector<16xf32>,
      %get3A_650 = arith.index_cast %add3A_491 : i32 to index
      %get3A_651 = arith.constant 304 : index
      %get3A_652 = tpu.vector_load %arg5[%get3A_650, %get3A_651] {strides = array<i32>} : memref<75x512xf32, #tpu.memory_space<vmem>>, vector<16xf32>,
      %mul3A_653 = arith.mulf %get3A_652, %get3A_494 : vector<16xf32>
      %mul3A_654 = arith.mulf %mul3A_653, %get3A_498 : vector<16xf32>
      %swap3A_655 = arith.index_cast %add3A_491 : i32 to index
      %swap3A_656 = arith.constant 304 : index
      %swap3A_657 = tpu.vector_load %arg5[%swap3A_655, %swap3A_656] {strides = array<i32>} : memref<75x512xf32, #tpu.memory_space<vmem>>, vector<16xf32>,
      tpu.vector_store %arg5[%swap3A_655, %swap3A_656], %mul3A_654 {strides = array<i32>} : memref<75x512xf32, #tpu.memory_space<vmem>>, vector<16xf32>,
      %get3A_658 = arith.index_cast %add3A_491 : i32 to index
      %get3A_659 = arith.constant 320 : index
      %get3A_660 = tpu.vector_load %arg5[%get3A_658, %get3A_659] {strides = array<i32>} : memref<75x512xf32, #tpu.memory_space<vmem>>, vector<16xf32>,
      %mul3A_661 = arith.mulf %get3A_660, %get3A_494 : vector<16xf32>
      %mul3A_662 = arith.mulf %mul3A_661, %get3A_498 : vector<16xf32>
      %swap3A_663 = arith.index_cast %add3A_491 : i32 to index
      %swap3A_664 = arith.constant 320 : index
      %swap3A_665 = tpu.vector_load %arg5[%swap3A_663, %swap3A_664] {strides = array<i32>} : memref<75x512xf32, #tpu.memory_space<vmem>>, vector<16xf32>,
      tpu.vector_store %arg5[%swap3A_663, %swap3A_664], %mul3A_662 {strides = array<i32>} : memref<75x512xf32, #tpu.memory_space<vmem>>, vector<16xf32>,
      %get3A_666 = arith.index_cast %add3A_491 : i32 to index
      %get3A_667 = arith.constant 336 : index
      %get3A_668 = tpu.vector_load %arg5[%get3A_666, %get3A_667] {strides = array<i32>} : memref<75x512xf32, #tpu.memory_space<vmem>>, vector<16xf32>,
      %mul3A_669 = arith.mulf %get3A_668, %get3A_494 : vector<16xf32>
      %mul3A_670 = arith.mulf %mul3A_669, %get3A_498 : vector<16xf32>
      %swap3A_671 = arith.index_cast %add3A_491 : i32 to index
      %swap3A_672 = arith.constant 336 : index
      %swap3A_673 = tpu.vector_load %arg5[%swap3A_671, %swap3A_672] {strides = array<i32>} : memref<75x512xf32, #tpu.memory_space<vmem>>, vector<16xf32>,
      tpu.vector_store %arg5[%swap3A_671, %swap3A_672], %mul3A_670 {strides = array<i32>} : memref<75x512xf32, #tpu.memory_space<vmem>>, vector<16xf32>,
      %get3A_674 = arith.index_cast %add3A_491 : i32 to index
      %get3A_675 = arith.constant 352 : index
      %get3A_676 = tpu.vector_load %arg5[%get3A_674, %get3A_675] {strides = array<i32>} : memref<75x512xf32, #tpu.memory_space<vmem>>, vector<16xf32>,
      %mul3A_677 = arith.mulf %get3A_676, %get3A_494 : vector<16xf32>
      %mul3A_678 = arith.mulf %mul3A_677, %get3A_498 : vector<16xf32>
      %swap3A_679 = arith.index_cast %add3A_491 : i32 to index
      %swap3A_680 = arith.constant 352 : index
      %swap3A_681 = tpu.vector_load %arg5[%swap3A_679, %swap3A_680] {strides = array<i32>} : memref<75x512xf32, #tpu.memory_space<vmem>>, vector<16xf32>,
      tpu.vector_store %arg5[%swap3A_679, %swap3A_680], %mul3A_678 {strides = array<i32>} : memref<75x512xf32, #tpu.memory_space<vmem>>, vector<16xf32>,
      %get3A_682 = arith.index_cast %add3A_491 : i32 to index
      %get3A_683 = arith.constant 368 : index
      %get3A_684 = tpu.vector_load %arg5[%get3A_682, %get3A_683] {strides = array<i32>} : memref<75x512xf32, #tpu.memory_space<vmem>>, vector<16xf32>,
      %mul3A_685 = arith.mulf %get3A_684, %get3A_494 : vector<16xf32>
      %mul3A_686 = arith.mulf %mul3A_685, %get3A_498 : vector<16xf32>
      %swap3A_687 = arith.index_cast %add3A_491 : i32 to index
      %swap3A_688 = arith.constant 368 : index
      %swap3A_689 = tpu.vector_load %arg5[%swap3A_687, %swap3A_688] {strides = array<i32>} : memref<75x512xf32, #tpu.memory_space<vmem>>, vector<16xf32>,
      tpu.vector_store %arg5[%swap3A_687, %swap3A_688], %mul3A_686 {strides = array<i32>} : memref<75x512xf32, #tpu.memory_space<vmem>>, vector<16xf32>,
      %get3A_690 = arith.index_cast %add3A_491 : i32 to index
      %get3A_691 = arith.constant 384 : index
      %get3A_692 = tpu.vector_load %arg5[%get3A_690, %get3A_691] {strides = array<i32>} : memref<75x512xf32, #tpu.memory_space<vmem>>, vector<16xf32>,
      %mul3A_693 = arith.mulf %get3A_692, %get3A_494 : vector<16xf32>
      %mul3A_694 = arith.mulf %mul3A_693, %get3A_498 : vector<16xf32>
      %swap3A_695 = arith.index_cast %add3A_491 : i32 to index
      %swap3A_696 = arith.constant 384 : index
      %swap3A_697 = tpu.vector_load %arg5[%swap3A_695, %swap3A_696] {strides = array<i32>} : memref<75x512xf32, #tpu.memory_space<vmem>>, vector<16xf32>,
      tpu.vector_store %arg5[%swap3A_695, %swap3A_696], %mul3A_694 {strides = array<i32>} : memref<75x512xf32, #tpu.memory_space<vmem>>, vector<16xf32>,
      %get3A_698 = arith.index_cast %add3A_491 : i32 to index
      %get3A_699 = arith.constant 400 : index
      %get3A_700 = tpu.vector_load %arg5[%get3A_698, %get3A_699] {strides = array<i32>} : memref<75x512xf32, #tpu.memory_space<vmem>>, vector<16xf32>,
      %mul3A_701 = arith.mulf %get3A_700, %get3A_494 : vector<16xf32>
      %mul3A_702 = arith.mulf %mul3A_701, %get3A_498 : vector<16xf32>
      %swap3A_703 = arith.index_cast %add3A_491 : i32 to index
      %swap3A_704 = arith.constant 400 : index
      %swap3A_705 = tpu.vector_load %arg5[%swap3A_703, %swap3A_704] {strides = array<i32>} : memref<75x512xf32, #tpu.memory_space<vmem>>, vector<16xf32>,
      tpu.vector_store %arg5[%swap3A_703, %swap3A_704], %mul3A_702 {strides = array<i32>} : memref<75x512xf32, #tpu.memory_space<vmem>>, vector<16xf32>,
      %get3A_706 = arith.index_cast %add3A_491 : i32 to index
      %get3A_707 = arith.constant 416 : index
      %get3A_708 = tpu.vector_load %arg5[%get3A_706, %get3A_707] {strides = array<i32>} : memref<75x512xf32, #tpu.memory_space<vmem>>, vector<16xf32>,
      %mul3A_709 = arith.mulf %get3A_708, %get3A_494 : vector<16xf32>
      %mul3A_710 = arith.mulf %mul3A_709, %get3A_498 : vector<16xf32>
      %swap3A_711 = arith.index_cast %add3A_491 : i32 to index
      %swap3A_712 = arith.constant 416 : index
      %swap3A_713 = tpu.vector_load %arg5[%swap3A_711, %swap3A_712] {strides = array<i32>} : memref<75x512xf32, #tpu.memory_space<vmem>>, vector<16xf32>,
      tpu.vector_store %arg5[%swap3A_711, %swap3A_712], %mul3A_710 {strides = array<i32>} : memref<75x512xf32, #tpu.memory_space<vmem>>, vector<16xf32>,
      %get3A_714 = arith.index_cast %add3A_491 : i32 to index
      %get3A_715 = arith.constant 432 : index
      %get3A_716 = tpu.vector_load %arg5[%get3A_714, %get3A_715] {strides = array<i32>} : memref<75x512xf32, #tpu.memory_space<vmem>>, vector<16xf32>,
      %mul3A_717 = arith.mulf %get3A_716, %get3A_494 : vector<16xf32>
      %mul3A_718 = arith.mulf %mul3A_717, %get3A_498 : vector<16xf32>
      %swap3A_719 = arith.index_cast %add3A_491 : i32 to index
      %swap3A_720 = arith.constant 432 : index
      %swap3A_721 = tpu.vector_load %arg5[%swap3A_719, %swap3A_720] {strides = array<i32>} : memref<75x512xf32, #tpu.memory_space<vmem>>, vector<16xf32>,
      tpu.vector_store %arg5[%swap3A_719, %swap3A_720], %mul3A_718 {strides = array<i32>} : memref<75x512xf32, #tpu.memory_space<vmem>>, vector<16xf32>,
      %get3A_722 = arith.index_cast %add3A_491 : i32 to index
      %get3A_723 = arith.constant 448 : index
      %get3A_724 = tpu.vector_load %arg5[%get3A_722, %get3A_723] {strides = array<i32>} : memref<75x512xf32, #tpu.memory_space<vmem>>, vector<16xf32>,
      %mul3A_725 = arith.mulf %get3A_724, %get3A_494 : vector<16xf32>
      %mul3A_726 = arith.mulf %mul3A_725, %get3A_498 : vector<16xf32>
      %swap3A_727 = arith.index_cast %add3A_491 : i32 to index
      %swap3A_728 = arith.constant 448 : index
      %swap3A_729 = tpu.vector_load %arg5[%swap3A_727, %swap3A_728] {strides = array<i32>} : memref<75x512xf32, #tpu.memory_space<vmem>>, vector<16xf32>,
      tpu.vector_store %arg5[%swap3A_727, %swap3A_728], %mul3A_726 {strides = array<i32>} : memref<75x512xf32, #tpu.memory_space<vmem>>, vector<16xf32>,
      %get3A_730 = arith.index_cast %add3A_491 : i32 to index
      %get3A_731 = arith.constant 464 : index
      %get3A_732 = tpu.vector_load %arg5[%get3A_730, %get3A_731] {strides = array<i32>} : memref<75x512xf32, #tpu.memory_space<vmem>>, vector<16xf32>,
      %mul3A_733 = arith.mulf %get3A_732, %get3A_494 : vector<16xf32>
      %mul3A_734 = arith.mulf %mul3A_733, %get3A_498 : vector<16xf32>
      %swap3A_735 = arith.index_cast %add3A_491 : i32 to index
      %swap3A_736 = arith.constant 464 : index
      %swap3A_737 = tpu.vector_load %arg5[%swap3A_735, %swap3A_736] {strides = array<i32>} : memref<75x512xf32, #tpu.memory_space<vmem>>, vector<16xf32>,
      tpu.vector_store %arg5[%swap3A_735, %swap3A_736], %mul3A_734 {strides = array<i32>} : memref<75x512xf32, #tpu.memory_space<vmem>>, vector<16xf32>,
      %get3A_738 = arith.index_cast %add3A_491 : i32 to index
      %get3A_739 = arith.constant 480 : index
      %get3A_740 = tpu.vector_load %arg5[%get3A_738, %get3A_739] {strides = array<i32>} : memref<75x512xf32, #tpu.memory_space<vmem>>, vector<16xf32>,
      %mul3A_741 = arith.mulf %get3A_740, %get3A_494 : vector<16xf32>
      %mul3A_742 = arith.mulf %mul3A_741, %get3A_498 : vector<16xf32>
      %swap3A_743 = arith.index_cast %add3A_491 : i32 to index
      %swap3A_744 = arith.constant 480 : index
      %swap3A_745 = tpu.vector_load %arg5[%swap3A_743, %swap3A_744] {strides = array<i32>} : memref<75x512xf32, #tpu.memory_space<vmem>>, vector<16xf32>,
      tpu.vector_store %arg5[%swap3A_743, %swap3A_744], %mul3A_742 {strides = array<i32>} : memref<75x512xf32, #tpu.memory_space<vmem>>, vector<16xf32>,
      %get3A_746 = arith.index_cast %add3A_491 : i32 to index
      %get3A_747 = arith.constant 496 : index
      %get3A_748 = tpu.vector_load %arg5[%get3A_746, %get3A_747] {strides = array<i32>} : memref<75x512xf32, #tpu.memory_space<vmem>>, vector<16xf32>,
      %mul3A_749 = arith.mulf %get3A_748, %get3A_494 : vector<16xf32>
      %mul3A_750 = arith.mulf %mul3A_749, %get3A_498 : vector<16xf32>
      %swap3A_751 = arith.index_cast %add3A_491 : i32 to index
      %swap3A_752 = arith.constant 496 : index
      %swap3A_753 = tpu.vector_load %arg5[%swap3A_751, %swap3A_752] {strides = array<i32>} : memref<75x512xf32, #tpu.memory_space<vmem>>, vector<16xf32>,
      tpu.vector_store %arg5[%swap3A_751, %swap3A_752], %mul3A_750 {strides = array<i32>} : memref<75x512xf32, #tpu.memory_space<vmem>>, vector<16xf32>,
    }
    %scan3A_394 = arith.constant 75 : i32
    %add3A_395 = arith.constant 512 : i32
    %add3A_396 = arith.addi %mul3A_2, %add3A_395 : i32
    %dma_start3A_397 = arith.constant 0 : i32
    %dma_start3A_398 = tpu.memref_slice %arg3[%dma_start3A_397, %add3A_396] : memref<75x524288xf32, #tpu.memory_space<hbm>> -> memref<75x512xf32, #tpu.memory_space<hbm>>
    %dma_start3A_399 = arith.constant 0 : i32
    %dma_start3A_400 = tpu.memref_slice %arg3[%dma_start3A_399, %add3A_396] : memref<75x524288xf32, #tpu.memory_space<hbm>> -> memref<75x512xf32, #tpu.memory_space<hbm>>
    tpu.enqueue_dma source(%arg5 : memref<75x512xf32, #tpu.memory_space<vmem>>) target(%dma_start3A_400 : memref<75x512xf32, #tpu.memory_space<hbm>>) target_semaphore(%arg13 : memref<!tpu.dma_semaphore, #tpu.memory_space<semaphore_mem>>)
    %add3A_401 = arith.constant 1024 : i32
    %add3A_402 = arith.addi %mul3A_2, %add3A_401 : i32
    %dma_wait3A_403 = arith.constant 0 : i32
    %dma_wait3A_404 = tpu.memref_slice %arg2[%dma_wait3A_403, %add3A_402] : memref<75x524288xf32, #tpu.memory_space<hbm>> -> memref<75x512xf32, #tpu.memory_space<hbm>>
    %dma_wait3A_405 = arith.constant 0 : i32
    %dma_wait3A_406 = tpu.memref_slice %arg2[%dma_wait3A_405, %add3A_402] : memref<75x524288xf32, #tpu.memory_space<hbm>> -> memref<75x512xf32, #tpu.memory_space<hbm>>
    tpu.wait_dma2 semaphore(%arg11 : memref<!tpu.dma_semaphore, #tpu.memory_space<semaphore_mem>>) src(%dma_wait3A_406 : memref<75x512xf32, #tpu.memory_space<hbm>>) dst(%arg6 : memref<75x512xf32, #tpu.memory_space<vmem>>)
    %add3A_407 = arith.constant 512 : i32
    %add3A_408 = arith.addi %mul3A_2, %add3A_407 : i32
    %dma_wait3A_409 = arith.constant 0 : i32
    %dma_wait3A_410 = tpu.memref_slice %arg3[%dma_wait3A_409, %add3A_408] : memref<75x524288xf32, #tpu.memory_space<hbm>> -> memref<75x512xf32, #tpu.memory_space<hbm>>
    %dma_wait3A_411 = arith.constant 0 : i32
    %dma_wait3A_412 = tpu.memref_slice %arg3[%dma_wait3A_411, %add3A_408] : memref<75x524288xf32, #tpu.memory_space<hbm>> -> memref<75x512xf32, #tpu.memory_space<hbm>>
    tpu.wait_dma2 semaphore(%arg13 : memref<!tpu.dma_semaphore, #tpu.memory_space<semaphore_mem>>) src(%arg5 : memref<75x512xf32, #tpu.memory_space<vmem>>) dst(%dma_wait3A_412 : memref<75x512xf32, #tpu.memory_space<hbm>>)
    %add3A_413 = arith.constant 2048 : i32
    %add3A_414 = arith.addi %mul3A_2, %add3A_413 : i32
    %dma_start3A_415 = arith.constant 0 : i32
    %dma_start3A_416 = tpu.memref_slice %arg2[%dma_start3A_415, %add3A_414] : memref<75x524288xf32, #tpu.memory_space<hbm>> -> memref<75x512xf32, #tpu.memory_space<hbm>>
    %dma_start3A_417 = arith.constant 0 : i32
    %dma_start3A_418 = tpu.memref_slice %arg2[%dma_start3A_417, %add3A_414] : memref<75x524288xf32, #tpu.memory_space<hbm>> -> memref<75x512xf32, #tpu.memory_space<hbm>>
    tpu.enqueue_dma source(%dma_start3A_418 : memref<75x512xf32, #tpu.memory_space<hbm>>) target(%arg5 : memref<75x512xf32, #tpu.memory_space<vmem>>) target_semaphore(%arg10 : memref<!tpu.dma_semaphore, #tpu.memory_space<semaphore_mem>>)
    %scan3A_419 = arith.constant 0 : i32
    %scan3A_420 = arith.constant 75 : i32
    %scan3A_421 = arith.addi %scan3A_419, %scan3A_420 : i32
    %scan3A_422 = arith.constant 1 : i32
    scf.for %scan3A_487 = %scan3A_419 to %scan3A_421 step %scan3A_422  : i32 {
      %mul3A_488 = arith.constant 1 : i32
      %mul3A_489 = arith.muli %scan3A_487, %mul3A_488 : i32
      %add3A_490 = arith.constant 0 : i32
      %add3A_491 = arith.addi %add3A_490, %mul3A_489 : i32
      %mul3A_492 = arith.constant 16 : i32
      %mul3A_493 = arith.muli %add3A_491, %mul3A_492 : i32
      %get3A = arith.index_cast %mul3A_493 : i32 to index
      %get3A_494 = tpu.vector_load %arg7[%get3A] {strides = array<i32>} : memref<1200xf32, #tpu.memory_space<vmem>>, vector<16xf32>,
      %mul3A_495 = arith.constant 16 : i32
      %mul3A_496 = arith.muli %add3A_491, %mul3A_495 : i32
      %get3A_497 = arith.index_cast %mul3A_496 : i32 to index
      %get3A_498 = tpu.vector_load %arg8[%get3A_497] {strides = array<i32>} : memref<1200xf32, #tpu.memory_space<vmem>>, vector<16xf32>,
      %get3A_499 = arith.index_cast %add3A_491 : i32 to index
      %get3A_500 = arith.constant 0 : index
      %get3A_501 = tpu.vector_load %arg6[%get3A_499, %get3A_500] {strides = array<i32>} : memref<75x512xf32, #tpu.memory_space<vmem>>, vector<16xf32>,
      %mul3A_502 = arith.mulf %get3A_501, %get3A_494 : vector<16xf32>
      %mul3A_503 = arith.mulf %mul3A_502, %get3A_498 : vector<16xf32>
      %swap3A = arith.index_cast %add3A_491 : i32 to index
      %swap3A_504 = arith.constant 0 : index
      %swap3A_505 = tpu.vector_load %arg6[%swap3A, %swap3A_504] {strides = array<i32>} : memref<75x512xf32, #tpu.memory_space<vmem>>, vector<16xf32>,
      tpu.vector_store %arg6[%swap3A, %swap3A_504], %mul3A_503 {strides = array<i32>} : memref<75x512xf32, #tpu.memory_space<vmem>>, vector<16xf32>,
      %get3A_506 = arith.index_cast %add3A_491 : i32 to index
      %get3A_507 = arith.constant 16 : index
      %get3A_508 = tpu.vector_load %arg6[%get3A_506, %get3A_507] {strides = array<i32>} : memref<75x512xf32, #tpu.memory_space<vmem>>, vector<16xf32>,
      %mul3A_509 = arith.mulf %get3A_508, %get3A_494 : vector<16xf32>
      %mul3A_510 = arith.mulf %mul3A_509, %get3A_498 : vector<16xf32>
      %swap3A_511 = arith.index_cast %add3A_491 : i32 to index
      %swap3A_512 = arith.constant 16 : index
      %swap3A_513 = tpu.vector_load %arg6[%swap3A_511, %swap3A_512] {strides = array<i32>} : memref<75x512xf32, #tpu.memory_space<vmem>>, vector<16xf32>,
      tpu.vector_store %arg6[%swap3A_511, %swap3A_512], %mul3A_510 {strides = array<i32>} : memref<75x512xf32, #tpu.memory_space<vmem>>, vector<16xf32>,
      %get3A_514 = arith.index_cast %add3A_491 : i32 to index
      %get3A_515 = arith.constant 32 : index
      %get3A_516 = tpu.vector_load %arg6[%get3A_514, %get3A_515] {strides = array<i32>} : memref<75x512xf32, #tpu.memory_space<vmem>>, vector<16xf32>,
      %mul3A_517 = arith.mulf %get3A_516, %get3A_494 : vector<16xf32>
      %mul3A_518 = arith.mulf %mul3A_517, %get3A_498 : vector<16xf32>
      %swap3A_519 = arith.index_cast %add3A_491 : i32 to index
      %swap3A_520 = arith.constant 32 : index
      %swap3A_521 = tpu.vector_load %arg6[%swap3A_519, %swap3A_520] {strides = array<i32>} : memref<75x512xf32, #tpu.memory_space<vmem>>, vector<16xf32>,
      tpu.vector_store %arg6[%swap3A_519, %swap3A_520], %mul3A_518 {strides = array<i32>} : memref<75x512xf32, #tpu.memory_space<vmem>>, vector<16xf32>,
      %get3A_522 = arith.index_cast %add3A_491 : i32 to index
      %get3A_523 = arith.constant 48 : index
      %get3A_524 = tpu.vector_load %arg6[%get3A_522, %get3A_523] {strides = array<i32>} : memref<75x512xf32, #tpu.memory_space<vmem>>, vector<16xf32>,
      %mul3A_525 = arith.mulf %get3A_524, %get3A_494 : vector<16xf32>
      %mul3A_526 = arith.mulf %mul3A_525, %get3A_498 : vector<16xf32>
      %swap3A_527 = arith.index_cast %add3A_491 : i32 to index
      %swap3A_528 = arith.constant 48 : index
      %swap3A_529 = tpu.vector_load %arg6[%swap3A_527, %swap3A_528] {strides = array<i32>} : memref<75x512xf32, #tpu.memory_space<vmem>>, vector<16xf32>,
      tpu.vector_store %arg6[%swap3A_527, %swap3A_528], %mul3A_526 {strides = array<i32>} : memref<75x512xf32, #tpu.memory_space<vmem>>, vector<16xf32>,
      %get3A_530 = arith.index_cast %add3A_491 : i32 to index
      %get3A_531 = arith.constant 64 : index
      %get3A_532 = tpu.vector_load %arg6[%get3A_530, %get3A_531] {strides = array<i32>} : memref<75x512xf32, #tpu.memory_space<vmem>>, vector<16xf32>,
      %mul3A_533 = arith.mulf %get3A_532, %get3A_494 : vector<16xf32>
      %mul3A_534 = arith.mulf %mul3A_533, %get3A_498 : vector<16xf32>
      %swap3A_535 = arith.index_cast %add3A_491 : i32 to index
      %swap3A_536 = arith.constant 64 : index
      %swap3A_537 = tpu.vector_load %arg6[%swap3A_535, %swap3A_536] {strides = array<i32>} : memref<75x512xf32, #tpu.memory_space<vmem>>, vector<16xf32>,
      tpu.vector_store %arg6[%swap3A_535, %swap3A_536], %mul3A_534 {strides = array<i32>} : memref<75x512xf32, #tpu.memory_space<vmem>>, vector<16xf32>,
      %get3A_538 = arith.index_cast %add3A_491 : i32 to index
      %get3A_539 = arith.constant 80 : index
      %get3A_540 = tpu.vector_load %arg6[%get3A_538, %get3A_539] {strides = array<i32>} : memref<75x512xf32, #tpu.memory_space<vmem>>, vector<16xf32>,
      %mul3A_541 = arith.mulf %get3A_540, %get3A_494 : vector<16xf32>
      %mul3A_542 = arith.mulf %mul3A_541, %get3A_498 : vector<16xf32>
      %swap3A_543 = arith.index_cast %add3A_491 : i32 to index
      %swap3A_544 = arith.constant 80 : index
      %swap3A_545 = tpu.vector_load %arg6[%swap3A_543, %swap3A_544] {strides = array<i32>} : memref<75x512xf32, #tpu.memory_space<vmem>>, vector<16xf32>,
      tpu.vector_store %arg6[%swap3A_543, %swap3A_544], %mul3A_542 {strides = array<i32>} : memref<75x512xf32, #tpu.memory_space<vmem>>, vector<16xf32>,
      %get3A_546 = arith.index_cast %add3A_491 : i32 to index
      %get3A_547 = arith.constant 96 : index
      %get3A_548 = tpu.vector_load %arg6[%get3A_546, %get3A_547] {strides = array<i32>} : memref<75x512xf32, #tpu.memory_space<vmem>>, vector<16xf32>,
      %mul3A_549 = arith.mulf %get3A_548, %get3A_494 : vector<16xf32>
      %mul3A_550 = arith.mulf %mul3A_549, %get3A_498 : vector<16xf32>
      %swap3A_551 = arith.index_cast %add3A_491 : i32 to index
      %swap3A_552 = arith.constant 96 : index
      %swap3A_553 = tpu.vector_load %arg6[%swap3A_551, %swap3A_552] {strides = array<i32>} : memref<75x512xf32, #tpu.memory_space<vmem>>, vector<16xf32>,
      tpu.vector_store %arg6[%swap3A_551, %swap3A_552], %mul3A_550 {strides = array<i32>} : memref<75x512xf32, #tpu.memory_space<vmem>>, vector<16xf32>,
      %get3A_554 = arith.index_cast %add3A_491 : i32 to index
      %get3A_555 = arith.constant 112 : index
      %get3A_556 = tpu.vector_load %arg6[%get3A_554, %get3A_555] {strides = array<i32>} : memref<75x512xf32, #tpu.memory_space<vmem>>, vector<16xf32>,
      %mul3A_557 = arith.mulf %get3A_556, %get3A_494 : vector<16xf32>
      %mul3A_558 = arith.mulf %mul3A_557, %get3A_498 : vector<16xf32>
      %swap3A_559 = arith.index_cast %add3A_491 : i32 to index
      %swap3A_560 = arith.constant 112 : index
      %swap3A_561 = tpu.vector_load %arg6[%swap3A_559, %swap3A_560] {strides = array<i32>} : memref<75x512xf32, #tpu.memory_space<vmem>>, vector<16xf32>,
      tpu.vector_store %arg6[%swap3A_559, %swap3A_560], %mul3A_558 {strides = array<i32>} : memref<75x512xf32, #tpu.memory_space<vmem>>, vector<16xf32>,
      %get3A_562 = arith.index_cast %add3A_491 : i32 to index
      %get3A_563 = arith.constant 128 : index
      %get3A_564 = tpu.vector_load %arg6[%get3A_562, %get3A_563] {strides = array<i32>} : memref<75x512xf32, #tpu.memory_space<vmem>>, vector<16xf32>,
      %mul3A_565 = arith.mulf %get3A_564, %get3A_494 : vector<16xf32>
      %mul3A_566 = arith.mulf %mul3A_565, %get3A_498 : vector<16xf32>
      %swap3A_567 = arith.index_cast %add3A_491 : i32 to index
      %swap3A_568 = arith.constant 128 : index
      %swap3A_569 = tpu.vector_load %arg6[%swap3A_567, %swap3A_568] {strides = array<i32>} : memref<75x512xf32, #tpu.memory_space<vmem>>, vector<16xf32>,
      tpu.vector_store %arg6[%swap3A_567, %swap3A_568], %mul3A_566 {strides = array<i32>} : memref<75x512xf32, #tpu.memory_space<vmem>>, vector<16xf32>,
      %get3A_570 = arith.index_cast %add3A_491 : i32 to index
      %get3A_571 = arith.constant 144 : index
      %get3A_572 = tpu.vector_load %arg6[%get3A_570, %get3A_571] {strides = array<i32>} : memref<75x512xf32, #tpu.memory_space<vmem>>, vector<16xf32>,
      %mul3A_573 = arith.mulf %get3A_572, %get3A_494 : vector<16xf32>
      %mul3A_574 = arith.mulf %mul3A_573, %get3A_498 : vector<16xf32>
      %swap3A_575 = arith.index_cast %add3A_491 : i32 to index
      %swap3A_576 = arith.constant 144 : index
      %swap3A_577 = tpu.vector_load %arg6[%swap3A_575, %swap3A_576] {strides = array<i32>} : memref<75x512xf32, #tpu.memory_space<vmem>>, vector<16xf32>,
      tpu.vector_store %arg6[%swap3A_575, %swap3A_576], %mul3A_574 {strides = array<i32>} : memref<75x512xf32, #tpu.memory_space<vmem>>, vector<16xf32>,
      %get3A_578 = arith.index_cast %add3A_491 : i32 to index
      %get3A_579 = arith.constant 160 : index
      %get3A_580 = tpu.vector_load %arg6[%get3A_578, %get3A_579] {strides = array<i32>} : memref<75x512xf32, #tpu.memory_space<vmem>>, vector<16xf32>,
      %mul3A_581 = arith.mulf %get3A_580, %get3A_494 : vector<16xf32>
      %mul3A_582 = arith.mulf %mul3A_581, %get3A_498 : vector<16xf32>
      %swap3A_583 = arith.index_cast %add3A_491 : i32 to index
      %swap3A_584 = arith.constant 160 : index
      %swap3A_585 = tpu.vector_load %arg6[%swap3A_583, %swap3A_584] {strides = array<i32>} : memref<75x512xf32, #tpu.memory_space<vmem>>, vector<16xf32>,
      tpu.vector_store %arg6[%swap3A_583, %swap3A_584], %mul3A_582 {strides = array<i32>} : memref<75x512xf32, #tpu.memory_space<vmem>>, vector<16xf32>,
      %get3A_586 = arith.index_cast %add3A_491 : i32 to index
      %get3A_587 = arith.constant 176 : index
      %get3A_588 = tpu.vector_load %arg6[%get3A_586, %get3A_587] {strides = array<i32>} : memref<75x512xf32, #tpu.memory_space<vmem>>, vector<16xf32>,
      %mul3A_589 = arith.mulf %get3A_588, %get3A_494 : vector<16xf32>
      %mul3A_590 = arith.mulf %mul3A_589, %get3A_498 : vector<16xf32>
      %swap3A_591 = arith.index_cast %add3A_491 : i32 to index
      %swap3A_592 = arith.constant 176 : index
      %swap3A_593 = tpu.vector_load %arg6[%swap3A_591, %swap3A_592] {strides = array<i32>} : memref<75x512xf32, #tpu.memory_space<vmem>>, vector<16xf32>,
      tpu.vector_store %arg6[%swap3A_591, %swap3A_592], %mul3A_590 {strides = array<i32>} : memref<75x512xf32, #tpu.memory_space<vmem>>, vector<16xf32>,
      %get3A_594 = arith.index_cast %add3A_491 : i32 to index
      %get3A_595 = arith.constant 192 : index
      %get3A_596 = tpu.vector_load %arg6[%get3A_594, %get3A_595] {strides = array<i32>} : memref<75x512xf32, #tpu.memory_space<vmem>>, vector<16xf32>,
      %mul3A_597 = arith.mulf %get3A_596, %get3A_494 : vector<16xf32>
      %mul3A_598 = arith.mulf %mul3A_597, %get3A_498 : vector<16xf32>
      %swap3A_599 = arith.index_cast %add3A_491 : i32 to index
      %swap3A_600 = arith.constant 192 : index
      %swap3A_601 = tpu.vector_load %arg6[%swap3A_599, %swap3A_600] {strides = array<i32>} : memref<75x512xf32, #tpu.memory_space<vmem>>, vector<16xf32>,
      tpu.vector_store %arg6[%swap3A_599, %swap3A_600], %mul3A_598 {strides = array<i32>} : memref<75x512xf32, #tpu.memory_space<vmem>>, vector<16xf32>,
      %get3A_602 = arith.index_cast %add3A_491 : i32 to index
      %get3A_603 = arith.constant 208 : index
      %get3A_604 = tpu.vector_load %arg6[%get3A_602, %get3A_603] {strides = array<i32>} : memref<75x512xf32, #tpu.memory_space<vmem>>, vector<16xf32>,
      %mul3A_605 = arith.mulf %get3A_604, %get3A_494 : vector<16xf32>
      %mul3A_606 = arith.mulf %mul3A_605, %get3A_498 : vector<16xf32>
      %swap3A_607 = arith.index_cast %add3A_491 : i32 to index
      %swap3A_608 = arith.constant 208 : index
      %swap3A_609 = tpu.vector_load %arg6[%swap3A_607, %swap3A_608] {strides = array<i32>} : memref<75x512xf32, #tpu.memory_space<vmem>>, vector<16xf32>,
      tpu.vector_store %arg6[%swap3A_607, %swap3A_608], %mul3A_606 {strides = array<i32>} : memref<75x512xf32, #tpu.memory_space<vmem>>, vector<16xf32>,
      %get3A_610 = arith.index_cast %add3A_491 : i32 to index
      %get3A_611 = arith.constant 224 : index
      %get3A_612 = tpu.vector_load %arg6[%get3A_610, %get3A_611] {strides = array<i32>} : memref<75x512xf32, #tpu.memory_space<vmem>>, vector<16xf32>,
      %mul3A_613 = arith.mulf %get3A_612, %get3A_494 : vector<16xf32>
      %mul3A_614 = arith.mulf %mul3A_613, %get3A_498 : vector<16xf32>
      %swap3A_615 = arith.index_cast %add3A_491 : i32 to index
      %swap3A_616 = arith.constant 224 : index
      %swap3A_617 = tpu.vector_load %arg6[%swap3A_615, %swap3A_616] {strides = array<i32>} : memref<75x512xf32, #tpu.memory_space<vmem>>, vector<16xf32>,
      tpu.vector_store %arg6[%swap3A_615, %swap3A_616], %mul3A_614 {strides = array<i32>} : memref<75x512xf32, #tpu.memory_space<vmem>>, vector<16xf32>,
      %get3A_618 = arith.index_cast %add3A_491 : i32 to index
      %get3A_619 = arith.constant 240 : index
      %get3A_620 = tpu.vector_load %arg6[%get3A_618, %get3A_619] {strides = array<i32>} : memref<75x512xf32, #tpu.memory_space<vmem>>, vector<16xf32>,
      %mul3A_621 = arith.mulf %get3A_620, %get3A_494 : vector<16xf32>
      %mul3A_622 = arith.mulf %mul3A_621, %get3A_498 : vector<16xf32>
      %swap3A_623 = arith.index_cast %add3A_491 : i32 to index
      %swap3A_624 = arith.constant 240 : index
      %swap3A_625 = tpu.vector_load %arg6[%swap3A_623, %swap3A_624] {strides = array<i32>} : memref<75x512xf32, #tpu.memory_space<vmem>>, vector<16xf32>,
      tpu.vector_store %arg6[%swap3A_623, %swap3A_624], %mul3A_622 {strides = array<i32>} : memref<75x512xf32, #tpu.memory_space<vmem>>, vector<16xf32>,
      %get3A_626 = arith.index_cast %add3A_491 : i32 to index
      %get3A_627 = arith.constant 256 : index
      %get3A_628 = tpu.vector_load %arg6[%get3A_626, %get3A_627] {strides = array<i32>} : memref<75x512xf32, #tpu.memory_space<vmem>>, vector<16xf32>,
      %mul3A_629 = arith.mulf %get3A_628, %get3A_494 : vector<16xf32>
      %mul3A_630 = arith.mulf %mul3A_629, %get3A_498 : vector<16xf32>
      %swap3A_631 = arith.index_cast %add3A_491 : i32 to index
      %swap3A_632 = arith.constant 256 : index
      %swap3A_633 = tpu.vector_load %arg6[%swap3A_631, %swap3A_632] {strides = array<i32>} : memref<75x512xf32, #tpu.memory_space<vmem>>, vector<16xf32>,
      tpu.vector_store %arg6[%swap3A_631, %swap3A_632], %mul3A_630 {strides = array<i32>} : memref<75x512xf32, #tpu.memory_space<vmem>>, vector<16xf32>,
      %get3A_634 = arith.index_cast %add3A_491 : i32 to index
      %get3A_635 = arith.constant 272 : index
      %get3A_636 = tpu.vector_load %arg6[%get3A_634, %get3A_635] {strides = array<i32>} : memref<75x512xf32, #tpu.memory_space<vmem>>, vector<16xf32>,
      %mul3A_637 = arith.mulf %get3A_636, %get3A_494 : vector<16xf32>
      %mul3A_638 = arith.mulf %mul3A_637, %get3A_498 : vector<16xf32>
      %swap3A_639 = arith.index_cast %add3A_491 : i32 to index
      %swap3A_640 = arith.constant 272 : index
      %swap3A_641 = tpu.vector_load %arg6[%swap3A_639, %swap3A_640] {strides = array<i32>} : memref<75x512xf32, #tpu.memory_space<vmem>>, vector<16xf32>,
      tpu.vector_store %arg6[%swap3A_639, %swap3A_640], %mul3A_638 {strides = array<i32>} : memref<75x512xf32, #tpu.memory_space<vmem>>, vector<16xf32>,
      %get3A_642 = arith.index_cast %add3A_491 : i32 to index
      %get3A_643 = arith.constant 288 : index
      %get3A_644 = tpu.vector_load %arg6[%get3A_642, %get3A_643] {strides = array<i32>} : memref<75x512xf32, #tpu.memory_space<vmem>>, vector<16xf32>,
      %mul3A_645 = arith.mulf %get3A_644, %get3A_494 : vector<16xf32>
      %mul3A_646 = arith.mulf %mul3A_645, %get3A_498 : vector<16xf32>
      %swap3A_647 = arith.index_cast %add3A_491 : i32 to index
      %swap3A_648 = arith.constant 288 : index
      %swap3A_649 = tpu.vector_load %arg6[%swap3A_647, %swap3A_648] {strides = array<i32>} : memref<75x512xf32, #tpu.memory_space<vmem>>, vector<16xf32>,
      tpu.vector_store %arg6[%swap3A_647, %swap3A_648], %mul3A_646 {strides = array<i32>} : memref<75x512xf32, #tpu.memory_space<vmem>>, vector<16xf32>,
      %get3A_650 = arith.index_cast %add3A_491 : i32 to index
      %get3A_651 = arith.constant 304 : index
      %get3A_652 = tpu.vector_load %arg6[%get3A_650, %get3A_651] {strides = array<i32>} : memref<75x512xf32, #tpu.memory_space<vmem>>, vector<16xf32>,
      %mul3A_653 = arith.mulf %get3A_652, %get3A_494 : vector<16xf32>
      %mul3A_654 = arith.mulf %mul3A_653, %get3A_498 : vector<16xf32>
      %swap3A_655 = arith.index_cast %add3A_491 : i32 to index
      %swap3A_656 = arith.constant 304 : index
      %swap3A_657 = tpu.vector_load %arg6[%swap3A_655, %swap3A_656] {strides = array<i32>} : memref<75x512xf32, #tpu.memory_space<vmem>>, vector<16xf32>,
      tpu.vector_store %arg6[%swap3A_655, %swap3A_656], %mul3A_654 {strides = array<i32>} : memref<75x512xf32, #tpu.memory_space<vmem>>, vector<16xf32>,
      %get3A_658 = arith.index_cast %add3A_491 : i32 to index
      %get3A_659 = arith.constant 320 : index
      %get3A_660 = tpu.vector_load %arg6[%get3A_658, %get3A_659] {strides = array<i32>} : memref<75x512xf32, #tpu.memory_space<vmem>>, vector<16xf32>,
      %mul3A_661 = arith.mulf %get3A_660, %get3A_494 : vector<16xf32>
      %mul3A_662 = arith.mulf %mul3A_661, %get3A_498 : vector<16xf32>
      %swap3A_663 = arith.index_cast %add3A_491 : i32 to index
      %swap3A_664 = arith.constant 320 : index
      %swap3A_665 = tpu.vector_load %arg6[%swap3A_663, %swap3A_664] {strides = array<i32>} : memref<75x512xf32, #tpu.memory_space<vmem>>, vector<16xf32>,
      tpu.vector_store %arg6[%swap3A_663, %swap3A_664], %mul3A_662 {strides = array<i32>} : memref<75x512xf32, #tpu.memory_space<vmem>>, vector<16xf32>,
      %get3A_666 = arith.index_cast %add3A_491 : i32 to index
      %get3A_667 = arith.constant 336 : index
      %get3A_668 = tpu.vector_load %arg6[%get3A_666, %get3A_667] {strides = array<i32>} : memref<75x512xf32, #tpu.memory_space<vmem>>, vector<16xf32>,
      %mul3A_669 = arith.mulf %get3A_668, %get3A_494 : vector<16xf32>
      %mul3A_670 = arith.mulf %mul3A_669, %get3A_498 : vector<16xf32>
      %swap3A_671 = arith.index_cast %add3A_491 : i32 to index
      %swap3A_672 = arith.constant 336 : index
      %swap3A_673 = tpu.vector_load %arg6[%swap3A_671, %swap3A_672] {strides = array<i32>} : memref<75x512xf32, #tpu.memory_space<vmem>>, vector<16xf32>,
      tpu.vector_store %arg6[%swap3A_671, %swap3A_672], %mul3A_670 {strides = array<i32>} : memref<75x512xf32, #tpu.memory_space<vmem>>, vector<16xf32>,
      %get3A_674 = arith.index_cast %add3A_491 : i32 to index
      %get3A_675 = arith.constant 352 : index
      %get3A_676 = tpu.vector_load %arg6[%get3A_674, %get3A_675] {strides = array<i32>} : memref<75x512xf32, #tpu.memory_space<vmem>>, vector<16xf32>,
      %mul3A_677 = arith.mulf %get3A_676, %get3A_494 : vector<16xf32>
      %mul3A_678 = arith.mulf %mul3A_677, %get3A_498 : vector<16xf32>
      %swap3A_679 = arith.index_cast %add3A_491 : i32 to index
      %swap3A_680 = arith.constant 352 : index
      %swap3A_681 = tpu.vector_load %arg6[%swap3A_679, %swap3A_680] {strides = array<i32>} : memref<75x512xf32, #tpu.memory_space<vmem>>, vector<16xf32>,
      tpu.vector_store %arg6[%swap3A_679, %swap3A_680], %mul3A_678 {strides = array<i32>} : memref<75x512xf32, #tpu.memory_space<vmem>>, vector<16xf32>,
      %get3A_682 = arith.index_cast %add3A_491 : i32 to index
      %get3A_683 = arith.constant 368 : index
      %get3A_684 = tpu.vector_load %arg6[%get3A_682, %get3A_683] {strides = array<i32>} : memref<75x512xf32, #tpu.memory_space<vmem>>, vector<16xf32>,
      %mul3A_685 = arith.mulf %get3A_684, %get3A_494 : vector<16xf32>
      %mul3A_686 = arith.mulf %mul3A_685, %get3A_498 : vector<16xf32>
      %swap3A_687 = arith.index_cast %add3A_491 : i32 to index
      %swap3A_688 = arith.constant 368 : index
      %swap3A_689 = tpu.vector_load %arg6[%swap3A_687, %swap3A_688] {strides = array<i32>} : memref<75x512xf32, #tpu.memory_space<vmem>>, vector<16xf32>,
      tpu.vector_store %arg6[%swap3A_687, %swap3A_688], %mul3A_686 {strides = array<i32>} : memref<75x512xf32, #tpu.memory_space<vmem>>, vector<16xf32>,
      %get3A_690 = arith.index_cast %add3A_491 : i32 to index
      %get3A_691 = arith.constant 384 : index
      %get3A_692 = tpu.vector_load %arg6[%get3A_690, %get3A_691] {strides = array<i32>} : memref<75x512xf32, #tpu.memory_space<vmem>>, vector<16xf32>,
      %mul3A_693 = arith.mulf %get3A_692, %get3A_494 : vector<16xf32>
      %mul3A_694 = arith.mulf %mul3A_693, %get3A_498 : vector<16xf32>
      %swap3A_695 = arith.index_cast %add3A_491 : i32 to index
      %swap3A_696 = arith.constant 384 : index
      %swap3A_697 = tpu.vector_load %arg6[%swap3A_695, %swap3A_696] {strides = array<i32>} : memref<75x512xf32, #tpu.memory_space<vmem>>, vector<16xf32>,
      tpu.vector_store %arg6[%swap3A_695, %swap3A_696], %mul3A_694 {strides = array<i32>} : memref<75x512xf32, #tpu.memory_space<vmem>>, vector<16xf32>,
      %get3A_698 = arith.index_cast %add3A_491 : i32 to index
      %get3A_699 = arith.constant 400 : index
      %get3A_700 = tpu.vector_load %arg6[%get3A_698, %get3A_699] {strides = array<i32>} : memref<75x512xf32, #tpu.memory_space<vmem>>, vector<16xf32>,
      %mul3A_701 = arith.mulf %get3A_700, %get3A_494 : vector<16xf32>
      %mul3A_702 = arith.mulf %mul3A_701, %get3A_498 : vector<16xf32>
      %swap3A_703 = arith.index_cast %add3A_491 : i32 to index
      %swap3A_704 = arith.constant 400 : index
      %swap3A_705 = tpu.vector_load %arg6[%swap3A_703, %swap3A_704] {strides = array<i32>} : memref<75x512xf32, #tpu.memory_space<vmem>>, vector<16xf32>,
      tpu.vector_store %arg6[%swap3A_703, %swap3A_704], %mul3A_702 {strides = array<i32>} : memref<75x512xf32, #tpu.memory_space<vmem>>, vector<16xf32>,
      %get3A_706 = arith.index_cast %add3A_491 : i32 to index
      %get3A_707 = arith.constant 416 : index
      %get3A_708 = tpu.vector_load %arg6[%get3A_706, %get3A_707] {strides = array<i32>} : memref<75x512xf32, #tpu.memory_space<vmem>>, vector<16xf32>,
      %mul3A_709 = arith.mulf %get3A_708, %get3A_494 : vector<16xf32>
      %mul3A_710 = arith.mulf %mul3A_709, %get3A_498 : vector<16xf32>
      %swap3A_711 = arith.index_cast %add3A_491 : i32 to index
      %swap3A_712 = arith.constant 416 : index
      %swap3A_713 = tpu.vector_load %arg6[%swap3A_711, %swap3A_712] {strides = array<i32>} : memref<75x512xf32, #tpu.memory_space<vmem>>, vector<16xf32>,
      tpu.vector_store %arg6[%swap3A_711, %swap3A_712], %mul3A_710 {strides = array<i32>} : memref<75x512xf32, #tpu.memory_space<vmem>>, vector<16xf32>,
      %get3A_714 = arith.index_cast %add3A_491 : i32 to index
      %get3A_715 = arith.constant 432 : index
      %get3A_716 = tpu.vector_load %arg6[%get3A_714, %get3A_715] {strides = array<i32>} : memref<75x512xf32, #tpu.memory_space<vmem>>, vector<16xf32>,
      %mul3A_717 = arith.mulf %get3A_716, %get3A_494 : vector<16xf32>
      %mul3A_718 = arith.mulf %mul3A_717, %get3A_498 : vector<16xf32>
      %swap3A_719 = arith.index_cast %add3A_491 : i32 to index
      %swap3A_720 = arith.constant 432 : index
      %swap3A_721 = tpu.vector_load %arg6[%swap3A_719, %swap3A_720] {strides = array<i32>} : memref<75x512xf32, #tpu.memory_space<vmem>>, vector<16xf32>,
      tpu.vector_store %arg6[%swap3A_719, %swap3A_720], %mul3A_718 {strides = array<i32>} : memref<75x512xf32, #tpu.memory_space<vmem>>, vector<16xf32>,
      %get3A_722 = arith.index_cast %add3A_491 : i32 to index
      %get3A_723 = arith.constant 448 : index
      %get3A_724 = tpu.vector_load %arg6[%get3A_722, %get3A_723] {strides = array<i32>} : memref<75x512xf32, #tpu.memory_space<vmem>>, vector<16xf32>,
      %mul3A_725 = arith.mulf %get3A_724, %get3A_494 : vector<16xf32>
      %mul3A_726 = arith.mulf %mul3A_725, %get3A_498 : vector<16xf32>
      %swap3A_727 = arith.index_cast %add3A_491 : i32 to index
      %swap3A_728 = arith.constant 448 : index
      %swap3A_729 = tpu.vector_load %arg6[%swap3A_727, %swap3A_728] {strides = array<i32>} : memref<75x512xf32, #tpu.memory_space<vmem>>, vector<16xf32>,
      tpu.vector_store %arg6[%swap3A_727, %swap3A_728], %mul3A_726 {strides = array<i32>} : memref<75x512xf32, #tpu.memory_space<vmem>>, vector<16xf32>,
      %get3A_730 = arith.index_cast %add3A_491 : i32 to index
      %get3A_731 = arith.constant 464 : index
      %get3A_732 = tpu.vector_load %arg6[%get3A_730, %get3A_731] {strides = array<i32>} : memref<75x512xf32, #tpu.memory_space<vmem>>, vector<16xf32>,
      %mul3A_733 = arith.mulf %get3A_732, %get3A_494 : vector<16xf32>
      %mul3A_734 = arith.mulf %mul3A_733, %get3A_498 : vector<16xf32>
      %swap3A_735 = arith.index_cast %add3A_491 : i32 to index
      %swap3A_736 = arith.constant 464 : index
      %swap3A_737 = tpu.vector_load %arg6[%swap3A_735, %swap3A_736] {strides = array<i32>} : memref<75x512xf32, #tpu.memory_space<vmem>>, vector<16xf32>,
      tpu.vector_store %arg6[%swap3A_735, %swap3A_736], %mul3A_734 {strides = array<i32>} : memref<75x512xf32, #tpu.memory_space<vmem>>, vector<16xf32>,
      %get3A_738 = arith.index_cast %add3A_491 : i32 to index
      %get3A_739 = arith.constant 480 : index
      %get3A_740 = tpu.vector_load %arg6[%get3A_738, %get3A_739] {strides = array<i32>} : memref<75x512xf32, #tpu.memory_space<vmem>>, vector<16xf32>,
      %mul3A_741 = arith.mulf %get3A_740, %get3A_494 : vector<16xf32>
      %mul3A_742 = arith.mulf %mul3A_741, %get3A_498 : vector<16xf32>
      %swap3A_743 = arith.index_cast %add3A_491 : i32 to index
      %swap3A_744 = arith.constant 480 : index
      %swap3A_745 = tpu.vector_load %arg6[%swap3A_743, %swap3A_744] {strides = array<i32>} : memref<75x512xf32, #tpu.memory_space<vmem>>, vector<16xf32>,
      tpu.vector_store %arg6[%swap3A_743, %swap3A_744], %mul3A_742 {strides = array<i32>} : memref<75x512xf32, #tpu.memory_space<vmem>>, vector<16xf32>,
      %get3A_746 = arith.index_cast %add3A_491 : i32 to index
      %get3A_747 = arith.constant 496 : index
      %get3A_748 = tpu.vector_load %arg6[%get3A_746, %get3A_747] {strides = array<i32>} : memref<75x512xf32, #tpu.memory_space<vmem>>, vector<16xf32>,
      %mul3A_749 = arith.mulf %get3A_748, %get3A_494 : vector<16xf32>
      %mul3A_750 = arith.mulf %mul3A_749, %get3A_498 : vector<16xf32>
      %swap3A_751 = arith.index_cast %add3A_491 : i32 to index
      %swap3A_752 = arith.constant 496 : index
      %swap3A_753 = tpu.vector_load %arg6[%swap3A_751, %swap3A_752] {strides = array<i32>} : memref<75x512xf32, #tpu.memory_space<vmem>>, vector<16xf32>,
      tpu.vector_store %arg6[%swap3A_751, %swap3A_752], %mul3A_750 {strides = array<i32>} : memref<75x512xf32, #tpu.memory_space<vmem>>, vector<16xf32>,
    }
    %scan3A_423 = arith.constant 75 : i32
    %add3A_424 = arith.constant 1024 : i32
    %add3A_425 = arith.addi %mul3A_2, %add3A_424 : i32
    %dma_start3A_426 = arith.constant 0 : i32
    %dma_start3A_427 = tpu.memref_slice %arg3[%dma_start3A_426, %add3A_425] : memref<75x524288xf32, #tpu.memory_space<hbm>> -> memref<75x512xf32, #tpu.memory_space<hbm>>
    %dma_start3A_428 = arith.constant 0 : i32
    %dma_start3A_429 = tpu.memref_slice %arg3[%dma_start3A_428, %add3A_425] : memref<75x524288xf32, #tpu.memory_space<hbm>> -> memref<75x512xf32, #tpu.memory_space<hbm>>
    tpu.enqueue_dma source(%arg6 : memref<75x512xf32, #tpu.memory_space<vmem>>) target(%dma_start3A_429 : memref<75x512xf32, #tpu.memory_space<hbm>>) target_semaphore(%arg14 : memref<!tpu.dma_semaphore, #tpu.memory_space<semaphore_mem>>)
    %scan3A_430 = arith.constant 0 : i32
    %scan3A_431 = arith.constant 9 : i32
    %scan3A_432 = arith.addi %scan3A_430, %scan3A_431 : i32
    %scan3A_433 = arith.constant 1 : i32
    scf.for %scan3A_487 = %scan3A_430 to %scan3A_432 step %scan3A_433  : i32 {
      %mul3A_488 = arith.constant 3 : i32
      %mul3A_489 = arith.muli %scan3A_487, %mul3A_488 : i32
      %add3A_490 = arith.constant 3 : i32
      %add3A_491 = arith.addi %add3A_490, %mul3A_489 : i32
      %mul3A_492 = arith.constant 512 : i32
      %mul3A_493 = arith.muli %add3A_491, %mul3A_492 : i32
      %add3A_494 = arith.addi %mul3A_2, %mul3A_493 : i32
      %dma_wait3A_495 = arith.constant 0 : i32
      %dma_wait3A_496 = tpu.memref_slice %arg2[%dma_wait3A_495, %add3A_494] : memref<75x524288xf32, #tpu.memory_space<hbm>> -> memref<75x512xf32, #tpu.memory_space<hbm>>
      %dma_wait3A_497 = arith.constant 0 : i32
      %dma_wait3A_498 = tpu.memref_slice %arg2[%dma_wait3A_497, %add3A_494] : memref<75x524288xf32, #tpu.memory_space<hbm>> -> memref<75x512xf32, #tpu.memory_space<hbm>>
      tpu.wait_dma2 semaphore(%arg9 : memref<!tpu.dma_semaphore, #tpu.memory_space<semaphore_mem>>) src(%dma_wait3A_498 : memref<75x512xf32, #tpu.memory_space<hbm>>) dst(%arg4 : memref<75x512xf32, #tpu.memory_space<vmem>>)
      %sub3A = arith.constant 1 : i32
      %sub3A_499 = arith.subi %add3A_491, %sub3A : i32
      %mul3A_500 = arith.constant 512 : i32
      %mul3A_501 = arith.muli %sub3A_499, %mul3A_500 : i32
      %add3A_502 = arith.addi %mul3A_2, %mul3A_501 : i32
      %dma_wait3A_503 = arith.constant 0 : i32
      %dma_wait3A_504 = tpu.memref_slice %arg3[%dma_wait3A_503, %add3A_502] : memref<75x524288xf32, #tpu.memory_space<hbm>> -> memref<75x512xf32, #tpu.memory_space<hbm>>
      %dma_wait3A_505 = arith.constant 0 : i32
      %dma_wait3A_506 = tpu.memref_slice %arg3[%dma_wait3A_505, %add3A_502] : memref<75x524288xf32, #tpu.memory_space<hbm>> -> memref<75x512xf32, #tpu.memory_space<hbm>>
      tpu.wait_dma2 semaphore(%arg14 : memref<!tpu.dma_semaphore, #tpu.memory_space<semaphore_mem>>) src(%arg6 : memref<75x512xf32, #tpu.memory_space<vmem>>) dst(%dma_wait3A_506 : memref<75x512xf32, #tpu.memory_space<hbm>>)
      %add3A_507 = arith.constant 2 : i32
      %add3A_508 = arith.addi %add3A_491, %add3A_507 : i32
      %mul3A_509 = arith.constant 512 : i32
      %mul3A_510 = arith.muli %add3A_508, %mul3A_509 : i32
      %add3A_511 = arith.addi %mul3A_2, %mul3A_510 : i32
      %dma_start3A_512 = arith.constant 0 : i32
      %dma_start3A_513 = tpu.memref_slice %arg2[%dma_start3A_512, %add3A_511] : memref<75x524288xf32, #tpu.memory_space<hbm>> -> memref<75x512xf32, #tpu.memory_space<hbm>>
      %dma_start3A_514 = arith.constant 0 : i32
      %dma_start3A_515 = tpu.memref_slice %arg2[%dma_start3A_514, %add3A_511] : memref<75x524288xf32, #tpu.memory_space<hbm>> -> memref<75x512xf32, #tpu.memory_space<hbm>>
      tpu.enqueue_dma source(%dma_start3A_515 : memref<75x512xf32, #tpu.memory_space<hbm>>) target(%arg6 : memref<75x512xf32, #tpu.memory_space<vmem>>) target_semaphore(%arg11 : memref<!tpu.dma_semaphore, #tpu.memory_space<semaphore_mem>>)
      %scan3A_516 = arith.constant 0 : i32
      %scan3A_517 = arith.constant 75 : i32
      %scan3A_518 = arith.addi %scan3A_516, %scan3A_517 : i32
      %scan3A_519 = arith.constant 1 : i32
      scf.for %scan3A_606 = %scan3A_516 to %scan3A_518 step %scan3A_519  : i32 {
        %mul3A_607 = arith.constant 1 : i32
        %mul3A_608 = arith.muli %scan3A_606, %mul3A_607 : i32
        %add3A_609 = arith.constant 0 : i32
        %add3A_610 = arith.addi %add3A_609, %mul3A_608 : i32
        %mul3A_611 = arith.constant 16 : i32
        %mul3A_612 = arith.muli %add3A_610, %mul3A_611 : i32
        %get3A = arith.index_cast %mul3A_612 : i32 to index
        %get3A_613 = tpu.vector_load %arg7[%get3A] {strides = array<i32>} : memref<1200xf32, #tpu.memory_space<vmem>>, vector<16xf32>,
        %mul3A_614 = arith.constant 16 : i32
        %mul3A_615 = arith.muli %add3A_610, %mul3A_614 : i32
        %get3A_616 = arith.index_cast %mul3A_615 : i32 to index
        %get3A_617 = tpu.vector_load %arg8[%get3A_616] {strides = array<i32>} : memref<1200xf32, #tpu.memory_space<vmem>>, vector<16xf32>,
        %get3A_618 = arith.index_cast %add3A_610 : i32 to index
        %get3A_619 = arith.constant 0 : index
        %get3A_620 = tpu.vector_load %arg4[%get3A_618, %get3A_619] {strides = array<i32>} : memref<75x512xf32, #tpu.memory_space<vmem>>, vector<16xf32>,
        %mul3A_621 = arith.mulf %get3A_620, %get3A_613 : vector<16xf32>
        %mul3A_622 = arith.mulf %mul3A_621, %get3A_617 : vector<16xf32>
        %swap3A = arith.index_cast %add3A_610 : i32 to index
        %swap3A_623 = arith.constant 0 : index
        %swap3A_624 = tpu.vector_load %arg4[%swap3A, %swap3A_623] {strides = array<i32>} : memref<75x512xf32, #tpu.memory_space<vmem>>, vector<16xf32>,
        tpu.vector_store %arg4[%swap3A, %swap3A_623], %mul3A_622 {strides = array<i32>} : memref<75x512xf32, #tpu.memory_space<vmem>>, vector<16xf32>,
        %get3A_625 = arith.index_cast %add3A_610 : i32 to index
        %get3A_626 = arith.constant 16 : index
        %get3A_627 = tpu.vector_load %arg4[%get3A_625, %get3A_626] {strides = array<i32>} : memref<75x512xf32, #tpu.memory_space<vmem>>, vector<16xf32>,
        %mul3A_628 = arith.mulf %get3A_627, %get3A_613 : vector<16xf32>
        %mul3A_629 = arith.mulf %mul3A_628, %get3A_617 : vector<16xf32>
        %swap3A_630 = arith.index_cast %add3A_610 : i32 to index
        %swap3A_631 = arith.constant 16 : index
        %swap3A_632 = tpu.vector_load %arg4[%swap3A_630, %swap3A_631] {strides = array<i32>} : memref<75x512xf32, #tpu.memory_space<vmem>>, vector<16xf32>,
        tpu.vector_store %arg4[%swap3A_630, %swap3A_631], %mul3A_629 {strides = array<i32>} : memref<75x512xf32, #tpu.memory_space<vmem>>, vector<16xf32>,
        %get3A_633 = arith.index_cast %add3A_610 : i32 to index
        %get3A_634 = arith.constant 32 : index
        %get3A_635 = tpu.vector_load %arg4[%get3A_633, %get3A_634] {strides = array<i32>} : memref<75x512xf32, #tpu.memory_space<vmem>>, vector<16xf32>,
        %mul3A_636 = arith.mulf %get3A_635, %get3A_613 : vector<16xf32>
        %mul3A_637 = arith.mulf %mul3A_636, %get3A_617 : vector<16xf32>
        %swap3A_638 = arith.index_cast %add3A_610 : i32 to index
        %swap3A_639 = arith.constant 32 : index
        %swap3A_640 = tpu.vector_load %arg4[%swap3A_638, %swap3A_639] {strides = array<i32>} : memref<75x512xf32, #tpu.memory_space<vmem>>, vector<16xf32>,
        tpu.vector_store %arg4[%swap3A_638, %swap3A_639], %mul3A_637 {strides = array<i32>} : memref<75x512xf32, #tpu.memory_space<vmem>>, vector<16xf32>,
        %get3A_641 = arith.index_cast %add3A_610 : i32 to index
        %get3A_642 = arith.constant 48 : index
        %get3A_643 = tpu.vector_load %arg4[%get3A_641, %get3A_642] {strides = array<i32>} : memref<75x512xf32, #tpu.memory_space<vmem>>, vector<16xf32>,
        %mul3A_644 = arith.mulf %get3A_643, %get3A_613 : vector<16xf32>
        %mul3A_645 = arith.mulf %mul3A_644, %get3A_617 : vector<16xf32>
        %swap3A_646 = arith.index_cast %add3A_610 : i32 to index
        %swap3A_647 = arith.constant 48 : index
        %swap3A_648 = tpu.vector_load %arg4[%swap3A_646, %swap3A_647] {strides = array<i32>} : memref<75x512xf32, #tpu.memory_space<vmem>>, vector<16xf32>,
        tpu.vector_store %arg4[%swap3A_646, %swap3A_647], %mul3A_645 {strides = array<i32>} : memref<75x512xf32, #tpu.memory_space<vmem>>, vector<16xf32>,
        %get3A_649 = arith.index_cast %add3A_610 : i32 to index
        %get3A_650 = arith.constant 64 : index
        %get3A_651 = tpu.vector_load %arg4[%get3A_649, %get3A_650] {strides = array<i32>} : memref<75x512xf32, #tpu.memory_space<vmem>>, vector<16xf32>,
        %mul3A_652 = arith.mulf %get3A_651, %get3A_613 : vector<16xf32>
        %mul3A_653 = arith.mulf %mul3A_652, %get3A_617 : vector<16xf32>
        %swap3A_654 = arith.index_cast %add3A_610 : i32 to index
        %swap3A_655 = arith.constant 64 : index
        %swap3A_656 = tpu.vector_load %arg4[%swap3A_654, %swap3A_655] {strides = array<i32>} : memref<75x512xf32, #tpu.memory_space<vmem>>, vector<16xf32>,
        tpu.vector_store %arg4[%swap3A_654, %swap3A_655], %mul3A_653 {strides = array<i32>} : memref<75x512xf32, #tpu.memory_space<vmem>>, vector<16xf32>,
        %get3A_657 = arith.index_cast %add3A_610 : i32 to index
        %get3A_658 = arith.constant 80 : index
        %get3A_659 = tpu.vector_load %arg4[%get3A_657, %get3A_658] {strides = array<i32>} : memref<75x512xf32, #tpu.memory_space<vmem>>, vector<16xf32>,
        %mul3A_660 = arith.mulf %get3A_659, %get3A_613 : vector<16xf32>
        %mul3A_661 = arith.mulf %mul3A_660, %get3A_617 : vector<16xf32>
        %swap3A_662 = arith.index_cast %add3A_610 : i32 to index
        %swap3A_663 = arith.constant 80 : index
        %swap3A_664 = tpu.vector_load %arg4[%swap3A_662, %swap3A_663] {strides = array<i32>} : memref<75x512xf32, #tpu.memory_space<vmem>>, vector<16xf32>,
        tpu.vector_store %arg4[%swap3A_662, %swap3A_663], %mul3A_661 {strides = array<i32>} : memref<75x512xf32, #tpu.memory_space<vmem>>, vector<16xf32>,
        %get3A_665 = arith.index_cast %add3A_610 : i32 to index
        %get3A_666 = arith.constant 96 : index
        %get3A_667 = tpu.vector_load %arg4[%get3A_665, %get3A_666] {strides = array<i32>} : memref<75x512xf32, #tpu.memory_space<vmem>>, vector<16xf32>,
        %mul3A_668 = arith.mulf %get3A_667, %get3A_613 : vector<16xf32>
        %mul3A_669 = arith.mulf %mul3A_668, %get3A_617 : vector<16xf32>
        %swap3A_670 = arith.index_cast %add3A_610 : i32 to index
        %swap3A_671 = arith.constant 96 : index
        %swap3A_672 = tpu.vector_load %arg4[%swap3A_670, %swap3A_671] {strides = array<i32>} : memref<75x512xf32, #tpu.memory_space<vmem>>, vector<16xf32>,
        tpu.vector_store %arg4[%swap3A_670, %swap3A_671], %mul3A_669 {strides = array<i32>} : memref<75x512xf32, #tpu.memory_space<vmem>>, vector<16xf32>,
        %get3A_673 = arith.index_cast %add3A_610 : i32 to index
        %get3A_674 = arith.constant 112 : index
        %get3A_675 = tpu.vector_load %arg4[%get3A_673, %get3A_674] {strides = array<i32>} : memref<75x512xf32, #tpu.memory_space<vmem>>, vector<16xf32>,
        %mul3A_676 = arith.mulf %get3A_675, %get3A_613 : vector<16xf32>
        %mul3A_677 = arith.mulf %mul3A_676, %get3A_617 : vector<16xf32>
        %swap3A_678 = arith.index_cast %add3A_610 : i32 to index
        %swap3A_679 = arith.constant 112 : index
        %swap3A_680 = tpu.vector_load %arg4[%swap3A_678, %swap3A_679] {strides = array<i32>} : memref<75x512xf32, #tpu.memory_space<vmem>>, vector<16xf32>,
        tpu.vector_store %arg4[%swap3A_678, %swap3A_679], %mul3A_677 {strides = array<i32>} : memref<75x512xf32, #tpu.memory_space<vmem>>, vector<16xf32>,
        %get3A_681 = arith.index_cast %add3A_610 : i32 to index
        %get3A_682 = arith.constant 128 : index
        %get3A_683 = tpu.vector_load %arg4[%get3A_681, %get3A_682] {strides = array<i32>} : memref<75x512xf32, #tpu.memory_space<vmem>>, vector<16xf32>,
        %mul3A_684 = arith.mulf %get3A_683, %get3A_613 : vector<16xf32>
        %mul3A_685 = arith.mulf %mul3A_684, %get3A_617 : vector<16xf32>
        %swap3A_686 = arith.index_cast %add3A_610 : i32 to index
        %swap3A_687 = arith.constant 128 : index
        %swap3A_688 = tpu.vector_load %arg4[%swap3A_686, %swap3A_687] {strides = array<i32>} : memref<75x512xf32, #tpu.memory_space<vmem>>, vector<16xf32>,
        tpu.vector_store %arg4[%swap3A_686, %swap3A_687], %mul3A_685 {strides = array<i32>} : memref<75x512xf32, #tpu.memory_space<vmem>>, vector<16xf32>,
        %get3A_689 = arith.index_cast %add3A_610 : i32 to index
        %get3A_690 = arith.constant 144 : index
        %get3A_691 = tpu.vector_load %arg4[%get3A_689, %get3A_690] {strides = array<i32>} : memref<75x512xf32, #tpu.memory_space<vmem>>, vector<16xf32>,
        %mul3A_692 = arith.mulf %get3A_691, %get3A_613 : vector<16xf32>
        %mul3A_693 = arith.mulf %mul3A_692, %get3A_617 : vector<16xf32>
        %swap3A_694 = arith.index_cast %add3A_610 : i32 to index
        %swap3A_695 = arith.constant 144 : index
        %swap3A_696 = tpu.vector_load %arg4[%swap3A_694, %swap3A_695] {strides = array<i32>} : memref<75x512xf32, #tpu.memory_space<vmem>>, vector<16xf32>,
        tpu.vector_store %arg4[%swap3A_694, %swap3A_695], %mul3A_693 {strides = array<i32>} : memref<75x512xf32, #tpu.memory_space<vmem>>, vector<16xf32>,
        %get3A_697 = arith.index_cast %add3A_610 : i32 to index
        %get3A_698 = arith.constant 160 : index
        %get3A_699 = tpu.vector_load %arg4[%get3A_697, %get3A_698] {strides = array<i32>} : memref<75x512xf32, #tpu.memory_space<vmem>>, vector<16xf32>,
        %mul3A_700 = arith.mulf %get3A_699, %get3A_613 : vector<16xf32>
        %mul3A_701 = arith.mulf %mul3A_700, %get3A_617 : vector<16xf32>
        %swap3A_702 = arith.index_cast %add3A_610 : i32 to index
        %swap3A_703 = arith.constant 160 : index
        %swap3A_704 = tpu.vector_load %arg4[%swap3A_702, %swap3A_703] {strides = array<i32>} : memref<75x512xf32, #tpu.memory_space<vmem>>, vector<16xf32>,
        tpu.vector_store %arg4[%swap3A_702, %swap3A_703], %mul3A_701 {strides = array<i32>} : memref<75x512xf32, #tpu.memory_space<vmem>>, vector<16xf32>,
        %get3A_705 = arith.index_cast %add3A_610 : i32 to index
        %get3A_706 = arith.constant 176 : index
        %get3A_707 = tpu.vector_load %arg4[%get3A_705, %get3A_706] {strides = array<i32>} : memref<75x512xf32, #tpu.memory_space<vmem>>, vector<16xf32>,
        %mul3A_708 = arith.mulf %get3A_707, %get3A_613 : vector<16xf32>
        %mul3A_709 = arith.mulf %mul3A_708, %get3A_617 : vector<16xf32>
        %swap3A_710 = arith.index_cast %add3A_610 : i32 to index
        %swap3A_711 = arith.constant 176 : index
        %swap3A_712 = tpu.vector_load %arg4[%swap3A_710, %swap3A_711] {strides = array<i32>} : memref<75x512xf32, #tpu.memory_space<vmem>>, vector<16xf32>,
        tpu.vector_store %arg4[%swap3A_710, %swap3A_711], %mul3A_709 {strides = array<i32>} : memref<75x512xf32, #tpu.memory_space<vmem>>, vector<16xf32>,
        %get3A_713 = arith.index_cast %add3A_610 : i32 to index
        %get3A_714 = arith.constant 192 : index
        %get3A_715 = tpu.vector_load %arg4[%get3A_713, %get3A_714] {strides = array<i32>} : memref<75x512xf32, #tpu.memory_space<vmem>>, vector<16xf32>,
        %mul3A_716 = arith.mulf %get3A_715, %get3A_613 : vector<16xf32>
        %mul3A_717 = arith.mulf %mul3A_716, %get3A_617 : vector<16xf32>
        %swap3A_718 = arith.index_cast %add3A_610 : i32 to index
        %swap3A_719 = arith.constant 192 : index
        %swap3A_720 = tpu.vector_load %arg4[%swap3A_718, %swap3A_719] {strides = array<i32>} : memref<75x512xf32, #tpu.memory_space<vmem>>, vector<16xf32>,
        tpu.vector_store %arg4[%swap3A_718, %swap3A_719], %mul3A_717 {strides = array<i32>} : memref<75x512xf32, #tpu.memory_space<vmem>>, vector<16xf32>,
        %get3A_721 = arith.index_cast %add3A_610 : i32 to index
        %get3A_722 = arith.constant 208 : index
        %get3A_723 = tpu.vector_load %arg4[%get3A_721, %get3A_722] {strides = array<i32>} : memref<75x512xf32, #tpu.memory_space<vmem>>, vector<16xf32>,
        %mul3A_724 = arith.mulf %get3A_723, %get3A_613 : vector<16xf32>
        %mul3A_725 = arith.mulf %mul3A_724, %get3A_617 : vector<16xf32>
        %swap3A_726 = arith.index_cast %add3A_610 : i32 to index
        %swap3A_727 = arith.constant 208 : index
        %swap3A_728 = tpu.vector_load %arg4[%swap3A_726, %swap3A_727] {strides = array<i32>} : memref<75x512xf32, #tpu.memory_space<vmem>>, vector<16xf32>,
        tpu.vector_store %arg4[%swap3A_726, %swap3A_727], %mul3A_725 {strides = array<i32>} : memref<75x512xf32, #tpu.memory_space<vmem>>, vector<16xf32>,
        %get3A_729 = arith.index_cast %add3A_610 : i32 to index
        %get3A_730 = arith.constant 224 : index
        %get3A_731 = tpu.vector_load %arg4[%get3A_729, %get3A_730] {strides = array<i32>} : memref<75x512xf32, #tpu.memory_space<vmem>>, vector<16xf32>,
        %mul3A_732 = arith.mulf %get3A_731, %get3A_613 : vector<16xf32>
        %mul3A_733 = arith.mulf %mul3A_732, %get3A_617 : vector<16xf32>
        %swap3A_734 = arith.index_cast %add3A_610 : i32 to index
        %swap3A_735 = arith.constant 224 : index
        %swap3A_736 = tpu.vector_load %arg4[%swap3A_734, %swap3A_735] {strides = array<i32>} : memref<75x512xf32, #tpu.memory_space<vmem>>, vector<16xf32>,
        tpu.vector_store %arg4[%swap3A_734, %swap3A_735], %mul3A_733 {strides = array<i32>} : memref<75x512xf32, #tpu.memory_space<vmem>>, vector<16xf32>,
        %get3A_737 = arith.index_cast %add3A_610 : i32 to index
        %get3A_738 = arith.constant 240 : index
        %get3A_739 = tpu.vector_load %arg4[%get3A_737, %get3A_738] {strides = array<i32>} : memref<75x512xf32, #tpu.memory_space<vmem>>, vector<16xf32>,
        %mul3A_740 = arith.mulf %get3A_739, %get3A_613 : vector<16xf32>
        %mul3A_741 = arith.mulf %mul3A_740, %get3A_617 : vector<16xf32>
        %swap3A_742 = arith.index_cast %add3A_610 : i32 to index
        %swap3A_743 = arith.constant 240 : index
        %swap3A_744 = tpu.vector_load %arg4[%swap3A_742, %swap3A_743] {strides = array<i32>} : memref<75x512xf32, #tpu.memory_space<vmem>>, vector<16xf32>,
        tpu.vector_store %arg4[%swap3A_742, %swap3A_743], %mul3A_741 {strides = array<i32>} : memref<75x512xf32, #tpu.memory_space<vmem>>, vector<16xf32>,
        %get3A_745 = arith.index_cast %add3A_610 : i32 to index
        %get3A_746 = arith.constant 256 : index
        %get3A_747 = tpu.vector_load %arg4[%get3A_745, %get3A_746] {strides = array<i32>} : memref<75x512xf32, #tpu.memory_space<vmem>>, vector<16xf32>,
        %mul3A_748 = arith.mulf %get3A_747, %get3A_613 : vector<16xf32>
        %mul3A_749 = arith.mulf %mul3A_748, %get3A_617 : vector<16xf32>
        %swap3A_750 = arith.index_cast %add3A_610 : i32 to index
        %swap3A_751 = arith.constant 256 : index
        %swap3A_752 = tpu.vector_load %arg4[%swap3A_750, %swap3A_751] {strides = array<i32>} : memref<75x512xf32, #tpu.memory_space<vmem>>, vector<16xf32>,
        tpu.vector_store %arg4[%swap3A_750, %swap3A_751], %mul3A_749 {strides = array<i32>} : memref<75x512xf32, #tpu.memory_space<vmem>>, vector<16xf32>,
        %get3A_753 = arith.index_cast %add3A_610 : i32 to index
        %get3A_754 = arith.constant 272 : index
        %get3A_755 = tpu.vector_load %arg4[%get3A_753, %get3A_754] {strides = array<i32>} : memref<75x512xf32, #tpu.memory_space<vmem>>, vector<16xf32>,
        %mul3A_756 = arith.mulf %get3A_755, %get3A_613 : vector<16xf32>
        %mul3A_757 = arith.mulf %mul3A_756, %get3A_617 : vector<16xf32>
        %swap3A_758 = arith.index_cast %add3A_610 : i32 to index
        %swap3A_759 = arith.constant 272 : index
        %swap3A_760 = tpu.vector_load %arg4[%swap3A_758, %swap3A_759] {strides = array<i32>} : memref<75x512xf32, #tpu.memory_space<vmem>>, vector<16xf32>,
        tpu.vector_store %arg4[%swap3A_758, %swap3A_759], %mul3A_757 {strides = array<i32>} : memref<75x512xf32, #tpu.memory_space<vmem>>, vector<16xf32>,
        %get3A_761 = arith.index_cast %add3A_610 : i32 to index
        %get3A_762 = arith.constant 288 : index
        %get3A_763 = tpu.vector_load %arg4[%get3A_761, %get3A_762] {strides = array<i32>} : memref<75x512xf32, #tpu.memory_space<vmem>>, vector<16xf32>,
        %mul3A_764 = arith.mulf %get3A_763, %get3A_613 : vector<16xf32>
        %mul3A_765 = arith.mulf %mul3A_764, %get3A_617 : vector<16xf32>
        %swap3A_766 = arith.index_cast %add3A_610 : i32 to index
        %swap3A_767 = arith.constant 288 : index
        %swap3A_768 = tpu.vector_load %arg4[%swap3A_766, %swap3A_767] {strides = array<i32>} : memref<75x512xf32, #tpu.memory_space<vmem>>, vector<16xf32>,
        tpu.vector_store %arg4[%swap3A_766, %swap3A_767], %mul3A_765 {strides = array<i32>} : memref<75x512xf32, #tpu.memory_space<vmem>>, vector<16xf32>,
        %get3A_769 = arith.index_cast %add3A_610 : i32 to index
        %get3A_770 = arith.constant 304 : index
        %get3A_771 = tpu.vector_load %arg4[%get3A_769, %get3A_770] {strides = array<i32>} : memref<75x512xf32, #tpu.memory_space<vmem>>, vector<16xf32>,
        %mul3A_772 = arith.mulf %get3A_771, %get3A_613 : vector<16xf32>
        %mul3A_773 = arith.mulf %mul3A_772, %get3A_617 : vector<16xf32>
        %swap3A_774 = arith.index_cast %add3A_610 : i32 to index
        %swap3A_775 = arith.constant 304 : index
        %swap3A_776 = tpu.vector_load %arg4[%swap3A_774, %swap3A_775] {strides = array<i32>} : memref<75x512xf32, #tpu.memory_space<vmem>>, vector<16xf32>,
        tpu.vector_store %arg4[%swap3A_774, %swap3A_775], %mul3A_773 {strides = array<i32>} : memref<75x512xf32, #tpu.memory_space<vmem>>, vector<16xf32>,
        %get3A_777 = arith.index_cast %add3A_610 : i32 to index
        %get3A_778 = arith.constant 320 : index
        %get3A_779 = tpu.vector_load %arg4[%get3A_777, %get3A_778] {strides = array<i32>} : memref<75x512xf32, #tpu.memory_space<vmem>>, vector<16xf32>,
        %mul3A_780 = arith.mulf %get3A_779, %get3A_613 : vector<16xf32>
        %mul3A_781 = arith.mulf %mul3A_780, %get3A_617 : vector<16xf32>
        %swap3A_782 = arith.index_cast %add3A_610 : i32 to index
        %swap3A_783 = arith.constant 320 : index
        %swap3A_784 = tpu.vector_load %arg4[%swap3A_782, %swap3A_783] {strides = array<i32>} : memref<75x512xf32, #tpu.memory_space<vmem>>, vector<16xf32>,
        tpu.vector_store %arg4[%swap3A_782, %swap3A_783], %mul3A_781 {strides = array<i32>} : memref<75x512xf32, #tpu.memory_space<vmem>>, vector<16xf32>,
        %get3A_785 = arith.index_cast %add3A_610 : i32 to index
        %get3A_786 = arith.constant 336 : index
        %get3A_787 = tpu.vector_load %arg4[%get3A_785, %get3A_786] {strides = array<i32>} : memref<75x512xf32, #tpu.memory_space<vmem>>, vector<16xf32>,
        %mul3A_788 = arith.mulf %get3A_787, %get3A_613 : vector<16xf32>
        %mul3A_789 = arith.mulf %mul3A_788, %get3A_617 : vector<16xf32>
        %swap3A_790 = arith.index_cast %add3A_610 : i32 to index
        %swap3A_791 = arith.constant 336 : index
        %swap3A_792 = tpu.vector_load %arg4[%swap3A_790, %swap3A_791] {strides = array<i32>} : memref<75x512xf32, #tpu.memory_space<vmem>>, vector<16xf32>,
        tpu.vector_store %arg4[%swap3A_790, %swap3A_791], %mul3A_789 {strides = array<i32>} : memref<75x512xf32, #tpu.memory_space<vmem>>, vector<16xf32>,
        %get3A_793 = arith.index_cast %add3A_610 : i32 to index
        %get3A_794 = arith.constant 352 : index
        %get3A_795 = tpu.vector_load %arg4[%get3A_793, %get3A_794] {strides = array<i32>} : memref<75x512xf32, #tpu.memory_space<vmem>>, vector<16xf32>,
        %mul3A_796 = arith.mulf %get3A_795, %get3A_613 : vector<16xf32>
        %mul3A_797 = arith.mulf %mul3A_796, %get3A_617 : vector<16xf32>
        %swap3A_798 = arith.index_cast %add3A_610 : i32 to index
        %swap3A_799 = arith.constant 352 : index
        %swap3A_800 = tpu.vector_load %arg4[%swap3A_798, %swap3A_799] {strides = array<i32>} : memref<75x512xf32, #tpu.memory_space<vmem>>, vector<16xf32>,
        tpu.vector_store %arg4[%swap3A_798, %swap3A_799], %mul3A_797 {strides = array<i32>} : memref<75x512xf32, #tpu.memory_space<vmem>>, vector<16xf32>,
        %get3A_801 = arith.index_cast %add3A_610 : i32 to index
        %get3A_802 = arith.constant 368 : index
        %get3A_803 = tpu.vector_load %arg4[%get3A_801, %get3A_802] {strides = array<i32>} : memref<75x512xf32, #tpu.memory_space<vmem>>, vector<16xf32>,
        %mul3A_804 = arith.mulf %get3A_803, %get3A_613 : vector<16xf32>
        %mul3A_805 = arith.mulf %mul3A_804, %get3A_617 : vector<16xf32>
        %swap3A_806 = arith.index_cast %add3A_610 : i32 to index
        %swap3A_807 = arith.constant 368 : index
        %swap3A_808 = tpu.vector_load %arg4[%swap3A_806, %swap3A_807] {strides = array<i32>} : memref<75x512xf32, #tpu.memory_space<vmem>>, vector<16xf32>,
        tpu.vector_store %arg4[%swap3A_806, %swap3A_807], %mul3A_805 {strides = array<i32>} : memref<75x512xf32, #tpu.memory_space<vmem>>, vector<16xf32>,
        %get3A_809 = arith.index_cast %add3A_610 : i32 to index
        %get3A_810 = arith.constant 384 : index
        %get3A_811 = tpu.vector_load %arg4[%get3A_809, %get3A_810] {strides = array<i32>} : memref<75x512xf32, #tpu.memory_space<vmem>>, vector<16xf32>,
        %mul3A_812 = arith.mulf %get3A_811, %get3A_613 : vector<16xf32>
        %mul3A_813 = arith.mulf %mul3A_812, %get3A_617 : vector<16xf32>
        %swap3A_814 = arith.index_cast %add3A_610 : i32 to index
        %swap3A_815 = arith.constant 384 : index
        %swap3A_816 = tpu.vector_load %arg4[%swap3A_814, %swap3A_815] {strides = array<i32>} : memref<75x512xf32, #tpu.memory_space<vmem>>, vector<16xf32>,
        tpu.vector_store %arg4[%swap3A_814, %swap3A_815], %mul3A_813 {strides = array<i32>} : memref<75x512xf32, #tpu.memory_space<vmem>>, vector<16xf32>,
        %get3A_817 = arith.index_cast %add3A_610 : i32 to index
        %get3A_818 = arith.constant 400 : index
        %get3A_819 = tpu.vector_load %arg4[%get3A_817, %get3A_818] {strides = array<i32>} : memref<75x512xf32, #tpu.memory_space<vmem>>, vector<16xf32>,
        %mul3A_820 = arith.mulf %get3A_819, %get3A_613 : vector<16xf32>
        %mul3A_821 = arith.mulf %mul3A_820, %get3A_617 : vector<16xf32>
        %swap3A_822 = arith.index_cast %add3A_610 : i32 to index
        %swap3A_823 = arith.constant 400 : index
        %swap3A_824 = tpu.vector_load %arg4[%swap3A_822, %swap3A_823] {strides = array<i32>} : memref<75x512xf32, #tpu.memory_space<vmem>>, vector<16xf32>,
        tpu.vector_store %arg4[%swap3A_822, %swap3A_823], %mul3A_821 {strides = array<i32>} : memref<75x512xf32, #tpu.memory_space<vmem>>, vector<16xf32>,
        %get3A_825 = arith.index_cast %add3A_610 : i32 to index
        %get3A_826 = arith.constant 416 : index
        %get3A_827 = tpu.vector_load %arg4[%get3A_825, %get3A_826] {strides = array<i32>} : memref<75x512xf32, #tpu.memory_space<vmem>>, vector<16xf32>,
        %mul3A_828 = arith.mulf %get3A_827, %get3A_613 : vector<16xf32>
        %mul3A_829 = arith.mulf %mul3A_828, %get3A_617 : vector<16xf32>
        %swap3A_830 = arith.index_cast %add3A_610 : i32 to index
        %swap3A_831 = arith.constant 416 : index
        %swap3A_832 = tpu.vector_load %arg4[%swap3A_830, %swap3A_831] {strides = array<i32>} : memref<75x512xf32, #tpu.memory_space<vmem>>, vector<16xf32>,
        tpu.vector_store %arg4[%swap3A_830, %swap3A_831], %mul3A_829 {strides = array<i32>} : memref<75x512xf32, #tpu.memory_space<vmem>>, vector<16xf32>,
        %get3A_833 = arith.index_cast %add3A_610 : i32 to index
        %get3A_834 = arith.constant 432 : index
        %get3A_835 = tpu.vector_load %arg4[%get3A_833, %get3A_834] {strides = array<i32>} : memref<75x512xf32, #tpu.memory_space<vmem>>, vector<16xf32>,
        %mul3A_836 = arith.mulf %get3A_835, %get3A_613 : vector<16xf32>
        %mul3A_837 = arith.mulf %mul3A_836, %get3A_617 : vector<16xf32>
        %swap3A_838 = arith.index_cast %add3A_610 : i32 to index
        %swap3A_839 = arith.constant 432 : index
        %swap3A_840 = tpu.vector_load %arg4[%swap3A_838, %swap3A_839] {strides = array<i32>} : memref<75x512xf32, #tpu.memory_space<vmem>>, vector<16xf32>,
        tpu.vector_store %arg4[%swap3A_838, %swap3A_839], %mul3A_837 {strides = array<i32>} : memref<75x512xf32, #tpu.memory_space<vmem>>, vector<16xf32>,
        %get3A_841 = arith.index_cast %add3A_610 : i32 to index
        %get3A_842 = arith.constant 448 : index
        %get3A_843 = tpu.vector_load %arg4[%get3A_841, %get3A_842] {strides = array<i32>} : memref<75x512xf32, #tpu.memory_space<vmem>>, vector<16xf32>,
        %mul3A_844 = arith.mulf %get3A_843, %get3A_613 : vector<16xf32>
        %mul3A_845 = arith.mulf %mul3A_844, %get3A_617 : vector<16xf32>
        %swap3A_846 = arith.index_cast %add3A_610 : i32 to index
        %swap3A_847 = arith.constant 448 : index
        %swap3A_848 = tpu.vector_load %arg4[%swap3A_846, %swap3A_847] {strides = array<i32>} : memref<75x512xf32, #tpu.memory_space<vmem>>, vector<16xf32>,
        tpu.vector_store %arg4[%swap3A_846, %swap3A_847], %mul3A_845 {strides = array<i32>} : memref<75x512xf32, #tpu.memory_space<vmem>>, vector<16xf32>,
        %get3A_849 = arith.index_cast %add3A_610 : i32 to index
        %get3A_850 = arith.constant 464 : index
        %get3A_851 = tpu.vector_load %arg4[%get3A_849, %get3A_850] {strides = array<i32>} : memref<75x512xf32, #tpu.memory_space<vmem>>, vector<16xf32>,
        %mul3A_852 = arith.mulf %get3A_851, %get3A_613 : vector<16xf32>
        %mul3A_853 = arith.mulf %mul3A_852, %get3A_617 : vector<16xf32>
        %swap3A_854 = arith.index_cast %add3A_610 : i32 to index
        %swap3A_855 = arith.constant 464 : index
        %swap3A_856 = tpu.vector_load %arg4[%swap3A_854, %swap3A_855] {strides = array<i32>} : memref<75x512xf32, #tpu.memory_space<vmem>>, vector<16xf32>,
        tpu.vector_store %arg4[%swap3A_854, %swap3A_855], %mul3A_853 {strides = array<i32>} : memref<75x512xf32, #tpu.memory_space<vmem>>, vector<16xf32>,
        %get3A_857 = arith.index_cast %add3A_610 : i32 to index
        %get3A_858 = arith.constant 480 : index
        %get3A_859 = tpu.vector_load %arg4[%get3A_857, %get3A_858] {strides = array<i32>} : memref<75x512xf32, #tpu.memory_space<vmem>>, vector<16xf32>,
        %mul3A_860 = arith.mulf %get3A_859, %get3A_613 : vector<16xf32>
        %mul3A_861 = arith.mulf %mul3A_860, %get3A_617 : vector<16xf32>
        %swap3A_862 = arith.index_cast %add3A_610 : i32 to index
        %swap3A_863 = arith.constant 480 : index
        %swap3A_864 = tpu.vector_load %arg4[%swap3A_862, %swap3A_863] {strides = array<i32>} : memref<75x512xf32, #tpu.memory_space<vmem>>, vector<16xf32>,
        tpu.vector_store %arg4[%swap3A_862, %swap3A_863], %mul3A_861 {strides = array<i32>} : memref<75x512xf32, #tpu.memory_space<vmem>>, vector<16xf32>,
        %get3A_865 = arith.index_cast %add3A_610 : i32 to index
        %get3A_866 = arith.constant 496 : index
        %get3A_867 = tpu.vector_load %arg4[%get3A_865, %get3A_866] {strides = array<i32>} : memref<75x512xf32, #tpu.memory_space<vmem>>, vector<16xf32>,
        %mul3A_868 = arith.mulf %get3A_867, %get3A_613 : vector<16xf32>
        %mul3A_869 = arith.mulf %mul3A_868, %get3A_617 : vector<16xf32>
        %swap3A_870 = arith.index_cast %add3A_610 : i32 to index
        %swap3A_871 = arith.constant 496 : index
        %swap3A_872 = tpu.vector_load %arg4[%swap3A_870, %swap3A_871] {strides = array<i32>} : memref<75x512xf32, #tpu.memory_space<vmem>>, vector<16xf32>,
        tpu.vector_store %arg4[%swap3A_870, %swap3A_871], %mul3A_869 {strides = array<i32>} : memref<75x512xf32, #tpu.memory_space<vmem>>, vector<16xf32>,
      }
      %scan3A_520 = arith.constant 75 : i32
      %mul3A_521 = arith.constant 512 : i32
      %mul3A_522 = arith.muli %add3A_491, %mul3A_521 : i32
      %add3A_523 = arith.addi %mul3A_2, %mul3A_522 : i32
      %dma_start3A_524 = arith.constant 0 : i32
      %dma_start3A_525 = tpu.memref_slice %arg3[%dma_start3A_524, %add3A_523] : memref<75x524288xf32, #tpu.memory_space<hbm>> -> memref<75x512xf32, #tpu.memory_space<hbm>>
      %dma_start3A_526 = arith.constant 0 : i32
      %dma_start3A_527 = tpu.memref_slice %arg3[%dma_start3A_526, %add3A_523] : memref<75x524288xf32, #tpu.memory_space<hbm>> -> memref<75x512xf32, #tpu.memory_space<hbm>>
      tpu.enqueue_dma source(%arg4 : memref<75x512xf32, #tpu.memory_space<vmem>>) target(%dma_start3A_527 : memref<75x512xf32, #tpu.memory_space<hbm>>) target_semaphore(%arg12 : memref<!tpu.dma_semaphore, #tpu.memory_space<semaphore_mem>>)
      %add3A_528 = arith.constant 1 : i32
      %add3A_529 = arith.addi %add3A_491, %add3A_528 : i32
      %mul3A_530 = arith.constant 512 : i32
      %mul3A_531 = arith.muli %add3A_529, %mul3A_530 : i32
      %add3A_532 = arith.addi %mul3A_2, %mul3A_531 : i32
      %dma_wait3A_533 = arith.constant 0 : i32
      %dma_wait3A_534 = tpu.memref_slice %arg2[%dma_wait3A_533, %add3A_532] : memref<75x524288xf32, #tpu.memory_space<hbm>> -> memref<75x512xf32, #tpu.memory_space<hbm>>
      %dma_wait3A_535 = arith.constant 0 : i32
      %dma_wait3A_536 = tpu.memref_slice %arg2[%dma_wait3A_535, %add3A_532] : memref<75x524288xf32, #tpu.memory_space<hbm>> -> memref<75x512xf32, #tpu.memory_space<hbm>>
      tpu.wait_dma2 semaphore(%arg10 : memref<!tpu.dma_semaphore, #tpu.memory_space<semaphore_mem>>) src(%dma_wait3A_536 : memref<75x512xf32, #tpu.memory_space<hbm>>) dst(%arg5 : memref<75x512xf32, #tpu.memory_space<vmem>>)
      %sub3A_537 = arith.constant 1 : i32
      %sub3A_538 = arith.subi %add3A_529, %sub3A_537 : i32
      %mul3A_539 = arith.constant 512 : i32
      %mul3A_540 = arith.muli %sub3A_538, %mul3A_539 : i32
      %add3A_541 = arith.addi %mul3A_2, %mul3A_540 : i32
      %dma_wait3A_542 = arith.constant 0 : i32
      %dma_wait3A_543 = tpu.memref_slice %arg3[%dma_wait3A_542, %add3A_541] : memref<75x524288xf32, #tpu.memory_space<hbm>> -> memref<75x512xf32, #tpu.memory_space<hbm>>
      %dma_wait3A_544 = arith.constant 0 : i32
      %dma_wait3A_545 = tpu.memref_slice %arg3[%dma_wait3A_544, %add3A_541] : memref<75x524288xf32, #tpu.memory_space<hbm>> -> memref<75x512xf32, #tpu.memory_space<hbm>>
      tpu.wait_dma2 semaphore(%arg12 : memref<!tpu.dma_semaphore, #tpu.memory_space<semaphore_mem>>) src(%arg4 : memref<75x512xf32, #tpu.memory_space<vmem>>) dst(%dma_wait3A_545 : memref<75x512xf32, #tpu.memory_space<hbm>>)
      %add3A_546 = arith.constant 2 : i32
      %add3A_547 = arith.addi %add3A_529, %add3A_546 : i32
      %mul3A_548 = arith.constant 512 : i32
      %mul3A_549 = arith.muli %add3A_547, %mul3A_548 : i32
      %add3A_550 = arith.addi %mul3A_2, %mul3A_549 : i32
      %dma_start3A_551 = arith.constant 0 : i32
      %dma_start3A_552 = tpu.memref_slice %arg2[%dma_start3A_551, %add3A_550] : memref<75x524288xf32, #tpu.memory_space<hbm>> -> memref<75x512xf32, #tpu.memory_space<hbm>>
      %dma_start3A_553 = arith.constant 0 : i32
      %dma_start3A_554 = tpu.memref_slice %arg2[%dma_start3A_553, %add3A_550] : memref<75x524288xf32, #tpu.memory_space<hbm>> -> memref<75x512xf32, #tpu.memory_space<hbm>>
      tpu.enqueue_dma source(%dma_start3A_554 : memref<75x512xf32, #tpu.memory_space<hbm>>) target(%arg4 : memref<75x512xf32, #tpu.memory_space<vmem>>) target_semaphore(%arg9 : memref<!tpu.dma_semaphore, #tpu.memory_space<semaphore_mem>>)
      %scan3A_555 = arith.constant 0 : i32
      %scan3A_556 = arith.constant 75 : i32
      %scan3A_557 = arith.addi %scan3A_555, %scan3A_556 : i32
      %scan3A_558 = arith.constant 1 : i32
      scf.for %scan3A_606 = %scan3A_555 to %scan3A_557 step %scan3A_558  : i32 {
        %mul3A_607 = arith.constant 1 : i32
        %mul3A_608 = arith.muli %scan3A_606, %mul3A_607 : i32
        %add3A_609 = arith.constant 0 : i32
        %add3A_610 = arith.addi %add3A_609, %mul3A_608 : i32
        %mul3A_611 = arith.constant 16 : i32
        %mul3A_612 = arith.muli %add3A_610, %mul3A_611 : i32
        %get3A = arith.index_cast %mul3A_612 : i32 to index
        %get3A_613 = tpu.vector_load %arg7[%get3A] {strides = array<i32>} : memref<1200xf32, #tpu.memory_space<vmem>>, vector<16xf32>,
        %mul3A_614 = arith.constant 16 : i32
        %mul3A_615 = arith.muli %add3A_610, %mul3A_614 : i32
        %get3A_616 = arith.index_cast %mul3A_615 : i32 to index
        %get3A_617 = tpu.vector_load %arg8[%get3A_616] {strides = array<i32>} : memref<1200xf32, #tpu.memory_space<vmem>>, vector<16xf32>,
        %get3A_618 = arith.index_cast %add3A_610 : i32 to index
        %get3A_619 = arith.constant 0 : index
        %get3A_620 = tpu.vector_load %arg5[%get3A_618, %get3A_619] {strides = array<i32>} : memref<75x512xf32, #tpu.memory_space<vmem>>, vector<16xf32>,
        %mul3A_621 = arith.mulf %get3A_620, %get3A_613 : vector<16xf32>
        %mul3A_622 = arith.mulf %mul3A_621, %get3A_617 : vector<16xf32>
        %swap3A = arith.index_cast %add3A_610 : i32 to index
        %swap3A_623 = arith.constant 0 : index
        %swap3A_624 = tpu.vector_load %arg5[%swap3A, %swap3A_623] {strides = array<i32>} : memref<75x512xf32, #tpu.memory_space<vmem>>, vector<16xf32>,
        tpu.vector_store %arg5[%swap3A, %swap3A_623], %mul3A_622 {strides = array<i32>} : memref<75x512xf32, #tpu.memory_space<vmem>>, vector<16xf32>,
        %get3A_625 = arith.index_cast %add3A_610 : i32 to index
        %get3A_626 = arith.constant 16 : index
        %get3A_627 = tpu.vector_load %arg5[%get3A_625, %get3A_626] {strides = array<i32>} : memref<75x512xf32, #tpu.memory_space<vmem>>, vector<16xf32>,
        %mul3A_628 = arith.mulf %get3A_627, %get3A_613 : vector<16xf32>
        %mul3A_629 = arith.mulf %mul3A_628, %get3A_617 : vector<16xf32>
        %swap3A_630 = arith.index_cast %add3A_610 : i32 to index
        %swap3A_631 = arith.constant 16 : index
        %swap3A_632 = tpu.vector_load %arg5[%swap3A_630, %swap3A_631] {strides = array<i32>} : memref<75x512xf32, #tpu.memory_space<vmem>>, vector<16xf32>,
        tpu.vector_store %arg5[%swap3A_630, %swap3A_631], %mul3A_629 {strides = array<i32>} : memref<75x512xf32, #tpu.memory_space<vmem>>, vector<16xf32>,
        %get3A_633 = arith.index_cast %add3A_610 : i32 to index
        %get3A_634 = arith.constant 32 : index
        %get3A_635 = tpu.vector_load %arg5[%get3A_633, %get3A_634] {strides = array<i32>} : memref<75x512xf32, #tpu.memory_space<vmem>>, vector<16xf32>,
        %mul3A_636 = arith.mulf %get3A_635, %get3A_613 : vector<16xf32>
        %mul3A_637 = arith.mulf %mul3A_636, %get3A_617 : vector<16xf32>
        %swap3A_638 = arith.index_cast %add3A_610 : i32 to index
        %swap3A_639 = arith.constant 32 : index
        %swap3A_640 = tpu.vector_load %arg5[%swap3A_638, %swap3A_639] {strides = array<i32>} : memref<75x512xf32, #tpu.memory_space<vmem>>, vector<16xf32>,
        tpu.vector_store %arg5[%swap3A_638, %swap3A_639], %mul3A_637 {strides = array<i32>} : memref<75x512xf32, #tpu.memory_space<vmem>>, vector<16xf32>,
        %get3A_641 = arith.index_cast %add3A_610 : i32 to index
        %get3A_642 = arith.constant 48 : index
        %get3A_643 = tpu.vector_load %arg5[%get3A_641, %get3A_642] {strides = array<i32>} : memref<75x512xf32, #tpu.memory_space<vmem>>, vector<16xf32>,
        %mul3A_644 = arith.mulf %get3A_643, %get3A_613 : vector<16xf32>
        %mul3A_645 = arith.mulf %mul3A_644, %get3A_617 : vector<16xf32>
        %swap3A_646 = arith.index_cast %add3A_610 : i32 to index
        %swap3A_647 = arith.constant 48 : index
        %swap3A_648 = tpu.vector_load %arg5[%swap3A_646, %swap3A_647] {strides = array<i32>} : memref<75x512xf32, #tpu.memory_space<vmem>>, vector<16xf32>,
        tpu.vector_store %arg5[%swap3A_646, %swap3A_647], %mul3A_645 {strides = array<i32>} : memref<75x512xf32, #tpu.memory_space<vmem>>, vector<16xf32>,
        %get3A_649 = arith.index_cast %add3A_610 : i32 to index
        %get3A_650 = arith.constant 64 : index
        %get3A_651 = tpu.vector_load %arg5[%get3A_649, %get3A_650] {strides = array<i32>} : memref<75x512xf32, #tpu.memory_space<vmem>>, vector<16xf32>,
        %mul3A_652 = arith.mulf %get3A_651, %get3A_613 : vector<16xf32>
        %mul3A_653 = arith.mulf %mul3A_652, %get3A_617 : vector<16xf32>
        %swap3A_654 = arith.index_cast %add3A_610 : i32 to index
        %swap3A_655 = arith.constant 64 : index
        %swap3A_656 = tpu.vector_load %arg5[%swap3A_654, %swap3A_655] {strides = array<i32>} : memref<75x512xf32, #tpu.memory_space<vmem>>, vector<16xf32>,
        tpu.vector_store %arg5[%swap3A_654, %swap3A_655], %mul3A_653 {strides = array<i32>} : memref<75x512xf32, #tpu.memory_space<vmem>>, vector<16xf32>,
        %get3A_657 = arith.index_cast %add3A_610 : i32 to index
        %get3A_658 = arith.constant 80 : index
        %get3A_659 = tpu.vector_load %arg5[%get3A_657, %get3A_658] {strides = array<i32>} : memref<75x512xf32, #tpu.memory_space<vmem>>, vector<16xf32>,
        %mul3A_660 = arith.mulf %get3A_659, %get3A_613 : vector<16xf32>
        %mul3A_661 = arith.mulf %mul3A_660, %get3A_617 : vector<16xf32>
        %swap3A_662 = arith.index_cast %add3A_610 : i32 to index
        %swap3A_663 = arith.constant 80 : index
        %swap3A_664 = tpu.vector_load %arg5[%swap3A_662, %swap3A_663] {strides = array<i32>} : memref<75x512xf32, #tpu.memory_space<vmem>>, vector<16xf32>,
        tpu.vector_store %arg5[%swap3A_662, %swap3A_663], %mul3A_661 {strides = array<i32>} : memref<75x512xf32, #tpu.memory_space<vmem>>, vector<16xf32>,
        %get3A_665 = arith.index_cast %add3A_610 : i32 to index
        %get3A_666 = arith.constant 96 : index
        %get3A_667 = tpu.vector_load %arg5[%get3A_665, %get3A_666] {strides = array<i32>} : memref<75x512xf32, #tpu.memory_space<vmem>>, vector<16xf32>,
        %mul3A_668 = arith.mulf %get3A_667, %get3A_613 : vector<16xf32>
        %mul3A_669 = arith.mulf %mul3A_668, %get3A_617 : vector<16xf32>
        %swap3A_670 = arith.index_cast %add3A_610 : i32 to index
        %swap3A_671 = arith.constant 96 : index
        %swap3A_672 = tpu.vector_load %arg5[%swap3A_670, %swap3A_671] {strides = array<i32>} : memref<75x512xf32, #tpu.memory_space<vmem>>, vector<16xf32>,
        tpu.vector_store %arg5[%swap3A_670, %swap3A_671], %mul3A_669 {strides = array<i32>} : memref<75x512xf32, #tpu.memory_space<vmem>>, vector<16xf32>,
        %get3A_673 = arith.index_cast %add3A_610 : i32 to index
        %get3A_674 = arith.constant 112 : index
        %get3A_675 = tpu.vector_load %arg5[%get3A_673, %get3A_674] {strides = array<i32>} : memref<75x512xf32, #tpu.memory_space<vmem>>, vector<16xf32>,
        %mul3A_676 = arith.mulf %get3A_675, %get3A_613 : vector<16xf32>
        %mul3A_677 = arith.mulf %mul3A_676, %get3A_617 : vector<16xf32>
        %swap3A_678 = arith.index_cast %add3A_610 : i32 to index
        %swap3A_679 = arith.constant 112 : index
        %swap3A_680 = tpu.vector_load %arg5[%swap3A_678, %swap3A_679] {strides = array<i32>} : memref<75x512xf32, #tpu.memory_space<vmem>>, vector<16xf32>,
        tpu.vector_store %arg5[%swap3A_678, %swap3A_679], %mul3A_677 {strides = array<i32>} : memref<75x512xf32, #tpu.memory_space<vmem>>, vector<16xf32>,
        %get3A_681 = arith.index_cast %add3A_610 : i32 to index
        %get3A_682 = arith.constant 128 : index
        %get3A_683 = tpu.vector_load %arg5[%get3A_681, %get3A_682] {strides = array<i32>} : memref<75x512xf32, #tpu.memory_space<vmem>>, vector<16xf32>,
        %mul3A_684 = arith.mulf %get3A_683, %get3A_613 : vector<16xf32>
        %mul3A_685 = arith.mulf %mul3A_684, %get3A_617 : vector<16xf32>
        %swap3A_686 = arith.index_cast %add3A_610 : i32 to index
        %swap3A_687 = arith.constant 128 : index
        %swap3A_688 = tpu.vector_load %arg5[%swap3A_686, %swap3A_687] {strides = array<i32>} : memref<75x512xf32, #tpu.memory_space<vmem>>, vector<16xf32>,
        tpu.vector_store %arg5[%swap3A_686, %swap3A_687], %mul3A_685 {strides = array<i32>} : memref<75x512xf32, #tpu.memory_space<vmem>>, vector<16xf32>,
        %get3A_689 = arith.index_cast %add3A_610 : i32 to index
        %get3A_690 = arith.constant 144 : index
        %get3A_691 = tpu.vector_load %arg5[%get3A_689, %get3A_690] {strides = array<i32>} : memref<75x512xf32, #tpu.memory_space<vmem>>, vector<16xf32>,
        %mul3A_692 = arith.mulf %get3A_691, %get3A_613 : vector<16xf32>
        %mul3A_693 = arith.mulf %mul3A_692, %get3A_617 : vector<16xf32>
        %swap3A_694 = arith.index_cast %add3A_610 : i32 to index
        %swap3A_695 = arith.constant 144 : index
        %swap3A_696 = tpu.vector_load %arg5[%swap3A_694, %swap3A_695] {strides = array<i32>} : memref<75x512xf32, #tpu.memory_space<vmem>>, vector<16xf32>,
        tpu.vector_store %arg5[%swap3A_694, %swap3A_695], %mul3A_693 {strides = array<i32>} : memref<75x512xf32, #tpu.memory_space<vmem>>, vector<16xf32>,
        %get3A_697 = arith.index_cast %add3A_610 : i32 to index
        %get3A_698 = arith.constant 160 : index
        %get3A_699 = tpu.vector_load %arg5[%get3A_697, %get3A_698] {strides = array<i32>} : memref<75x512xf32, #tpu.memory_space<vmem>>, vector<16xf32>,
        %mul3A_700 = arith.mulf %get3A_699, %get3A_613 : vector<16xf32>
        %mul3A_701 = arith.mulf %mul3A_700, %get3A_617 : vector<16xf32>
        %swap3A_702 = arith.index_cast %add3A_610 : i32 to index
        %swap3A_703 = arith.constant 160 : index
        %swap3A_704 = tpu.vector_load %arg5[%swap3A_702, %swap3A_703] {strides = array<i32>} : memref<75x512xf32, #tpu.memory_space<vmem>>, vector<16xf32>,
        tpu.vector_store %arg5[%swap3A_702, %swap3A_703], %mul3A_701 {strides = array<i32>} : memref<75x512xf32, #tpu.memory_space<vmem>>, vector<16xf32>,
        %get3A_705 = arith.index_cast %add3A_610 : i32 to index
        %get3A_706 = arith.constant 176 : index
        %get3A_707 = tpu.vector_load %arg5[%get3A_705, %get3A_706] {strides = array<i32>} : memref<75x512xf32, #tpu.memory_space<vmem>>, vector<16xf32>,
        %mul3A_708 = arith.mulf %get3A_707, %get3A_613 : vector<16xf32>
        %mul3A_709 = arith.mulf %mul3A_708, %get3A_617 : vector<16xf32>
        %swap3A_710 = arith.index_cast %add3A_610 : i32 to index
        %swap3A_711 = arith.constant 176 : index
        %swap3A_712 = tpu.vector_load %arg5[%swap3A_710, %swap3A_711] {strides = array<i32>} : memref<75x512xf32, #tpu.memory_space<vmem>>, vector<16xf32>,
        tpu.vector_store %arg5[%swap3A_710, %swap3A_711], %mul3A_709 {strides = array<i32>} : memref<75x512xf32, #tpu.memory_space<vmem>>, vector<16xf32>,
        %get3A_713 = arith.index_cast %add3A_610 : i32 to index
        %get3A_714 = arith.constant 192 : index
        %get3A_715 = tpu.vector_load %arg5[%get3A_713, %get3A_714] {strides = array<i32>} : memref<75x512xf32, #tpu.memory_space<vmem>>, vector<16xf32>,
        %mul3A_716 = arith.mulf %get3A_715, %get3A_613 : vector<16xf32>
        %mul3A_717 = arith.mulf %mul3A_716, %get3A_617 : vector<16xf32>
        %swap3A_718 = arith.index_cast %add3A_610 : i32 to index
        %swap3A_719 = arith.constant 192 : index
        %swap3A_720 = tpu.vector_load %arg5[%swap3A_718, %swap3A_719] {strides = array<i32>} : memref<75x512xf32, #tpu.memory_space<vmem>>, vector<16xf32>,
        tpu.vector_store %arg5[%swap3A_718, %swap3A_719], %mul3A_717 {strides = array<i32>} : memref<75x512xf32, #tpu.memory_space<vmem>>, vector<16xf32>,
        %get3A_721 = arith.index_cast %add3A_610 : i32 to index
        %get3A_722 = arith.constant 208 : index
        %get3A_723 = tpu.vector_load %arg5[%get3A_721, %get3A_722] {strides = array<i32>} : memref<75x512xf32, #tpu.memory_space<vmem>>, vector<16xf32>,
        %mul3A_724 = arith.mulf %get3A_723, %get3A_613 : vector<16xf32>
        %mul3A_725 = arith.mulf %mul3A_724, %get3A_617 : vector<16xf32>
        %swap3A_726 = arith.index_cast %add3A_610 : i32 to index
        %swap3A_727 = arith.constant 208 : index
        %swap3A_728 = tpu.vector_load %arg5[%swap3A_726, %swap3A_727] {strides = array<i32>} : memref<75x512xf32, #tpu.memory_space<vmem>>, vector<16xf32>,
        tpu.vector_store %arg5[%swap3A_726, %swap3A_727], %mul3A_725 {strides = array<i32>} : memref<75x512xf32, #tpu.memory_space<vmem>>, vector<16xf32>,
        %get3A_729 = arith.index_cast %add3A_610 : i32 to index
        %get3A_730 = arith.constant 224 : index
        %get3A_731 = tpu.vector_load %arg5[%get3A_729, %get3A_730] {strides = array<i32>} : memref<75x512xf32, #tpu.memory_space<vmem>>, vector<16xf32>,
        %mul3A_732 = arith.mulf %get3A_731, %get3A_613 : vector<16xf32>
        %mul3A_733 = arith.mulf %mul3A_732, %get3A_617 : vector<16xf32>
        %swap3A_734 = arith.index_cast %add3A_610 : i32 to index
        %swap3A_735 = arith.constant 224 : index
        %swap3A_736 = tpu.vector_load %arg5[%swap3A_734, %swap3A_735] {strides = array<i32>} : memref<75x512xf32, #tpu.memory_space<vmem>>, vector<16xf32>,
        tpu.vector_store %arg5[%swap3A_734, %swap3A_735], %mul3A_733 {strides = array<i32>} : memref<75x512xf32, #tpu.memory_space<vmem>>, vector<16xf32>,
        %get3A_737 = arith.index_cast %add3A_610 : i32 to index
        %get3A_738 = arith.constant 240 : index
        %get3A_739 = tpu.vector_load %arg5[%get3A_737, %get3A_738] {strides = array<i32>} : memref<75x512xf32, #tpu.memory_space<vmem>>, vector<16xf32>,
        %mul3A_740 = arith.mulf %get3A_739, %get3A_613 : vector<16xf32>
        %mul3A_741 = arith.mulf %mul3A_740, %get3A_617 : vector<16xf32>
        %swap3A_742 = arith.index_cast %add3A_610 : i32 to index
        %swap3A_743 = arith.constant 240 : index
        %swap3A_744 = tpu.vector_load %arg5[%swap3A_742, %swap3A_743] {strides = array<i32>} : memref<75x512xf32, #tpu.memory_space<vmem>>, vector<16xf32>,
        tpu.vector_store %arg5[%swap3A_742, %swap3A_743], %mul3A_741 {strides = array<i32>} : memref<75x512xf32, #tpu.memory_space<vmem>>, vector<16xf32>,
        %get3A_745 = arith.index_cast %add3A_610 : i32 to index
        %get3A_746 = arith.constant 256 : index
        %get3A_747 = tpu.vector_load %arg5[%get3A_745, %get3A_746] {strides = array<i32>} : memref<75x512xf32, #tpu.memory_space<vmem>>, vector<16xf32>,
        %mul3A_748 = arith.mulf %get3A_747, %get3A_613 : vector<16xf32>
        %mul3A_749 = arith.mulf %mul3A_748, %get3A_617 : vector<16xf32>
        %swap3A_750 = arith.index_cast %add3A_610 : i32 to index
        %swap3A_751 = arith.constant 256 : index
        %swap3A_752 = tpu.vector_load %arg5[%swap3A_750, %swap3A_751] {strides = array<i32>} : memref<75x512xf32, #tpu.memory_space<vmem>>, vector<16xf32>,
        tpu.vector_store %arg5[%swap3A_750, %swap3A_751], %mul3A_749 {strides = array<i32>} : memref<75x512xf32, #tpu.memory_space<vmem>>, vector<16xf32>,
        %get3A_753 = arith.index_cast %add3A_610 : i32 to index
        %get3A_754 = arith.constant 272 : index
        %get3A_755 = tpu.vector_load %arg5[%get3A_753, %get3A_754] {strides = array<i32>} : memref<75x512xf32, #tpu.memory_space<vmem>>, vector<16xf32>,
        %mul3A_756 = arith.mulf %get3A_755, %get3A_613 : vector<16xf32>
        %mul3A_757 = arith.mulf %mul3A_756, %get3A_617 : vector<16xf32>
        %swap3A_758 = arith.index_cast %add3A_610 : i32 to index
        %swap3A_759 = arith.constant 272 : index
        %swap3A_760 = tpu.vector_load %arg5[%swap3A_758, %swap3A_759] {strides = array<i32>} : memref<75x512xf32, #tpu.memory_space<vmem>>, vector<16xf32>,
        tpu.vector_store %arg5[%swap3A_758, %swap3A_759], %mul3A_757 {strides = array<i32>} : memref<75x512xf32, #tpu.memory_space<vmem>>, vector<16xf32>,
        %get3A_761 = arith.index_cast %add3A_610 : i32 to index
        %get3A_762 = arith.constant 288 : index
        %get3A_763 = tpu.vector_load %arg5[%get3A_761, %get3A_762] {strides = array<i32>} : memref<75x512xf32, #tpu.memory_space<vmem>>, vector<16xf32>,
        %mul3A_764 = arith.mulf %get3A_763, %get3A_613 : vector<16xf32>
        %mul3A_765 = arith.mulf %mul3A_764, %get3A_617 : vector<16xf32>
        %swap3A_766 = arith.index_cast %add3A_610 : i32 to index
        %swap3A_767 = arith.constant 288 : index
        %swap3A_768 = tpu.vector_load %arg5[%swap3A_766, %swap3A_767] {strides = array<i32>} : memref<75x512xf32, #tpu.memory_space<vmem>>, vector<16xf32>,
        tpu.vector_store %arg5[%swap3A_766, %swap3A_767], %mul3A_765 {strides = array<i32>} : memref<75x512xf32, #tpu.memory_space<vmem>>, vector<16xf32>,
        %get3A_769 = arith.index_cast %add3A_610 : i32 to index
        %get3A_770 = arith.constant 304 : index
        %get3A_771 = tpu.vector_load %arg5[%get3A_769, %get3A_770] {strides = array<i32>} : memref<75x512xf32, #tpu.memory_space<vmem>>, vector<16xf32>,
        %mul3A_772 = arith.mulf %get3A_771, %get3A_613 : vector<16xf32>
        %mul3A_773 = arith.mulf %mul3A_772, %get3A_617 : vector<16xf32>
        %swap3A_774 = arith.index_cast %add3A_610 : i32 to index
        %swap3A_775 = arith.constant 304 : index
        %swap3A_776 = tpu.vector_load %arg5[%swap3A_774, %swap3A_775] {strides = array<i32>} : memref<75x512xf32, #tpu.memory_space<vmem>>, vector<16xf32>,
        tpu.vector_store %arg5[%swap3A_774, %swap3A_775], %mul3A_773 {strides = array<i32>} : memref<75x512xf32, #tpu.memory_space<vmem>>, vector<16xf32>,
        %get3A_777 = arith.index_cast %add3A_610 : i32 to index
        %get3A_778 = arith.constant 320 : index
        %get3A_779 = tpu.vector_load %arg5[%get3A_777, %get3A_778] {strides = array<i32>} : memref<75x512xf32, #tpu.memory_space<vmem>>, vector<16xf32>,
        %mul3A_780 = arith.mulf %get3A_779, %get3A_613 : vector<16xf32>
        %mul3A_781 = arith.mulf %mul3A_780, %get3A_617 : vector<16xf32>
        %swap3A_782 = arith.index_cast %add3A_610 : i32 to index
        %swap3A_783 = arith.constant 320 : index
        %swap3A_784 = tpu.vector_load %arg5[%swap3A_782, %swap3A_783] {strides = array<i32>} : memref<75x512xf32, #tpu.memory_space<vmem>>, vector<16xf32>,
        tpu.vector_store %arg5[%swap3A_782, %swap3A_783], %mul3A_781 {strides = array<i32>} : memref<75x512xf32, #tpu.memory_space<vmem>>, vector<16xf32>,
        %get3A_785 = arith.index_cast %add3A_610 : i32 to index
        %get3A_786 = arith.constant 336 : index
        %get3A_787 = tpu.vector_load %arg5[%get3A_785, %get3A_786] {strides = array<i32>} : memref<75x512xf32, #tpu.memory_space<vmem>>, vector<16xf32>,
        %mul3A_788 = arith.mulf %get3A_787, %get3A_613 : vector<16xf32>
        %mul3A_789 = arith.mulf %mul3A_788, %get3A_617 : vector<16xf32>
        %swap3A_790 = arith.index_cast %add3A_610 : i32 to index
        %swap3A_791 = arith.constant 336 : index
        %swap3A_792 = tpu.vector_load %arg5[%swap3A_790, %swap3A_791] {strides = array<i32>} : memref<75x512xf32, #tpu.memory_space<vmem>>, vector<16xf32>,
        tpu.vector_store %arg5[%swap3A_790, %swap3A_791], %mul3A_789 {strides = array<i32>} : memref<75x512xf32, #tpu.memory_space<vmem>>, vector<16xf32>,
        %get3A_793 = arith.index_cast %add3A_610 : i32 to index
        %get3A_794 = arith.constant 352 : index
        %get3A_795 = tpu.vector_load %arg5[%get3A_793, %get3A_794] {strides = array<i32>} : memref<75x512xf32, #tpu.memory_space<vmem>>, vector<16xf32>,
        %mul3A_796 = arith.mulf %get3A_795, %get3A_613 : vector<16xf32>
        %mul3A_797 = arith.mulf %mul3A_796, %get3A_617 : vector<16xf32>
        %swap3A_798 = arith.index_cast %add3A_610 : i32 to index
        %swap3A_799 = arith.constant 352 : index
        %swap3A_800 = tpu.vector_load %arg5[%swap3A_798, %swap3A_799] {strides = array<i32>} : memref<75x512xf32, #tpu.memory_space<vmem>>, vector<16xf32>,
        tpu.vector_store %arg5[%swap3A_798, %swap3A_799], %mul3A_797 {strides = array<i32>} : memref<75x512xf32, #tpu.memory_space<vmem>>, vector<16xf32>,
        %get3A_801 = arith.index_cast %add3A_610 : i32 to index
        %get3A_802 = arith.constant 368 : index
        %get3A_803 = tpu.vector_load %arg5[%get3A_801, %get3A_802] {strides = array<i32>} : memref<75x512xf32, #tpu.memory_space<vmem>>, vector<16xf32>,
        %mul3A_804 = arith.mulf %get3A_803, %get3A_613 : vector<16xf32>
        %mul3A_805 = arith.mulf %mul3A_804, %get3A_617 : vector<16xf32>
        %swap3A_806 = arith.index_cast %add3A_610 : i32 to index
        %swap3A_807 = arith.constant 368 : index
        %swap3A_808 = tpu.vector_load %arg5[%swap3A_806, %swap3A_807] {strides = array<i32>} : memref<75x512xf32, #tpu.memory_space<vmem>>, vector<16xf32>,
        tpu.vector_store %arg5[%swap3A_806, %swap3A_807], %mul3A_805 {strides = array<i32>} : memref<75x512xf32, #tpu.memory_space<vmem>>, vector<16xf32>,
        %get3A_809 = arith.index_cast %add3A_610 : i32 to index
        %get3A_810 = arith.constant 384 : index
        %get3A_811 = tpu.vector_load %arg5[%get3A_809, %get3A_810] {strides = array<i32>} : memref<75x512xf32, #tpu.memory_space<vmem>>, vector<16xf32>,
        %mul3A_812 = arith.mulf %get3A_811, %get3A_613 : vector<16xf32>
        %mul3A_813 = arith.mulf %mul3A_812, %get3A_617 : vector<16xf32>
        %swap3A_814 = arith.index_cast %add3A_610 : i32 to index
        %swap3A_815 = arith.constant 384 : index
        %swap3A_816 = tpu.vector_load %arg5[%swap3A_814, %swap3A_815] {strides = array<i32>} : memref<75x512xf32, #tpu.memory_space<vmem>>, vector<16xf32>,
        tpu.vector_store %arg5[%swap3A_814, %swap3A_815], %mul3A_813 {strides = array<i32>} : memref<75x512xf32, #tpu.memory_space<vmem>>, vector<16xf32>,
        %get3A_817 = arith.index_cast %add3A_610 : i32 to index
        %get3A_818 = arith.constant 400 : index
        %get3A_819 = tpu.vector_load %arg5[%get3A_817, %get3A_818] {strides = array<i32>} : memref<75x512xf32, #tpu.memory_space<vmem>>, vector<16xf32>,
        %mul3A_820 = arith.mulf %get3A_819, %get3A_613 : vector<16xf32>
        %mul3A_821 = arith.mulf %mul3A_820, %get3A_617 : vector<16xf32>
        %swap3A_822 = arith.index_cast %add3A_610 : i32 to index
        %swap3A_823 = arith.constant 400 : index
        %swap3A_824 = tpu.vector_load %arg5[%swap3A_822, %swap3A_823] {strides = array<i32>} : memref<75x512xf32, #tpu.memory_space<vmem>>, vector<16xf32>,
        tpu.vector_store %arg5[%swap3A_822, %swap3A_823], %mul3A_821 {strides = array<i32>} : memref<75x512xf32, #tpu.memory_space<vmem>>, vector<16xf32>,
        %get3A_825 = arith.index_cast %add3A_610 : i32 to index
        %get3A_826 = arith.constant 416 : index
        %get3A_827 = tpu.vector_load %arg5[%get3A_825, %get3A_826] {strides = array<i32>} : memref<75x512xf32, #tpu.memory_space<vmem>>, vector<16xf32>,
        %mul3A_828 = arith.mulf %get3A_827, %get3A_613 : vector<16xf32>
        %mul3A_829 = arith.mulf %mul3A_828, %get3A_617 : vector<16xf32>
        %swap3A_830 = arith.index_cast %add3A_610 : i32 to index
        %swap3A_831 = arith.constant 416 : index
        %swap3A_832 = tpu.vector_load %arg5[%swap3A_830, %swap3A_831] {strides = array<i32>} : memref<75x512xf32, #tpu.memory_space<vmem>>, vector<16xf32>,
        tpu.vector_store %arg5[%swap3A_830, %swap3A_831], %mul3A_829 {strides = array<i32>} : memref<75x512xf32, #tpu.memory_space<vmem>>, vector<16xf32>,
        %get3A_833 = arith.index_cast %add3A_610 : i32 to index
        %get3A_834 = arith.constant 432 : index
        %get3A_835 = tpu.vector_load %arg5[%get3A_833, %get3A_834] {strides = array<i32>} : memref<75x512xf32, #tpu.memory_space<vmem>>, vector<16xf32>,
        %mul3A_836 = arith.mulf %get3A_835, %get3A_613 : vector<16xf32>
        %mul3A_837 = arith.mulf %mul3A_836, %get3A_617 : vector<16xf32>
        %swap3A_838 = arith.index_cast %add3A_610 : i32 to index
        %swap3A_839 = arith.constant 432 : index
        %swap3A_840 = tpu.vector_load %arg5[%swap3A_838, %swap3A_839] {strides = array<i32>} : memref<75x512xf32, #tpu.memory_space<vmem>>, vector<16xf32>,
        tpu.vector_store %arg5[%swap3A_838, %swap3A_839], %mul3A_837 {strides = array<i32>} : memref<75x512xf32, #tpu.memory_space<vmem>>, vector<16xf32>,
        %get3A_841 = arith.index_cast %add3A_610 : i32 to index
        %get3A_842 = arith.constant 448 : index
        %get3A_843 = tpu.vector_load %arg5[%get3A_841, %get3A_842] {strides = array<i32>} : memref<75x512xf32, #tpu.memory_space<vmem>>, vector<16xf32>,
        %mul3A_844 = arith.mulf %get3A_843, %get3A_613 : vector<16xf32>
        %mul3A_845 = arith.mulf %mul3A_844, %get3A_617 : vector<16xf32>
        %swap3A_846 = arith.index_cast %add3A_610 : i32 to index
        %swap3A_847 = arith.constant 448 : index
        %swap3A_848 = tpu.vector_load %arg5[%swap3A_846, %swap3A_847] {strides = array<i32>} : memref<75x512xf32, #tpu.memory_space<vmem>>, vector<16xf32>,
        tpu.vector_store %arg5[%swap3A_846, %swap3A_847], %mul3A_845 {strides = array<i32>} : memref<75x512xf32, #tpu.memory_space<vmem>>, vector<16xf32>,
        %get3A_849 = arith.index_cast %add3A_610 : i32 to index
        %get3A_850 = arith.constant 464 : index
        %get3A_851 = tpu.vector_load %arg5[%get3A_849, %get3A_850] {strides = array<i32>} : memref<75x512xf32, #tpu.memory_space<vmem>>, vector<16xf32>,
        %mul3A_852 = arith.mulf %get3A_851, %get3A_613 : vector<16xf32>
        %mul3A_853 = arith.mulf %mul3A_852, %get3A_617 : vector<16xf32>
        %swap3A_854 = arith.index_cast %add3A_610 : i32 to index
        %swap3A_855 = arith.constant 464 : index
        %swap3A_856 = tpu.vector_load %arg5[%swap3A_854, %swap3A_855] {strides = array<i32>} : memref<75x512xf32, #tpu.memory_space<vmem>>, vector<16xf32>,
        tpu.vector_store %arg5[%swap3A_854, %swap3A_855], %mul3A_853 {strides = array<i32>} : memref<75x512xf32, #tpu.memory_space<vmem>>, vector<16xf32>,
        %get3A_857 = arith.index_cast %add3A_610 : i32 to index
        %get3A_858 = arith.constant 480 : index
        %get3A_859 = tpu.vector_load %arg5[%get3A_857, %get3A_858] {strides = array<i32>} : memref<75x512xf32, #tpu.memory_space<vmem>>, vector<16xf32>,
        %mul3A_860 = arith.mulf %get3A_859, %get3A_613 : vector<16xf32>
        %mul3A_861 = arith.mulf %mul3A_860, %get3A_617 : vector<16xf32>
        %swap3A_862 = arith.index_cast %add3A_610 : i32 to index
        %swap3A_863 = arith.constant 480 : index
        %swap3A_864 = tpu.vector_load %arg5[%swap3A_862, %swap3A_863] {strides = array<i32>} : memref<75x512xf32, #tpu.memory_space<vmem>>, vector<16xf32>,
        tpu.vector_store %arg5[%swap3A_862, %swap3A_863], %mul3A_861 {strides = array<i32>} : memref<75x512xf32, #tpu.memory_space<vmem>>, vector<16xf32>,
        %get3A_865 = arith.index_cast %add3A_610 : i32 to index
        %get3A_866 = arith.constant 496 : index
        %get3A_867 = tpu.vector_load %arg5[%get3A_865, %get3A_866] {strides = array<i32>} : memref<75x512xf32, #tpu.memory_space<vmem>>, vector<16xf32>,
        %mul3A_868 = arith.mulf %get3A_867, %get3A_613 : vector<16xf32>
        %mul3A_869 = arith.mulf %mul3A_868, %get3A_617 : vector<16xf32>
        %swap3A_870 = arith.index_cast %add3A_610 : i32 to index
        %swap3A_871 = arith.constant 496 : index
        %swap3A_872 = tpu.vector_load %arg5[%swap3A_870, %swap3A_871] {strides = array<i32>} : memref<75x512xf32, #tpu.memory_space<vmem>>, vector<16xf32>,
        tpu.vector_store %arg5[%swap3A_870, %swap3A_871], %mul3A_869 {strides = array<i32>} : memref<75x512xf32, #tpu.memory_space<vmem>>, vector<16xf32>,
      }
      %scan3A_559 = arith.constant 75 : i32
      %mul3A_560 = arith.constant 512 : i32
      %mul3A_561 = arith.muli %add3A_529, %mul3A_560 : i32
      %add3A_562 = arith.addi %mul3A_2, %mul3A_561 : i32
      %dma_start3A_563 = arith.constant 0 : i32
      %dma_start3A_564 = tpu.memref_slice %arg3[%dma_start3A_563, %add3A_562] : memref<75x524288xf32, #tpu.memory_space<hbm>> -> memref<75x512xf32, #tpu.memory_space<hbm>>
      %dma_start3A_565 = arith.constant 0 : i32
      %dma_start3A_566 = tpu.memref_slice %arg3[%dma_start3A_565, %add3A_562] : memref<75x524288xf32, #tpu.memory_space<hbm>> -> memref<75x512xf32, #tpu.memory_space<hbm>>
      tpu.enqueue_dma source(%arg5 : memref<75x512xf32, #tpu.memory_space<vmem>>) target(%dma_start3A_566 : memref<75x512xf32, #tpu.memory_space<hbm>>) target_semaphore(%arg13 : memref<!tpu.dma_semaphore, #tpu.memory_space<semaphore_mem>>)
      %add3A_567 = arith.constant 2 : i32
      %add3A_568 = arith.addi %add3A_491, %add3A_567 : i32
      %mul3A_569 = arith.constant 512 : i32
      %mul3A_570 = arith.muli %add3A_568, %mul3A_569 : i32
      %add3A_571 = arith.addi %mul3A_2, %mul3A_570 : i32
      %dma_wait3A_572 = arith.constant 0 : i32
      %dma_wait3A_573 = tpu.memref_slice %arg2[%dma_wait3A_572, %add3A_571] : memref<75x524288xf32, #tpu.memory_space<hbm>> -> memref<75x512xf32, #tpu.memory_space<hbm>>
      %dma_wait3A_574 = arith.constant 0 : i32
      %dma_wait3A_575 = tpu.memref_slice %arg2[%dma_wait3A_574, %add3A_571] : memref<75x524288xf32, #tpu.memory_space<hbm>> -> memref<75x512xf32, #tpu.memory_space<hbm>>
      tpu.wait_dma2 semaphore(%arg11 : memref<!tpu.dma_semaphore, #tpu.memory_space<semaphore_mem>>) src(%dma_wait3A_575 : memref<75x512xf32, #tpu.memory_space<hbm>>) dst(%arg6 : memref<75x512xf32, #tpu.memory_space<vmem>>)
      %sub3A_576 = arith.constant 1 : i32
      %sub3A_577 = arith.subi %add3A_568, %sub3A_576 : i32
      %mul3A_578 = arith.constant 512 : i32
      %mul3A_579 = arith.muli %sub3A_577, %mul3A_578 : i32
      %add3A_580 = arith.addi %mul3A_2, %mul3A_579 : i32
      %dma_wait3A_581 = arith.constant 0 : i32
      %dma_wait3A_582 = tpu.memref_slice %arg3[%dma_wait3A_581, %add3A_580] : memref<75x524288xf32, #tpu.memory_space<hbm>> -> memref<75x512xf32, #tpu.memory_space<hbm>>
      %dma_wait3A_583 = arith.constant 0 : i32
      %dma_wait3A_584 = tpu.memref_slice %arg3[%dma_wait3A_583, %add3A_580] : memref<75x524288xf32, #tpu.memory_space<hbm>> -> memref<75x512xf32, #tpu.memory_space<hbm>>
      tpu.wait_dma2 semaphore(%arg13 : memref<!tpu.dma_semaphore, #tpu.memory_space<semaphore_mem>>) src(%arg5 : memref<75x512xf32, #tpu.memory_space<vmem>>) dst(%dma_wait3A_584 : memref<75x512xf32, #tpu.memory_space<hbm>>)
      %add3A_585 = arith.constant 2 : i32
      %add3A_586 = arith.addi %add3A_568, %add3A_585 : i32
      %mul3A_587 = arith.constant 512 : i32
      %mul3A_588 = arith.muli %add3A_586, %mul3A_587 : i32
      %add3A_589 = arith.addi %mul3A_2, %mul3A_588 : i32
      %dma_start3A_590 = arith.constant 0 : i32
      %dma_start3A_591 = tpu.memref_slice %arg2[%dma_start3A_590, %add3A_589] : memref<75x524288xf32, #tpu.memory_space<hbm>> -> memref<75x512xf32, #tpu.memory_space<hbm>>
      %dma_start3A_592 = arith.constant 0 : i32
      %dma_start3A_593 = tpu.memref_slice %arg2[%dma_start3A_592, %add3A_589] : memref<75x524288xf32, #tpu.memory_space<hbm>> -> memref<75x512xf32, #tpu.memory_space<hbm>>
      tpu.enqueue_dma source(%dma_start3A_593 : memref<75x512xf32, #tpu.memory_space<hbm>>) target(%arg5 : memref<75x512xf32, #tpu.memory_space<vmem>>) target_semaphore(%arg10 : memref<!tpu.dma_semaphore, #tpu.memory_space<semaphore_mem>>)
      %scan3A_594 = arith.constant 0 : i32
      %scan3A_595 = arith.constant 75 : i32
      %scan3A_596 = arith.addi %scan3A_594, %scan3A_595 : i32
      %scan3A_597 = arith.constant 1 : i32
      scf.for %scan3A_606 = %scan3A_594 to %scan3A_596 step %scan3A_597  : i32 {
        %mul3A_607 = arith.constant 1 : i32
        %mul3A_608 = arith.muli %scan3A_606, %mul3A_607 : i32
        %add3A_609 = arith.constant 0 : i32
        %add3A_610 = arith.addi %add3A_609, %mul3A_608 : i32
        %mul3A_611 = arith.constant 16 : i32
        %mul3A_612 = arith.muli %add3A_610, %mul3A_611 : i32
        %get3A = arith.index_cast %mul3A_612 : i32 to index
        %get3A_613 = tpu.vector_load %arg7[%get3A] {strides = array<i32>} : memref<1200xf32, #tpu.memory_space<vmem>>, vector<16xf32>,
        %mul3A_614 = arith.constant 16 : i32
        %mul3A_615 = arith.muli %add3A_610, %mul3A_614 : i32
        %get3A_616 = arith.index_cast %mul3A_615 : i32 to index
        %get3A_617 = tpu.vector_load %arg8[%get3A_616] {strides = array<i32>} : memref<1200xf32, #tpu.memory_space<vmem>>, vector<16xf32>,
        %get3A_618 = arith.index_cast %add3A_610 : i32 to index
        %get3A_619 = arith.constant 0 : index
        %get3A_620 = tpu.vector_load %arg6[%get3A_618, %get3A_619] {strides = array<i32>} : memref<75x512xf32, #tpu.memory_space<vmem>>, vector<16xf32>,
        %mul3A_621 = arith.mulf %get3A_620, %get3A_613 : vector<16xf32>
        %mul3A_622 = arith.mulf %mul3A_621, %get3A_617 : vector<16xf32>
        %swap3A = arith.index_cast %add3A_610 : i32 to index
        %swap3A_623 = arith.constant 0 : index
        %swap3A_624 = tpu.vector_load %arg6[%swap3A, %swap3A_623] {strides = array<i32>} : memref<75x512xf32, #tpu.memory_space<vmem>>, vector<16xf32>,
        tpu.vector_store %arg6[%swap3A, %swap3A_623], %mul3A_622 {strides = array<i32>} : memref<75x512xf32, #tpu.memory_space<vmem>>, vector<16xf32>,
        %get3A_625 = arith.index_cast %add3A_610 : i32 to index
        %get3A_626 = arith.constant 16 : index
        %get3A_627 = tpu.vector_load %arg6[%get3A_625, %get3A_626] {strides = array<i32>} : memref<75x512xf32, #tpu.memory_space<vmem>>, vector<16xf32>,
        %mul3A_628 = arith.mulf %get3A_627, %get3A_613 : vector<16xf32>
        %mul3A_629 = arith.mulf %mul3A_628, %get3A_617 : vector<16xf32>
        %swap3A_630 = arith.index_cast %add3A_610 : i32 to index
        %swap3A_631 = arith.constant 16 : index
        %swap3A_632 = tpu.vector_load %arg6[%swap3A_630, %swap3A_631] {strides = array<i32>} : memref<75x512xf32, #tpu.memory_space<vmem>>, vector<16xf32>,
        tpu.vector_store %arg6[%swap3A_630, %swap3A_631], %mul3A_629 {strides = array<i32>} : memref<75x512xf32, #tpu.memory_space<vmem>>, vector<16xf32>,
        %get3A_633 = arith.index_cast %add3A_610 : i32 to index
        %get3A_634 = arith.constant 32 : index
        %get3A_635 = tpu.vector_load %arg6[%get3A_633, %get3A_634] {strides = array<i32>} : memref<75x512xf32, #tpu.memory_space<vmem>>, vector<16xf32>,
        %mul3A_636 = arith.mulf %get3A_635, %get3A_613 : vector<16xf32>
        %mul3A_637 = arith.mulf %mul3A_636, %get3A_617 : vector<16xf32>
        %swap3A_638 = arith.index_cast %add3A_610 : i32 to index
        %swap3A_639 = arith.constant 32 : index
        %swap3A_640 = tpu.vector_load %arg6[%swap3A_638, %swap3A_639] {strides = array<i32>} : memref<75x512xf32, #tpu.memory_space<vmem>>, vector<16xf32>,
        tpu.vector_store %arg6[%swap3A_638, %swap3A_639], %mul3A_637 {strides = array<i32>} : memref<75x512xf32, #tpu.memory_space<vmem>>, vector<16xf32>,
        %get3A_641 = arith.index_cast %add3A_610 : i32 to index
        %get3A_642 = arith.constant 48 : index
        %get3A_643 = tpu.vector_load %arg6[%get3A_641, %get3A_642] {strides = array<i32>} : memref<75x512xf32, #tpu.memory_space<vmem>>, vector<16xf32>,
        %mul3A_644 = arith.mulf %get3A_643, %get3A_613 : vector<16xf32>
        %mul3A_645 = arith.mulf %mul3A_644, %get3A_617 : vector<16xf32>
        %swap3A_646 = arith.index_cast %add3A_610 : i32 to index
        %swap3A_647 = arith.constant 48 : index
        %swap3A_648 = tpu.vector_load %arg6[%swap3A_646, %swap3A_647] {strides = array<i32>} : memref<75x512xf32, #tpu.memory_space<vmem>>, vector<16xf32>,
        tpu.vector_store %arg6[%swap3A_646, %swap3A_647], %mul3A_645 {strides = array<i32>} : memref<75x512xf32, #tpu.memory_space<vmem>>, vector<16xf32>,
        %get3A_649 = arith.index_cast %add3A_610 : i32 to index
        %get3A_650 = arith.constant 64 : index
        %get3A_651 = tpu.vector_load %arg6[%get3A_649, %get3A_650] {strides = array<i32>} : memref<75x512xf32, #tpu.memory_space<vmem>>, vector<16xf32>,
        %mul3A_652 = arith.mulf %get3A_651, %get3A_613 : vector<16xf32>
        %mul3A_653 = arith.mulf %mul3A_652, %get3A_617 : vector<16xf32>
        %swap3A_654 = arith.index_cast %add3A_610 : i32 to index
        %swap3A_655 = arith.constant 64 : index
        %swap3A_656 = tpu.vector_load %arg6[%swap3A_654, %swap3A_655] {strides = array<i32>} : memref<75x512xf32, #tpu.memory_space<vmem>>, vector<16xf32>,
        tpu.vector_store %arg6[%swap3A_654, %swap3A_655], %mul3A_653 {strides = array<i32>} : memref<75x512xf32, #tpu.memory_space<vmem>>, vector<16xf32>,
        %get3A_657 = arith.index_cast %add3A_610 : i32 to index
        %get3A_658 = arith.constant 80 : index
        %get3A_659 = tpu.vector_load %arg6[%get3A_657, %get3A_658] {strides = array<i32>} : memref<75x512xf32, #tpu.memory_space<vmem>>, vector<16xf32>,
        %mul3A_660 = arith.mulf %get3A_659, %get3A_613 : vector<16xf32>
        %mul3A_661 = arith.mulf %mul3A_660, %get3A_617 : vector<16xf32>
        %swap3A_662 = arith.index_cast %add3A_610 : i32 to index
        %swap3A_663 = arith.constant 80 : index
        %swap3A_664 = tpu.vector_load %arg6[%swap3A_662, %swap3A_663] {strides = array<i32>} : memref<75x512xf32, #tpu.memory_space<vmem>>, vector<16xf32>,
        tpu.vector_store %arg6[%swap3A_662, %swap3A_663], %mul3A_661 {strides = array<i32>} : memref<75x512xf32, #tpu.memory_space<vmem>>, vector<16xf32>,
        %get3A_665 = arith.index_cast %add3A_610 : i32 to index
        %get3A_666 = arith.constant 96 : index
        %get3A_667 = tpu.vector_load %arg6[%get3A_665, %get3A_666] {strides = array<i32>} : memref<75x512xf32, #tpu.memory_space<vmem>>, vector<16xf32>,
        %mul3A_668 = arith.mulf %get3A_667, %get3A_613 : vector<16xf32>
        %mul3A_669 = arith.mulf %mul3A_668, %get3A_617 : vector<16xf32>
        %swap3A_670 = arith.index_cast %add3A_610 : i32 to index
        %swap3A_671 = arith.constant 96 : index
        %swap3A_672 = tpu.vector_load %arg6[%swap3A_670, %swap3A_671] {strides = array<i32>} : memref<75x512xf32, #tpu.memory_space<vmem>>, vector<16xf32>,
        tpu.vector_store %arg6[%swap3A_670, %swap3A_671], %mul3A_669 {strides = array<i32>} : memref<75x512xf32, #tpu.memory_space<vmem>>, vector<16xf32>,
        %get3A_673 = arith.index_cast %add3A_610 : i32 to index
        %get3A_674 = arith.constant 112 : index
        %get3A_675 = tpu.vector_load %arg6[%get3A_673, %get3A_674] {strides = array<i32>} : memref<75x512xf32, #tpu.memory_space<vmem>>, vector<16xf32>,
        %mul3A_676 = arith.mulf %get3A_675, %get3A_613 : vector<16xf32>
        %mul3A_677 = arith.mulf %mul3A_676, %get3A_617 : vector<16xf32>
        %swap3A_678 = arith.index_cast %add3A_610 : i32 to index
        %swap3A_679 = arith.constant 112 : index
        %swap3A_680 = tpu.vector_load %arg6[%swap3A_678, %swap3A_679] {strides = array<i32>} : memref<75x512xf32, #tpu.memory_space<vmem>>, vector<16xf32>,
        tpu.vector_store %arg6[%swap3A_678, %swap3A_679], %mul3A_677 {strides = array<i32>} : memref<75x512xf32, #tpu.memory_space<vmem>>, vector<16xf32>,
        %get3A_681 = arith.index_cast %add3A_610 : i32 to index
        %get3A_682 = arith.constant 128 : index
        %get3A_683 = tpu.vector_load %arg6[%get3A_681, %get3A_682] {strides = array<i32>} : memref<75x512xf32, #tpu.memory_space<vmem>>, vector<16xf32>,
        %mul3A_684 = arith.mulf %get3A_683, %get3A_613 : vector<16xf32>
        %mul3A_685 = arith.mulf %mul3A_684, %get3A_617 : vector<16xf32>
        %swap3A_686 = arith.index_cast %add3A_610 : i32 to index
        %swap3A_687 = arith.constant 128 : index
        %swap3A_688 = tpu.vector_load %arg6[%swap3A_686, %swap3A_687] {strides = array<i32>} : memref<75x512xf32, #tpu.memory_space<vmem>>, vector<16xf32>,
        tpu.vector_store %arg6[%swap3A_686, %swap3A_687], %mul3A_685 {strides = array<i32>} : memref<75x512xf32, #tpu.memory_space<vmem>>, vector<16xf32>,
        %get3A_689 = arith.index_cast %add3A_610 : i32 to index
        %get3A_690 = arith.constant 144 : index
        %get3A_691 = tpu.vector_load %arg6[%get3A_689, %get3A_690] {strides = array<i32>} : memref<75x512xf32, #tpu.memory_space<vmem>>, vector<16xf32>,
        %mul3A_692 = arith.mulf %get3A_691, %get3A_613 : vector<16xf32>
        %mul3A_693 = arith.mulf %mul3A_692, %get3A_617 : vector<16xf32>
        %swap3A_694 = arith.index_cast %add3A_610 : i32 to index
        %swap3A_695 = arith.constant 144 : index
        %swap3A_696 = tpu.vector_load %arg6[%swap3A_694, %swap3A_695] {strides = array<i32>} : memref<75x512xf32, #tpu.memory_space<vmem>>, vector<16xf32>,
        tpu.vector_store %arg6[%swap3A_694, %swap3A_695], %mul3A_693 {strides = array<i32>} : memref<75x512xf32, #tpu.memory_space<vmem>>, vector<16xf32>,
        %get3A_697 = arith.index_cast %add3A_610 : i32 to index
        %get3A_698 = arith.constant 160 : index
        %get3A_699 = tpu.vector_load %arg6[%get3A_697, %get3A_698] {strides = array<i32>} : memref<75x512xf32, #tpu.memory_space<vmem>>, vector<16xf32>,
        %mul3A_700 = arith.mulf %get3A_699, %get3A_613 : vector<16xf32>
        %mul3A_701 = arith.mulf %mul3A_700, %get3A_617 : vector<16xf32>
        %swap3A_702 = arith.index_cast %add3A_610 : i32 to index
        %swap3A_703 = arith.constant 160 : index
        %swap3A_704 = tpu.vector_load %arg6[%swap3A_702, %swap3A_703] {strides = array<i32>} : memref<75x512xf32, #tpu.memory_space<vmem>>, vector<16xf32>,
        tpu.vector_store %arg6[%swap3A_702, %swap3A_703], %mul3A_701 {strides = array<i32>} : memref<75x512xf32, #tpu.memory_space<vmem>>, vector<16xf32>,
        %get3A_705 = arith.index_cast %add3A_610 : i32 to index
        %get3A_706 = arith.constant 176 : index
        %get3A_707 = tpu.vector_load %arg6[%get3A_705, %get3A_706] {strides = array<i32>} : memref<75x512xf32, #tpu.memory_space<vmem>>, vector<16xf32>,
        %mul3A_708 = arith.mulf %get3A_707, %get3A_613 : vector<16xf32>
        %mul3A_709 = arith.mulf %mul3A_708, %get3A_617 : vector<16xf32>
        %swap3A_710 = arith.index_cast %add3A_610 : i32 to index
        %swap3A_711 = arith.constant 176 : index
        %swap3A_712 = tpu.vector_load %arg6[%swap3A_710, %swap3A_711] {strides = array<i32>} : memref<75x512xf32, #tpu.memory_space<vmem>>, vector<16xf32>,
        tpu.vector_store %arg6[%swap3A_710, %swap3A_711], %mul3A_709 {strides = array<i32>} : memref<75x512xf32, #tpu.memory_space<vmem>>, vector<16xf32>,
        %get3A_713 = arith.index_cast %add3A_610 : i32 to index
        %get3A_714 = arith.constant 192 : index
        %get3A_715 = tpu.vector_load %arg6[%get3A_713, %get3A_714] {strides = array<i32>} : memref<75x512xf32, #tpu.memory_space<vmem>>, vector<16xf32>,
        %mul3A_716 = arith.mulf %get3A_715, %get3A_613 : vector<16xf32>
        %mul3A_717 = arith.mulf %mul3A_716, %get3A_617 : vector<16xf32>
        %swap3A_718 = arith.index_cast %add3A_610 : i32 to index
        %swap3A_719 = arith.constant 192 : index
        %swap3A_720 = tpu.vector_load %arg6[%swap3A_718, %swap3A_719] {strides = array<i32>} : memref<75x512xf32, #tpu.memory_space<vmem>>, vector<16xf32>,
        tpu.vector_store %arg6[%swap3A_718, %swap3A_719], %mul3A_717 {strides = array<i32>} : memref<75x512xf32, #tpu.memory_space<vmem>>, vector<16xf32>,
        %get3A_721 = arith.index_cast %add3A_610 : i32 to index
        %get3A_722 = arith.constant 208 : index
        %get3A_723 = tpu.vector_load %arg6[%get3A_721, %get3A_722] {strides = array<i32>} : memref<75x512xf32, #tpu.memory_space<vmem>>, vector<16xf32>,
        %mul3A_724 = arith.mulf %get3A_723, %get3A_613 : vector<16xf32>
        %mul3A_725 = arith.mulf %mul3A_724, %get3A_617 : vector<16xf32>
        %swap3A_726 = arith.index_cast %add3A_610 : i32 to index
        %swap3A_727 = arith.constant 208 : index
        %swap3A_728 = tpu.vector_load %arg6[%swap3A_726, %swap3A_727] {strides = array<i32>} : memref<75x512xf32, #tpu.memory_space<vmem>>, vector<16xf32>,
        tpu.vector_store %arg6[%swap3A_726, %swap3A_727], %mul3A_725 {strides = array<i32>} : memref<75x512xf32, #tpu.memory_space<vmem>>, vector<16xf32>,
        %get3A_729 = arith.index_cast %add3A_610 : i32 to index
        %get3A_730 = arith.constant 224 : index
        %get3A_731 = tpu.vector_load %arg6[%get3A_729, %get3A_730] {strides = array<i32>} : memref<75x512xf32, #tpu.memory_space<vmem>>, vector<16xf32>,
        %mul3A_732 = arith.mulf %get3A_731, %get3A_613 : vector<16xf32>
        %mul3A_733 = arith.mulf %mul3A_732, %get3A_617 : vector<16xf32>
        %swap3A_734 = arith.index_cast %add3A_610 : i32 to index
        %swap3A_735 = arith.constant 224 : index
        %swap3A_736 = tpu.vector_load %arg6[%swap3A_734, %swap3A_735] {strides = array<i32>} : memref<75x512xf32, #tpu.memory_space<vmem>>, vector<16xf32>,
        tpu.vector_store %arg6[%swap3A_734, %swap3A_735], %mul3A_733 {strides = array<i32>} : memref<75x512xf32, #tpu.memory_space<vmem>>, vector<16xf32>,
        %get3A_737 = arith.index_cast %add3A_610 : i32 to index
        %get3A_738 = arith.constant 240 : index
        %get3A_739 = tpu.vector_load %arg6[%get3A_737, %get3A_738] {strides = array<i32>} : memref<75x512xf32, #tpu.memory_space<vmem>>, vector<16xf32>,
        %mul3A_740 = arith.mulf %get3A_739, %get3A_613 : vector<16xf32>
        %mul3A_741 = arith.mulf %mul3A_740, %get3A_617 : vector<16xf32>
        %swap3A_742 = arith.index_cast %add3A_610 : i32 to index
        %swap3A_743 = arith.constant 240 : index
        %swap3A_744 = tpu.vector_load %arg6[%swap3A_742, %swap3A_743] {strides = array<i32>} : memref<75x512xf32, #tpu.memory_space<vmem>>, vector<16xf32>,
        tpu.vector_store %arg6[%swap3A_742, %swap3A_743], %mul3A_741 {strides = array<i32>} : memref<75x512xf32, #tpu.memory_space<vmem>>, vector<16xf32>,
        %get3A_745 = arith.index_cast %add3A_610 : i32 to index
        %get3A_746 = arith.constant 256 : index
        %get3A_747 = tpu.vector_load %arg6[%get3A_745, %get3A_746] {strides = array<i32>} : memref<75x512xf32, #tpu.memory_space<vmem>>, vector<16xf32>,
        %mul3A_748 = arith.mulf %get3A_747, %get3A_613 : vector<16xf32>
        %mul3A_749 = arith.mulf %mul3A_748, %get3A_617 : vector<16xf32>
        %swap3A_750 = arith.index_cast %add3A_610 : i32 to index
        %swap3A_751 = arith.constant 256 : index
        %swap3A_752 = tpu.vector_load %arg6[%swap3A_750, %swap3A_751] {strides = array<i32>} : memref<75x512xf32, #tpu.memory_space<vmem>>, vector<16xf32>,
        tpu.vector_store %arg6[%swap3A_750, %swap3A_751], %mul3A_749 {strides = array<i32>} : memref<75x512xf32, #tpu.memory_space<vmem>>, vector<16xf32>,
        %get3A_753 = arith.index_cast %add3A_610 : i32 to index
        %get3A_754 = arith.constant 272 : index
        %get3A_755 = tpu.vector_load %arg6[%get3A_753, %get3A_754] {strides = array<i32>} : memref<75x512xf32, #tpu.memory_space<vmem>>, vector<16xf32>,
        %mul3A_756 = arith.mulf %get3A_755, %get3A_613 : vector<16xf32>
        %mul3A_757 = arith.mulf %mul3A_756, %get3A_617 : vector<16xf32>
        %swap3A_758 = arith.index_cast %add3A_610 : i32 to index
        %swap3A_759 = arith.constant 272 : index
        %swap3A_760 = tpu.vector_load %arg6[%swap3A_758, %swap3A_759] {strides = array<i32>} : memref<75x512xf32, #tpu.memory_space<vmem>>, vector<16xf32>,
        tpu.vector_store %arg6[%swap3A_758, %swap3A_759], %mul3A_757 {strides = array<i32>} : memref<75x512xf32, #tpu.memory_space<vmem>>, vector<16xf32>,
        %get3A_761 = arith.index_cast %add3A_610 : i32 to index
        %get3A_762 = arith.constant 288 : index
        %get3A_763 = tpu.vector_load %arg6[%get3A_761, %get3A_762] {strides = array<i32>} : memref<75x512xf32, #tpu.memory_space<vmem>>, vector<16xf32>,
        %mul3A_764 = arith.mulf %get3A_763, %get3A_613 : vector<16xf32>
        %mul3A_765 = arith.mulf %mul3A_764, %get3A_617 : vector<16xf32>
        %swap3A_766 = arith.index_cast %add3A_610 : i32 to index
        %swap3A_767 = arith.constant 288 : index
        %swap3A_768 = tpu.vector_load %arg6[%swap3A_766, %swap3A_767] {strides = array<i32>} : memref<75x512xf32, #tpu.memory_space<vmem>>, vector<16xf32>,
        tpu.vector_store %arg6[%swap3A_766, %swap3A_767], %mul3A_765 {strides = array<i32>} : memref<75x512xf32, #tpu.memory_space<vmem>>, vector<16xf32>,
        %get3A_769 = arith.index_cast %add3A_610 : i32 to index
        %get3A_770 = arith.constant 304 : index
        %get3A_771 = tpu.vector_load %arg6[%get3A_769, %get3A_770] {strides = array<i32>} : memref<75x512xf32, #tpu.memory_space<vmem>>, vector<16xf32>,
        %mul3A_772 = arith.mulf %get3A_771, %get3A_613 : vector<16xf32>
        %mul3A_773 = arith.mulf %mul3A_772, %get3A_617 : vector<16xf32>
        %swap3A_774 = arith.index_cast %add3A_610 : i32 to index
        %swap3A_775 = arith.constant 304 : index
        %swap3A_776 = tpu.vector_load %arg6[%swap3A_774, %swap3A_775] {strides = array<i32>} : memref<75x512xf32, #tpu.memory_space<vmem>>, vector<16xf32>,
        tpu.vector_store %arg6[%swap3A_774, %swap3A_775], %mul3A_773 {strides = array<i32>} : memref<75x512xf32, #tpu.memory_space<vmem>>, vector<16xf32>,
        %get3A_777 = arith.index_cast %add3A_610 : i32 to index
        %get3A_778 = arith.constant 320 : index
        %get3A_779 = tpu.vector_load %arg6[%get3A_777, %get3A_778] {strides = array<i32>} : memref<75x512xf32, #tpu.memory_space<vmem>>, vector<16xf32>,
        %mul3A_780 = arith.mulf %get3A_779, %get3A_613 : vector<16xf32>
        %mul3A_781 = arith.mulf %mul3A_780, %get3A_617 : vector<16xf32>
        %swap3A_782 = arith.index_cast %add3A_610 : i32 to index
        %swap3A_783 = arith.constant 320 : index
        %swap3A_784 = tpu.vector_load %arg6[%swap3A_782, %swap3A_783] {strides = array<i32>} : memref<75x512xf32, #tpu.memory_space<vmem>>, vector<16xf32>,
        tpu.vector_store %arg6[%swap3A_782, %swap3A_783], %mul3A_781 {strides = array<i32>} : memref<75x512xf32, #tpu.memory_space<vmem>>, vector<16xf32>,
        %get3A_785 = arith.index_cast %add3A_610 : i32 to index
        %get3A_786 = arith.constant 336 : index
        %get3A_787 = tpu.vector_load %arg6[%get3A_785, %get3A_786] {strides = array<i32>} : memref<75x512xf32, #tpu.memory_space<vmem>>, vector<16xf32>,
        %mul3A_788 = arith.mulf %get3A_787, %get3A_613 : vector<16xf32>
        %mul3A_789 = arith.mulf %mul3A_788, %get3A_617 : vector<16xf32>
        %swap3A_790 = arith.index_cast %add3A_610 : i32 to index
        %swap3A_791 = arith.constant 336 : index
        %swap3A_792 = tpu.vector_load %arg6[%swap3A_790, %swap3A_791] {strides = array<i32>} : memref<75x512xf32, #tpu.memory_space<vmem>>, vector<16xf32>,
        tpu.vector_store %arg6[%swap3A_790, %swap3A_791], %mul3A_789 {strides = array<i32>} : memref<75x512xf32, #tpu.memory_space<vmem>>, vector<16xf32>,
        %get3A_793 = arith.index_cast %add3A_610 : i32 to index
        %get3A_794 = arith.constant 352 : index
        %get3A_795 = tpu.vector_load %arg6[%get3A_793, %get3A_794] {strides = array<i32>} : memref<75x512xf32, #tpu.memory_space<vmem>>, vector<16xf32>,
        %mul3A_796 = arith.mulf %get3A_795, %get3A_613 : vector<16xf32>
        %mul3A_797 = arith.mulf %mul3A_796, %get3A_617 : vector<16xf32>
        %swap3A_798 = arith.index_cast %add3A_610 : i32 to index
        %swap3A_799 = arith.constant 352 : index
        %swap3A_800 = tpu.vector_load %arg6[%swap3A_798, %swap3A_799] {strides = array<i32>} : memref<75x512xf32, #tpu.memory_space<vmem>>, vector<16xf32>,
        tpu.vector_store %arg6[%swap3A_798, %swap3A_799], %mul3A_797 {strides = array<i32>} : memref<75x512xf32, #tpu.memory_space<vmem>>, vector<16xf32>,
        %get3A_801 = arith.index_cast %add3A_610 : i32 to index
        %get3A_802 = arith.constant 368 : index
        %get3A_803 = tpu.vector_load %arg6[%get3A_801, %get3A_802] {strides = array<i32>} : memref<75x512xf32, #tpu.memory_space<vmem>>, vector<16xf32>,
        %mul3A_804 = arith.mulf %get3A_803, %get3A_613 : vector<16xf32>
        %mul3A_805 = arith.mulf %mul3A_804, %get3A_617 : vector<16xf32>
        %swap3A_806 = arith.index_cast %add3A_610 : i32 to index
        %swap3A_807 = arith.constant 368 : index
        %swap3A_808 = tpu.vector_load %arg6[%swap3A_806, %swap3A_807] {strides = array<i32>} : memref<75x512xf32, #tpu.memory_space<vmem>>, vector<16xf32>,
        tpu.vector_store %arg6[%swap3A_806, %swap3A_807], %mul3A_805 {strides = array<i32>} : memref<75x512xf32, #tpu.memory_space<vmem>>, vector<16xf32>,
        %get3A_809 = arith.index_cast %add3A_610 : i32 to index
        %get3A_810 = arith.constant 384 : index
        %get3A_811 = tpu.vector_load %arg6[%get3A_809, %get3A_810] {strides = array<i32>} : memref<75x512xf32, #tpu.memory_space<vmem>>, vector<16xf32>,
        %mul3A_812 = arith.mulf %get3A_811, %get3A_613 : vector<16xf32>
        %mul3A_813 = arith.mulf %mul3A_812, %get3A_617 : vector<16xf32>
        %swap3A_814 = arith.index_cast %add3A_610 : i32 to index
        %swap3A_815 = arith.constant 384 : index
        %swap3A_816 = tpu.vector_load %arg6[%swap3A_814, %swap3A_815] {strides = array<i32>} : memref<75x512xf32, #tpu.memory_space<vmem>>, vector<16xf32>,
        tpu.vector_store %arg6[%swap3A_814, %swap3A_815], %mul3A_813 {strides = array<i32>} : memref<75x512xf32, #tpu.memory_space<vmem>>, vector<16xf32>,
        %get3A_817 = arith.index_cast %add3A_610 : i32 to index
        %get3A_818 = arith.constant 400 : index
        %get3A_819 = tpu.vector_load %arg6[%get3A_817, %get3A_818] {strides = array<i32>} : memref<75x512xf32, #tpu.memory_space<vmem>>, vector<16xf32>,
        %mul3A_820 = arith.mulf %get3A_819, %get3A_613 : vector<16xf32>
        %mul3A_821 = arith.mulf %mul3A_820, %get3A_617 : vector<16xf32>
        %swap3A_822 = arith.index_cast %add3A_610 : i32 to index
        %swap3A_823 = arith.constant 400 : index
        %swap3A_824 = tpu.vector_load %arg6[%swap3A_822, %swap3A_823] {strides = array<i32>} : memref<75x512xf32, #tpu.memory_space<vmem>>, vector<16xf32>,
        tpu.vector_store %arg6[%swap3A_822, %swap3A_823], %mul3A_821 {strides = array<i32>} : memref<75x512xf32, #tpu.memory_space<vmem>>, vector<16xf32>,
        %get3A_825 = arith.index_cast %add3A_610 : i32 to index
        %get3A_826 = arith.constant 416 : index
        %get3A_827 = tpu.vector_load %arg6[%get3A_825, %get3A_826] {strides = array<i32>} : memref<75x512xf32, #tpu.memory_space<vmem>>, vector<16xf32>,
        %mul3A_828 = arith.mulf %get3A_827, %get3A_613 : vector<16xf32>
        %mul3A_829 = arith.mulf %mul3A_828, %get3A_617 : vector<16xf32>
        %swap3A_830 = arith.index_cast %add3A_610 : i32 to index
        %swap3A_831 = arith.constant 416 : index
        %swap3A_832 = tpu.vector_load %arg6[%swap3A_830, %swap3A_831] {strides = array<i32>} : memref<75x512xf32, #tpu.memory_space<vmem>>, vector<16xf32>,
        tpu.vector_store %arg6[%swap3A_830, %swap3A_831], %mul3A_829 {strides = array<i32>} : memref<75x512xf32, #tpu.memory_space<vmem>>, vector<16xf32>,
        %get3A_833 = arith.index_cast %add3A_610 : i32 to index
        %get3A_834 = arith.constant 432 : index
        %get3A_835 = tpu.vector_load %arg6[%get3A_833, %get3A_834] {strides = array<i32>} : memref<75x512xf32, #tpu.memory_space<vmem>>, vector<16xf32>,
        %mul3A_836 = arith.mulf %get3A_835, %get3A_613 : vector<16xf32>
        %mul3A_837 = arith.mulf %mul3A_836, %get3A_617 : vector<16xf32>
        %swap3A_838 = arith.index_cast %add3A_610 : i32 to index
        %swap3A_839 = arith.constant 432 : index
        %swap3A_840 = tpu.vector_load %arg6[%swap3A_838, %swap3A_839] {strides = array<i32>} : memref<75x512xf32, #tpu.memory_space<vmem>>, vector<16xf32>,
        tpu.vector_store %arg6[%swap3A_838, %swap3A_839], %mul3A_837 {strides = array<i32>} : memref<75x512xf32, #tpu.memory_space<vmem>>, vector<16xf32>,
        %get3A_841 = arith.index_cast %add3A_610 : i32 to index
        %get3A_842 = arith.constant 448 : index
        %get3A_843 = tpu.vector_load %arg6[%get3A_841, %get3A_842] {strides = array<i32>} : memref<75x512xf32, #tpu.memory_space<vmem>>, vector<16xf32>,
        %mul3A_844 = arith.mulf %get3A_843, %get3A_613 : vector<16xf32>
        %mul3A_845 = arith.mulf %mul3A_844, %get3A_617 : vector<16xf32>
        %swap3A_846 = arith.index_cast %add3A_610 : i32 to index
        %swap3A_847 = arith.constant 448 : index
        %swap3A_848 = tpu.vector_load %arg6[%swap3A_846, %swap3A_847] {strides = array<i32>} : memref<75x512xf32, #tpu.memory_space<vmem>>, vector<16xf32>,
        tpu.vector_store %arg6[%swap3A_846, %swap3A_847], %mul3A_845 {strides = array<i32>} : memref<75x512xf32, #tpu.memory_space<vmem>>, vector<16xf32>,
        %get3A_849 = arith.index_cast %add3A_610 : i32 to index
        %get3A_850 = arith.constant 464 : index
        %get3A_851 = tpu.vector_load %arg6[%get3A_849, %get3A_850] {strides = array<i32>} : memref<75x512xf32, #tpu.memory_space<vmem>>, vector<16xf32>,
        %mul3A_852 = arith.mulf %get3A_851, %get3A_613 : vector<16xf32>
        %mul3A_853 = arith.mulf %mul3A_852, %get3A_617 : vector<16xf32>
        %swap3A_854 = arith.index_cast %add3A_610 : i32 to index
        %swap3A_855 = arith.constant 464 : index
        %swap3A_856 = tpu.vector_load %arg6[%swap3A_854, %swap3A_855] {strides = array<i32>} : memref<75x512xf32, #tpu.memory_space<vmem>>, vector<16xf32>,
        tpu.vector_store %arg6[%swap3A_854, %swap3A_855], %mul3A_853 {strides = array<i32>} : memref<75x512xf32, #tpu.memory_space<vmem>>, vector<16xf32>,
        %get3A_857 = arith.index_cast %add3A_610 : i32 to index
        %get3A_858 = arith.constant 480 : index
        %get3A_859 = tpu.vector_load %arg6[%get3A_857, %get3A_858] {strides = array<i32>} : memref<75x512xf32, #tpu.memory_space<vmem>>, vector<16xf32>,
        %mul3A_860 = arith.mulf %get3A_859, %get3A_613 : vector<16xf32>
        %mul3A_861 = arith.mulf %mul3A_860, %get3A_617 : vector<16xf32>
        %swap3A_862 = arith.index_cast %add3A_610 : i32 to index
        %swap3A_863 = arith.constant 480 : index
        %swap3A_864 = tpu.vector_load %arg6[%swap3A_862, %swap3A_863] {strides = array<i32>} : memref<75x512xf32, #tpu.memory_space<vmem>>, vector<16xf32>,
        tpu.vector_store %arg6[%swap3A_862, %swap3A_863], %mul3A_861 {strides = array<i32>} : memref<75x512xf32, #tpu.memory_space<vmem>>, vector<16xf32>,
        %get3A_865 = arith.index_cast %add3A_610 : i32 to index
        %get3A_866 = arith.constant 496 : index
        %get3A_867 = tpu.vector_load %arg6[%get3A_865, %get3A_866] {strides = array<i32>} : memref<75x512xf32, #tpu.memory_space<vmem>>, vector<16xf32>,
        %mul3A_868 = arith.mulf %get3A_867, %get3A_613 : vector<16xf32>
        %mul3A_869 = arith.mulf %mul3A_868, %get3A_617 : vector<16xf32>
        %swap3A_870 = arith.index_cast %add3A_610 : i32 to index
        %swap3A_871 = arith.constant 496 : index
        %swap3A_872 = tpu.vector_load %arg6[%swap3A_870, %swap3A_871] {strides = array<i32>} : memref<75x512xf32, #tpu.memory_space<vmem>>, vector<16xf32>,
        tpu.vector_store %arg6[%swap3A_870, %swap3A_871], %mul3A_869 {strides = array<i32>} : memref<75x512xf32, #tpu.memory_space<vmem>>, vector<16xf32>,
      }
      %scan3A_598 = arith.constant 75 : i32
      %mul3A_599 = arith.constant 512 : i32
      %mul3A_600 = arith.muli %add3A_568, %mul3A_599 : i32
      %add3A_601 = arith.addi %mul3A_2, %mul3A_600 : i32
      %dma_start3A_602 = arith.constant 0 : i32
      %dma_start3A_603 = tpu.memref_slice %arg3[%dma_start3A_602, %add3A_601] : memref<75x524288xf32, #tpu.memory_space<hbm>> -> memref<75x512xf32, #tpu.memory_space<hbm>>
      %dma_start3A_604 = arith.constant 0 : i32
      %dma_start3A_605 = tpu.memref_slice %arg3[%dma_start3A_604, %add3A_601] : memref<75x524288xf32, #tpu.memory_space<hbm>> -> memref<75x512xf32, #tpu.memory_space<hbm>>
      tpu.enqueue_dma source(%arg6 : memref<75x512xf32, #tpu.memory_space<vmem>>) target(%dma_start3A_605 : memref<75x512xf32, #tpu.memory_space<hbm>>) target_semaphore(%arg14 : memref<!tpu.dma_semaphore, #tpu.memory_space<semaphore_mem>>)
    }
    %scan3A_434 = arith.constant 9 : i32
    %add3A_435 = arith.constant 15360 : i32
    %add3A_436 = arith.addi %mul3A_2, %add3A_435 : i32
    %dma_wait3A_437 = arith.constant 0 : i32
    %dma_wait3A_438 = tpu.memref_slice %arg2[%dma_wait3A_437, %add3A_436] : memref<75x524288xf32, #tpu.memory_space<hbm>> -> memref<75x512xf32, #tpu.memory_space<hbm>>
    %dma_wait3A_439 = arith.constant 0 : i32
    %dma_wait3A_440 = tpu.memref_slice %arg2[%dma_wait3A_439, %add3A_436] : memref<75x524288xf32, #tpu.memory_space<hbm>> -> memref<75x512xf32, #tpu.memory_space<hbm>>
    tpu.wait_dma2 semaphore(%arg9 : memref<!tpu.dma_semaphore, #tpu.memory_space<semaphore_mem>>) src(%dma_wait3A_440 : memref<75x512xf32, #tpu.memory_space<hbm>>) dst(%arg4 : memref<75x512xf32, #tpu.memory_space<vmem>>)
    %scan3A_441 = arith.constant 0 : i32
    %scan3A_442 = arith.constant 75 : i32
    %scan3A_443 = arith.addi %scan3A_441, %scan3A_442 : i32
    %scan3A_444 = arith.constant 1 : i32
    scf.for %scan3A_487 = %scan3A_441 to %scan3A_443 step %scan3A_444  : i32 {
      %mul3A_488 = arith.constant 1 : i32
      %mul3A_489 = arith.muli %scan3A_487, %mul3A_488 : i32
      %add3A_490 = arith.constant 0 : i32
      %add3A_491 = arith.addi %add3A_490, %mul3A_489 : i32
      %mul3A_492 = arith.constant 16 : i32
      %mul3A_493 = arith.muli %add3A_491, %mul3A_492 : i32
      %get3A = arith.index_cast %mul3A_493 : i32 to index
      %get3A_494 = tpu.vector_load %arg7[%get3A] {strides = array<i32>} : memref<1200xf32, #tpu.memory_space<vmem>>, vector<16xf32>,
      %mul3A_495 = arith.constant 16 : i32
      %mul3A_496 = arith.muli %add3A_491, %mul3A_495 : i32
      %get3A_497 = arith.index_cast %mul3A_496 : i32 to index
      %get3A_498 = tpu.vector_load %arg8[%get3A_497] {strides = array<i32>} : memref<1200xf32, #tpu.memory_space<vmem>>, vector<16xf32>,
      %get3A_499 = arith.index_cast %add3A_491 : i32 to index
      %get3A_500 = arith.constant 0 : index
      %get3A_501 = tpu.vector_load %arg4[%get3A_499, %get3A_500] {strides = array<i32>} : memref<75x512xf32, #tpu.memory_space<vmem>>, vector<16xf32>,
      %mul3A_502 = arith.mulf %get3A_501, %get3A_494 : vector<16xf32>
      %mul3A_503 = arith.mulf %mul3A_502, %get3A_498 : vector<16xf32>
      %swap3A = arith.index_cast %add3A_491 : i32 to index
      %swap3A_504 = arith.constant 0 : index
      %swap3A_505 = tpu.vector_load %arg4[%swap3A, %swap3A_504] {strides = array<i32>} : memref<75x512xf32, #tpu.memory_space<vmem>>, vector<16xf32>,
      tpu.vector_store %arg4[%swap3A, %swap3A_504], %mul3A_503 {strides = array<i32>} : memref<75x512xf32, #tpu.memory_space<vmem>>, vector<16xf32>,
      %get3A_506 = arith.index_cast %add3A_491 : i32 to index
      %get3A_507 = arith.constant 16 : index
      %get3A_508 = tpu.vector_load %arg4[%get3A_506, %get3A_507] {strides = array<i32>} : memref<75x512xf32, #tpu.memory_space<vmem>>, vector<16xf32>,
      %mul3A_509 = arith.mulf %get3A_508, %get3A_494 : vector<16xf32>
      %mul3A_510 = arith.mulf %mul3A_509, %get3A_498 : vector<16xf32>
      %swap3A_511 = arith.index_cast %add3A_491 : i32 to index
      %swap3A_512 = arith.constant 16 : index
      %swap3A_513 = tpu.vector_load %arg4[%swap3A_511, %swap3A_512] {strides = array<i32>} : memref<75x512xf32, #tpu.memory_space<vmem>>, vector<16xf32>,
      tpu.vector_store %arg4[%swap3A_511, %swap3A_512], %mul3A_510 {strides = array<i32>} : memref<75x512xf32, #tpu.memory_space<vmem>>, vector<16xf32>,
      %get3A_514 = arith.index_cast %add3A_491 : i32 to index
      %get3A_515 = arith.constant 32 : index
      %get3A_516 = tpu.vector_load %arg4[%get3A_514, %get3A_515] {strides = array<i32>} : memref<75x512xf32, #tpu.memory_space<vmem>>, vector<16xf32>,
      %mul3A_517 = arith.mulf %get3A_516, %get3A_494 : vector<16xf32>
      %mul3A_518 = arith.mulf %mul3A_517, %get3A_498 : vector<16xf32>
      %swap3A_519 = arith.index_cast %add3A_491 : i32 to index
      %swap3A_520 = arith.constant 32 : index
      %swap3A_521 = tpu.vector_load %arg4[%swap3A_519, %swap3A_520] {strides = array<i32>} : memref<75x512xf32, #tpu.memory_space<vmem>>, vector<16xf32>,
      tpu.vector_store %arg4[%swap3A_519, %swap3A_520], %mul3A_518 {strides = array<i32>} : memref<75x512xf32, #tpu.memory_space<vmem>>, vector<16xf32>,
      %get3A_522 = arith.index_cast %add3A_491 : i32 to index
      %get3A_523 = arith.constant 48 : index
      %get3A_524 = tpu.vector_load %arg4[%get3A_522, %get3A_523] {strides = array<i32>} : memref<75x512xf32, #tpu.memory_space<vmem>>, vector<16xf32>,
      %mul3A_525 = arith.mulf %get3A_524, %get3A_494 : vector<16xf32>
      %mul3A_526 = arith.mulf %mul3A_525, %get3A_498 : vector<16xf32>
      %swap3A_527 = arith.index_cast %add3A_491 : i32 to index
      %swap3A_528 = arith.constant 48 : index
      %swap3A_529 = tpu.vector_load %arg4[%swap3A_527, %swap3A_528] {strides = array<i32>} : memref<75x512xf32, #tpu.memory_space<vmem>>, vector<16xf32>,
      tpu.vector_store %arg4[%swap3A_527, %swap3A_528], %mul3A_526 {strides = array<i32>} : memref<75x512xf32, #tpu.memory_space<vmem>>, vector<16xf32>,
      %get3A_530 = arith.index_cast %add3A_491 : i32 to index
      %get3A_531 = arith.constant 64 : index
      %get3A_532 = tpu.vector_load %arg4[%get3A_530, %get3A_531] {strides = array<i32>} : memref<75x512xf32, #tpu.memory_space<vmem>>, vector<16xf32>,
      %mul3A_533 = arith.mulf %get3A_532, %get3A_494 : vector<16xf32>
      %mul3A_534 = arith.mulf %mul3A_533, %get3A_498 : vector<16xf32>
      %swap3A_535 = arith.index_cast %add3A_491 : i32 to index
      %swap3A_536 = arith.constant 64 : index
      %swap3A_537 = tpu.vector_load %arg4[%swap3A_535, %swap3A_536] {strides = array<i32>} : memref<75x512xf32, #tpu.memory_space<vmem>>, vector<16xf32>,
      tpu.vector_store %arg4[%swap3A_535, %swap3A_536], %mul3A_534 {strides = array<i32>} : memref<75x512xf32, #tpu.memory_space<vmem>>, vector<16xf32>,
      %get3A_538 = arith.index_cast %add3A_491 : i32 to index
      %get3A_539 = arith.constant 80 : index
      %get3A_540 = tpu.vector_load %arg4[%get3A_538, %get3A_539] {strides = array<i32>} : memref<75x512xf32, #tpu.memory_space<vmem>>, vector<16xf32>,
      %mul3A_541 = arith.mulf %get3A_540, %get3A_494 : vector<16xf32>
      %mul3A_542 = arith.mulf %mul3A_541, %get3A_498 : vector<16xf32>
      %swap3A_543 = arith.index_cast %add3A_491 : i32 to index
      %swap3A_544 = arith.constant 80 : index
      %swap3A_545 = tpu.vector_load %arg4[%swap3A_543, %swap3A_544] {strides = array<i32>} : memref<75x512xf32, #tpu.memory_space<vmem>>, vector<16xf32>,
      tpu.vector_store %arg4[%swap3A_543, %swap3A_544], %mul3A_542 {strides = array<i32>} : memref<75x512xf32, #tpu.memory_space<vmem>>, vector<16xf32>,
      %get3A_546 = arith.index_cast %add3A_491 : i32 to index
      %get3A_547 = arith.constant 96 : index
      %get3A_548 = tpu.vector_load %arg4[%get3A_546, %get3A_547] {strides = array<i32>} : memref<75x512xf32, #tpu.memory_space<vmem>>, vector<16xf32>,
      %mul3A_549 = arith.mulf %get3A_548, %get3A_494 : vector<16xf32>
      %mul3A_550 = arith.mulf %mul3A_549, %get3A_498 : vector<16xf32>
      %swap3A_551 = arith.index_cast %add3A_491 : i32 to index
      %swap3A_552 = arith.constant 96 : index
      %swap3A_553 = tpu.vector_load %arg4[%swap3A_551, %swap3A_552] {strides = array<i32>} : memref<75x512xf32, #tpu.memory_space<vmem>>, vector<16xf32>,
      tpu.vector_store %arg4[%swap3A_551, %swap3A_552], %mul3A_550 {strides = array<i32>} : memref<75x512xf32, #tpu.memory_space<vmem>>, vector<16xf32>,
      %get3A_554 = arith.index_cast %add3A_491 : i32 to index
      %get3A_555 = arith.constant 112 : index
      %get3A_556 = tpu.vector_load %arg4[%get3A_554, %get3A_555] {strides = array<i32>} : memref<75x512xf32, #tpu.memory_space<vmem>>, vector<16xf32>,
      %mul3A_557 = arith.mulf %get3A_556, %get3A_494 : vector<16xf32>
      %mul3A_558 = arith.mulf %mul3A_557, %get3A_498 : vector<16xf32>
      %swap3A_559 = arith.index_cast %add3A_491 : i32 to index
      %swap3A_560 = arith.constant 112 : index
      %swap3A_561 = tpu.vector_load %arg4[%swap3A_559, %swap3A_560] {strides = array<i32>} : memref<75x512xf32, #tpu.memory_space<vmem>>, vector<16xf32>,
      tpu.vector_store %arg4[%swap3A_559, %swap3A_560], %mul3A_558 {strides = array<i32>} : memref<75x512xf32, #tpu.memory_space<vmem>>, vector<16xf32>,
      %get3A_562 = arith.index_cast %add3A_491 : i32 to index
      %get3A_563 = arith.constant 128 : index
      %get3A_564 = tpu.vector_load %arg4[%get3A_562, %get3A_563] {strides = array<i32>} : memref<75x512xf32, #tpu.memory_space<vmem>>, vector<16xf32>,
      %mul3A_565 = arith.mulf %get3A_564, %get3A_494 : vector<16xf32>
      %mul3A_566 = arith.mulf %mul3A_565, %get3A_498 : vector<16xf32>
      %swap3A_567 = arith.index_cast %add3A_491 : i32 to index
      %swap3A_568 = arith.constant 128 : index
      %swap3A_569 = tpu.vector_load %arg4[%swap3A_567, %swap3A_568] {strides = array<i32>} : memref<75x512xf32, #tpu.memory_space<vmem>>, vector<16xf32>,
      tpu.vector_store %arg4[%swap3A_567, %swap3A_568], %mul3A_566 {strides = array<i32>} : memref<75x512xf32, #tpu.memory_space<vmem>>, vector<16xf32>,
      %get3A_570 = arith.index_cast %add3A_491 : i32 to index
      %get3A_571 = arith.constant 144 : index
      %get3A_572 = tpu.vector_load %arg4[%get3A_570, %get3A_571] {strides = array<i32>} : memref<75x512xf32, #tpu.memory_space<vmem>>, vector<16xf32>,
      %mul3A_573 = arith.mulf %get3A_572, %get3A_494 : vector<16xf32>
      %mul3A_574 = arith.mulf %mul3A_573, %get3A_498 : vector<16xf32>
      %swap3A_575 = arith.index_cast %add3A_491 : i32 to index
      %swap3A_576 = arith.constant 144 : index
      %swap3A_577 = tpu.vector_load %arg4[%swap3A_575, %swap3A_576] {strides = array<i32>} : memref<75x512xf32, #tpu.memory_space<vmem>>, vector<16xf32>,
      tpu.vector_store %arg4[%swap3A_575, %swap3A_576], %mul3A_574 {strides = array<i32>} : memref<75x512xf32, #tpu.memory_space<vmem>>, vector<16xf32>,
      %get3A_578 = arith.index_cast %add3A_491 : i32 to index
      %get3A_579 = arith.constant 160 : index
      %get3A_580 = tpu.vector_load %arg4[%get3A_578, %get3A_579] {strides = array<i32>} : memref<75x512xf32, #tpu.memory_space<vmem>>, vector<16xf32>,
      %mul3A_581 = arith.mulf %get3A_580, %get3A_494 : vector<16xf32>
      %mul3A_582 = arith.mulf %mul3A_581, %get3A_498 : vector<16xf32>
      %swap3A_583 = arith.index_cast %add3A_491 : i32 to index
      %swap3A_584 = arith.constant 160 : index
      %swap3A_585 = tpu.vector_load %arg4[%swap3A_583, %swap3A_584] {strides = array<i32>} : memref<75x512xf32, #tpu.memory_space<vmem>>, vector<16xf32>,
      tpu.vector_store %arg4[%swap3A_583, %swap3A_584], %mul3A_582 {strides = array<i32>} : memref<75x512xf32, #tpu.memory_space<vmem>>, vector<16xf32>,
      %get3A_586 = arith.index_cast %add3A_491 : i32 to index
      %get3A_587 = arith.constant 176 : index
      %get3A_588 = tpu.vector_load %arg4[%get3A_586, %get3A_587] {strides = array<i32>} : memref<75x512xf32, #tpu.memory_space<vmem>>, vector<16xf32>,
      %mul3A_589 = arith.mulf %get3A_588, %get3A_494 : vector<16xf32>
      %mul3A_590 = arith.mulf %mul3A_589, %get3A_498 : vector<16xf32>
      %swap3A_591 = arith.index_cast %add3A_491 : i32 to index
      %swap3A_592 = arith.constant 176 : index
      %swap3A_593 = tpu.vector_load %arg4[%swap3A_591, %swap3A_592] {strides = array<i32>} : memref<75x512xf32, #tpu.memory_space<vmem>>, vector<16xf32>,
      tpu.vector_store %arg4[%swap3A_591, %swap3A_592], %mul3A_590 {strides = array<i32>} : memref<75x512xf32, #tpu.memory_space<vmem>>, vector<16xf32>,
      %get3A_594 = arith.index_cast %add3A_491 : i32 to index
      %get3A_595 = arith.constant 192 : index
      %get3A_596 = tpu.vector_load %arg4[%get3A_594, %get3A_595] {strides = array<i32>} : memref<75x512xf32, #tpu.memory_space<vmem>>, vector<16xf32>,
      %mul3A_597 = arith.mulf %get3A_596, %get3A_494 : vector<16xf32>
      %mul3A_598 = arith.mulf %mul3A_597, %get3A_498 : vector<16xf32>
      %swap3A_599 = arith.index_cast %add3A_491 : i32 to index
      %swap3A_600 = arith.constant 192 : index
      %swap3A_601 = tpu.vector_load %arg4[%swap3A_599, %swap3A_600] {strides = array<i32>} : memref<75x512xf32, #tpu.memory_space<vmem>>, vector<16xf32>,
      tpu.vector_store %arg4[%swap3A_599, %swap3A_600], %mul3A_598 {strides = array<i32>} : memref<75x512xf32, #tpu.memory_space<vmem>>, vector<16xf32>,
      %get3A_602 = arith.index_cast %add3A_491 : i32 to index
      %get3A_603 = arith.constant 208 : index
      %get3A_604 = tpu.vector_load %arg4[%get3A_602, %get3A_603] {strides = array<i32>} : memref<75x512xf32, #tpu.memory_space<vmem>>, vector<16xf32>,
      %mul3A_605 = arith.mulf %get3A_604, %get3A_494 : vector<16xf32>
      %mul3A_606 = arith.mulf %mul3A_605, %get3A_498 : vector<16xf32>
      %swap3A_607 = arith.index_cast %add3A_491 : i32 to index
      %swap3A_608 = arith.constant 208 : index
      %swap3A_609 = tpu.vector_load %arg4[%swap3A_607, %swap3A_608] {strides = array<i32>} : memref<75x512xf32, #tpu.memory_space<vmem>>, vector<16xf32>,
      tpu.vector_store %arg4[%swap3A_607, %swap3A_608], %mul3A_606 {strides = array<i32>} : memref<75x512xf32, #tpu.memory_space<vmem>>, vector<16xf32>,
      %get3A_610 = arith.index_cast %add3A_491 : i32 to index
      %get3A_611 = arith.constant 224 : index
      %get3A_612 = tpu.vector_load %arg4[%get3A_610, %get3A_611] {strides = array<i32>} : memref<75x512xf32, #tpu.memory_space<vmem>>, vector<16xf32>,
      %mul3A_613 = arith.mulf %get3A_612, %get3A_494 : vector<16xf32>
      %mul3A_614 = arith.mulf %mul3A_613, %get3A_498 : vector<16xf32>
      %swap3A_615 = arith.index_cast %add3A_491 : i32 to index
      %swap3A_616 = arith.constant 224 : index
      %swap3A_617 = tpu.vector_load %arg4[%swap3A_615, %swap3A_616] {strides = array<i32>} : memref<75x512xf32, #tpu.memory_space<vmem>>, vector<16xf32>,
      tpu.vector_store %arg4[%swap3A_615, %swap3A_616], %mul3A_614 {strides = array<i32>} : memref<75x512xf32, #tpu.memory_space<vmem>>, vector<16xf32>,
      %get3A_618 = arith.index_cast %add3A_491 : i32 to index
      %get3A_619 = arith.constant 240 : index
      %get3A_620 = tpu.vector_load %arg4[%get3A_618, %get3A_619] {strides = array<i32>} : memref<75x512xf32, #tpu.memory_space<vmem>>, vector<16xf32>,
      %mul3A_621 = arith.mulf %get3A_620, %get3A_494 : vector<16xf32>
      %mul3A_622 = arith.mulf %mul3A_621, %get3A_498 : vector<16xf32>
      %swap3A_623 = arith.index_cast %add3A_491 : i32 to index
      %swap3A_624 = arith.constant 240 : index
      %swap3A_625 = tpu.vector_load %arg4[%swap3A_623, %swap3A_624] {strides = array<i32>} : memref<75x512xf32, #tpu.memory_space<vmem>>, vector<16xf32>,
      tpu.vector_store %arg4[%swap3A_623, %swap3A_624], %mul3A_622 {strides = array<i32>} : memref<75x512xf32, #tpu.memory_space<vmem>>, vector<16xf32>,
      %get3A_626 = arith.index_cast %add3A_491 : i32 to index
      %get3A_627 = arith.constant 256 : index
      %get3A_628 = tpu.vector_load %arg4[%get3A_626, %get3A_627] {strides = array<i32>} : memref<75x512xf32, #tpu.memory_space<vmem>>, vector<16xf32>,
      %mul3A_629 = arith.mulf %get3A_628, %get3A_494 : vector<16xf32>
      %mul3A_630 = arith.mulf %mul3A_629, %get3A_498 : vector<16xf32>
      %swap3A_631 = arith.index_cast %add3A_491 : i32 to index
      %swap3A_632 = arith.constant 256 : index
      %swap3A_633 = tpu.vector_load %arg4[%swap3A_631, %swap3A_632] {strides = array<i32>} : memref<75x512xf32, #tpu.memory_space<vmem>>, vector<16xf32>,
      tpu.vector_store %arg4[%swap3A_631, %swap3A_632], %mul3A_630 {strides = array<i32>} : memref<75x512xf32, #tpu.memory_space<vmem>>, vector<16xf32>,
      %get3A_634 = arith.index_cast %add3A_491 : i32 to index
      %get3A_635 = arith.constant 272 : index
      %get3A_636 = tpu.vector_load %arg4[%get3A_634, %get3A_635] {strides = array<i32>} : memref<75x512xf32, #tpu.memory_space<vmem>>, vector<16xf32>,
      %mul3A_637 = arith.mulf %get3A_636, %get3A_494 : vector<16xf32>
      %mul3A_638 = arith.mulf %mul3A_637, %get3A_498 : vector<16xf32>
      %swap3A_639 = arith.index_cast %add3A_491 : i32 to index
      %swap3A_640 = arith.constant 272 : index
      %swap3A_641 = tpu.vector_load %arg4[%swap3A_639, %swap3A_640] {strides = array<i32>} : memref<75x512xf32, #tpu.memory_space<vmem>>, vector<16xf32>,
      tpu.vector_store %arg4[%swap3A_639, %swap3A_640], %mul3A_638 {strides = array<i32>} : memref<75x512xf32, #tpu.memory_space<vmem>>, vector<16xf32>,
      %get3A_642 = arith.index_cast %add3A_491 : i32 to index
      %get3A_643 = arith.constant 288 : index
      %get3A_644 = tpu.vector_load %arg4[%get3A_642, %get3A_643] {strides = array<i32>} : memref<75x512xf32, #tpu.memory_space<vmem>>, vector<16xf32>,
      %mul3A_645 = arith.mulf %get3A_644, %get3A_494 : vector<16xf32>
      %mul3A_646 = arith.mulf %mul3A_645, %get3A_498 : vector<16xf32>
      %swap3A_647 = arith.index_cast %add3A_491 : i32 to index
      %swap3A_648 = arith.constant 288 : index
      %swap3A_649 = tpu.vector_load %arg4[%swap3A_647, %swap3A_648] {strides = array<i32>} : memref<75x512xf32, #tpu.memory_space<vmem>>, vector<16xf32>,
      tpu.vector_store %arg4[%swap3A_647, %swap3A_648], %mul3A_646 {strides = array<i32>} : memref<75x512xf32, #tpu.memory_space<vmem>>, vector<16xf32>,
      %get3A_650 = arith.index_cast %add3A_491 : i32 to index
      %get3A_651 = arith.constant 304 : index
      %get3A_652 = tpu.vector_load %arg4[%get3A_650, %get3A_651] {strides = array<i32>} : memref<75x512xf32, #tpu.memory_space<vmem>>, vector<16xf32>,
      %mul3A_653 = arith.mulf %get3A_652, %get3A_494 : vector<16xf32>
      %mul3A_654 = arith.mulf %mul3A_653, %get3A_498 : vector<16xf32>
      %swap3A_655 = arith.index_cast %add3A_491 : i32 to index
      %swap3A_656 = arith.constant 304 : index
      %swap3A_657 = tpu.vector_load %arg4[%swap3A_655, %swap3A_656] {strides = array<i32>} : memref<75x512xf32, #tpu.memory_space<vmem>>, vector<16xf32>,
      tpu.vector_store %arg4[%swap3A_655, %swap3A_656], %mul3A_654 {strides = array<i32>} : memref<75x512xf32, #tpu.memory_space<vmem>>, vector<16xf32>,
      %get3A_658 = arith.index_cast %add3A_491 : i32 to index
      %get3A_659 = arith.constant 320 : index
      %get3A_660 = tpu.vector_load %arg4[%get3A_658, %get3A_659] {strides = array<i32>} : memref<75x512xf32, #tpu.memory_space<vmem>>, vector<16xf32>,
      %mul3A_661 = arith.mulf %get3A_660, %get3A_494 : vector<16xf32>
      %mul3A_662 = arith.mulf %mul3A_661, %get3A_498 : vector<16xf32>
      %swap3A_663 = arith.index_cast %add3A_491 : i32 to index
      %swap3A_664 = arith.constant 320 : index
      %swap3A_665 = tpu.vector_load %arg4[%swap3A_663, %swap3A_664] {strides = array<i32>} : memref<75x512xf32, #tpu.memory_space<vmem>>, vector<16xf32>,
      tpu.vector_store %arg4[%swap3A_663, %swap3A_664], %mul3A_662 {strides = array<i32>} : memref<75x512xf32, #tpu.memory_space<vmem>>, vector<16xf32>,
      %get3A_666 = arith.index_cast %add3A_491 : i32 to index
      %get3A_667 = arith.constant 336 : index
      %get3A_668 = tpu.vector_load %arg4[%get3A_666, %get3A_667] {strides = array<i32>} : memref<75x512xf32, #tpu.memory_space<vmem>>, vector<16xf32>,
      %mul3A_669 = arith.mulf %get3A_668, %get3A_494 : vector<16xf32>
      %mul3A_670 = arith.mulf %mul3A_669, %get3A_498 : vector<16xf32>
      %swap3A_671 = arith.index_cast %add3A_491 : i32 to index
      %swap3A_672 = arith.constant 336 : index
      %swap3A_673 = tpu.vector_load %arg4[%swap3A_671, %swap3A_672] {strides = array<i32>} : memref<75x512xf32, #tpu.memory_space<vmem>>, vector<16xf32>,
      tpu.vector_store %arg4[%swap3A_671, %swap3A_672], %mul3A_670 {strides = array<i32>} : memref<75x512xf32, #tpu.memory_space<vmem>>, vector<16xf32>,
      %get3A_674 = arith.index_cast %add3A_491 : i32 to index
      %get3A_675 = arith.constant 352 : index
      %get3A_676 = tpu.vector_load %arg4[%get3A_674, %get3A_675] {strides = array<i32>} : memref<75x512xf32, #tpu.memory_space<vmem>>, vector<16xf32>,
      %mul3A_677 = arith.mulf %get3A_676, %get3A_494 : vector<16xf32>
      %mul3A_678 = arith.mulf %mul3A_677, %get3A_498 : vector<16xf32>
      %swap3A_679 = arith.index_cast %add3A_491 : i32 to index
      %swap3A_680 = arith.constant 352 : index
      %swap3A_681 = tpu.vector_load %arg4[%swap3A_679, %swap3A_680] {strides = array<i32>} : memref<75x512xf32, #tpu.memory_space<vmem>>, vector<16xf32>,
      tpu.vector_store %arg4[%swap3A_679, %swap3A_680], %mul3A_678 {strides = array<i32>} : memref<75x512xf32, #tpu.memory_space<vmem>>, vector<16xf32>,
      %get3A_682 = arith.index_cast %add3A_491 : i32 to index
      %get3A_683 = arith.constant 368 : index
      %get3A_684 = tpu.vector_load %arg4[%get3A_682, %get3A_683] {strides = array<i32>} : memref<75x512xf32, #tpu.memory_space<vmem>>, vector<16xf32>,
      %mul3A_685 = arith.mulf %get3A_684, %get3A_494 : vector<16xf32>
      %mul3A_686 = arith.mulf %mul3A_685, %get3A_498 : vector<16xf32>
      %swap3A_687 = arith.index_cast %add3A_491 : i32 to index
      %swap3A_688 = arith.constant 368 : index
      %swap3A_689 = tpu.vector_load %arg4[%swap3A_687, %swap3A_688] {strides = array<i32>} : memref<75x512xf32, #tpu.memory_space<vmem>>, vector<16xf32>,
      tpu.vector_store %arg4[%swap3A_687, %swap3A_688], %mul3A_686 {strides = array<i32>} : memref<75x512xf32, #tpu.memory_space<vmem>>, vector<16xf32>,
      %get3A_690 = arith.index_cast %add3A_491 : i32 to index
      %get3A_691 = arith.constant 384 : index
      %get3A_692 = tpu.vector_load %arg4[%get3A_690, %get3A_691] {strides = array<i32>} : memref<75x512xf32, #tpu.memory_space<vmem>>, vector<16xf32>,
      %mul3A_693 = arith.mulf %get3A_692, %get3A_494 : vector<16xf32>
      %mul3A_694 = arith.mulf %mul3A_693, %get3A_498 : vector<16xf32>
      %swap3A_695 = arith.index_cast %add3A_491 : i32 to index
      %swap3A_696 = arith.constant 384 : index
      %swap3A_697 = tpu.vector_load %arg4[%swap3A_695, %swap3A_696] {strides = array<i32>} : memref<75x512xf32, #tpu.memory_space<vmem>>, vector<16xf32>,
      tpu.vector_store %arg4[%swap3A_695, %swap3A_696], %mul3A_694 {strides = array<i32>} : memref<75x512xf32, #tpu.memory_space<vmem>>, vector<16xf32>,
      %get3A_698 = arith.index_cast %add3A_491 : i32 to index
      %get3A_699 = arith.constant 400 : index
      %get3A_700 = tpu.vector_load %arg4[%get3A_698, %get3A_699] {strides = array<i32>} : memref<75x512xf32, #tpu.memory_space<vmem>>, vector<16xf32>,
      %mul3A_701 = arith.mulf %get3A_700, %get3A_494 : vector<16xf32>
      %mul3A_702 = arith.mulf %mul3A_701, %get3A_498 : vector<16xf32>
      %swap3A_703 = arith.index_cast %add3A_491 : i32 to index
      %swap3A_704 = arith.constant 400 : index
      %swap3A_705 = tpu.vector_load %arg4[%swap3A_703, %swap3A_704] {strides = array<i32>} : memref<75x512xf32, #tpu.memory_space<vmem>>, vector<16xf32>,
      tpu.vector_store %arg4[%swap3A_703, %swap3A_704], %mul3A_702 {strides = array<i32>} : memref<75x512xf32, #tpu.memory_space<vmem>>, vector<16xf32>,
      %get3A_706 = arith.index_cast %add3A_491 : i32 to index
      %get3A_707 = arith.constant 416 : index
      %get3A_708 = tpu.vector_load %arg4[%get3A_706, %get3A_707] {strides = array<i32>} : memref<75x512xf32, #tpu.memory_space<vmem>>, vector<16xf32>,
      %mul3A_709 = arith.mulf %get3A_708, %get3A_494 : vector<16xf32>
      %mul3A_710 = arith.mulf %mul3A_709, %get3A_498 : vector<16xf32>
      %swap3A_711 = arith.index_cast %add3A_491 : i32 to index
      %swap3A_712 = arith.constant 416 : index
      %swap3A_713 = tpu.vector_load %arg4[%swap3A_711, %swap3A_712] {strides = array<i32>} : memref<75x512xf32, #tpu.memory_space<vmem>>, vector<16xf32>,
      tpu.vector_store %arg4[%swap3A_711, %swap3A_712], %mul3A_710 {strides = array<i32>} : memref<75x512xf32, #tpu.memory_space<vmem>>, vector<16xf32>,
      %get3A_714 = arith.index_cast %add3A_491 : i32 to index
      %get3A_715 = arith.constant 432 : index
      %get3A_716 = tpu.vector_load %arg4[%get3A_714, %get3A_715] {strides = array<i32>} : memref<75x512xf32, #tpu.memory_space<vmem>>, vector<16xf32>,
      %mul3A_717 = arith.mulf %get3A_716, %get3A_494 : vector<16xf32>
      %mul3A_718 = arith.mulf %mul3A_717, %get3A_498 : vector<16xf32>
      %swap3A_719 = arith.index_cast %add3A_491 : i32 to index
      %swap3A_720 = arith.constant 432 : index
      %swap3A_721 = tpu.vector_load %arg4[%swap3A_719, %swap3A_720] {strides = array<i32>} : memref<75x512xf32, #tpu.memory_space<vmem>>, vector<16xf32>,
      tpu.vector_store %arg4[%swap3A_719, %swap3A_720], %mul3A_718 {strides = array<i32>} : memref<75x512xf32, #tpu.memory_space<vmem>>, vector<16xf32>,
      %get3A_722 = arith.index_cast %add3A_491 : i32 to index
      %get3A_723 = arith.constant 448 : index
      %get3A_724 = tpu.vector_load %arg4[%get3A_722, %get3A_723] {strides = array<i32>} : memref<75x512xf32, #tpu.memory_space<vmem>>, vector<16xf32>,
      %mul3A_725 = arith.mulf %get3A_724, %get3A_494 : vector<16xf32>
      %mul3A_726 = arith.mulf %mul3A_725, %get3A_498 : vector<16xf32>
      %swap3A_727 = arith.index_cast %add3A_491 : i32 to index
      %swap3A_728 = arith.constant 448 : index
      %swap3A_729 = tpu.vector_load %arg4[%swap3A_727, %swap3A_728] {strides = array<i32>} : memref<75x512xf32, #tpu.memory_space<vmem>>, vector<16xf32>,
      tpu.vector_store %arg4[%swap3A_727, %swap3A_728], %mul3A_726 {strides = array<i32>} : memref<75x512xf32, #tpu.memory_space<vmem>>, vector<16xf32>,
      %get3A_730 = arith.index_cast %add3A_491 : i32 to index
      %get3A_731 = arith.constant 464 : index
      %get3A_732 = tpu.vector_load %arg4[%get3A_730, %get3A_731] {strides = array<i32>} : memref<75x512xf32, #tpu.memory_space<vmem>>, vector<16xf32>,
      %mul3A_733 = arith.mulf %get3A_732, %get3A_494 : vector<16xf32>
      %mul3A_734 = arith.mulf %mul3A_733, %get3A_498 : vector<16xf32>
      %swap3A_735 = arith.index_cast %add3A_491 : i32 to index
      %swap3A_736 = arith.constant 464 : index
      %swap3A_737 = tpu.vector_load %arg4[%swap3A_735, %swap3A_736] {strides = array<i32>} : memref<75x512xf32, #tpu.memory_space<vmem>>, vector<16xf32>,
      tpu.vector_store %arg4[%swap3A_735, %swap3A_736], %mul3A_734 {strides = array<i32>} : memref<75x512xf32, #tpu.memory_space<vmem>>, vector<16xf32>,
      %get3A_738 = arith.index_cast %add3A_491 : i32 to index
      %get3A_739 = arith.constant 480 : index
      %get3A_740 = tpu.vector_load %arg4[%get3A_738, %get3A_739] {strides = array<i32>} : memref<75x512xf32, #tpu.memory_space<vmem>>, vector<16xf32>,
      %mul3A_741 = arith.mulf %get3A_740, %get3A_494 : vector<16xf32>
      %mul3A_742 = arith.mulf %mul3A_741, %get3A_498 : vector<16xf32>
      %swap3A_743 = arith.index_cast %add3A_491 : i32 to index
      %swap3A_744 = arith.constant 480 : index
      %swap3A_745 = tpu.vector_load %arg4[%swap3A_743, %swap3A_744] {strides = array<i32>} : memref<75x512xf32, #tpu.memory_space<vmem>>, vector<16xf32>,
      tpu.vector_store %arg4[%swap3A_743, %swap3A_744], %mul3A_742 {strides = array<i32>} : memref<75x512xf32, #tpu.memory_space<vmem>>, vector<16xf32>,
      %get3A_746 = arith.index_cast %add3A_491 : i32 to index
      %get3A_747 = arith.constant 496 : index
      %get3A_748 = tpu.vector_load %arg4[%get3A_746, %get3A_747] {strides = array<i32>} : memref<75x512xf32, #tpu.memory_space<vmem>>, vector<16xf32>,
      %mul3A_749 = arith.mulf %get3A_748, %get3A_494 : vector<16xf32>
      %mul3A_750 = arith.mulf %mul3A_749, %get3A_498 : vector<16xf32>
      %swap3A_751 = arith.index_cast %add3A_491 : i32 to index
      %swap3A_752 = arith.constant 496 : index
      %swap3A_753 = tpu.vector_load %arg4[%swap3A_751, %swap3A_752] {strides = array<i32>} : memref<75x512xf32, #tpu.memory_space<vmem>>, vector<16xf32>,
      tpu.vector_store %arg4[%swap3A_751, %swap3A_752], %mul3A_750 {strides = array<i32>} : memref<75x512xf32, #tpu.memory_space<vmem>>, vector<16xf32>,
    }
    %scan3A_445 = arith.constant 75 : i32
    %add3A_446 = arith.constant 15360 : i32
    %add3A_447 = arith.addi %mul3A_2, %add3A_446 : i32
    %dma_start3A_448 = arith.constant 0 : i32
    %dma_start3A_449 = tpu.memref_slice %arg3[%dma_start3A_448, %add3A_447] : memref<75x524288xf32, #tpu.memory_space<hbm>> -> memref<75x512xf32, #tpu.memory_space<hbm>>
    %dma_start3A_450 = arith.constant 0 : i32
    %dma_start3A_451 = tpu.memref_slice %arg3[%dma_start3A_450, %add3A_447] : memref<75x524288xf32, #tpu.memory_space<hbm>> -> memref<75x512xf32, #tpu.memory_space<hbm>>
    tpu.enqueue_dma source(%arg4 : memref<75x512xf32, #tpu.memory_space<vmem>>) target(%dma_start3A_451 : memref<75x512xf32, #tpu.memory_space<hbm>>) target_semaphore(%arg12 : memref<!tpu.dma_semaphore, #tpu.memory_space<semaphore_mem>>)
    %add3A_452 = arith.constant 15872 : i32
    %add3A_453 = arith.addi %mul3A_2, %add3A_452 : i32
    %dma_wait3A_454 = arith.constant 0 : i32
    %dma_wait3A_455 = tpu.memref_slice %arg2[%dma_wait3A_454, %add3A_453] : memref<75x524288xf32, #tpu.memory_space<hbm>> -> memref<75x512xf32, #tpu.memory_space<hbm>>
    %dma_wait3A_456 = arith.constant 0 : i32
    %dma_wait3A_457 = tpu.memref_slice %arg2[%dma_wait3A_456, %add3A_453] : memref<75x524288xf32, #tpu.memory_space<hbm>> -> memref<75x512xf32, #tpu.memory_space<hbm>>
    tpu.wait_dma2 semaphore(%arg10 : memref<!tpu.dma_semaphore, #tpu.memory_space<semaphore_mem>>) src(%dma_wait3A_457 : memref<75x512xf32, #tpu.memory_space<hbm>>) dst(%arg5 : memref<75x512xf32, #tpu.memory_space<vmem>>)
    %scan3A_458 = arith.constant 0 : i32
    %scan3A_459 = arith.constant 75 : i32
    %scan3A_460 = arith.addi %scan3A_458, %scan3A_459 : i32
    %scan3A_461 = arith.constant 1 : i32
    scf.for %scan3A_487 = %scan3A_458 to %scan3A_460 step %scan3A_461  : i32 {
      %mul3A_488 = arith.constant 1 : i32
      %mul3A_489 = arith.muli %scan3A_487, %mul3A_488 : i32
      %add3A_490 = arith.constant 0 : i32
      %add3A_491 = arith.addi %add3A_490, %mul3A_489 : i32
      %mul3A_492 = arith.constant 16 : i32
      %mul3A_493 = arith.muli %add3A_491, %mul3A_492 : i32
      %get3A = arith.index_cast %mul3A_493 : i32 to index
      %get3A_494 = tpu.vector_load %arg7[%get3A] {strides = array<i32>} : memref<1200xf32, #tpu.memory_space<vmem>>, vector<16xf32>,
      %mul3A_495 = arith.constant 16 : i32
      %mul3A_496 = arith.muli %add3A_491, %mul3A_495 : i32
      %get3A_497 = arith.index_cast %mul3A_496 : i32 to index
      %get3A_498 = tpu.vector_load %arg8[%get3A_497] {strides = array<i32>} : memref<1200xf32, #tpu.memory_space<vmem>>, vector<16xf32>,
      %get3A_499 = arith.index_cast %add3A_491 : i32 to index
      %get3A_500 = arith.constant 0 : index
      %get3A_501 = tpu.vector_load %arg5[%get3A_499, %get3A_500] {strides = array<i32>} : memref<75x512xf32, #tpu.memory_space<vmem>>, vector<16xf32>,
      %mul3A_502 = arith.mulf %get3A_501, %get3A_494 : vector<16xf32>
      %mul3A_503 = arith.mulf %mul3A_502, %get3A_498 : vector<16xf32>
      %swap3A = arith.index_cast %add3A_491 : i32 to index
      %swap3A_504 = arith.constant 0 : index
      %swap3A_505 = tpu.vector_load %arg5[%swap3A, %swap3A_504] {strides = array<i32>} : memref<75x512xf32, #tpu.memory_space<vmem>>, vector<16xf32>,
      tpu.vector_store %arg5[%swap3A, %swap3A_504], %mul3A_503 {strides = array<i32>} : memref<75x512xf32, #tpu.memory_space<vmem>>, vector<16xf32>,
      %get3A_506 = arith.index_cast %add3A_491 : i32 to index
      %get3A_507 = arith.constant 16 : index
      %get3A_508 = tpu.vector_load %arg5[%get3A_506, %get3A_507] {strides = array<i32>} : memref<75x512xf32, #tpu.memory_space<vmem>>, vector<16xf32>,
      %mul3A_509 = arith.mulf %get3A_508, %get3A_494 : vector<16xf32>
      %mul3A_510 = arith.mulf %mul3A_509, %get3A_498 : vector<16xf32>
      %swap3A_511 = arith.index_cast %add3A_491 : i32 to index
      %swap3A_512 = arith.constant 16 : index
      %swap3A_513 = tpu.vector_load %arg5[%swap3A_511, %swap3A_512] {strides = array<i32>} : memref<75x512xf32, #tpu.memory_space<vmem>>, vector<16xf32>,
      tpu.vector_store %arg5[%swap3A_511, %swap3A_512], %mul3A_510 {strides = array<i32>} : memref<75x512xf32, #tpu.memory_space<vmem>>, vector<16xf32>,
      %get3A_514 = arith.index_cast %add3A_491 : i32 to index
      %get3A_515 = arith.constant 32 : index
      %get3A_516 = tpu.vector_load %arg5[%get3A_514, %get3A_515] {strides = array<i32>} : memref<75x512xf32, #tpu.memory_space<vmem>>, vector<16xf32>,
      %mul3A_517 = arith.mulf %get3A_516, %get3A_494 : vector<16xf32>
      %mul3A_518 = arith.mulf %mul3A_517, %get3A_498 : vector<16xf32>
      %swap3A_519 = arith.index_cast %add3A_491 : i32 to index
      %swap3A_520 = arith.constant 32 : index
      %swap3A_521 = tpu.vector_load %arg5[%swap3A_519, %swap3A_520] {strides = array<i32>} : memref<75x512xf32, #tpu.memory_space<vmem>>, vector<16xf32>,
      tpu.vector_store %arg5[%swap3A_519, %swap3A_520], %mul3A_518 {strides = array<i32>} : memref<75x512xf32, #tpu.memory_space<vmem>>, vector<16xf32>,
      %get3A_522 = arith.index_cast %add3A_491 : i32 to index
      %get3A_523 = arith.constant 48 : index
      %get3A_524 = tpu.vector_load %arg5[%get3A_522, %get3A_523] {strides = array<i32>} : memref<75x512xf32, #tpu.memory_space<vmem>>, vector<16xf32>,
      %mul3A_525 = arith.mulf %get3A_524, %get3A_494 : vector<16xf32>
      %mul3A_526 = arith.mulf %mul3A_525, %get3A_498 : vector<16xf32>
      %swap3A_527 = arith.index_cast %add3A_491 : i32 to index
      %swap3A_528 = arith.constant 48 : index
      %swap3A_529 = tpu.vector_load %arg5[%swap3A_527, %swap3A_528] {strides = array<i32>} : memref<75x512xf32, #tpu.memory_space<vmem>>, vector<16xf32>,
      tpu.vector_store %arg5[%swap3A_527, %swap3A_528], %mul3A_526 {strides = array<i32>} : memref<75x512xf32, #tpu.memory_space<vmem>>, vector<16xf32>,
      %get3A_530 = arith.index_cast %add3A_491 : i32 to index
      %get3A_531 = arith.constant 64 : index
      %get3A_532 = tpu.vector_load %arg5[%get3A_530, %get3A_531] {strides = array<i32>} : memref<75x512xf32, #tpu.memory_space<vmem>>, vector<16xf32>,
      %mul3A_533 = arith.mulf %get3A_532, %get3A_494 : vector<16xf32>
      %mul3A_534 = arith.mulf %mul3A_533, %get3A_498 : vector<16xf32>
      %swap3A_535 = arith.index_cast %add3A_491 : i32 to index
      %swap3A_536 = arith.constant 64 : index
      %swap3A_537 = tpu.vector_load %arg5[%swap3A_535, %swap3A_536] {strides = array<i32>} : memref<75x512xf32, #tpu.memory_space<vmem>>, vector<16xf32>,
      tpu.vector_store %arg5[%swap3A_535, %swap3A_536], %mul3A_534 {strides = array<i32>} : memref<75x512xf32, #tpu.memory_space<vmem>>, vector<16xf32>,
      %get3A_538 = arith.index_cast %add3A_491 : i32 to index
      %get3A_539 = arith.constant 80 : index
      %get3A_540 = tpu.vector_load %arg5[%get3A_538, %get3A_539] {strides = array<i32>} : memref<75x512xf32, #tpu.memory_space<vmem>>, vector<16xf32>,
      %mul3A_541 = arith.mulf %get3A_540, %get3A_494 : vector<16xf32>
      %mul3A_542 = arith.mulf %mul3A_541, %get3A_498 : vector<16xf32>
      %swap3A_543 = arith.index_cast %add3A_491 : i32 to index
      %swap3A_544 = arith.constant 80 : index
      %swap3A_545 = tpu.vector_load %arg5[%swap3A_543, %swap3A_544] {strides = array<i32>} : memref<75x512xf32, #tpu.memory_space<vmem>>, vector<16xf32>,
      tpu.vector_store %arg5[%swap3A_543, %swap3A_544], %mul3A_542 {strides = array<i32>} : memref<75x512xf32, #tpu.memory_space<vmem>>, vector<16xf32>,
      %get3A_546 = arith.index_cast %add3A_491 : i32 to index
      %get3A_547 = arith.constant 96 : index
      %get3A_548 = tpu.vector_load %arg5[%get3A_546, %get3A_547] {strides = array<i32>} : memref<75x512xf32, #tpu.memory_space<vmem>>, vector<16xf32>,
      %mul3A_549 = arith.mulf %get3A_548, %get3A_494 : vector<16xf32>
      %mul3A_550 = arith.mulf %mul3A_549, %get3A_498 : vector<16xf32>
      %swap3A_551 = arith.index_cast %add3A_491 : i32 to index
      %swap3A_552 = arith.constant 96 : index
      %swap3A_553 = tpu.vector_load %arg5[%swap3A_551, %swap3A_552] {strides = array<i32>} : memref<75x512xf32, #tpu.memory_space<vmem>>, vector<16xf32>,
      tpu.vector_store %arg5[%swap3A_551, %swap3A_552], %mul3A_550 {strides = array<i32>} : memref<75x512xf32, #tpu.memory_space<vmem>>, vector<16xf32>,
      %get3A_554 = arith.index_cast %add3A_491 : i32 to index
      %get3A_555 = arith.constant 112 : index
      %get3A_556 = tpu.vector_load %arg5[%get3A_554, %get3A_555] {strides = array<i32>} : memref<75x512xf32, #tpu.memory_space<vmem>>, vector<16xf32>,
      %mul3A_557 = arith.mulf %get3A_556, %get3A_494 : vector<16xf32>
      %mul3A_558 = arith.mulf %mul3A_557, %get3A_498 : vector<16xf32>
      %swap3A_559 = arith.index_cast %add3A_491 : i32 to index
      %swap3A_560 = arith.constant 112 : index
      %swap3A_561 = tpu.vector_load %arg5[%swap3A_559, %swap3A_560] {strides = array<i32>} : memref<75x512xf32, #tpu.memory_space<vmem>>, vector<16xf32>,
      tpu.vector_store %arg5[%swap3A_559, %swap3A_560], %mul3A_558 {strides = array<i32>} : memref<75x512xf32, #tpu.memory_space<vmem>>, vector<16xf32>,
      %get3A_562 = arith.index_cast %add3A_491 : i32 to index
      %get3A_563 = arith.constant 128 : index
      %get3A_564 = tpu.vector_load %arg5[%get3A_562, %get3A_563] {strides = array<i32>} : memref<75x512xf32, #tpu.memory_space<vmem>>, vector<16xf32>,
      %mul3A_565 = arith.mulf %get3A_564, %get3A_494 : vector<16xf32>
      %mul3A_566 = arith.mulf %mul3A_565, %get3A_498 : vector<16xf32>
      %swap3A_567 = arith.index_cast %add3A_491 : i32 to index
      %swap3A_568 = arith.constant 128 : index
      %swap3A_569 = tpu.vector_load %arg5[%swap3A_567, %swap3A_568] {strides = array<i32>} : memref<75x512xf32, #tpu.memory_space<vmem>>, vector<16xf32>,
      tpu.vector_store %arg5[%swap3A_567, %swap3A_568], %mul3A_566 {strides = array<i32>} : memref<75x512xf32, #tpu.memory_space<vmem>>, vector<16xf32>,
      %get3A_570 = arith.index_cast %add3A_491 : i32 to index
      %get3A_571 = arith.constant 144 : index
      %get3A_572 = tpu.vector_load %arg5[%get3A_570, %get3A_571] {strides = array<i32>} : memref<75x512xf32, #tpu.memory_space<vmem>>, vector<16xf32>,
      %mul3A_573 = arith.mulf %get3A_572, %get3A_494 : vector<16xf32>
      %mul3A_574 = arith.mulf %mul3A_573, %get3A_498 : vector<16xf32>
      %swap3A_575 = arith.index_cast %add3A_491 : i32 to index
      %swap3A_576 = arith.constant 144 : index
      %swap3A_577 = tpu.vector_load %arg5[%swap3A_575, %swap3A_576] {strides = array<i32>} : memref<75x512xf32, #tpu.memory_space<vmem>>, vector<16xf32>,
      tpu.vector_store %arg5[%swap3A_575, %swap3A_576], %mul3A_574 {strides = array<i32>} : memref<75x512xf32, #tpu.memory_space<vmem>>, vector<16xf32>,
      %get3A_578 = arith.index_cast %add3A_491 : i32 to index
      %get3A_579 = arith.constant 160 : index
      %get3A_580 = tpu.vector_load %arg5[%get3A_578, %get3A_579] {strides = array<i32>} : memref<75x512xf32, #tpu.memory_space<vmem>>, vector<16xf32>,
      %mul3A_581 = arith.mulf %get3A_580, %get3A_494 : vector<16xf32>
      %mul3A_582 = arith.mulf %mul3A_581, %get3A_498 : vector<16xf32>
      %swap3A_583 = arith.index_cast %add3A_491 : i32 to index
      %swap3A_584 = arith.constant 160 : index
      %swap3A_585 = tpu.vector_load %arg5[%swap3A_583, %swap3A_584] {strides = array<i32>} : memref<75x512xf32, #tpu.memory_space<vmem>>, vector<16xf32>,
      tpu.vector_store %arg5[%swap3A_583, %swap3A_584], %mul3A_582 {strides = array<i32>} : memref<75x512xf32, #tpu.memory_space<vmem>>, vector<16xf32>,
      %get3A_586 = arith.index_cast %add3A_491 : i32 to index
      %get3A_587 = arith.constant 176 : index
      %get3A_588 = tpu.vector_load %arg5[%get3A_586, %get3A_587] {strides = array<i32>} : memref<75x512xf32, #tpu.memory_space<vmem>>, vector<16xf32>,
      %mul3A_589 = arith.mulf %get3A_588, %get3A_494 : vector<16xf32>
      %mul3A_590 = arith.mulf %mul3A_589, %get3A_498 : vector<16xf32>
      %swap3A_591 = arith.index_cast %add3A_491 : i32 to index
      %swap3A_592 = arith.constant 176 : index
      %swap3A_593 = tpu.vector_load %arg5[%swap3A_591, %swap3A_592] {strides = array<i32>} : memref<75x512xf32, #tpu.memory_space<vmem>>, vector<16xf32>,
      tpu.vector_store %arg5[%swap3A_591, %swap3A_592], %mul3A_590 {strides = array<i32>} : memref<75x512xf32, #tpu.memory_space<vmem>>, vector<16xf32>,
      %get3A_594 = arith.index_cast %add3A_491 : i32 to index
      %get3A_595 = arith.constant 192 : index
      %get3A_596 = tpu.vector_load %arg5[%get3A_594, %get3A_595] {strides = array<i32>} : memref<75x512xf32, #tpu.memory_space<vmem>>, vector<16xf32>,
      %mul3A_597 = arith.mulf %get3A_596, %get3A_494 : vector<16xf32>
      %mul3A_598 = arith.mulf %mul3A_597, %get3A_498 : vector<16xf32>
      %swap3A_599 = arith.index_cast %add3A_491 : i32 to index
      %swap3A_600 = arith.constant 192 : index
      %swap3A_601 = tpu.vector_load %arg5[%swap3A_599, %swap3A_600] {strides = array<i32>} : memref<75x512xf32, #tpu.memory_space<vmem>>, vector<16xf32>,
      tpu.vector_store %arg5[%swap3A_599, %swap3A_600], %mul3A_598 {strides = array<i32>} : memref<75x512xf32, #tpu.memory_space<vmem>>, vector<16xf32>,
      %get3A_602 = arith.index_cast %add3A_491 : i32 to index
      %get3A_603 = arith.constant 208 : index
      %get3A_604 = tpu.vector_load %arg5[%get3A_602, %get3A_603] {strides = array<i32>} : memref<75x512xf32, #tpu.memory_space<vmem>>, vector<16xf32>,
      %mul3A_605 = arith.mulf %get3A_604, %get3A_494 : vector<16xf32>
      %mul3A_606 = arith.mulf %mul3A_605, %get3A_498 : vector<16xf32>
      %swap3A_607 = arith.index_cast %add3A_491 : i32 to index
      %swap3A_608 = arith.constant 208 : index
      %swap3A_609 = tpu.vector_load %arg5[%swap3A_607, %swap3A_608] {strides = array<i32>} : memref<75x512xf32, #tpu.memory_space<vmem>>, vector<16xf32>,
      tpu.vector_store %arg5[%swap3A_607, %swap3A_608], %mul3A_606 {strides = array<i32>} : memref<75x512xf32, #tpu.memory_space<vmem>>, vector<16xf32>,
      %get3A_610 = arith.index_cast %add3A_491 : i32 to index
      %get3A_611 = arith.constant 224 : index
      %get3A_612 = tpu.vector_load %arg5[%get3A_610, %get3A_611] {strides = array<i32>} : memref<75x512xf32, #tpu.memory_space<vmem>>, vector<16xf32>,
      %mul3A_613 = arith.mulf %get3A_612, %get3A_494 : vector<16xf32>
      %mul3A_614 = arith.mulf %mul3A_613, %get3A_498 : vector<16xf32>
      %swap3A_615 = arith.index_cast %add3A_491 : i32 to index
      %swap3A_616 = arith.constant 224 : index
      %swap3A_617 = tpu.vector_load %arg5[%swap3A_615, %swap3A_616] {strides = array<i32>} : memref<75x512xf32, #tpu.memory_space<vmem>>, vector<16xf32>,
      tpu.vector_store %arg5[%swap3A_615, %swap3A_616], %mul3A_614 {strides = array<i32>} : memref<75x512xf32, #tpu.memory_space<vmem>>, vector<16xf32>,
      %get3A_618 = arith.index_cast %add3A_491 : i32 to index
      %get3A_619 = arith.constant 240 : index
      %get3A_620 = tpu.vector_load %arg5[%get3A_618, %get3A_619] {strides = array<i32>} : memref<75x512xf32, #tpu.memory_space<vmem>>, vector<16xf32>,
      %mul3A_621 = arith.mulf %get3A_620, %get3A_494 : vector<16xf32>
      %mul3A_622 = arith.mulf %mul3A_621, %get3A_498 : vector<16xf32>
      %swap3A_623 = arith.index_cast %add3A_491 : i32 to index
      %swap3A_624 = arith.constant 240 : index
      %swap3A_625 = tpu.vector_load %arg5[%swap3A_623, %swap3A_624] {strides = array<i32>} : memref<75x512xf32, #tpu.memory_space<vmem>>, vector<16xf32>,
      tpu.vector_store %arg5[%swap3A_623, %swap3A_624], %mul3A_622 {strides = array<i32>} : memref<75x512xf32, #tpu.memory_space<vmem>>, vector<16xf32>,
      %get3A_626 = arith.index_cast %add3A_491 : i32 to index
      %get3A_627 = arith.constant 256 : index
      %get3A_628 = tpu.vector_load %arg5[%get3A_626, %get3A_627] {strides = array<i32>} : memref<75x512xf32, #tpu.memory_space<vmem>>, vector<16xf32>,
      %mul3A_629 = arith.mulf %get3A_628, %get3A_494 : vector<16xf32>
      %mul3A_630 = arith.mulf %mul3A_629, %get3A_498 : vector<16xf32>
      %swap3A_631 = arith.index_cast %add3A_491 : i32 to index
      %swap3A_632 = arith.constant 256 : index
      %swap3A_633 = tpu.vector_load %arg5[%swap3A_631, %swap3A_632] {strides = array<i32>} : memref<75x512xf32, #tpu.memory_space<vmem>>, vector<16xf32>,
      tpu.vector_store %arg5[%swap3A_631, %swap3A_632], %mul3A_630 {strides = array<i32>} : memref<75x512xf32, #tpu.memory_space<vmem>>, vector<16xf32>,
      %get3A_634 = arith.index_cast %add3A_491 : i32 to index
      %get3A_635 = arith.constant 272 : index
      %get3A_636 = tpu.vector_load %arg5[%get3A_634, %get3A_635] {strides = array<i32>} : memref<75x512xf32, #tpu.memory_space<vmem>>, vector<16xf32>,
      %mul3A_637 = arith.mulf %get3A_636, %get3A_494 : vector<16xf32>
      %mul3A_638 = arith.mulf %mul3A_637, %get3A_498 : vector<16xf32>
      %swap3A_639 = arith.index_cast %add3A_491 : i32 to index
      %swap3A_640 = arith.constant 272 : index
      %swap3A_641 = tpu.vector_load %arg5[%swap3A_639, %swap3A_640] {strides = array<i32>} : memref<75x512xf32, #tpu.memory_space<vmem>>, vector<16xf32>,
      tpu.vector_store %arg5[%swap3A_639, %swap3A_640], %mul3A_638 {strides = array<i32>} : memref<75x512xf32, #tpu.memory_space<vmem>>, vector<16xf32>,
      %get3A_642 = arith.index_cast %add3A_491 : i32 to index
      %get3A_643 = arith.constant 288 : index
      %get3A_644 = tpu.vector_load %arg5[%get3A_642, %get3A_643] {strides = array<i32>} : memref<75x512xf32, #tpu.memory_space<vmem>>, vector<16xf32>,
      %mul3A_645 = arith.mulf %get3A_644, %get3A_494 : vector<16xf32>
      %mul3A_646 = arith.mulf %mul3A_645, %get3A_498 : vector<16xf32>
      %swap3A_647 = arith.index_cast %add3A_491 : i32 to index
      %swap3A_648 = arith.constant 288 : index
      %swap3A_649 = tpu.vector_load %arg5[%swap3A_647, %swap3A_648] {strides = array<i32>} : memref<75x512xf32, #tpu.memory_space<vmem>>, vector<16xf32>,
      tpu.vector_store %arg5[%swap3A_647, %swap3A_648], %mul3A_646 {strides = array<i32>} : memref<75x512xf32, #tpu.memory_space<vmem>>, vector<16xf32>,
      %get3A_650 = arith.index_cast %add3A_491 : i32 to index
      %get3A_651 = arith.constant 304 : index
      %get3A_652 = tpu.vector_load %arg5[%get3A_650, %get3A_651] {strides = array<i32>} : memref<75x512xf32, #tpu.memory_space<vmem>>, vector<16xf32>,
      %mul3A_653 = arith.mulf %get3A_652, %get3A_494 : vector<16xf32>
      %mul3A_654 = arith.mulf %mul3A_653, %get3A_498 : vector<16xf32>
      %swap3A_655 = arith.index_cast %add3A_491 : i32 to index
      %swap3A_656 = arith.constant 304 : index
      %swap3A_657 = tpu.vector_load %arg5[%swap3A_655, %swap3A_656] {strides = array<i32>} : memref<75x512xf32, #tpu.memory_space<vmem>>, vector<16xf32>,
      tpu.vector_store %arg5[%swap3A_655, %swap3A_656], %mul3A_654 {strides = array<i32>} : memref<75x512xf32, #tpu.memory_space<vmem>>, vector<16xf32>,
      %get3A_658 = arith.index_cast %add3A_491 : i32 to index
      %get3A_659 = arith.constant 320 : index
      %get3A_660 = tpu.vector_load %arg5[%get3A_658, %get3A_659] {strides = array<i32>} : memref<75x512xf32, #tpu.memory_space<vmem>>, vector<16xf32>,
      %mul3A_661 = arith.mulf %get3A_660, %get3A_494 : vector<16xf32>
      %mul3A_662 = arith.mulf %mul3A_661, %get3A_498 : vector<16xf32>
      %swap3A_663 = arith.index_cast %add3A_491 : i32 to index
      %swap3A_664 = arith.constant 320 : index
      %swap3A_665 = tpu.vector_load %arg5[%swap3A_663, %swap3A_664] {strides = array<i32>} : memref<75x512xf32, #tpu.memory_space<vmem>>, vector<16xf32>,
      tpu.vector_store %arg5[%swap3A_663, %swap3A_664], %mul3A_662 {strides = array<i32>} : memref<75x512xf32, #tpu.memory_space<vmem>>, vector<16xf32>,
      %get3A_666 = arith.index_cast %add3A_491 : i32 to index
      %get3A_667 = arith.constant 336 : index
      %get3A_668 = tpu.vector_load %arg5[%get3A_666, %get3A_667] {strides = array<i32>} : memref<75x512xf32, #tpu.memory_space<vmem>>, vector<16xf32>,
      %mul3A_669 = arith.mulf %get3A_668, %get3A_494 : vector<16xf32>
      %mul3A_670 = arith.mulf %mul3A_669, %get3A_498 : vector<16xf32>
      %swap3A_671 = arith.index_cast %add3A_491 : i32 to index
      %swap3A_672 = arith.constant 336 : index
      %swap3A_673 = tpu.vector_load %arg5[%swap3A_671, %swap3A_672] {strides = array<i32>} : memref<75x512xf32, #tpu.memory_space<vmem>>, vector<16xf32>,
      tpu.vector_store %arg5[%swap3A_671, %swap3A_672], %mul3A_670 {strides = array<i32>} : memref<75x512xf32, #tpu.memory_space<vmem>>, vector<16xf32>,
      %get3A_674 = arith.index_cast %add3A_491 : i32 to index
      %get3A_675 = arith.constant 352 : index
      %get3A_676 = tpu.vector_load %arg5[%get3A_674, %get3A_675] {strides = array<i32>} : memref<75x512xf32, #tpu.memory_space<vmem>>, vector<16xf32>,
      %mul3A_677 = arith.mulf %get3A_676, %get3A_494 : vector<16xf32>
      %mul3A_678 = arith.mulf %mul3A_677, %get3A_498 : vector<16xf32>
      %swap3A_679 = arith.index_cast %add3A_491 : i32 to index
      %swap3A_680 = arith.constant 352 : index
      %swap3A_681 = tpu.vector_load %arg5[%swap3A_679, %swap3A_680] {strides = array<i32>} : memref<75x512xf32, #tpu.memory_space<vmem>>, vector<16xf32>,
      tpu.vector_store %arg5[%swap3A_679, %swap3A_680], %mul3A_678 {strides = array<i32>} : memref<75x512xf32, #tpu.memory_space<vmem>>, vector<16xf32>,
      %get3A_682 = arith.index_cast %add3A_491 : i32 to index
      %get3A_683 = arith.constant 368 : index
      %get3A_684 = tpu.vector_load %arg5[%get3A_682, %get3A_683] {strides = array<i32>} : memref<75x512xf32, #tpu.memory_space<vmem>>, vector<16xf32>,
      %mul3A_685 = arith.mulf %get3A_684, %get3A_494 : vector<16xf32>
      %mul3A_686 = arith.mulf %mul3A_685, %get3A_498 : vector<16xf32>
      %swap3A_687 = arith.index_cast %add3A_491 : i32 to index
      %swap3A_688 = arith.constant 368 : index
      %swap3A_689 = tpu.vector_load %arg5[%swap3A_687, %swap3A_688] {strides = array<i32>} : memref<75x512xf32, #tpu.memory_space<vmem>>, vector<16xf32>,
      tpu.vector_store %arg5[%swap3A_687, %swap3A_688], %mul3A_686 {strides = array<i32>} : memref<75x512xf32, #tpu.memory_space<vmem>>, vector<16xf32>,
      %get3A_690 = arith.index_cast %add3A_491 : i32 to index
      %get3A_691 = arith.constant 384 : index
      %get3A_692 = tpu.vector_load %arg5[%get3A_690, %get3A_691] {strides = array<i32>} : memref<75x512xf32, #tpu.memory_space<vmem>>, vector<16xf32>,
      %mul3A_693 = arith.mulf %get3A_692, %get3A_494 : vector<16xf32>
      %mul3A_694 = arith.mulf %mul3A_693, %get3A_498 : vector<16xf32>
      %swap3A_695 = arith.index_cast %add3A_491 : i32 to index
      %swap3A_696 = arith.constant 384 : index
      %swap3A_697 = tpu.vector_load %arg5[%swap3A_695, %swap3A_696] {strides = array<i32>} : memref<75x512xf32, #tpu.memory_space<vmem>>, vector<16xf32>,
      tpu.vector_store %arg5[%swap3A_695, %swap3A_696], %mul3A_694 {strides = array<i32>} : memref<75x512xf32, #tpu.memory_space<vmem>>, vector<16xf32>,
      %get3A_698 = arith.index_cast %add3A_491 : i32 to index
      %get3A_699 = arith.constant 400 : index
      %get3A_700 = tpu.vector_load %arg5[%get3A_698, %get3A_699] {strides = array<i32>} : memref<75x512xf32, #tpu.memory_space<vmem>>, vector<16xf32>,
      %mul3A_701 = arith.mulf %get3A_700, %get3A_494 : vector<16xf32>
      %mul3A_702 = arith.mulf %mul3A_701, %get3A_498 : vector<16xf32>
      %swap3A_703 = arith.index_cast %add3A_491 : i32 to index
      %swap3A_704 = arith.constant 400 : index
      %swap3A_705 = tpu.vector_load %arg5[%swap3A_703, %swap3A_704] {strides = array<i32>} : memref<75x512xf32, #tpu.memory_space<vmem>>, vector<16xf32>,
      tpu.vector_store %arg5[%swap3A_703, %swap3A_704], %mul3A_702 {strides = array<i32>} : memref<75x512xf32, #tpu.memory_space<vmem>>, vector<16xf32>,
      %get3A_706 = arith.index_cast %add3A_491 : i32 to index
      %get3A_707 = arith.constant 416 : index
      %get3A_708 = tpu.vector_load %arg5[%get3A_706, %get3A_707] {strides = array<i32>} : memref<75x512xf32, #tpu.memory_space<vmem>>, vector<16xf32>,
      %mul3A_709 = arith.mulf %get3A_708, %get3A_494 : vector<16xf32>
      %mul3A_710 = arith.mulf %mul3A_709, %get3A_498 : vector<16xf32>
      %swap3A_711 = arith.index_cast %add3A_491 : i32 to index
      %swap3A_712 = arith.constant 416 : index
      %swap3A_713 = tpu.vector_load %arg5[%swap3A_711, %swap3A_712] {strides = array<i32>} : memref<75x512xf32, #tpu.memory_space<vmem>>, vector<16xf32>,
      tpu.vector_store %arg5[%swap3A_711, %swap3A_712], %mul3A_710 {strides = array<i32>} : memref<75x512xf32, #tpu.memory_space<vmem>>, vector<16xf32>,
      %get3A_714 = arith.index_cast %add3A_491 : i32 to index
      %get3A_715 = arith.constant 432 : index
      %get3A_716 = tpu.vector_load %arg5[%get3A_714, %get3A_715] {strides = array<i32>} : memref<75x512xf32, #tpu.memory_space<vmem>>, vector<16xf32>,
      %mul3A_717 = arith.mulf %get3A_716, %get3A_494 : vector<16xf32>
      %mul3A_718 = arith.mulf %mul3A_717, %get3A_498 : vector<16xf32>
      %swap3A_719 = arith.index_cast %add3A_491 : i32 to index
      %swap3A_720 = arith.constant 432 : index
      %swap3A_721 = tpu.vector_load %arg5[%swap3A_719, %swap3A_720] {strides = array<i32>} : memref<75x512xf32, #tpu.memory_space<vmem>>, vector<16xf32>,
      tpu.vector_store %arg5[%swap3A_719, %swap3A_720], %mul3A_718 {strides = array<i32>} : memref<75x512xf32, #tpu.memory_space<vmem>>, vector<16xf32>,
      %get3A_722 = arith.index_cast %add3A_491 : i32 to index
      %get3A_723 = arith.constant 448 : index
      %get3A_724 = tpu.vector_load %arg5[%get3A_722, %get3A_723] {strides = array<i32>} : memref<75x512xf32, #tpu.memory_space<vmem>>, vector<16xf32>,
      %mul3A_725 = arith.mulf %get3A_724, %get3A_494 : vector<16xf32>
      %mul3A_726 = arith.mulf %mul3A_725, %get3A_498 : vector<16xf32>
      %swap3A_727 = arith.index_cast %add3A_491 : i32 to index
      %swap3A_728 = arith.constant 448 : index
      %swap3A_729 = tpu.vector_load %arg5[%swap3A_727, %swap3A_728] {strides = array<i32>} : memref<75x512xf32, #tpu.memory_space<vmem>>, vector<16xf32>,
      tpu.vector_store %arg5[%swap3A_727, %swap3A_728], %mul3A_726 {strides = array<i32>} : memref<75x512xf32, #tpu.memory_space<vmem>>, vector<16xf32>,
      %get3A_730 = arith.index_cast %add3A_491 : i32 to index
      %get3A_731 = arith.constant 464 : index
      %get3A_732 = tpu.vector_load %arg5[%get3A_730, %get3A_731] {strides = array<i32>} : memref<75x512xf32, #tpu.memory_space<vmem>>, vector<16xf32>,
      %mul3A_733 = arith.mulf %get3A_732, %get3A_494 : vector<16xf32>
      %mul3A_734 = arith.mulf %mul3A_733, %get3A_498 : vector<16xf32>
      %swap3A_735 = arith.index_cast %add3A_491 : i32 to index
      %swap3A_736 = arith.constant 464 : index
      %swap3A_737 = tpu.vector_load %arg5[%swap3A_735, %swap3A_736] {strides = array<i32>} : memref<75x512xf32, #tpu.memory_space<vmem>>, vector<16xf32>,
      tpu.vector_store %arg5[%swap3A_735, %swap3A_736], %mul3A_734 {strides = array<i32>} : memref<75x512xf32, #tpu.memory_space<vmem>>, vector<16xf32>,
      %get3A_738 = arith.index_cast %add3A_491 : i32 to index
      %get3A_739 = arith.constant 480 : index
      %get3A_740 = tpu.vector_load %arg5[%get3A_738, %get3A_739] {strides = array<i32>} : memref<75x512xf32, #tpu.memory_space<vmem>>, vector<16xf32>,
      %mul3A_741 = arith.mulf %get3A_740, %get3A_494 : vector<16xf32>
      %mul3A_742 = arith.mulf %mul3A_741, %get3A_498 : vector<16xf32>
      %swap3A_743 = arith.index_cast %add3A_491 : i32 to index
      %swap3A_744 = arith.constant 480 : index
      %swap3A_745 = tpu.vector_load %arg5[%swap3A_743, %swap3A_744] {strides = array<i32>} : memref<75x512xf32, #tpu.memory_space<vmem>>, vector<16xf32>,
      tpu.vector_store %arg5[%swap3A_743, %swap3A_744], %mul3A_742 {strides = array<i32>} : memref<75x512xf32, #tpu.memory_space<vmem>>, vector<16xf32>,
      %get3A_746 = arith.index_cast %add3A_491 : i32 to index
      %get3A_747 = arith.constant 496 : index
      %get3A_748 = tpu.vector_load %arg5[%get3A_746, %get3A_747] {strides = array<i32>} : memref<75x512xf32, #tpu.memory_space<vmem>>, vector<16xf32>,
      %mul3A_749 = arith.mulf %get3A_748, %get3A_494 : vector<16xf32>
      %mul3A_750 = arith.mulf %mul3A_749, %get3A_498 : vector<16xf32>
      %swap3A_751 = arith.index_cast %add3A_491 : i32 to index
      %swap3A_752 = arith.constant 496 : index
      %swap3A_753 = tpu.vector_load %arg5[%swap3A_751, %swap3A_752] {strides = array<i32>} : memref<75x512xf32, #tpu.memory_space<vmem>>, vector<16xf32>,
      tpu.vector_store %arg5[%swap3A_751, %swap3A_752], %mul3A_750 {strides = array<i32>} : memref<75x512xf32, #tpu.memory_space<vmem>>, vector<16xf32>,
    }
    %scan3A_462 = arith.constant 75 : i32
    %add3A_463 = arith.constant 15872 : i32
    %add3A_464 = arith.addi %mul3A_2, %add3A_463 : i32
    %dma_start3A_465 = arith.constant 0 : i32
    %dma_start3A_466 = tpu.memref_slice %arg3[%dma_start3A_465, %add3A_464] : memref<75x524288xf32, #tpu.memory_space<hbm>> -> memref<75x512xf32, #tpu.memory_space<hbm>>
    %dma_start3A_467 = arith.constant 0 : i32
    %dma_start3A_468 = tpu.memref_slice %arg3[%dma_start3A_467, %add3A_464] : memref<75x524288xf32, #tpu.memory_space<hbm>> -> memref<75x512xf32, #tpu.memory_space<hbm>>
    tpu.enqueue_dma source(%arg5 : memref<75x512xf32, #tpu.memory_space<vmem>>) target(%dma_start3A_468 : memref<75x512xf32, #tpu.memory_space<hbm>>) target_semaphore(%arg13 : memref<!tpu.dma_semaphore, #tpu.memory_space<semaphore_mem>>)
    %add3A_469 = arith.constant 14848 : i32
    %add3A_470 = arith.addi %mul3A_2, %add3A_469 : i32
    %dma_wait3A_471 = arith.constant 0 : i32
    %dma_wait3A_472 = tpu.memref_slice %arg3[%dma_wait3A_471, %add3A_470] : memref<75x524288xf32, #tpu.memory_space<hbm>> -> memref<75x512xf32, #tpu.memory_space<hbm>>
    %dma_wait3A_473 = arith.constant 0 : i32
    %dma_wait3A_474 = tpu.memref_slice %arg3[%dma_wait3A_473, %add3A_470] : memref<75x524288xf32, #tpu.memory_space<hbm>> -> memref<75x512xf32, #tpu.memory_space<hbm>>
    tpu.wait_dma2 semaphore(%arg14 : memref<!tpu.dma_semaphore, #tpu.memory_space<semaphore_mem>>) src(%arg6 : memref<75x512xf32, #tpu.memory_space<vmem>>) dst(%dma_wait3A_474 : memref<75x512xf32, #tpu.memory_space<hbm>>)
    %add3A_475 = arith.constant 15360 : i32
    %add3A_476 = arith.addi %mul3A_2, %add3A_475 : i32
    %dma_wait3A_477 = arith.constant 0 : i32
    %dma_wait3A_478 = tpu.memref_slice %arg3[%dma_wait3A_477, %add3A_476] : memref<75x524288xf32, #tpu.memory_space<hbm>> -> memref<75x512xf32, #tpu.memory_space<hbm>>
    %dma_wait3A_479 = arith.constant 0 : i32
    %dma_wait3A_480 = tpu.memref_slice %arg3[%dma_wait3A_479, %add3A_476] : memref<75x524288xf32, #tpu.memory_space<hbm>> -> memref<75x512xf32, #tpu.memory_space<hbm>>
    tpu.wait_dma2 semaphore(%arg12 : memref<!tpu.dma_semaphore, #tpu.memory_space<semaphore_mem>>) src(%arg4 : memref<75x512xf32, #tpu.memory_space<vmem>>) dst(%dma_wait3A_480 : memref<75x512xf32, #tpu.memory_space<hbm>>)
    %add3A_481 = arith.constant 15872 : i32
    %add3A_482 = arith.addi %mul3A_2, %add3A_481 : i32
    %dma_wait3A_483 = arith.constant 0 : i32
    %dma_wait3A_484 = tpu.memref_slice %arg3[%dma_wait3A_483, %add3A_482] : memref<75x524288xf32, #tpu.memory_space<hbm>> -> memref<75x512xf32, #tpu.memory_space<hbm>>
    %dma_wait3A_485 = arith.constant 0 : i32
    %dma_wait3A_486 = tpu.memref_slice %arg3[%dma_wait3A_485, %add3A_482] : memref<75x524288xf32, #tpu.memory_space<hbm>> -> memref<75x512xf32, #tpu.memory_space<hbm>>
    tpu.wait_dma2 semaphore(%arg13 : memref<!tpu.dma_semaphore, #tpu.memory_space<semaphore_mem>>) src(%arg5 : memref<75x512xf32, #tpu.memory_space<vmem>>) dst(%dma_wait3A_486 : memref<75x512xf32, #tpu.memory_space<hbm>>)
    return
  }
}

</mosaic_0001>

<sc_bundles>
// kernel: kernel.3.cloned.1.call-start
scs
__scs_entry_jumppad:
0x0: {  	(pc) =	sbr.rel $0x88, $3  }
0x1: {  	(tag) =	ssettag $0x0;
	lr =	simm.s32 $0x1  }
0x2: {  	[smem:$0x3FA0] =	sst lr;
	_ =	strace $0xD0000000  }
0x3: {  	_ = 	snop  }
0x4: {  	_ = 	snop  }
0x5: {  	_ = 	snop  }
0x6: {  	_ = 	snop  }
0x7: {  	_ = 	snop  }
__scs_overlays_trampoline_lowered:
0x8: {  	[smem:$0x3FAF] =	sst s0  }
0x9: {  	[smem:$0x3FB0] =	sst s1  }
0xa: {  	[smem:$0x3FB1] =	sst s2  }
0xb: {  	[smem:$0x3FB2] =	sst s3  }
0xc: {  	[smem:$0x3FB3] =	sst s4  }
0xd: {  	[smem:$0x3FB4] =	sst s5  }
0xe: {  	[smem:$0x3FB5] =	sst s6  }
0xf: {  	[smem:$0x3FB6] =	sst s7  }
0x10: {  	[smem:$0x3FB7] =	sst s8  }
0x11: {  	[smem:$0x3FB8] =	sst s9;
	s0 =	simm.s32 @!p0 $0x0  }
0x12: {  	s1 =	sld [smem:$0x3F9E];
	s0 =	simm.s32 @p0 $0x1  }
0x13: {  	[smem:$0x3FB9] =	sst s0;
	s0 =	simm.s32 @!p1 $0x0  }
0x14: {  	s2 =	sld [smem:$0x3F9D];
	s0 =	simm.s32 @p1 $0x1  }
0x15: {  	[smem:$0x3FBA] =	sst s0;
	s0 =	simm.s32 @!p2 $0x0  }
0x16: {  	s3 =	sld [smem:$0x3FDB];
	s0 =	simm.s32 @p2 $0x1  }
0x17: {  	s4 =	simm.s32 $0x1BF5;
	[smem:$0x3FBC] =	sst s0  }
0x18: {  	s0 =	sld [smem:$0x3F9F];
	_ =	swait.ge [sflag:s4], $0x0  }
0x19: {  	s7 =	sld [smem:$0x3FA0]  }
0x1a: {  	s8 =	sadd.s32 $0xFFFFE003, lr  }
0x1b: {  	s9 =	sadd.s32 $0xFFFFFEF7, lr;
	s5 =	simm.s32 $0xFFFFFFFF;
	p2 =	slt.u32 s8, $0xFFFFF086  }
0x1c: {  	p1 =	slt.u32 s9, $0xF7A;
	s5 =	simm.s32 @!p2 $0x0  }
0x1d: {  	s5 =	simm.s32 @p1 $0x1;
	p0 =	seq.s32 s7, s2  }
0x1e: {  	s7 =	smul.u32 @!p0 $0xF7A, s2;
	p2 =	seq.s32 @!p0 s5, $0x0  }
0x1f: {  	s9 =	smul.u32 $0xF7A, s1;
	s8 =	simm.s32 @!p0 $0x1BF5;
	p2 =	por !p2, p0  }
0x20: {  	[sflag:s8] =	ssyncset.s32 @!p0 $0xFFFFF086;
	s6 =	sadd.s32 @!p0 s3, s7;
	s7 =	simm.s32 @!p0 $0x108  }
0x21: {  	s3 =	sadd.s32 s3, s9;
	s6 =	sadd.s32 @!p0 $0x88, s6;
	s7 =	simm.s32 @p2 $0x1082  }
0x22: {  	[simem:s7], [sflag:s8] =	dma.local @!p0 [hbm:s6], $0xF7A  }
0x23: {  	s9 =	sor.u32 $0xD0000000, s2;
	s6 =	simm.s32 $0x108;
	_ =	swait.ge @!p0 [sflag:s8], $0x0  }
0x24: {  	s3 =	sadd.s32 $0x88, s3;
	s6 =	simm.s32 @!p1 $0x1082;
	[sflag:s4] =	ssyncset.s32 $0xFFFFF086  }
0x25: {  	[simem:s6], [sflag:s4] =	dma.local [hbm:s3], $0xF7A  }
0x26: {  	[smem:$0x3FA0] =	sst s1;
	(tag) =	ssettag s2;
	_ =	strace s9  }
0x27: {  	s1 =	sld [smem:$0x3FB0]  }
0x28: {  	s2 =	sld [smem:$0x3FB1]  }
0x29: {  	s4 =	sld [smem:$0x3FB3]  }
0x2a: {  	p0 =	seq.s32 s5, $0x0;
	s5 =	sld [smem:$0x3FB4]  }
0x2b: {  	s6 =	sld [smem:$0x3FB5]  }
0x2c: {  	s7 =	sld [smem:$0x3FB6]  }
0x2d: {  	s3 =	simm.s32 $0x108;
	s8 =	sld [smem:$0x3FB7]  }
0x2e: {  	s3 =	simm.s32 @!p0 $0x1082;
	s9 =	sld [smem:$0x3FB8]  }
0x2f: {  	lr =	sadd.s32 s0, s3;
	s0 =	sld [smem:$0x3FAF]  }
0x30: {  	s3 =	sld [smem:$0x3FB2]  }
0x31: {  	[smem:$0x3FBB] =	sst s10  }
0x32: {  	s10 =	sld [smem:$0x3FB9];
	_ =	sdelay $0x3  }
0x33: {  	p0 =	seq.s32 s10, $0x1;
	s10 =	sld [smem:$0x3FBB];
	_ =	sdelay $0x3  }
0x34: {  	[smem:$0x3FBB] =	sst s10  }
0x35: {  	s10 =	sld [smem:$0x3FBA];
	_ =	sdelay $0x3  }
0x36: {  	p1 =	seq.s32 s10, $0x1;
	s10 =	sld [smem:$0x3FBB];
	_ =	sdelay $0x3  }
0x37: {  	[smem:$0x3FBB] =	sst s10  }
0x38: {  	s10 =	sld [smem:$0x3FBC]  }
0x39: {  	_ = 	snop;
	(pc) =	sbr.ind lr, $3  }
0x3a: {  	_ = 	snop  }
0x3b: {  	_ = 	snop  }
0x3c: {  	p2 =	seq.s32 s10, $0x1;
	s10 =	sld [smem:$0x3FBB]  }
0x3d: {  	_ =	shalt  }
0x3e: {  	_ =	shalt  }
0x3f: {  	_ =	shalt  }
0x40: {  	_ =	shalt  }
0x41: {  	_ =	shalt  }
0x42: {  	_ =	shalt  }
0x43: {  	_ =	shalt  }
0x44: {  	_ =	shalt  }
0x45: {  	_ =	shalt  }
0x46: {  	_ =	shalt  }
0x47: {  	_ =	shalt  }
0x48: {  	_ =	shalt  }
0x49: {  	_ =	shalt  }
0x4a: {  	_ =	shalt  }
0x4b: {  	_ =	shalt  }
0x4c: {  	_ =	shalt  }
0x4d: {  	_ =	shalt  }
0x4e: {  	_ =	shalt  }
0x4f: {  	_ =	shalt  }
0x50: {  	_ =	shalt  }
0x51: {  	_ =	shalt  }
0x52: {  	_ =	shalt  }
0x53: {  	_ =	shalt  }
0x54: {  	_ =	shalt  }
0x55: {  	_ =	shalt  }
0x56: {  	_ =	shalt  }
0x57: {  	_ =	shalt  }
0x58: {  	_ =	shalt  }
0x59: {  	_ =	shalt  }
0x5a: {  	_ =	shalt  }
0x5b: {  	_ =	shalt  }
0x5c: {  	_ =	shalt  }
0x5d: {  	_ =	shalt  }
0x5e: {  	_ =	shalt  }
0x5f: {  	_ =	shalt  }
0x60: {  	_ =	shalt  }
0x61: {  	_ =	shalt  }
0x62: {  	_ =	shalt  }
0x63: {  	_ =	shalt  }
0x64: {  	_ =	shalt  }
0x65: {  	_ =	shalt  }
0x66: {  	_ =	shalt  }
0x67: {  	_ =	shalt  }
0x68: {  	_ =	shalt  }
0x69: {  	_ =	shalt  }
0x6a: {  	_ =	shalt  }
0x6b: {  	_ =	shalt  }
0x6c: {  	_ =	shalt  }
0x6d: {  	_ =	shalt  }
0x6e: {  	_ =	shalt  }
0x6f: {  	_ =	shalt  }
0x70: {  	_ =	shalt  }
0x71: {  	_ =	shalt  }
0x72: {  	_ =	shalt  }
0x73: {  	_ =	shalt  }
0x74: {  	_ =	shalt  }
0x75: {  	_ =	shalt  }
0x76: {  	_ =	shalt  }
0x77: {  	_ =	shalt  }
0x78: {  	_ =	shalt  }
0x79: {  	_ =	shalt  }
0x7a: {  	_ =	shalt  }
0x7b: {  	_ =	shalt  }
0x7c: {  	_ =	shalt  }
0x7d: {  	_ =	shalt  }
0x7e: {  	_ =	shalt  }
0x7f: {  	_ =	shalt  }
0x80: {  	_ =	shalt  }
0x81: {  	_ =	shalt  }
0x82: {  	_ =	shalt  }
0x83: {  	_ =	shalt  }
0x84: {  	_ =	shalt  }
0x85: {  	_ =	shalt  }
0x86: {  	_ =	shalt  }
0x87: {  	_ =	shalt  }
.Lfunc_end0:
.L_simem_size_0:
called_computation_lowered:
.L_overlay_start_0:
0x88: {  	s2 =	sld [smem:$0x3FD9]  }
0x89: {  	s3 =	sld [smem:$0x3FFE];
	_ =	sdelay $0x1  }
0x8a: {  	s1 =	srdreg.scid  }
0x8b: {  	s0 =	sand.u32 $0x1, s1  }
0x8c: {  	s18 =	sshll.u32 s0, $0xA;
	s2 =	sadd.s32 s3, s2  }
0x8d: {  	s2 =	sadd.s32 s2, s18  }
0x8e: {  	[smem:$0x3FC7] =	sst s2  }
0x8f: {  	_ = 	snop  }
0x90: {  	s2 =	sld [smem:$0x3FC9]  }
0x91: {  	s19 =	sld [smem:$0x3FD0];
	(tm) =	ssettm $0x1  }
0x92: {  	s4 =	sld [smem:$0x3FFB];
	_ =	sdelay $0x3  }
0x93: {  	_ =	strace s4  }
0x94: {  	s4 =	sld [smem:$0x3FFC];
	_ =	sdelay $0x3  }
0x95: {  	_ =	strace s4  }
0x96: {  	s4 =	sld [smem:$0x3FFD];
	_ =	sdelay $0x3  }
0x97: {  	_ =	strace s4  }
0x98: {  	_ =	strace $0x8FFFFFFF  }
0x99: {  	s20 =	sld [smem:$0x3FDB];
	_ =	sdelay $0x1  }
0x9a: {  	s5 =	simm.s32 $_scs_section_size  }
0x9b: {  	s6 =	simm.s32 $_size__tile_overlayer_lowered;
	s7 =	simm.s32 $_tile_overlayer_lowered  }
0x9c: {  	s23 =	simm.s32 $0x1BFF;
	s22 =	sshll.u32 s7, $0x1;
	s4 =	sadd.s32 s5, s20  }
0x9d: {  	s8 =	simm.s32 $0x0;
	s21 =	sshll.u32 s6, $0x1;
	s6 =	sadd.s32 s22, s4  }
0x9e: {  	[timem:s8], [sflag:s23] =	dma.local [hbm:s6], s21  }
0x9f: {  	_ =	swait.ge [sflag:s23], s21  }
0xa0: {  	s5 =	ssub.s32 $0x0, s21;
	[sflag:s23] =	ssyncset.done $0x0  }
0xa1: {  	[sflag:s23] =	ssyncadd.s32 s5;
	_ =	sdelay $0x1  }
0xa2: {  	s24 =	simm.s32 $0x1B8B  }
0xa3: {  	_ =	swait.ge [sflag:s24], $0x1  }
0xa4: {  	[sflag:s24] =	ssyncset.done $0x0  }
0xa5: {  	s25 =	simm.s32 $0x1B8E;
	[sflag:s24] =	ssyncadd.s32 $0xFFFFFFFF  }
0xa6: {  	s26 =	simm.s32 $execute0_lowered;
	[smem:$0x3FD2] =	sst s25  }
0xa7: {  	s5 =	sshll.u32 s26, $0x1;
	_ =	strace $0x80000046;
	[dreg:$0x1] =	wrdreg $0xFFFFFFFF  }
0xa8: {  	s28 =	simm.s32 $_size_execute0_lowered;
	s4 =	sadd.s32 s4, s5;
	[dreg:$0x0] =	wrdreg $0x0  }
0xa9: {  	s5 =	sshll.u32 s28, $0x1;
	[dreg:$0x2] =	wrdreg s4  }
0xaa: {  	[dreg:$0x3] =	wrdreg s5  }
0xab: {  	[dreg:$0x4] =	wrdreg $0xC0  }
0xac: {  	_ =	task [dreg:s8], $0x5FFFF  }
0xad: {  	[dreg:$0x1] =	wrdreg $0xFFFFFFFF  }
0xae: {  	[dreg:$0x0] =	wrdreg $0x60  }
0xaf: {  	[dreg:$0x2] =	wrdreg s2  }
0xb0: {  	[dreg:$0x3] =	wrdreg s19  }
0xb1: {  	[dreg:$0x4] =	wrdreg $0x9  }
0xb2: {  	_ =	task.clear_ibuf [dreg:s8], $0x5FFFF;
	_ =	strace $0x90000046  }
0xb3: {  	s29 =	simm.s32 $0x9;
	_ =	strace $0x80000048  }
0xb4: {  	_ =	swait.ge [sflag:s29], $0x1  }
0xb5: {  	[sflag:s29] =	ssyncadd.s32 $0xFFFFFFFF  }
0xb6: {  	_ =	strace $0x90000048  }
0xb7: {  	_ =	sfence  }
0xb8: {  	s30 =	sld [smem:$0x0];
	_ =	sdelay $0x2  }
0xb9: {  	s31 =	sshll.u32 s1, $0xD;
	s1 =	sshrl.u32 s1, $0x2  }
0xba: {  	s3 =	sand.u32 $0x4000, s31;
	s1 =	sadd.s32 s1, s30  }
0xbb: {  	s0 =	sor.u32 s3, s0;
	s1 =	sshll.u32 s1, $0x11  }
0xbc: {  	s0 =	sor.u32 s1, s0  }
0xbd: {  	s0 =	sadd.s32 $0x8F2B, s0  }
0xbe: {  	[sflag:s0] =	ssyncadd.remote.s32 $0x1  }
0xbf: {  	_ =	sfence.sel $0xFFFF  }
0xc0: {  	[dreg:$0x0] =	wrdreg $0xFFFFFFFF;
	(pc) =	sbr.abs _section_cstart, $3  }
0xc1: {  	[dreg:$0x1] =	wrdreg $0xFFFFFFFF  }
0xc2: {  	_ =	task.clear_ibuf [dreg:s8], $0x2FFFF;
	_ =	strace $0x9FFFFFFF  }
0xc3: {  	(tm) =	ssettm $0x7FFFFFFF  }
tec
execute0_lowered:
.L_overlay_start_1:
0x0: {  	(tag) =	ssettag $0x1  }
0x1: {  	v0 =	vlaneseq.u32  }
0x2: {  	v3 =	vor.u32 $0x10, v0  }
0x3: {  	[tilespmem:$0x1FF10] =	vst v3;
	v3 =	vor.u32 $0x20, v0  }
0x4: {  	[tilespmem:$0x1FF20] =	vst v3;
	v3 =	vor.u32 $0x30, v0  }
0x5: {  	[tilespmem:$0x1FF30] =	vst v3;
	v3 =	vor.u32 $0x40, v0  }
0x6: {  	[tilespmem:$0x1FF40] =	vst v3;
	v3 =	vor.u32 $0x50, v0  }
0x7: {  	[tilespmem:$0x1FF50] =	vst v3;
	v3 =	vor.u32 $0x90, v0  }
0x8: {  	[tilespmem:$0x1FF60] =	vst v3;
	v3 =	vor.u32 $0xA0, v0  }
0x9: {  	[tilespmem:$0x1FF70] =	vst v3;
	v3 =	vor.u32 $0xB0, v0  }
0xa: {  	[tilespmem:$0x1FF80] =	vst v3;
	v3 =	vor.u32 $0xF0, v0  }
0xb: {  	[tilespmem:$0x1FF90] =	vst v3;
	v3 =	vor.u32 $0x100, v0  }
0xc: {  	v1 =	vimm.f32 $0.0e+00;
	s0 =	rddreg [dreg:$0x0];
	s1 =	srdreg.scid;
	[tilespmem:$0x1FFA0] =	vst v3;
	v3 =	vor.u32 $0x110, v0  }
0xd: {  	v2 =	vimm.f32 $1.000000000e+00;
	s2 =	rddreg [dreg:$0x1];
	s5 =	stileid.u32;
	v8 =	vor.u32 $0x60, v0;
	s1 =	sand.u32 $0x1, s1;
	[tilespmem:$0x1FFB0] =	vst v3;
	v3 =	vor.u32 $0x150, v0  }
0xe: {  	v9 =	vor.u32 $0x70, v0;
	v10 =	vor.u32 $0x80, v0;
	s5 =	sshll.u32 s5, $0xF;
	s4 =	ssub.s32 $0x2, s1;
	s1 =	sshll.u32 s1, $0xE;
	[tilespmem:$0x1FFC0] =	vst v3;
	v3 =	vor.u32 $0x160, v0  }
0xf: {  	s3 =	simm.s32 $0x0;
	s28 =	simm.s32 $0x2;
	v14 =	vor.u32 $0xC0, v0;
	v15 =	vor.u32 $0xD0, v0;
	s1 =	sor.u32 s1, s5;
	[tilespmem:$0x1FFD0] =	vst v3;
	v3 =	vor.u32 $0x170, v0  }
0x10: {  	s29 =	simm.s32 $0x4;
	v16 =	vor.u32 $0xE0, v0;
	v20 =	vor.u32 $0x120, v0;
	[smem:$0x7FF] =	sst s3;
	s20 =	sor.u32 $0x200, s1;
	[tilespmem:$0x1FFE0] =	vst v3;
	v3 =	vor.u32 $0x1B0, v0  }
0x11: {  	v21 =	vor.u32 $0x130, v0;
	v22 =	vor.u32 $0x140, v0;
	v26 =	vor.u32 $0x180, v0;
	s7 =	sor.u32 $0x400, s1;
	s5 =	sadd.s32 s0, s1;
	s8 =	sadd.s32 s0, s20;
	[tilespmem:$0x1FFF0] =	vst v3  }
0x12: {  	v27 =	vor.u32 $0x190, v0;
	v28 =	vor.u32 $0x1A0, v0;
	v30 =	vor.u32 $0x1C0, v0;
	s21 =	sadd.s32 s0, s7;
	_ =	strace $0x80000047;
	[dreg:$0x4] =	wrdreg s8  }
0x13: {  	v31 =	vor.u32 $0x1D0, v0;
	v32 =	vor.u32 $0x1E0, v0;
	v33 =	vor.u32 $0x1F0, v0;
	s6 =	sshrl.u32 s4, $0x1;
	s9 =	sadd.s32 $0x600, s5;
	[dreg:$0x5] =	wrdreg s21  }
0x14: {  	v34 =	vor.u32 $0x200, v0;
	v35 =	vor.u32 $0x210, v0;
	v36 =	vor.u32 $0x220, v0;
	s4 =	ssub.s32 s4, s6;
	s6 =	sadd.s32 s2, s20;
	[dreg:$0x6] =	wrdreg s9  }
0x15: {  	s30 =	simm.s32 $0x3;
	v37 =	vor.u32 $0x230, v0;
	v38 =	vor.u32 $0x240, v0;
	v39 =	vor.u32 $0x250, v0;
	s22 =	sadd.s32 $0x800, s5;
	[dreg:$0x7] =	wrdreg s6  }
0x16: {  	s31 =	simm.s32 $0x5;
	v40 =	vor.u32 $0x260, v0;
	v41 =	vor.u32 $0x270, v0;
	v42 =	vor.u32 $0x280, v0;
	s23 =	sadd.s32 s2, s7;
	[dreg:$0x8] =	wrdreg s22  }
0x17: {  	v43 =	vor.u32 $0x290, v0;
	v44 =	vor.u32 $0x2A0, v0;
	v45 =	vor.u32 $0x2B0, v0;
	s13 =	sor.u32 $0xA00, s1;
	s15 =	sadd.s32 $0xC00, s5;
	[dreg:$0x9] =	wrdreg s23  }
0x18: {  	v46 =	vor.u32 $0x2C0, v0;
	v47 =	vor.u32 $0x2D0, v0;
	v48 =	vor.u32 $0x2E0, v0;
	s17 =	sadd.s32 $0xE00, s5;
	s26 =	smax.u32 s4, $0x1;
	[dreg:$0x3] =	wrdreg s5  }
0x19: {  	v49 =	vor.u32 $0x2F0, v0;
	v50 =	vor.u32 $0x300, v0;
	v51 =	vor.u32 $0x310, v0;
	s8 =	sadd.s32 s2, s1;
	[dreg:$0xc] =	wrdreg s26;
	s21 =	simm.s32 $0x1E000  }
0x1a: {  	v52 =	vor.u32 $0x320, v0;
	v53 =	vor.u32 $0x330, v0;
	v54 =	vor.u32 $0x340, v0;
	s22 =	simm.s32 $0x1000;
	s23 =	simm.s32 $0x400000;
	s26 =	simm.s32 $0x14000  }
0x1b: {  	v55 =	vor.u32 $0x350, v0;
	v56 =	vor.u32 $0x360, v0;
	v57 =	vor.u32 $0x370, v0;
	s1 =	simm.s32 $0x6;
	s14 =	sadd.s32 $0x600, s8;
	s24 =	sadd.s32 $0x3C00, s8  }
0x1c: {  	v58 =	vor.u32 $0x380, v0;
	v59 =	vor.u32 $0x390, v0;
	v60 =	vor.u32 $0x3A0, v0;
	s16 =	sadd.s32 $0x800, s8;
	s25 =	sadd.s32 $0x3E00, s8;
	[dreg:$0xa] =	wrdreg s24  }
0x1d: {  	v61 =	vor.u32 $0x3B0, v0;
	v62 =	vor.u32 $0x3C0, v0;
	v63 =	vor.u32 $0x3D0, v0;
	[dreg:$0xb] =	wrdreg s25;
	s24 =	simm.s32 $0xA000;
	s25 =	simm.s32 $0x1  }
.LBB2_1:
0x1e: {  	s4 =	simm.s32 $0x40;
	s6 =	simm.s32 $0x0  }
.LBB2_2:
0x1f: {  	p0 =	sne.s32 s4, $0x1280;
	[tilespmem:s6+$0x1E000] =	vst v1;
	s6 =	smov.u32 s4;
	s4 =	sadd.s32 $0x40, s4  }
.Ltmp0:
0x20: {  	(pc) =	sbr.rel @p0 .LBB2_2-.Ltmp0, $2  }
0x21: {  	_ =	sdelay $0x2  }
0x22: {  	s6 =	sshra.s32 s6, $0x2  }
0x23: {  	v3 =	vld [tilespmem:$0x1FF10];
	_ =	sdelay $0x5  }
0x24: {  	[tilespmem:s6+$0x1E000] =	vst v1  }
0x25: {  	[tilespmem:v0+s21+$0x0] =	vst.idx.add.f32.msk $0xffff, v2  }
0x26: {  	[tilespmem:v3+s21+$0x0] =	vst.idx.add.f32.msk $0xffff, v2  }
0x27: {  	v3 =	vld [tilespmem:$0x1FF20];
	_ =	sdelay $0x7  }
0x28: {  	[tilespmem:v3+s21+$0x0] =	vst.idx.add.f32.msk $0xffff, v2  }
0x29: {  	v3 =	vld [tilespmem:$0x1FF30];
	_ =	sdelay $0x7  }
0x2a: {  	[tilespmem:v3+s21+$0x0] =	vst.idx.add.f32.msk $0xffff, v2  }
0x2b: {  	v3 =	vld [tilespmem:$0x1FF40];
	_ =	sdelay $0x7  }
0x2c: {  	[tilespmem:v3+s21+$0x0] =	vst.idx.add.f32.msk $0xffff, v2  }
0x2d: {  	v3 =	vld [tilespmem:$0x1FF50];
	_ =	sdelay $0x7  }
0x2e: {  	[tilespmem:v3+s21+$0x0] =	vst.idx.add.f32.msk $0xffff, v2  }
0x2f: {  	v3 =	vld [tilespmem:$0x1FF60];
	_ =	sdelay $0x1  }
0x30: {  	[tilespmem:v8+s21+$0x0] =	vst.idx.add.f32.msk $0xffff, v2  }
0x31: {  	[tilespmem:v9+s21+$0x0] =	vst.idx.add.f32.msk $0xffff, v2  }
0x32: {  	[tilespmem:v10+s21+$0x0] =	vst.idx.add.f32.msk $0xffff, v2  }
0x33: {  	[tilespmem:v8+s21+$0x0] =	vst.idx.add.f32.msk $0xffff, v2  }
0x34: {  	[tilespmem:v9+s21+$0x0] =	vst.idx.add.f32.msk $0xffff, v2  }
0x35: {  	[tilespmem:v10+s21+$0x0] =	vst.idx.add.f32.msk $0xffff, v2  }
0x36: {  	[tilespmem:v3+s21+$0x0] =	vst.idx.add.f32.msk $0xffff, v2  }
0x37: {  	v3 =	vld [tilespmem:$0x1FF70];
	_ =	sdelay $0x7  }
0x38: {  	[tilespmem:v3+s21+$0x0] =	vst.idx.add.f32.msk $0xffff, v2  }
0x39: {  	v3 =	vld [tilespmem:$0x1FF80];
	_ =	sdelay $0x7  }
0x3a: {  	[tilespmem:v3+s21+$0x0] =	vst.idx.add.f32.msk $0xffff, v2  }
0x3b: {  	v3 =	vld [tilespmem:$0x1FF90];
	_ =	sdelay $0x1  }
0x3c: {  	[tilespmem:v14+s21+$0x0] =	vst.idx.add.f32.msk $0xffff, v2  }
0x3d: {  	[tilespmem:v15+s21+$0x0] =	vst.idx.add.f32.msk $0xffff, v2  }
0x3e: {  	[tilespmem:v16+s21+$0x0] =	vst.idx.add.f32.msk $0xffff, v2  }
0x3f: {  	[tilespmem:v14+s21+$0x0] =	vst.idx.add.f32.msk $0xffff, v2  }
0x40: {  	[tilespmem:v15+s21+$0x0] =	vst.idx.add.f32.msk $0xffff, v2  }
0x41: {  	[tilespmem:v16+s21+$0x0] =	vst.idx.add.f32.msk $0xffff, v2  }
0x42: {  	[tilespmem:v3+s21+$0x0] =	vst.idx.add.f32.msk $0xffff, v2  }
0x43: {  	v3 =	vld [tilespmem:$0x1FFA0];
	_ =	sdelay $0x7  }
0x44: {  	[tilespmem:v3+s21+$0x0] =	vst.idx.add.f32.msk $0xffff, v2  }
0x45: {  	v3 =	vld [tilespmem:$0x1FFB0];
	_ =	sdelay $0x7  }
0x46: {  	[tilespmem:v3+s21+$0x0] =	vst.idx.add.f32.msk $0xffff, v2  }
0x47: {  	v3 =	vld [tilespmem:$0x1FFC0];
	_ =	sdelay $0x1  }
0x48: {  	[tilespmem:v20+s21+$0x0] =	vst.idx.add.f32.msk $0xffff, v2  }
0x49: {  	[tilespmem:v21+s21+$0x0] =	vst.idx.add.f32.msk $0xffff, v2  }
0x4a: {  	[tilespmem:v22+s21+$0x0] =	vst.idx.add.f32.msk $0xffff, v2  }
0x4b: {  	[tilespmem:v20+s21+$0x0] =	vst.idx.add.f32.msk $0xffff, v2  }
0x4c: {  	[tilespmem:v21+s21+$0x0] =	vst.idx.add.f32.msk $0xffff, v2  }
0x4d: {  	[tilespmem:v22+s21+$0x0] =	vst.idx.add.f32.msk $0xffff, v2  }
0x4e: {  	[tilespmem:v3+s21+$0x0] =	vst.idx.add.f32.msk $0xffff, v2  }
0x4f: {  	v3 =	vld [tilespmem:$0x1FFD0];
	_ =	sdelay $0x7  }
0x50: {  	[tilespmem:v3+s21+$0x0] =	vst.idx.add.f32.msk $0xffff, v2  }
0x51: {  	v3 =	vld [tilespmem:$0x1FFE0];
	_ =	sdelay $0x7  }
0x52: {  	[tilespmem:v3+s21+$0x0] =	vst.idx.add.f32.msk $0xffff, v2  }
0x53: {  	v3 =	vld [tilespmem:$0x1FFF0];
	_ =	sdelay $0x1  }
0x54: {  	[tilespmem:v26+s21+$0x0] =	vst.idx.add.f32.msk $0xffff, v2  }
0x55: {  	[tilespmem:v27+s21+$0x0] =	vst.idx.add.f32.msk $0xffff, v2  }
0x56: {  	[tilespmem:v28+s21+$0x0] =	vst.idx.add.f32.msk $0xffff, v2  }
0x57: {  	[tilespmem:v26+s21+$0x0] =	vst.idx.add.f32.msk $0xffff, v2  }
0x58: {  	[tilespmem:v27+s21+$0x0] =	vst.idx.add.f32.msk $0xffff, v2  }
0x59: {  	[tilespmem:v28+s21+$0x0] =	vst.idx.add.f32.msk $0xffff, v2  }
0x5a: {  	[tilespmem:v3+s21+$0x0] =	vst.idx.add.f32.msk $0xffff, v2  }
0x5b: {  	[tilespmem:v30+s21+$0x0] =	vst.idx.add.f32.msk $0xffff, v2  }
0x5c: {  	[tilespmem:v31+s21+$0x0] =	vst.idx.add.f32.msk $0xffff, v2  }
0x5d: {  	[tilespmem:v32+s21+$0x0] =	vst.idx.add.f32.msk $0xffff, v2  }
0x5e: {  	[tilespmem:v33+s21+$0x0] =	vst.idx.add.f32.msk $0xffff, v2  }
0x5f: {  	[tilespmem:v34+s21+$0x0] =	vst.idx.add.f32.msk $0xffff, v2  }
0x60: {  	[tilespmem:v32+s21+$0x0] =	vst.idx.add.f32.msk $0xffff, v2  }
0x61: {  	[tilespmem:v33+s21+$0x0] =	vst.idx.add.f32.msk $0xffff, v2  }
0x62: {  	[tilespmem:v34+s21+$0x0] =	vst.idx.add.f32.msk $0xffff, v2  }
0x63: {  	[tilespmem:v35+s21+$0x0] =	vst.idx.add.f32.msk $0xffff, v2  }
0x64: {  	[tilespmem:v36+s21+$0x0] =	vst.idx.add.f32.msk $0xffff, v2  }
0x65: {  	[tilespmem:v37+s21+$0x0] =	vst.idx.add.f32.msk $0xffff, v2  }
0x66: {  	[tilespmem:v38+s21+$0x0] =	vst.idx.add.f32.msk $0xffff, v2  }
0x67: {  	[tilespmem:v39+s21+$0x0] =	vst.idx.add.f32.msk $0xffff, v2  }
0x68: {  	[tilespmem:v40+s21+$0x0] =	vst.idx.add.f32.msk $0xffff, v2  }
0x69: {  	[tilespmem:v38+s21+$0x0] =	vst.idx.add.f32.msk $0xffff, v2  }
0x6a: {  	[tilespmem:v39+s21+$0x0] =	vst.idx.add.f32.msk $0xffff, v2  }
0x6b: {  	[tilespmem:v40+s21+$0x0] =	vst.idx.add.f32.msk $0xffff, v2  }
0x6c: {  	[tilespmem:v41+s21+$0x0] =	vst.idx.add.f32.msk $0xffff, v2  }
0x6d: {  	[tilespmem:v42+s21+$0x0] =	vst.idx.add.f32.msk $0xffff, v2  }
0x6e: {  	[tilespmem:v43+s21+$0x0] =	vst.idx.add.f32.msk $0xffff, v2  }
0x6f: {  	[tilespmem:v44+s21+$0x0] =	vst.idx.add.f32.msk $0xffff, v2  }
0x70: {  	[tilespmem:v45+s21+$0x0] =	vst.idx.add.f32.msk $0xffff, v2  }
0x71: {  	[tilespmem:v46+s21+$0x0] =	vst.idx.add.f32.msk $0xffff, v2  }
0x72: {  	[tilespmem:v44+s21+$0x0] =	vst.idx.add.f32.msk $0xffff, v2  }
0x73: {  	[tilespmem:v45+s21+$0x0] =	vst.idx.add.f32.msk $0xffff, v2  }
0x74: {  	[tilespmem:v46+s21+$0x0] =	vst.idx.add.f32.msk $0xffff, v2  }
0x75: {  	[tilespmem:v47+s21+$0x0] =	vst.idx.add.f32.msk $0xffff, v2  }
0x76: {  	[tilespmem:v48+s21+$0x0] =	vst.idx.add.f32.msk $0xffff, v2  }
0x77: {  	[tilespmem:v49+s21+$0x0] =	vst.idx.add.f32.msk $0xffff, v2  }
0x78: {  	[tilespmem:v50+s21+$0x0] =	vst.idx.add.f32.msk $0xffff, v2  }
0x79: {  	[tilespmem:v51+s21+$0x0] =	vst.idx.add.f32.msk $0xffff, v2  }
0x7a: {  	[tilespmem:v52+s21+$0x0] =	vst.idx.add.f32.msk $0xffff, v2  }
0x7b: {  	[tilespmem:v50+s21+$0x0] =	vst.idx.add.f32.msk $0xffff, v2  }
0x7c: {  	[tilespmem:v51+s21+$0x0] =	vst.idx.add.f32.msk $0xffff, v2  }
0x7d: {  	[tilespmem:v52+s21+$0x0] =	vst.idx.add.f32.msk $0xffff, v2  }
0x7e: {  	[tilespmem:v53+s21+$0x0] =	vst.idx.add.f32.msk $0xffff, v2  }
0x7f: {  	[tilespmem:v54+s21+$0x0] =	vst.idx.add.f32.msk $0xffff, v2  }
0x80: {  	[tilespmem:v55+s21+$0x0] =	vst.idx.add.f32.msk $0xffff, v2  }
0x81: {  	[tilespmem:v56+s21+$0x0] =	vst.idx.add.f32.msk $0xffff, v2  }
0x82: {  	[tilespmem:v57+s21+$0x0] =	vst.idx.add.f32.msk $0xffff, v2  }
0x83: {  	[tilespmem:v58+s21+$0x0] =	vst.idx.add.f32.msk $0xffff, v2  }
0x84: {  	[tilespmem:v56+s21+$0x0] =	vst.idx.add.f32.msk $0xffff, v2  }
0x85: {  	[tilespmem:v57+s21+$0x0] =	vst.idx.add.f32.msk $0xffff, v2  }
0x86: {  	[tilespmem:v58+s21+$0x0] =	vst.idx.add.f32.msk $0xffff, v2  }
0x87: {  	v3 =	vor.u32 $0x3E0, v0;
	[tilespmem:v59+s21+$0x0] =	vst.idx.add.f32.msk $0xffff, v2  }
0x88: {  	[tilespmem:v60+s21+$0x0] =	vst.idx.add.f32.msk $0xffff, v2  }
0x89: {  	[tilespmem:v61+s21+$0x0] =	vst.idx.add.f32.msk $0xffff, v2  }
0x8a: {  	[tilespmem:v62+s21+$0x0] =	vst.idx.add.f32.msk $0xffff, v2  }
0x8b: {  	v4 =	vor.u32 $0x3F0, v0;
	[tilespmem:v63+s21+$0x0] =	vst.idx.add.f32.msk $0xffff, v2  }
0x8c: {  	v5 =	vor.u32 $0x400, v0;
	[tilespmem:v3+s21+$0x0] =	vst.idx.add.f32.msk $0xffff, v2  }
0x8d: {  	v6 =	vor.u32 $0x410, v0;
	[tilespmem:v62+s21+$0x0] =	vst.idx.add.f32.msk $0xffff, v2  }
0x8e: {  	v7 =	vor.u32 $0x420, v0;
	[tilespmem:v63+s21+$0x0] =	vst.idx.add.f32.msk $0xffff, v2  }
0x8f: {  	[tilespmem:v3+s21+$0x0] =	vst.idx.add.f32.msk $0xffff, v2;
	v3 =	vor.u32 $0x430, v0  }
0x90: {  	[tilespmem:v4+s21+$0x0] =	vst.idx.add.f32.msk $0xffff, v2;
	v4 =	vor.u32 $0x440, v0  }
0x91: {  	[tilespmem:v5+s21+$0x0] =	vst.idx.add.f32.msk $0xffff, v2  }
0x92: {  	[tilespmem:v6+s21+$0x0] =	vst.idx.add.f32.msk $0xffff, v2  }
0x93: {  	[tilespmem:v7+s21+$0x0] =	vst.idx.add.f32.msk $0xffff, v2  }
0x94: {  	v5 =	vor.u32 $0x450, v0;
	[tilespmem:v3+s21+$0x0] =	vst.idx.add.f32.msk $0xffff, v2  }
0x95: {  	v6 =	vor.u32 $0x460, v0;
	[tilespmem:v4+s21+$0x0] =	vst.idx.add.f32.msk $0xffff, v2  }
0x96: {  	[tilespmem:v7+s21+$0x0] =	vst.idx.add.f32.msk $0xffff, v2;
	v7 =	vor.u32 $0x470, v0  }
0x97: {  	[tilespmem:v3+s21+$0x0] =	vst.idx.add.f32.msk $0xffff, v2;
	v3 =	vor.u32 $0x480, v0  }
0x98: {  	[tilespmem:v4+s21+$0x0] =	vst.idx.add.f32.msk $0xffff, v2;
	v4 =	vor.u32 $0x490, v0  }
0x99: {  	[tilespmem:v5+s21+$0x0] =	vst.idx.add.f32.msk $0xffff, v2;
	v5 =	vor.u32 $0x4A0, v0  }
0x9a: {  	[tilespmem:v6+s21+$0x0] =	vst.idx.add.f32.msk $0xffff, v2  }
0x9b: {  	[tilespmem:v7+s21+$0x0] =	vst.idx.add.f32.msk $0xffff, v2  }
0x9c: {  	[tilespmem:v3+s21+$0x0] =	vst.idx.add.f32.msk $0xffff, v2  }
0x9d: {  	[tilespmem:v4+s21+$0x0] =	vst.idx.add.f32.msk $0xffff, v2  }
0x9e: {  	s4 =	simm.s32 $0x0;
	[tilespmem:v5+s21+$0x0] =	vst.idx.add.f32.msk $0xffff, v2  }
0x9f: {  	v3 =	vld [tilespmem:s4+$0x1E000];
	_ =	sdelay $0x4  }
0xa0: {  	s6 =	simm.s32 $0x10;
	(erf) = vrcp.f32 v3  }
0xa1: {  	v3 =	vld [tilespmem:s6+$0x1E000];
	_ =	sdelay $0x2  }
0xa2: {  	s7 =	simm.s32 $0x80  }
.LBB2_4:
0xa3: {  	p0 =	sne.s32 s7, $0x1280  }
.Ltmp1:
0xa4: {  	s9 =	sshra.s32 s7, $0x2;
	s7 =	sadd.s32 $0x40, s7;
	(erf) = vrcp.f32 v3;
	(pc) =	sbr.rel @p0 .LBB2_4-.Ltmp1, $3  }
0xa5: {  	v3 =	vld [tilespmem:s9+$0x1E000];
	_ =	sdelay $0x1  }
0xa6: {  	v4 =	vpop (erf)  }
0xa7: {  	[tilespmem:s4+$0x1E500] =	vst v4;
	s4 =	smov.u32 s6;
	s6 =	smov.u32 s9  }
0xa8: {  	_ = 	snop  }
0xa9: {  	(erf) = vrcp.f32 v3;
	_ =	sdelay $0x7  }
0xaa: {  	v3 =	vpop (erf)  }
0xab: {  	[tilespmem:s4+$0x1E500] =	vst v3;
	v3 =	vpop (erf)  }
0xac: {  	s12 =	simm.s32 $0x0;
	s5 =	rddreg [dreg:$0x3];
	[tilespmem:s6+$0x1E500] =	vst v3  }
0xad: {  	[tilespmem:s12], [sflag:$0x1] =	stream.strided.gather [hbm4b:s5+s22], $0xA000, s23, s22, $0x38;
	[tilespmem:$0x1EA00] =	vst v63  }
0xae: {  	s18 =	rddreg [dreg:$0x4]  }
0xaf: {  	[tilespmem:s24], [sflag:$0x2] =	stream.strided.gather [hbm4b:s18+s22], $0xA000, s23, s22, $0x38;
	[tilespmem:$0x1EA00] =	vst v63  }
0xb0: {  	_ =	swait.ge [sflag:s25], $0xA000  }
0xb1: {  	s20 =	sand.u32 $0xF000, s12;
	s4 =	sand.u32 $0x380, s12;
	[sflag:s25] =	ssyncset.done $0x0  }
0xb2: {  	s7 =	sor.u32 s4, s20;
	s19 =	rddreg [dreg:$0x5];
	[sflag:s25] =	ssyncadd.s32 $0xFFFF6000  }
0xb3: {  	[tilespmem:s26], [sflag:$0x3] =	stream.strided.gather [hbm4b:s19+s22], $0xA000, s23, s22, $0x38;
	[tilespmem:$0x1EA00] =	vst v63  }
0xb4: {  	v4 =	vld [tilespmem:s7+$0x860]  }
0xb5: {  	s4 =	simm.s32 $0x1E000;
	v5 =	vld [tilespmem:s7+$0x870]  }
0xb6: {  	v6 =	vld [tilespmem:s4+$0x0]  }
0xb7: {  	s6 =	simm.s32 $0x1E500;
	v7 =	vld [tilespmem:s7+$0x850]  }
0xb8: {  	v3 =	vld [tilespmem:s6+$0x0]  }
0xb9: {  	v11 =	vld [tilespmem:s7+$0x840]  }
0xba: {  	v12 =	vld [tilespmem:s7+$0x830]  }
0xbb: {  	v13 =	vld [tilespmem:s7+$0x820]  }
0xbc: {  	v17 =	vld [tilespmem:s7+$0x810];
	v5 =	vmul.f32 v5, v6  }
0xbd: {  	v18 =	vld [tilespmem:s7+$0x800];
	v4 =	vmul.f32 v4, v6;
	v7 =	vmul.f32 v7, v6  }
0xbe: {  	v19 =	vld [tilespmem:s7+$0x470];
	v11 =	vmul.f32 v11, v6;
	v5 =	vmul.f32 v5, v3  }
0xbf: {  	v23 =	vld [tilespmem:s7+$0x460];
	v12 =	vmul.f32 v12, v6;
	v4 =	vmul.f32 v4, v3  }
0xc0: {  	v13 =	vmul.f32 v13, v6;
	v7 =	vmul.f32 v7, v3;
	[tilespmem:s7+$0x870] =	vst v5  }
0xc1: {  	v12 =	vmul.f32 v12, v3;
	v5 =	vmul.f32 v11, v3;
	v11 =	vld [tilespmem:s7+$0x450];
	[tilespmem:s7+$0x860] =	vst v4  }
0xc2: {  	v17 =	vmul.f32 v17, v6;
	v13 =	vmul.f32 v13, v3;
	v4 =	vld [tilespmem:s7+$0x440];
	[tilespmem:s7+$0x850] =	vst v7  }
0xc3: {  	v19 =	vmul.f32 v19, v6;
	v7 =	vmul.f32 v18, v6;
	v18 =	vld [tilespmem:s7+$0x430];
	[tilespmem:s7+$0x830] =	vst v12  }
0xc4: {  	v23 =	vmul.f32 v23, v6;
	v17 =	vmul.f32 v17, v3;
	v12 =	vld [tilespmem:s7+$0x410];
	[tilespmem:s7+$0x820] =	vst v13  }
0xc5: {  	v19 =	vmul.f32 v19, v3;
	[tilespmem:s7+$0x840] =	vst v5;
	v5 =	vld [tilespmem:s7+$0x420]  }
0xc6: {  	v13 =	vld [tilespmem:s7+$0x400];
	[tilespmem:s7+$0x810] =	vst v17;
	v17 =	vmul.f32 v23, v3;
	v11 =	vmul.f32 v11, v6  }
0xc7: {  	v23 =	vld [tilespmem:s7+$0x70];
	[tilespmem:s7+$0x470] =	vst v19;
	v7 =	vmul.f32 v7, v3;
	v4 =	vmul.f32 v4, v6  }
0xc8: {  	v19 =	vld [tilespmem:s7+$0x50];
	[tilespmem:s7+$0x460] =	vst v17;
	v18 =	vmul.f32 v18, v6;
	v11 =	vmul.f32 v11, v3  }
0xc9: {  	[tilespmem:s7+$0x800] =	vst v7;
	v7 =	vld [tilespmem:s7+$0x60];
	v12 =	vmul.f32 v12, v6;
	v4 =	vmul.f32 v4, v3  }
0xca: {  	v17 =	vld [tilespmem:s7+$0x40];
	v5 =	vmul.f32 v5, v6;
	v18 =	vmul.f32 v18, v3;
	[tilespmem:s7+$0x450] =	vst v11  }
0xcb: {  	v12 =	vmul.f32 v12, v3;
	v11 =	vmul.f32 v13, v6;
	v13 =	vld [tilespmem:s7+$0x30];
	[tilespmem:s7+$0x440] =	vst v4  }
0xcc: {  	v23 =	vmul.f32 v23, v6;
	v5 =	vmul.f32 v5, v3;
	v4 =	vld [tilespmem:s7+$0x20];
	[tilespmem:s7+$0x430] =	vst v18  }
0xcd: {  	v19 =	vmul.f32 v19, v6;
	v18 =	vld [tilespmem:s7+$0x10];
	[tilespmem:s7+$0x410] =	vst v12;
	v11 =	vmul.f32 v11, v3  }
0xce: {  	v23 =	vmul.f32 v23, v3;
	v7 =	vmul.f32 v7, v6;
	[tilespmem:s7+$0x420] =	vst v5;
	v5 =	vld [tilespmem:s7+$0x0]  }
0xcf: {  	v19 =	vmul.f32 v19, v3;
	v12 =	vmul.f32 v17, v6;
	[tilespmem:s7+$0x400] =	vst v11;
	v11 =	vld [tilespmem:s7+$0xC00]  }
0xd0: {  	v17 =	vld [tilespmem:s7+$0xC10];
	[tilespmem:s7+$0x70] =	vst v23;
	v7 =	vmul.f32 v7, v3;
	v13 =	vmul.f32 v13, v6  }
0xd1: {  	v23 =	vld [tilespmem:s7+$0xC20];
	[tilespmem:s7+$0x50] =	vst v19;
	v12 =	vmul.f32 v12, v3;
	v4 =	vmul.f32 v4, v6  }
0xd2: {  	[tilespmem:s7+$0x60] =	vst v7;
	v7 =	vld [tilespmem:s7+$0xC30];
	v18 =	vmul.f32 v18, v6;
	v13 =	vmul.f32 v13, v3  }
0xd3: {  	[tilespmem:s7+$0x40] =	vst v12;
	v12 =	vld [tilespmem:s7+$0xC40];
	v5 =	vmul.f32 v5, v6;
	v4 =	vmul.f32 v4, v3  }
0xd4: {  	v19 =	vld [tilespmem:s7+$0xC50];
	v18 =	vmul.f32 v18, v3;
	[tilespmem:s7+$0x30] =	vst v13;
	v11 =	vmul.f32 v11, v6  }
0xd5: {  	v5 =	vmul.f32 v5, v3;
	v13 =	vmul.f32 v17, v6;
	v17 =	vld [tilespmem:s7+$0xC60];
	[tilespmem:s7+$0x20] =	vst v4  }
0xd6: {  	v4 =	vmul.f32 v23, v6;
	[tilespmem:s7+$0x10] =	vst v18;
	v18 =	vld [tilespmem:s7+$0xC70];
	v11 =	vmul.f32 v11, v3  }
0xd7: {  	v7 =	vmul.f32 v7, v6;
	v13 =	vmul.f32 v13, v3;
	[tilespmem:s7+$0x0] =	vst v5  }
0xd8: {  	v4 =	vmul.f32 v4, v3;
	v5 =	vmul.f32 v12, v6;
	[tilespmem:s7+$0xC00] =	vst v11  }
0xd9: {  	s10 =	simm.s32 $0x200;
	s9 =	simm.s32 $0x80;
	v7 =	vmul.f32 v7, v3;
	v11 =	vmul.f32 v19, v6;
	[tilespmem:s7+$0xC10] =	vst v13  }
0xda: {  	s10 =	sand.u32 $0xF000, s10;
	s11 =	sand.u32 $0x380, s9;
	[tilespmem:s7+$0xC20] =	vst v4;
	v4 =	vmul.f32 v5, v3;
	v12 =	vmul.f32 v17, v6  }
0xdb: {  	s11 =	sor.u32 s11, s10;
	[tilespmem:s7+$0xC30] =	vst v7;
	v7 =	vmul.f32 v18, v6;
	v11 =	vmul.f32 v11, v3  }
0xdc: {  	v5 =	vld [tilespmem:s11+$0x800];
	[tilespmem:s7+$0xC40] =	vst v4;
	v12 =	vmul.f32 v12, v3  }
0xdd: {  	v6 =	vld [tilespmem:s11+$0x840];
	v3 =	vmul.f32 v7, v3;
	[tilespmem:s7+$0xC50] =	vst v11  }
0xde: {  	s10 =	simm.s32 $0x400;
	v7 =	vld [tilespmem:s11+$0x860];
	[tilespmem:s7+$0xC60] =	vst v12  }
.LBB2_6:
0xdf: {  	p0 =	sne.s32 s10, $0x9400;
	v11 =	vld [tilespmem:s11+$0x870];
	[tilespmem:s7+$0xC70] =	vst v3;
	s4 =	sadd.s32 $0x10, s4;
	s7 =	smov.u32 s11  }
0xe0: {  	v4 =	vld [tilespmem:s4+$0x0]  }
0xe1: {  	s6 =	sadd.s32 $0x10, s6;
	v12 =	vld [tilespmem:s7+$0x850]  }
0xe2: {  	v3 =	vld [tilespmem:s6+$0x0]  }
0xe3: {  	v13 =	vld [tilespmem:s7+$0x820]  }
0xe4: {  	v17 =	vld [tilespmem:s7+$0x830]  }
0xe5: {  	v18 =	vld [tilespmem:s7+$0x810];
	v7 =	vmul.f32 v7, v4;
	v11 =	vmul.f32 v11, v4  }
0xe6: {  	v6 =	vmul.f32 v6, v4;
	v19 =	vld [tilespmem:s7+$0x440];
	v12 =	vmul.f32 v12, v4  }
0xe7: {  	v23 =	vld [tilespmem:s7+$0x460];
	v7 =	vmul.f32 v7, v3;
	v11 =	vmul.f32 v11, v3  }
0xe8: {  	v6 =	vmul.f32 v6, v3;
	v24 =	vld [tilespmem:s7+$0x470];
	v12 =	vmul.f32 v12, v3  }
0xe9: {  	v13 =	vmul.f32 v13, v4;
	v25 =	vld [tilespmem:s7+$0x450];
	v17 =	vmul.f32 v17, v4;
	[tilespmem:s7+$0x870] =	vst v11  }
0xea: {  	v5 =	vmul.f32 v5, v4;
	v11 =	vld [tilespmem:s7+$0x400];
	v18 =	vmul.f32 v18, v4;
	[tilespmem:s7+$0x860] =	vst v7  }
0xeb: {  	v13 =	vmul.f32 v13, v3;
	v7 =	vld [tilespmem:s7+$0x420];
	v17 =	vmul.f32 v17, v3;
	[tilespmem:s7+$0x850] =	vst v12  }
0xec: {  	v5 =	vmul.f32 v5, v3;
	v12 =	vld [tilespmem:s7+$0x430];
	v18 =	vmul.f32 v18, v3;
	[tilespmem:s7+$0x840] =	vst v6  }
0xed: {  	v23 =	vmul.f32 v23, v4;
	v6 =	vld [tilespmem:s7+$0x410];
	v24 =	vmul.f32 v24, v4;
	[tilespmem:s7+$0x830] =	vst v17  }
0xee: {  	v19 =	vmul.f32 v19, v4;
	v17 =	vld [tilespmem:s7+$0x40];
	v25 =	vmul.f32 v25, v4;
	[tilespmem:s7+$0x820] =	vst v13  }
0xef: {  	v23 =	vmul.f32 v23, v3;
	v13 =	vld [tilespmem:s7+$0x60];
	v24 =	vmul.f32 v24, v3;
	[tilespmem:s7+$0x810] =	vst v18  }
0xf0: {  	v19 =	vmul.f32 v19, v3;
	v18 =	vld [tilespmem:s7+$0x70];
	v25 =	vmul.f32 v25, v3;
	[tilespmem:s7+$0x800] =	vst v5  }
0xf1: {  	v7 =	vmul.f32 v7, v4;
	v5 =	vld [tilespmem:s7+$0x50];
	v12 =	vmul.f32 v12, v4;
	[tilespmem:s7+$0x470] =	vst v24  }
0xf2: {  	v11 =	vmul.f32 v11, v4;
	v24 =	vld [tilespmem:s7+$0x0];
	v6 =	vmul.f32 v6, v4;
	[tilespmem:s7+$0x460] =	vst v23  }
0xf3: {  	v7 =	vmul.f32 v7, v3;
	v23 =	vld [tilespmem:s7+$0x20];
	v12 =	vmul.f32 v12, v3;
	[tilespmem:s7+$0x450] =	vst v25  }
0xf4: {  	v11 =	vmul.f32 v11, v3;
	v25 =	vld [tilespmem:s7+$0x30];
	v6 =	vmul.f32 v6, v3;
	[tilespmem:s7+$0x440] =	vst v19  }
0xf5: {  	v13 =	vmul.f32 v13, v4;
	v19 =	vld [tilespmem:s7+$0x10];
	v18 =	vmul.f32 v18, v4;
	[tilespmem:s7+$0x430] =	vst v12  }
0xf6: {  	v12 =	vmul.f32 v17, v4;
	v5 =	vmul.f32 v5, v4;
	[tilespmem:s7+$0x420] =	vst v7;
	v7 =	vld [tilespmem:s7+$0xC30]  }
0xf7: {  	v13 =	vmul.f32 v13, v3;
	v17 =	vmul.f32 v18, v3;
	[tilespmem:s7+$0x410] =	vst v6;
	v6 =	vld [tilespmem:s7+$0xC10]  }
0xf8: {  	v12 =	vmul.f32 v12, v3;
	v5 =	vmul.f32 v5, v3;
	[tilespmem:s7+$0x400] =	vst v11;
	v11 =	vld [tilespmem:s7+$0xC00]  }
0xf9: {  	v18 =	vmul.f32 v23, v4;
	v23 =	vmul.f32 v25, v4;
	[tilespmem:s7+$0x70] =	vst v17;
	v17 =	vld [tilespmem:s7+$0xC20]  }
0xfa: {  	v24 =	vmul.f32 v24, v4;
	v19 =	vmul.f32 v19, v4;
	[tilespmem:s7+$0x60] =	vst v13;
	v13 =	vld [tilespmem:s7+$0xC70]  }
0xfb: {  	v18 =	vmul.f32 v18, v3;
	v23 =	vmul.f32 v23, v3;
	[tilespmem:s7+$0x50] =	vst v5;
	v5 =	vld [tilespmem:s7+$0xC50]  }
0xfc: {  	v24 =	vmul.f32 v24, v3;
	v19 =	vmul.f32 v19, v3;
	[tilespmem:s7+$0x40] =	vst v12;
	v12 =	vld [tilespmem:s7+$0xC40]  }
0xfd: {  	v6 =	vmul.f32 v6, v4;
	[tilespmem:s7+$0x30] =	vst v23;
	v11 =	vmul.f32 v11, v4;
	v23 =	vld [tilespmem:s7+$0xC60]  }
0xfe: {  	v7 =	vmul.f32 v7, v4;
	[tilespmem:s7+$0x20] =	vst v18;
	v17 =	vmul.f32 v17, v4  }
0xff: {  	v6 =	vmul.f32 v6, v3;
	[tilespmem:s7+$0x10] =	vst v19;
	v11 =	vmul.f32 v11, v3  }
0x100: {  	v7 =	vmul.f32 v7, v3;
	[tilespmem:s7+$0x0] =	vst v24;
	v17 =	vmul.f32 v17, v3  }
0x101: {  	v5 =	vmul.f32 v5, v4;
	[tilespmem:s7+$0xC00] =	vst v11;
	v11 =	vmul.f32 v12, v4  }
0x102: {  	s9 =	sadd.s32 $0x80, s9;
	[tilespmem:s7+$0xC10] =	vst v6;
	v6 =	vmul.f32 v23, v4;
	v4 =	vmul.f32 v13, v4  }
.Ltmp2:
0x103: {  	s11 =	sand.u32 $0xF000, s10;
	s12 =	sand.u32 $0x380, s9;
	v12 =	vmul.f32 v5, v3;
	[tilespmem:s7+$0xC20] =	vst v17;
	v11 =	vmul.f32 v11, v3;
	(pc) =	sbr.rel @p0 .LBB2_6-.Ltmp2, $4  }
0x104: {  	s11 =	sor.u32 s12, s11;
	[tilespmem:s7+$0xC30] =	vst v7;
	v13 =	vmul.f32 v6, v3;
	v3 =	vmul.f32 v4, v3  }
0x105: {  	v5 =	vld [tilespmem:s11+$0x800];
	[tilespmem:s7+$0xC40] =	vst v11  }
0x106: {  	v6 =	vld [tilespmem:s11+$0x840];
	[tilespmem:s7+$0xC50] =	vst v12  }
0x107: {  	s10 =	sadd.s32 $0x200, s10;
	v7 =	vld [tilespmem:s11+$0x860];
	[tilespmem:s7+$0xC60] =	vst v13  }
0x108: {  	v4 =	vld [tilespmem:s11+$0x870]  }
0x109: {  	[tilespmem:s7+$0xC70] =	vst v3;
	s4 =	sadd.s32 $0x10, s4;
	v11 =	vld [tilespmem:s11+$0x850]  }
0x10a: {  	v3 =	vld [tilespmem:s4+$0x0]  }
0x10b: {  	s12 =	sadd.s32 $0x10, s6;
	v13 =	vld [tilespmem:s11+$0x830]  }
0x10c: {  	v12 =	vld [tilespmem:s12+$0x0]  }
0x10d: {  	v17 =	vld [tilespmem:s11+$0x820]  }
0x10e: {  	v18 =	vld [tilespmem:s11+$0x810]  }
0x10f: {  	v4 =	vmul.f32 v4, v3;
	v7 =	vmul.f32 v7, v3  }
0x110: {  	v11 =	vmul.f32 v11, v3;
	v6 =	vmul.f32 v6, v3  }
0x111: {  	v13 =	vmul.f32 v13, v3;
	v4 =	vmul.f32 v4, v12  }
0x112: {  	v19 =	vld [tilespmem:s11+$0x470];
	v17 =	vmul.f32 v17, v3;
	v7 =	vmul.f32 v7, v12  }
0x113: {  	v23 =	vld [tilespmem:s11+$0x460];
	v18 =	vmul.f32 v18, v3;
	v11 =	vmul.f32 v11, v12;
	[tilespmem:s11+$0x870] =	vst v4  }
0x114: {  	v13 =	vmul.f32 v13, v12;
	v4 =	vmul.f32 v6, v12;
	v6 =	vld [tilespmem:s11+$0x450];
	[tilespmem:s11+$0x860] =	vst v7  }
0x115: {  	v18 =	vmul.f32 v18, v12;
	v7 =	vld [tilespmem:s11+$0x440];
	[tilespmem:s11+$0x850] =	vst v11  }
0x116: {  	v5 =	vmul.f32 v5, v3;
	v11 =	vmul.f32 v17, v12;
	v17 =	vld [tilespmem:s11+$0x430];
	[tilespmem:s11+$0x830] =	vst v13  }
0x117: {  	v19 =	vmul.f32 v19, v3;
	v13 =	vld [tilespmem:s11+$0x410];
	[tilespmem:s11+$0x810] =	vst v18  }
0x118: {  	v23 =	vmul.f32 v23, v3;
	v5 =	vmul.f32 v5, v12;
	[tilespmem:s11+$0x840] =	vst v4;
	v4 =	vld [tilespmem:s11+$0x420]  }
0x119: {  	v19 =	vmul.f32 v19, v12;
	[tilespmem:s11+$0x820] =	vst v11;
	v11 =	vld [tilespmem:s11+$0x400];
	v6 =	vmul.f32 v6, v3  }
0x11a: {  	v18 =	vmul.f32 v23, v12;
	v23 =	vld [tilespmem:s11+$0x70];
	[tilespmem:s11+$0x800] =	vst v5;
	v7 =	vmul.f32 v7, v3  }
0x11b: {  	v5 =	vld [tilespmem:s11+$0x60];
	[tilespmem:s11+$0x470] =	vst v19;
	v17 =	vmul.f32 v17, v3;
	v6 =	vmul.f32 v6, v12  }
0x11c: {  	v19 =	vld [tilespmem:s11+$0x50];
	[tilespmem:s11+$0x460] =	vst v18;
	v13 =	vmul.f32 v13, v3;
	v7 =	vmul.f32 v7, v12  }
0x11d: {  	v18 =	vld [tilespmem:s11+$0x40];
	v4 =	vmul.f32 v4, v3;
	v17 =	vmul.f32 v17, v12;
	[tilespmem:s11+$0x450] =	vst v6  }
0x11e: {  	v13 =	vmul.f32 v13, v12;
	v6 =	vmul.f32 v11, v3;
	v11 =	vld [tilespmem:s11+$0x30];
	[tilespmem:s11+$0x440] =	vst v7  }
0x11f: {  	v23 =	vmul.f32 v23, v3;
	v4 =	vmul.f32 v4, v12;
	v7 =	vld [tilespmem:s11+$0x20];
	[tilespmem:s11+$0x430] =	vst v17  }
0x120: {  	v5 =	vmul.f32 v5, v3;
	v17 =	vld [tilespmem:s11+$0x10];
	[tilespmem:s11+$0x410] =	vst v13;
	v6 =	vmul.f32 v6, v12  }
0x121: {  	v19 =	vmul.f32 v19, v3;
	v23 =	vmul.f32 v23, v12;
	[tilespmem:s11+$0x420] =	vst v4;
	v4 =	vld [tilespmem:s11+$0x0]  }
0x122: {  	v5 =	vmul.f32 v5, v12;
	v13 =	vmul.f32 v18, v3;
	[tilespmem:s11+$0x400] =	vst v6;
	v6 =	vld [tilespmem:s11+$0xC00]  }
0x123: {  	v19 =	vmul.f32 v19, v12;
	v18 =	vld [tilespmem:s11+$0xC10];
	[tilespmem:s11+$0x70] =	vst v23;
	v11 =	vmul.f32 v11, v3  }
0x124: {  	v23 =	vld [tilespmem:s11+$0xC20];
	[tilespmem:s11+$0x60] =	vst v5;
	v13 =	vmul.f32 v13, v12;
	v7 =	vmul.f32 v7, v3  }
0x125: {  	v5 =	vld [tilespmem:s11+$0xC30];
	[tilespmem:s11+$0x50] =	vst v19;
	v17 =	vmul.f32 v17, v3;
	v11 =	vmul.f32 v11, v12  }
0x126: {  	[tilespmem:s11+$0x40] =	vst v13;
	v13 =	vld [tilespmem:s11+$0xC40];
	v4 =	vmul.f32 v4, v3;
	v7 =	vmul.f32 v7, v12  }
0x127: {  	v19 =	vld [tilespmem:s11+$0xC50];
	v17 =	vmul.f32 v17, v12;
	[tilespmem:s11+$0x30] =	vst v11;
	v6 =	vmul.f32 v6, v3  }
0x128: {  	v4 =	vmul.f32 v4, v12;
	v11 =	vmul.f32 v18, v3;
	v18 =	vld [tilespmem:s11+$0xC60];
	[tilespmem:s11+$0x20] =	vst v7  }
0x129: {  	v23 =	vmul.f32 v23, v3;
	v7 =	vld [tilespmem:s11+$0xC70];
	[tilespmem:s11+$0x10] =	vst v17;
	v6 =	vmul.f32 v6, v12  }
0x12a: {  	v5 =	vmul.f32 v5, v3;
	v11 =	vmul.f32 v11, v12;
	[tilespmem:s11+$0x0] =	vst v4  }
0x12b: {  	v4 =	vmul.f32 v23, v12;
	[tilespmem:s11+$0xC00] =	vst v6;
	v6 =	vmul.f32 v13, v3  }
0x12c: {  	v5 =	vmul.f32 v5, v12;
	v13 =	vmul.f32 v19, v3;
	[tilespmem:s11+$0xC10] =	vst v11  }
0x12d: {  	[tilespmem:s11+$0xC20] =	vst v4;
	v11 =	vmul.f32 v18, v3;
	v4 =	vmul.f32 v6, v12  }
0x12e: {  	[tilespmem:s11+$0xC30] =	vst v5;
	v3 =	vmul.f32 v7, v3;
	v6 =	vmul.f32 v13, v12  }
0x12f: {  	v5 =	vmul.f32 v11, v12;
	[tilespmem:s11+$0xC40] =	vst v4  }
0x130: {  	v3 =	vmul.f32 v3, v12;
	[tilespmem:s11+$0xC50] =	vst v6  }
0x131: {  	[tilespmem:s11+$0xC60] =	vst v5  }
0x132: {  	s18 =	simm.s32 $0x0;
	[tilespmem:s11+$0xC70] =	vst v3  }
0x133: {  	[hbm4b:s8+s22] =	stream.strided.scatter [tilespmem:s18], [sflag:$0x4], $0xA000, s23, s22, $0x38;
	[tilespmem:$0x1EA00] =	vst v63  }
0x134: {  	_ =	swait.ge [sflag:s28], $0xA000  }
0x135: {  	[sflag:s28] =	ssyncset.done $0x0  }
0x136: {  	[sflag:s28] =	ssyncadd.s32 $0xFFFF6000  }
0x137: {  	_ =	swait.ge [sflag:s29], $0xA000  }
0x138: {  	s19 =	sand.u32 $0xF000, s18;
	s4 =	sand.u32 $0x380, s18;
	[sflag:s29] =	ssyncset.done $0x0  }
0x139: {  	s7 =	sor.u32 s4, s19;
	s5 =	rddreg [dreg:$0x6];
	[sflag:s29] =	ssyncadd.s32 $0xFFFF6000  }
0x13a: {  	[tilespmem:s18], [sflag:$0x1] =	stream.strided.gather [hbm4b:s5+s22], $0xA000, s23, s22, $0x38;
	[tilespmem:$0x1EA00] =	vst v63  }
0x13b: {  	v4 =	vld [tilespmem:s7+$0xA860]  }
0x13c: {  	s4 =	simm.s32 $0x1E000;
	v5 =	vld [tilespmem:s7+$0xA870]  }
0x13d: {  	v6 =	vld [tilespmem:s4+$0x0]  }
0x13e: {  	s6 =	simm.s32 $0x1E500;
	v7 =	vld [tilespmem:s7+$0xA850]  }
0x13f: {  	v3 =	vld [tilespmem:s6+$0x0]  }
0x140: {  	v11 =	vld [tilespmem:s7+$0xA840]  }
0x141: {  	v12 =	vld [tilespmem:s7+$0xA830]  }
0x142: {  	v13 =	vld [tilespmem:s7+$0xA820]  }
0x143: {  	v17 =	vld [tilespmem:s7+$0xA810];
	v5 =	vmul.f32 v5, v6  }
0x144: {  	v18 =	vld [tilespmem:s7+$0xA800];
	v4 =	vmul.f32 v4, v6;
	v7 =	vmul.f32 v7, v6  }
0x145: {  	v19 =	vld [tilespmem:s7+$0xA470];
	v11 =	vmul.f32 v11, v6;
	v5 =	vmul.f32 v5, v3  }
0x146: {  	v23 =	vld [tilespmem:s7+$0xA460];
	v12 =	vmul.f32 v12, v6;
	v4 =	vmul.f32 v4, v3  }
0x147: {  	v13 =	vmul.f32 v13, v6;
	v7 =	vmul.f32 v7, v3;
	[tilespmem:s7+$0xA870] =	vst v5  }
0x148: {  	v12 =	vmul.f32 v12, v3;
	v5 =	vmul.f32 v11, v3;
	v11 =	vld [tilespmem:s7+$0xA450];
	[tilespmem:s7+$0xA860] =	vst v4  }
0x149: {  	v17 =	vmul.f32 v17, v6;
	v13 =	vmul.f32 v13, v3;
	v4 =	vld [tilespmem:s7+$0xA440];
	[tilespmem:s7+$0xA850] =	vst v7  }
0x14a: {  	v19 =	vmul.f32 v19, v6;
	v7 =	vmul.f32 v18, v6;
	v18 =	vld [tilespmem:s7+$0xA430];
	[tilespmem:s7+$0xA830] =	vst v12  }
0x14b: {  	v23 =	vmul.f32 v23, v6;
	v17 =	vmul.f32 v17, v3;
	v12 =	vld [tilespmem:s7+$0xA410];
	[tilespmem:s7+$0xA820] =	vst v13  }
0x14c: {  	v19 =	vmul.f32 v19, v3;
	[tilespmem:s7+$0xA840] =	vst v5;
	v5 =	vld [tilespmem:s7+$0xA420]  }
0x14d: {  	v13 =	vld [tilespmem:s7+$0xA400];
	[tilespmem:s7+$0xA810] =	vst v17;
	v17 =	vmul.f32 v23, v3;
	v11 =	vmul.f32 v11, v6  }
0x14e: {  	v23 =	vld [tilespmem:s7+$0xA070];
	[tilespmem:s7+$0xA470] =	vst v19;
	v7 =	vmul.f32 v7, v3;
	v4 =	vmul.f32 v4, v6  }
0x14f: {  	v19 =	vld [tilespmem:s7+$0xA050];
	[tilespmem:s7+$0xA460] =	vst v17;
	v18 =	vmul.f32 v18, v6;
	v11 =	vmul.f32 v11, v3  }
0x150: {  	[tilespmem:s7+$0xA800] =	vst v7;
	v7 =	vld [tilespmem:s7+$0xA060];
	v12 =	vmul.f32 v12, v6;
	v4 =	vmul.f32 v4, v3  }
0x151: {  	v17 =	vld [tilespmem:s7+$0xA040];
	v5 =	vmul.f32 v5, v6;
	v18 =	vmul.f32 v18, v3;
	[tilespmem:s7+$0xA450] =	vst v11  }
0x152: {  	v12 =	vmul.f32 v12, v3;
	v11 =	vmul.f32 v13, v6;
	v13 =	vld [tilespmem:s7+$0xA030];
	[tilespmem:s7+$0xA440] =	vst v4  }
0x153: {  	v23 =	vmul.f32 v23, v6;
	v5 =	vmul.f32 v5, v3;
	v4 =	vld [tilespmem:s7+$0xA020];
	[tilespmem:s7+$0xA430] =	vst v18  }
0x154: {  	v19 =	vmul.f32 v19, v6;
	v18 =	vld [tilespmem:s7+$0xA010];
	[tilespmem:s7+$0xA410] =	vst v12;
	v11 =	vmul.f32 v11, v3  }
0x155: {  	v23 =	vmul.f32 v23, v3;
	v7 =	vmul.f32 v7, v6;
	[tilespmem:s7+$0xA420] =	vst v5;
	v5 =	vld [tilespmem:s7+$0xA000]  }
0x156: {  	v19 =	vmul.f32 v19, v3;
	v12 =	vmul.f32 v17, v6;
	[tilespmem:s7+$0xA400] =	vst v11;
	v11 =	vld [tilespmem:s7+$0xAC00]  }
0x157: {  	v17 =	vld [tilespmem:s7+$0xAC10];
	[tilespmem:s7+$0xA070] =	vst v23;
	v7 =	vmul.f32 v7, v3;
	v13 =	vmul.f32 v13, v6  }
0x158: {  	v23 =	vld [tilespmem:s7+$0xAC20];
	[tilespmem:s7+$0xA050] =	vst v19;
	v12 =	vmul.f32 v12, v3;
	v4 =	vmul.f32 v4, v6  }
0x159: {  	[tilespmem:s7+$0xA060] =	vst v7;
	v7 =	vld [tilespmem:s7+$0xAC30];
	v18 =	vmul.f32 v18, v6;
	v13 =	vmul.f32 v13, v3  }
0x15a: {  	[tilespmem:s7+$0xA040] =	vst v12;
	v12 =	vld [tilespmem:s7+$0xAC40];
	v5 =	vmul.f32 v5, v6;
	v4 =	vmul.f32 v4, v3  }
0x15b: {  	v19 =	vld [tilespmem:s7+$0xAC50];
	v18 =	vmul.f32 v18, v3;
	[tilespmem:s7+$0xA030] =	vst v13;
	v11 =	vmul.f32 v11, v6  }
0x15c: {  	v5 =	vmul.f32 v5, v3;
	v13 =	vmul.f32 v17, v6;
	v17 =	vld [tilespmem:s7+$0xAC60];
	[tilespmem:s7+$0xA020] =	vst v4  }
0x15d: {  	v4 =	vmul.f32 v23, v6;
	[tilespmem:s7+$0xA010] =	vst v18;
	v18 =	vld [tilespmem:s7+$0xAC70];
	v11 =	vmul.f32 v11, v3  }
0x15e: {  	v7 =	vmul.f32 v7, v6;
	v13 =	vmul.f32 v13, v3;
	[tilespmem:s7+$0xA000] =	vst v5  }
0x15f: {  	v4 =	vmul.f32 v4, v3;
	v5 =	vmul.f32 v12, v6;
	[tilespmem:s7+$0xAC00] =	vst v11  }
0x160: {  	s10 =	simm.s32 $0x200;
	s9 =	simm.s32 $0x80;
	v7 =	vmul.f32 v7, v3;
	v11 =	vmul.f32 v19, v6;
	[tilespmem:s7+$0xAC10] =	vst v13  }
0x161: {  	s10 =	sand.u32 $0xF000, s10;
	s20 =	sand.u32 $0x380, s9;
	[tilespmem:s7+$0xAC20] =	vst v4;
	v4 =	vmul.f32 v5, v3;
	v12 =	vmul.f32 v17, v6  }
0x162: {  	s11 =	sor.u32 s20, s10;
	[tilespmem:s7+$0xAC30] =	vst v7;
	v7 =	vmul.f32 v18, v6;
	v11 =	vmul.f32 v11, v3  }
0x163: {  	v5 =	vld [tilespmem:s11+$0xA800];
	[tilespmem:s7+$0xAC40] =	vst v4;
	v12 =	vmul.f32 v12, v3  }
0x164: {  	v6 =	vld [tilespmem:s11+$0xA840];
	v3 =	vmul.f32 v7, v3;
	[tilespmem:s7+$0xAC50] =	vst v11  }
0x165: {  	s10 =	simm.s32 $0x400;
	v7 =	vld [tilespmem:s11+$0xA860];
	[tilespmem:s7+$0xAC60] =	vst v12  }
.LBB2_8:
0x166: {  	p0 =	sne.s32 s10, $0x9400;
	v11 =	vld [tilespmem:s11+$0xA870];
	[tilespmem:s7+$0xAC70] =	vst v3;
	s4 =	sadd.s32 $0x10, s4;
	s7 =	smov.u32 s11  }
0x167: {  	v4 =	vld [tilespmem:s4+$0x0]  }
0x168: {  	s6 =	sadd.s32 $0x10, s6;
	v12 =	vld [tilespmem:s7+$0xA850]  }
0x169: {  	v3 =	vld [tilespmem:s6+$0x0]  }
0x16a: {  	v13 =	vld [tilespmem:s7+$0xA820]  }
0x16b: {  	v17 =	vld [tilespmem:s7+$0xA830]  }
0x16c: {  	v18 =	vld [tilespmem:s7+$0xA810];
	v7 =	vmul.f32 v7, v4;
	v11 =	vmul.f32 v11, v4  }
0x16d: {  	v6 =	vmul.f32 v6, v4;
	v19 =	vld [tilespmem:s7+$0xA440];
	v12 =	vmul.f32 v12, v4  }
0x16e: {  	v23 =	vld [tilespmem:s7+$0xA460];
	v7 =	vmul.f32 v7, v3;
	v11 =	vmul.f32 v11, v3  }
0x16f: {  	v6 =	vmul.f32 v6, v3;
	v24 =	vld [tilespmem:s7+$0xA470];
	v12 =	vmul.f32 v12, v3  }
0x170: {  	v13 =	vmul.f32 v13, v4;
	v25 =	vld [tilespmem:s7+$0xA450];
	v17 =	vmul.f32 v17, v4;
	[tilespmem:s7+$0xA870] =	vst v11  }
0x171: {  	v5 =	vmul.f32 v5, v4;
	v11 =	vld [tilespmem:s7+$0xA400];
	v18 =	vmul.f32 v18, v4;
	[tilespmem:s7+$0xA860] =	vst v7  }
0x172: {  	v13 =	vmul.f32 v13, v3;
	v7 =	vld [tilespmem:s7+$0xA420];
	v17 =	vmul.f32 v17, v3;
	[tilespmem:s7+$0xA850] =	vst v12  }
0x173: {  	v5 =	vmul.f32 v5, v3;
	v12 =	vld [tilespmem:s7+$0xA430];
	v18 =	vmul.f32 v18, v3;
	[tilespmem:s7+$0xA840] =	vst v6  }
0x174: {  	v23 =	vmul.f32 v23, v4;
	v6 =	vld [tilespmem:s7+$0xA410];
	v24 =	vmul.f32 v24, v4;
	[tilespmem:s7+$0xA830] =	vst v17  }
0x175: {  	v19 =	vmul.f32 v19, v4;
	v17 =	vld [tilespmem:s7+$0xA040];
	v25 =	vmul.f32 v25, v4;
	[tilespmem:s7+$0xA820] =	vst v13  }
0x176: {  	v23 =	vmul.f32 v23, v3;
	v13 =	vld [tilespmem:s7+$0xA060];
	v24 =	vmul.f32 v24, v3;
	[tilespmem:s7+$0xA810] =	vst v18  }
0x177: {  	v19 =	vmul.f32 v19, v3;
	v18 =	vld [tilespmem:s7+$0xA070];
	v25 =	vmul.f32 v25, v3;
	[tilespmem:s7+$0xA800] =	vst v5  }
0x178: {  	v7 =	vmul.f32 v7, v4;
	v5 =	vld [tilespmem:s7+$0xA050];
	v12 =	vmul.f32 v12, v4;
	[tilespmem:s7+$0xA470] =	vst v24  }
0x179: {  	v11 =	vmul.f32 v11, v4;
	v24 =	vld [tilespmem:s7+$0xA000];
	v6 =	vmul.f32 v6, v4;
	[tilespmem:s7+$0xA460] =	vst v23  }
0x17a: {  	v7 =	vmul.f32 v7, v3;
	v23 =	vld [tilespmem:s7+$0xA020];
	v12 =	vmul.f32 v12, v3;
	[tilespmem:s7+$0xA450] =	vst v25  }
0x17b: {  	v11 =	vmul.f32 v11, v3;
	v25 =	vld [tilespmem:s7+$0xA030];
	v6 =	vmul.f32 v6, v3;
	[tilespmem:s7+$0xA440] =	vst v19  }
0x17c: {  	v13 =	vmul.f32 v13, v4;
	v19 =	vld [tilespmem:s7+$0xA010];
	v18 =	vmul.f32 v18, v4;
	[tilespmem:s7+$0xA430] =	vst v12  }
0x17d: {  	v12 =	vmul.f32 v17, v4;
	v5 =	vmul.f32 v5, v4;
	[tilespmem:s7+$0xA420] =	vst v7;
	v7 =	vld [tilespmem:s7+$0xAC30]  }
0x17e: {  	v13 =	vmul.f32 v13, v3;
	v17 =	vmul.f32 v18, v3;
	[tilespmem:s7+$0xA410] =	vst v6;
	v6 =	vld [tilespmem:s7+$0xAC10]  }
0x17f: {  	v12 =	vmul.f32 v12, v3;
	v5 =	vmul.f32 v5, v3;
	[tilespmem:s7+$0xA400] =	vst v11;
	v11 =	vld [tilespmem:s7+$0xAC00]  }
0x180: {  	v18 =	vmul.f32 v23, v4;
	v23 =	vmul.f32 v25, v4;
	[tilespmem:s7+$0xA070] =	vst v17;
	v17 =	vld [tilespmem:s7+$0xAC20]  }
0x181: {  	v24 =	vmul.f32 v24, v4;
	v19 =	vmul.f32 v19, v4;
	[tilespmem:s7+$0xA060] =	vst v13;
	v13 =	vld [tilespmem:s7+$0xAC70]  }
0x182: {  	v18 =	vmul.f32 v18, v3;
	v23 =	vmul.f32 v23, v3;
	[tilespmem:s7+$0xA050] =	vst v5;
	v5 =	vld [tilespmem:s7+$0xAC50]  }
0x183: {  	v24 =	vmul.f32 v24, v3;
	v19 =	vmul.f32 v19, v3;
	[tilespmem:s7+$0xA040] =	vst v12;
	v12 =	vld [tilespmem:s7+$0xAC40]  }
0x184: {  	v6 =	vmul.f32 v6, v4;
	[tilespmem:s7+$0xA030] =	vst v23;
	v11 =	vmul.f32 v11, v4;
	v23 =	vld [tilespmem:s7+$0xAC60]  }
0x185: {  	v7 =	vmul.f32 v7, v4;
	[tilespmem:s7+$0xA020] =	vst v18;
	v17 =	vmul.f32 v17, v4  }
0x186: {  	v6 =	vmul.f32 v6, v3;
	[tilespmem:s7+$0xA010] =	vst v19;
	v11 =	vmul.f32 v11, v3  }
0x187: {  	v7 =	vmul.f32 v7, v3;
	[tilespmem:s7+$0xA000] =	vst v24;
	v17 =	vmul.f32 v17, v3  }
0x188: {  	v5 =	vmul.f32 v5, v4;
	[tilespmem:s7+$0xAC00] =	vst v11;
	v11 =	vmul.f32 v12, v4  }
0x189: {  	s9 =	sadd.s32 $0x80, s9;
	[tilespmem:s7+$0xAC10] =	vst v6;
	v6 =	vmul.f32 v23, v4;
	v4 =	vmul.f32 v13, v4  }
.Ltmp3:
0x18a: {  	s11 =	sand.u32 $0xF000, s10;
	s12 =	sand.u32 $0x380, s9;
	v12 =	vmul.f32 v5, v3;
	[tilespmem:s7+$0xAC20] =	vst v17;
	v11 =	vmul.f32 v11, v3;
	(pc) =	sbr.rel @p0 .LBB2_8-.Ltmp3, $4  }
0x18b: {  	s11 =	sor.u32 s12, s11;
	[tilespmem:s7+$0xAC30] =	vst v7;
	v13 =	vmul.f32 v6, v3;
	v3 =	vmul.f32 v4, v3  }
0x18c: {  	v5 =	vld [tilespmem:s11+$0xA800];
	[tilespmem:s7+$0xAC40] =	vst v11  }
0x18d: {  	v6 =	vld [tilespmem:s11+$0xA840];
	[tilespmem:s7+$0xAC50] =	vst v12  }
0x18e: {  	s10 =	sadd.s32 $0x200, s10;
	v7 =	vld [tilespmem:s11+$0xA860];
	[tilespmem:s7+$0xAC60] =	vst v13  }
0x18f: {  	v4 =	vld [tilespmem:s11+$0xA870]  }
0x190: {  	[tilespmem:s7+$0xAC70] =	vst v3;
	s4 =	sadd.s32 $0x10, s4;
	v11 =	vld [tilespmem:s11+$0xA850]  }
0x191: {  	v3 =	vld [tilespmem:s4+$0x0]  }
0x192: {  	s10 =	sadd.s32 $0x10, s6;
	v13 =	vld [tilespmem:s11+$0xA830]  }
0x193: {  	v12 =	vld [tilespmem:s10+$0x0]  }
0x194: {  	v17 =	vld [tilespmem:s11+$0xA820]  }
0x195: {  	v18 =	vld [tilespmem:s11+$0xA810]  }
0x196: {  	v4 =	vmul.f32 v4, v3;
	v7 =	vmul.f32 v7, v3  }
0x197: {  	v11 =	vmul.f32 v11, v3;
	v6 =	vmul.f32 v6, v3  }
0x198: {  	v13 =	vmul.f32 v13, v3;
	v4 =	vmul.f32 v4, v12  }
0x199: {  	v19 =	vld [tilespmem:s11+$0xA470];
	v17 =	vmul.f32 v17, v3;
	v7 =	vmul.f32 v7, v12  }
0x19a: {  	v23 =	vld [tilespmem:s11+$0xA460];
	v18 =	vmul.f32 v18, v3;
	v11 =	vmul.f32 v11, v12;
	[tilespmem:s11+$0xA870] =	vst v4  }
0x19b: {  	v13 =	vmul.f32 v13, v12;
	v4 =	vmul.f32 v6, v12;
	v6 =	vld [tilespmem:s11+$0xA450];
	[tilespmem:s11+$0xA860] =	vst v7  }
0x19c: {  	v18 =	vmul.f32 v18, v12;
	v7 =	vld [tilespmem:s11+$0xA440];
	[tilespmem:s11+$0xA850] =	vst v11  }
0x19d: {  	v5 =	vmul.f32 v5, v3;
	v11 =	vmul.f32 v17, v12;
	v17 =	vld [tilespmem:s11+$0xA430];
	[tilespmem:s11+$0xA830] =	vst v13  }
0x19e: {  	v19 =	vmul.f32 v19, v3;
	v13 =	vld [tilespmem:s11+$0xA410];
	[tilespmem:s11+$0xA810] =	vst v18  }
0x19f: {  	v23 =	vmul.f32 v23, v3;
	v5 =	vmul.f32 v5, v12;
	[tilespmem:s11+$0xA840] =	vst v4;
	v4 =	vld [tilespmem:s11+$0xA420]  }
0x1a0: {  	v19 =	vmul.f32 v19, v12;
	[tilespmem:s11+$0xA820] =	vst v11;
	v11 =	vld [tilespmem:s11+$0xA400];
	v6 =	vmul.f32 v6, v3  }
0x1a1: {  	v18 =	vmul.f32 v23, v12;
	v23 =	vld [tilespmem:s11+$0xA070];
	[tilespmem:s11+$0xA800] =	vst v5;
	v7 =	vmul.f32 v7, v3  }
0x1a2: {  	v5 =	vld [tilespmem:s11+$0xA060];
	[tilespmem:s11+$0xA470] =	vst v19;
	v17 =	vmul.f32 v17, v3;
	v6 =	vmul.f32 v6, v12  }
0x1a3: {  	v19 =	vld [tilespmem:s11+$0xA050];
	[tilespmem:s11+$0xA460] =	vst v18;
	v13 =	vmul.f32 v13, v3;
	v7 =	vmul.f32 v7, v12  }
0x1a4: {  	v18 =	vld [tilespmem:s11+$0xA040];
	v4 =	vmul.f32 v4, v3;
	v17 =	vmul.f32 v17, v12;
	[tilespmem:s11+$0xA450] =	vst v6  }
0x1a5: {  	v13 =	vmul.f32 v13, v12;
	v6 =	vmul.f32 v11, v3;
	v11 =	vld [tilespmem:s11+$0xA030];
	[tilespmem:s11+$0xA440] =	vst v7  }
0x1a6: {  	v23 =	vmul.f32 v23, v3;
	v4 =	vmul.f32 v4, v12;
	v7 =	vld [tilespmem:s11+$0xA020];
	[tilespmem:s11+$0xA430] =	vst v17  }
0x1a7: {  	v5 =	vmul.f32 v5, v3;
	v17 =	vld [tilespmem:s11+$0xA010];
	[tilespmem:s11+$0xA410] =	vst v13;
	v6 =	vmul.f32 v6, v12  }
0x1a8: {  	v19 =	vmul.f32 v19, v3;
	v23 =	vmul.f32 v23, v12;
	[tilespmem:s11+$0xA420] =	vst v4;
	v4 =	vld [tilespmem:s11+$0xA000]  }
0x1a9: {  	v5 =	vmul.f32 v5, v12;
	v13 =	vmul.f32 v18, v3;
	[tilespmem:s11+$0xA400] =	vst v6;
	v6 =	vld [tilespmem:s11+$0xAC00]  }
0x1aa: {  	v19 =	vmul.f32 v19, v12;
	v18 =	vld [tilespmem:s11+$0xAC10];
	[tilespmem:s11+$0xA070] =	vst v23;
	v11 =	vmul.f32 v11, v3  }
0x1ab: {  	v23 =	vld [tilespmem:s11+$0xAC20];
	[tilespmem:s11+$0xA060] =	vst v5;
	v13 =	vmul.f32 v13, v12;
	v7 =	vmul.f32 v7, v3  }
0x1ac: {  	v5 =	vld [tilespmem:s11+$0xAC30];
	[tilespmem:s11+$0xA050] =	vst v19;
	v17 =	vmul.f32 v17, v3;
	v11 =	vmul.f32 v11, v12  }
0x1ad: {  	[tilespmem:s11+$0xA040] =	vst v13;
	v13 =	vld [tilespmem:s11+$0xAC40];
	v4 =	vmul.f32 v4, v3;
	v7 =	vmul.f32 v7, v12  }
0x1ae: {  	v19 =	vld [tilespmem:s11+$0xAC50];
	v17 =	vmul.f32 v17, v12;
	[tilespmem:s11+$0xA030] =	vst v11;
	v6 =	vmul.f32 v6, v3  }
0x1af: {  	v4 =	vmul.f32 v4, v12;
	v11 =	vmul.f32 v18, v3;
	v18 =	vld [tilespmem:s11+$0xAC60];
	[tilespmem:s11+$0xA020] =	vst v7  }
0x1b0: {  	v23 =	vmul.f32 v23, v3;
	v7 =	vld [tilespmem:s11+$0xAC70];
	[tilespmem:s11+$0xA010] =	vst v17;
	v6 =	vmul.f32 v6, v12  }
0x1b1: {  	v5 =	vmul.f32 v5, v3;
	v11 =	vmul.f32 v11, v12;
	[tilespmem:s11+$0xA000] =	vst v4  }
0x1b2: {  	v4 =	vmul.f32 v23, v12;
	[tilespmem:s11+$0xAC00] =	vst v6;
	v6 =	vmul.f32 v13, v3  }
0x1b3: {  	v5 =	vmul.f32 v5, v12;
	v13 =	vmul.f32 v19, v3;
	[tilespmem:s11+$0xAC10] =	vst v11  }
0x1b4: {  	[tilespmem:s11+$0xAC20] =	vst v4;
	v11 =	vmul.f32 v18, v3;
	v4 =	vmul.f32 v6, v12  }
0x1b5: {  	[tilespmem:s11+$0xAC30] =	vst v5;
	v3 =	vmul.f32 v7, v3;
	v6 =	vmul.f32 v13, v12  }
0x1b6: {  	v5 =	vmul.f32 v11, v12;
	[tilespmem:s11+$0xAC40] =	vst v4  }
0x1b7: {  	v3 =	vmul.f32 v3, v12;
	[tilespmem:s11+$0xAC50] =	vst v6  }
0x1b8: {  	[tilespmem:s11+$0xAC60] =	vst v5  }
0x1b9: {  	s12 =	rddreg [dreg:$0x7];
	[tilespmem:s11+$0xAC70] =	vst v3  }
0x1ba: {  	[hbm4b:s12+s22] =	stream.strided.scatter [tilespmem:s24], [sflag:$0x5], $0xA000, s23, s22, $0x38;
	[tilespmem:$0x1EA00] =	vst v63  }
0x1bb: {  	_ =	swait.ge [sflag:s30], $0xA000  }
0x1bc: {  	[sflag:s30] =	ssyncset.done $0x0  }
0x1bd: {  	[sflag:s30] =	ssyncadd.s32 $0xFFFF6000  }
0x1be: {  	s7 =	simm.s32 $0x0;
	_ =	swait.ge [sflag:s31], $0xA000  }
0x1bf: {  	s19 =	sand.u32 $0xF000, s7;
	s20 =	sand.u32 $0x380, s7;
	[sflag:s31] =	ssyncset.done $0x0  }
0x1c0: {  	s6 =	sor.u32 s20, s19;
	s18 =	rddreg [dreg:$0x8];
	[sflag:s31] =	ssyncadd.s32 $0xFFFF6000  }
0x1c1: {  	[tilespmem:s24], [sflag:$0x2] =	stream.strided.gather [hbm4b:s18+s22], $0xA000, s23, s22, $0x38;
	[tilespmem:$0x1EA00] =	vst v63  }
0x1c2: {  	s4 =	sadd.s32 $0x14000, s6;
	v6 =	vld [tilespmem:s6+$0x14000]  }
0x1c3: {  	v5 =	vld [tilespmem:s4+$0x830]  }
0x1c4: {  	v7 =	vld [tilespmem:s4+$0xC40]  }
0x1c5: {  	v11 =	vld [tilespmem:s4+$0xC10]  }
0x1c6: {  	s9 =	simm.s32 $0x1E000;
	v13 =	vld [tilespmem:s4+$0x70]  }
0x1c7: {  	s10 =	simm.s32 $0x1E500;
	v4 =	vld [tilespmem:s9+$0x0]  }
0x1c8: {  	v3 =	vld [tilespmem:s10+$0x0]  }
0x1c9: {  	v17 =	vld [tilespmem:s4+$0x400]  }
0x1ca: {  	s11 =	simm.s32 $0x200;
	v12 =	vld [tilespmem:s4+$0xC60]  }
.LBB2_10:
0x1cb: {  	v18 =	vld [tilespmem:s4+$0xC20];
	s7 =	sadd.s32 $0x80, s7;
	s9 =	sadd.s32 $0x10, s9;
	s10 =	sadd.s32 $0x10, s10  }
0x1cc: {  	p0 =	sne.s32 s11, $0x9400;
	s12 =	smov.u32 s11;
	s11 =	sadd.s32 $0x200, s11;
	v13 =	vmul.f32 v13, v4;
	v19 =	vld [tilespmem:s4+$0xC00];
	v11 =	vmul.f32 v11, v4  }
0x1cd: {  	v7 =	vmul.f32 v7, v4;
	v23 =	vld [tilespmem:s4+$0x820]  }
0x1ce: {  	v17 =	vmul.f32 v17, v4;
	v24 =	vld [tilespmem:s4+$0x840];
	v11 =	vmul.f32 v11, v3  }
0x1cf: {  	v13 =	vmul.f32 v13, v3;
	v25 =	vld [tilespmem:s4+$0x810];
	v12 =	vmul.f32 v12, v4  }
0x1d0: {  	v17 =	vmul.f32 v17, v3;
	v29 =	vld [tilespmem:s4+$0x470];
	[tilespmem:s4+$0xC10] =	vst v11;
	v11 =	vmul.f32 v18, v4  }
0x1d1: {  	[tilespmem:s4+$0x70] =	vst v13;
	v13 =	vld [tilespmem:s4+$0x460];
	v18 =	vmul.f32 v19, v4;
	v12 =	vmul.f32 v12, v3  }
0x1d2: {  	[tilespmem:s4+$0x400] =	vst v17;
	v17 =	vld [tilespmem:s4+$0x410];
	v19 =	vmul.f32 v23, v4;
	v11 =	vmul.f32 v11, v3  }
0x1d3: {  	v23 =	vld [tilespmem:s4+$0x50];
	v24 =	vmul.f32 v24, v4;
	v18 =	vmul.f32 v18, v3;
	[tilespmem:s4+$0xC60] =	vst v12  }
0x1d4: {  	v12 =	vld [tilespmem:s4+$0x430];
	v25 =	vmul.f32 v25, v4;
	v19 =	vmul.f32 v19, v3;
	[tilespmem:s4+$0xC20] =	vst v11  }
0x1d5: {  	v11 =	vld [tilespmem:s4+$0x440];
	v29 =	vmul.f32 v29, v4;
	v24 =	vmul.f32 v24, v3;
	[tilespmem:s4+$0xC00] =	vst v18  }
0x1d6: {  	v18 =	vld [tilespmem:s4+$0x450];
	v13 =	vmul.f32 v13, v4;
	v25 =	vmul.f32 v25, v3;
	[tilespmem:s4+$0x820] =	vst v19  }
0x1d7: {  	v17 =	vmul.f32 v17, v4;
	v19 =	vmul.f32 v29, v3;
	[tilespmem:s4+$0x840] =	vst v24  }
0x1d8: {  	v23 =	vmul.f32 v23, v4;
	v24 =	vld [tilespmem:s4+$0x420];
	v13 =	vmul.f32 v13, v3;
	[tilespmem:s4+$0x810] =	vst v25  }
0x1d9: {  	v17 =	vmul.f32 v17, v3;
	v12 =	vmul.f32 v12, v4;
	[tilespmem:s4+$0x470] =	vst v19;
	v19 =	vld [tilespmem:s4+$0xC70]  }
0x1da: {  	v6 =	vmul.f32 v6, v4;
	v11 =	vmul.f32 v11, v4;
	[tilespmem:s4+$0x460] =	vst v13;
	v13 =	vld [tilespmem:s4+$0xC30]  }
0x1db: {  	v25 =	vld [tilespmem:s4+$0x60];
	[tilespmem:s4+$0x410] =	vst v17;
	v12 =	vmul.f32 v12, v3;
	v17 =	vmul.f32 v18, v4  }
0x1dc: {  	v6 =	vmul.f32 v6, v3;
	v18 =	vld [tilespmem:s4+$0x40];
	v11 =	vmul.f32 v11, v3  }
0x1dd: {  	v23 =	vmul.f32 v23, v3;
	[tilespmem:s4+$0x430] =	vst v12;
	v12 =	vmul.f32 v17, v3;
	v17 =	vld [tilespmem:s4+$0x850]  }
0x1de: {  	v5 =	vmul.f32 v5, v4;
	v7 =	vmul.f32 v7, v3;
	[tilespmem:s6+$0x14000] =	vst v6;
	v6 =	vld [tilespmem:s4+$0x860]  }
0x1df: {  	v24 =	vmul.f32 v24, v4;
	v29 =	vld [tilespmem:s4+$0x30];
	[tilespmem:s4+$0x450] =	vst v12;
	v12 =	vmul.f32 v13, v4  }
0x1e0: {  	s6 =	sand.u32 $0xF000, s12;
	s12 =	sand.u32 $0x380, s7;
	v13 =	vld [tilespmem:s4+$0x10];
	v25 =	vmul.f32 v25, v4;
	[tilespmem:s4+$0x440] =	vst v11;
	v11 =	vmul.f32 v19, v4  }
0x1e1: {  	s6 =	sor.u32 s12, s6;
	v19 =	vld [tilespmem:s4+$0x20];
	v18 =	vmul.f32 v18, v4;
	[tilespmem:s4+$0x50] =	vst v23;
	v12 =	vmul.f32 v12, v3  }
0x1e2: {  	v23 =	vmul.f32 v25, v3;
	v17 =	vmul.f32 v17, v4;
	[tilespmem:s4+$0xC40] =	vst v7  }
0x1e3: {  	v7 =	vmul.f32 v18, v3;
	v18 =	vld [tilespmem:s4+$0x800];
	v6 =	vmul.f32 v6, v4;
	[tilespmem:s4+$0xC30] =	vst v12  }
0x1e4: {  	v12 =	vmul.f32 v29, v4;
	[tilespmem:s4+$0x60] =	vst v23;
	v17 =	vmul.f32 v17, v3;
	v23 =	vld [tilespmem:s4+$0xC50]  }
0x1e5: {  	v13 =	vmul.f32 v13, v4;
	[tilespmem:s4+$0x40] =	vst v7;
	v6 =	vmul.f32 v6, v3;
	v7 =	vld [tilespmem:s4+$0x870]  }
0x1e6: {  	v19 =	vmul.f32 v19, v4;
	v12 =	vmul.f32 v12, v3;
	[tilespmem:s4+$0x850] =	vst v17  }
0x1e7: {  	v11 =	vmul.f32 v11, v3;
	v13 =	vmul.f32 v13, v3;
	[tilespmem:s4+$0x860] =	vst v6  }
0x1e8: {  	v6 =	vmul.f32 v19, v3;
	[tilespmem:s4+$0x30] =	vst v12;
	v12 =	vmul.f32 v24, v3  }
0x1e9: {  	v5 =	vmul.f32 v5, v3;
	[tilespmem:s4+$0x10] =	vst v13;
	v13 =	vmul.f32 v23, v4  }
0x1ea: {  	v17 =	vmul.f32 v18, v4;
	[tilespmem:s4+$0x20] =	vst v6;
	v4 =	vmul.f32 v7, v4  }
0x1eb: {  	s12 =	sadd.s32 $0x14000, s6;
	v6 =	vld [tilespmem:s6+$0x14000];
	v13 =	vmul.f32 v13, v3;
	[tilespmem:s4+$0xC70] =	vst v11  }
0x1ec: {  	v17 =	vmul.f32 v17, v3;
	[tilespmem:s4+$0x830] =	vst v5;
	v3 =	vmul.f32 v4, v3  }
0x1ed: {  	v5 =	vld [tilespmem:s12+$0x830];
	[tilespmem:s4+$0x420] =	vst v12  }
0x1ee: {  	v7 =	vld [tilespmem:s12+$0xC40];
	[tilespmem:s4+$0xC50] =	vst v13  }
0x1ef: {  	v11 =	vld [tilespmem:s12+$0xC10];
	[tilespmem:s4+$0x800] =	vst v17  }
.Ltmp4:
0x1f0: {  	v13 =	vld [tilespmem:s12+$0x70];
	[tilespmem:s4+$0x870] =	vst v3;
	s4 =	smov.u32 s12;
	(pc) =	sbr.rel @p0 .LBB2_10-.Ltmp4, $4  }
0x1f1: {  	v4 =	vld [tilespmem:s9+$0x0]  }
0x1f2: {  	v3 =	vld [tilespmem:s10+$0x0]  }
0x1f3: {  	v17 =	vld [tilespmem:s4+$0x400]  }
0x1f4: {  	v12 =	vld [tilespmem:s4+$0xC60]  }
0x1f5: {  	_ = 	snop  }
0x1f6: {  	v11 =	vmul.f32 v11, v4  }
0x1f7: {  	v18 =	vld [tilespmem:s4+$0xC20];
	v13 =	vmul.f32 v13, v4;
	v6 =	vmul.f32 v6, v4  }
0x1f8: {  	v19 =	vld [tilespmem:s4+$0xC00];
	v7 =	vmul.f32 v7, v4;
	v11 =	vmul.f32 v11, v3  }
0x1f9: {  	v23 =	vld [tilespmem:s4+$0x820];
	v5 =	vmul.f32 v5, v4;
	v13 =	vmul.f32 v13, v3  }
0x1fa: {  	v24 =	vld [tilespmem:s4+$0x840];
	v17 =	vmul.f32 v17, v4;
	v6 =	vmul.f32 v6, v3;
	[tilespmem:s4+$0xC10] =	vst v11  }
0x1fb: {  	v25 =	vld [tilespmem:s4+$0x810];
	v7 =	vmul.f32 v7, v3;
	v12 =	vmul.f32 v12, v4;
	[tilespmem:s4+$0x70] =	vst v13  }
0x1fc: {  	v29 =	vld [tilespmem:s4+$0x470];
	v17 =	vmul.f32 v17, v3;
	v11 =	vmul.f32 v18, v4;
	[tilespmem:s6+$0x14000] =	vst v6  }
0x1fd: {  	v18 =	vld [tilespmem:s4+$0x460];
	v19 =	vmul.f32 v19, v4;
	[tilespmem:s4+$0xC40] =	vst v7;
	v12 =	vmul.f32 v12, v3  }
0x1fe: {  	v5 =	vmul.f32 v5, v3;
	v13 =	vld [tilespmem:s4+$0x410];
	[tilespmem:s4+$0x400] =	vst v17;
	v11 =	vmul.f32 v11, v3  }
0x1ff: {  	v24 =	vmul.f32 v24, v4;
	v6 =	vld [tilespmem:s4+$0x860];
	v19 =	vmul.f32 v19, v3;
	[tilespmem:s4+$0xC60] =	vst v12  }
0x200: {  	v25 =	vmul.f32 v25, v4;
	v17 =	vmul.f32 v23, v4;
	v12 =	vld [tilespmem:s4+$0x430];
	[tilespmem:s4+$0xC20] =	vst v11  }
0x201: {  	v24 =	vmul.f32 v24, v3;
	v11 =	vmul.f32 v29, v4;
	[tilespmem:s4+$0xC00] =	vst v19;
	v19 =	vld [tilespmem:s4+$0x450]  }
0x202: {  	[tilespmem:s4+$0x830] =	vst v5;
	v25 =	vmul.f32 v25, v3;
	v29 =	vld [tilespmem:s4+$0x440];
	v18 =	vmul.f32 v18, v4  }
0x203: {  	v23 =	vld [tilespmem:s4+$0x50];
	[tilespmem:s4+$0x840] =	vst v24;
	v13 =	vmul.f32 v13, v4;
	v11 =	vmul.f32 v11, v3  }
0x204: {  	v17 =	vmul.f32 v17, v3;
	[tilespmem:s4+$0x810] =	vst v25;
	v24 =	vld [tilespmem:s4+$0xC30];
	v18 =	vmul.f32 v18, v3  }
0x205: {  	v13 =	vmul.f32 v13, v3;
	v12 =	vmul.f32 v12, v4;
	[tilespmem:s4+$0x470] =	vst v11;
	v11 =	vld [tilespmem:s4+$0x60]  }
0x206: {  	v6 =	vmul.f32 v6, v4;
	[tilespmem:s4+$0x460] =	vst v18;
	v18 =	vmul.f32 v19, v4;
	v19 =	vld [tilespmem:s4+$0x40]  }
0x207: {  	v25 =	vmul.f32 v29, v4;
	[tilespmem:s4+$0x410] =	vst v13;
	v13 =	vld [tilespmem:s4+$0x850];
	v12 =	vmul.f32 v12, v3  }
0x208: {  	[tilespmem:s4+$0x820] =	vst v17;
	v23 =	vmul.f32 v23, v4;
	v18 =	vmul.f32 v18, v3  }
0x209: {  	v6 =	vmul.f32 v6, v3;
	v25 =	vmul.f32 v25, v3;
	[tilespmem:s4+$0x430] =	vst v12;
	v12 =	vld [tilespmem:s4+$0x30]  }
0x20a: {  	[tilespmem:s4+$0x450] =	vst v18;
	v18 =	vmul.f32 v24, v4;
	v24 =	vld [tilespmem:s4+$0x10];
	v11 =	vmul.f32 v11, v4  }
0x20b: {  	v23 =	vmul.f32 v23, v3;
	[tilespmem:s4+$0x440] =	vst v25;
	v25 =	vld [tilespmem:s4+$0x20];
	v19 =	vmul.f32 v19, v4  }
0x20c: {  	v29 =	vld [tilespmem:s4+$0xC70];
	[tilespmem:s4+$0x860] =	vst v6;
	v13 =	vmul.f32 v13, v4;
	v11 =	vmul.f32 v11, v3  }
0x20d: {  	v17 =	vld [tilespmem:s4+$0x420];
	[tilespmem:s4+$0x50] =	vst v23;
	v18 =	vmul.f32 v18, v3;
	v7 =	vmul.f32 v19, v3  }
0x20e: {  	v12 =	vmul.f32 v12, v4;
	[tilespmem:s4+$0x60] =	vst v11;
	v11 =	vmul.f32 v13, v3;
	v13 =	vld [tilespmem:s4+$0xC50]  }
0x20f: {  	v19 =	vld [tilespmem:s4+$0x800];
	[tilespmem:s4+$0xC30] =	vst v18;
	v18 =	vmul.f32 v24, v4  }
0x210: {  	[tilespmem:s4+$0x40] =	vst v7;
	v7 =	vld [tilespmem:s4+$0x870];
	v23 =	vmul.f32 v25, v4;
	v12 =	vmul.f32 v12, v3  }
0x211: {  	[tilespmem:s4+$0x850] =	vst v11;
	v11 =	vmul.f32 v29, v4;
	v18 =	vmul.f32 v18, v3  }
0x212: {  	v6 =	vmul.f32 v23, v3;
	[tilespmem:s4+$0x30] =	vst v12;
	v12 =	vmul.f32 v17, v4  }
0x213: {  	v11 =	vmul.f32 v11, v3;
	[tilespmem:s4+$0x10] =	vst v18;
	v13 =	vmul.f32 v13, v4  }
0x214: {  	[tilespmem:s4+$0x20] =	vst v6;
	v6 =	vmul.f32 v12, v3;
	v12 =	vmul.f32 v19, v4  }
0x215: {  	[tilespmem:s4+$0xC70] =	vst v11;
	v4 =	vmul.f32 v7, v4;
	v7 =	vmul.f32 v13, v3  }
0x216: {  	v5 =	vmul.f32 v12, v3;
	[tilespmem:s4+$0x420] =	vst v6  }
0x217: {  	v3 =	vmul.f32 v4, v3;
	[tilespmem:s4+$0xC50] =	vst v7  }
0x218: {  	[tilespmem:s4+$0x800] =	vst v5  }
0x219: {  	s20 =	rddreg [dreg:$0x9];
	s6 =	simm.s32 $0x0;
	[tilespmem:s4+$0x870] =	vst v3;
	s4 =	simm.s32 $0x0  }
0x21a: {  	[hbm4b:s20+s22] =	stream.strided.scatter [tilespmem:s26], [sflag:$0x6], $0xA000, s23, s22, $0x38;
	[tilespmem:$0x1EA00] =	vst v63  }
.LBB2_12:
0x21b: {  	_ =	swait.ge [sflag:s25], $0xA000  }
0x21c: {  	[sflag:s25] =	ssyncset.done $0x0  }
0x21d: {  	s9 =	smul.u32 $0x600, s6;
	[sflag:s25] =	ssyncadd.s32 $0xFFFF6000  }
0x21e: {  	s20 =	sand.u32 $0xF000, s4;
	_ =	swait.ge [sflag:s1], $0xA000  }
0x21f: {  	s11 =	sand.u32 $0x380, s4;
	s7 =	sadd.s32 s9, s13;
	[sflag:s1] =	ssyncset.done $0x0  }
0x220: {  	s12 =	sor.u32 s11, s20;
	s10 =	sadd.s32 s0, s7;
	[sflag:s1] =	ssyncadd.s32 $0xFFFF6000  }
0x221: {  	[tilespmem:s26], [sflag:$0x3] =	stream.strided.gather [hbm4b:s10+s22], $0xA000, s23, s22, $0x38;
	[tilespmem:$0x1EA00] =	vst v63  }
0x222: {  	v4 =	vld [tilespmem:s12+$0x860]  }
0x223: {  	s10 =	simm.s32 $0x1E000;
	v5 =	vld [tilespmem:s12+$0x870]  }
0x224: {  	v6 =	vld [tilespmem:s10+$0x0]  }
0x225: {  	s11 =	simm.s32 $0x1E500;
	v7 =	vld [tilespmem:s12+$0x850]  }
0x226: {  	v3 =	vld [tilespmem:s11+$0x0]  }
0x227: {  	v11 =	vld [tilespmem:s12+$0x840]  }
0x228: {  	v12 =	vld [tilespmem:s12+$0x830]  }
0x229: {  	v13 =	vld [tilespmem:s12+$0x820]  }
0x22a: {  	v17 =	vld [tilespmem:s12+$0x810];
	v5 =	vmul.f32 v5, v6  }
0x22b: {  	v18 =	vld [tilespmem:s12+$0x800];
	v4 =	vmul.f32 v4, v6;
	v7 =	vmul.f32 v7, v6  }
0x22c: {  	v19 =	vld [tilespmem:s12+$0x470];
	v11 =	vmul.f32 v11, v6;
	v5 =	vmul.f32 v5, v3  }
0x22d: {  	v23 =	vld [tilespmem:s12+$0x460];
	v12 =	vmul.f32 v12, v6;
	v4 =	vmul.f32 v4, v3  }
0x22e: {  	v13 =	vmul.f32 v13, v6;
	v7 =	vmul.f32 v7, v3;
	[tilespmem:s12+$0x870] =	vst v5  }
0x22f: {  	v12 =	vmul.f32 v12, v3;
	v5 =	vmul.f32 v11, v3;
	v11 =	vld [tilespmem:s12+$0x450];
	[tilespmem:s12+$0x860] =	vst v4  }
0x230: {  	v17 =	vmul.f32 v17, v6;
	v13 =	vmul.f32 v13, v3;
	v4 =	vld [tilespmem:s12+$0x440];
	[tilespmem:s12+$0x850] =	vst v7  }
0x231: {  	v19 =	vmul.f32 v19, v6;
	v7 =	vmul.f32 v18, v6;
	v18 =	vld [tilespmem:s12+$0x430];
	[tilespmem:s12+$0x830] =	vst v12  }
0x232: {  	v23 =	vmul.f32 v23, v6;
	v17 =	vmul.f32 v17, v3;
	v12 =	vld [tilespmem:s12+$0x410];
	[tilespmem:s12+$0x820] =	vst v13  }
0x233: {  	v19 =	vmul.f32 v19, v3;
	[tilespmem:s12+$0x840] =	vst v5;
	v5 =	vld [tilespmem:s12+$0x420]  }
0x234: {  	v13 =	vld [tilespmem:s12+$0x400];
	[tilespmem:s12+$0x810] =	vst v17;
	v17 =	vmul.f32 v23, v3;
	v11 =	vmul.f32 v11, v6  }
0x235: {  	v23 =	vld [tilespmem:s12+$0x70];
	[tilespmem:s12+$0x470] =	vst v19;
	v7 =	vmul.f32 v7, v3;
	v4 =	vmul.f32 v4, v6  }
0x236: {  	v19 =	vld [tilespmem:s12+$0x50];
	[tilespmem:s12+$0x460] =	vst v17;
	v18 =	vmul.f32 v18, v6;
	v11 =	vmul.f32 v11, v3  }
0x237: {  	[tilespmem:s12+$0x800] =	vst v7;
	v7 =	vld [tilespmem:s12+$0x60];
	v12 =	vmul.f32 v12, v6;
	v4 =	vmul.f32 v4, v3  }
0x238: {  	v17 =	vld [tilespmem:s12+$0x40];
	v5 =	vmul.f32 v5, v6;
	v18 =	vmul.f32 v18, v3;
	[tilespmem:s12+$0x450] =	vst v11  }
0x239: {  	v12 =	vmul.f32 v12, v3;
	v11 =	vmul.f32 v13, v6;
	v13 =	vld [tilespmem:s12+$0x30];
	[tilespmem:s12+$0x440] =	vst v4  }
0x23a: {  	v23 =	vmul.f32 v23, v6;
	v5 =	vmul.f32 v5, v3;
	v4 =	vld [tilespmem:s12+$0x20];
	[tilespmem:s12+$0x430] =	vst v18  }
0x23b: {  	v19 =	vmul.f32 v19, v6;
	v18 =	vld [tilespmem:s12+$0x10];
	[tilespmem:s12+$0x410] =	vst v12;
	v11 =	vmul.f32 v11, v3  }
0x23c: {  	v23 =	vmul.f32 v23, v3;
	v7 =	vmul.f32 v7, v6;
	[tilespmem:s12+$0x420] =	vst v5;
	v5 =	vld [tilespmem:s12+$0x0]  }
0x23d: {  	v19 =	vmul.f32 v19, v3;
	v12 =	vmul.f32 v17, v6;
	[tilespmem:s12+$0x400] =	vst v11;
	v11 =	vld [tilespmem:s12+$0xC00]  }
0x23e: {  	v17 =	vld [tilespmem:s12+$0xC10];
	[tilespmem:s12+$0x70] =	vst v23;
	v7 =	vmul.f32 v7, v3;
	v13 =	vmul.f32 v13, v6  }
0x23f: {  	v23 =	vld [tilespmem:s12+$0xC20];
	[tilespmem:s12+$0x50] =	vst v19;
	v12 =	vmul.f32 v12, v3;
	v4 =	vmul.f32 v4, v6  }
0x240: {  	[tilespmem:s12+$0x60] =	vst v7;
	v7 =	vld [tilespmem:s12+$0xC30];
	v18 =	vmul.f32 v18, v6;
	v13 =	vmul.f32 v13, v3  }
0x241: {  	[tilespmem:s12+$0x40] =	vst v12;
	v12 =	vld [tilespmem:s12+$0xC40];
	v5 =	vmul.f32 v5, v6;
	v4 =	vmul.f32 v4, v3  }
0x242: {  	v19 =	vld [tilespmem:s12+$0xC50];
	v18 =	vmul.f32 v18, v3;
	[tilespmem:s12+$0x30] =	vst v13;
	v11 =	vmul.f32 v11, v6  }
0x243: {  	v5 =	vmul.f32 v5, v3;
	v13 =	vmul.f32 v17, v6;
	v17 =	vld [tilespmem:s12+$0xC60];
	[tilespmem:s12+$0x20] =	vst v4  }
0x244: {  	v4 =	vmul.f32 v23, v6;
	[tilespmem:s12+$0x10] =	vst v18;
	v18 =	vld [tilespmem:s12+$0xC70];
	v11 =	vmul.f32 v11, v3  }
0x245: {  	v7 =	vmul.f32 v7, v6;
	v13 =	vmul.f32 v13, v3;
	[tilespmem:s12+$0x0] =	vst v5  }
0x246: {  	v4 =	vmul.f32 v4, v3;
	v5 =	vmul.f32 v12, v6;
	[tilespmem:s12+$0xC00] =	vst v11  }
0x247: {  	s19 =	simm.s32 $0x200;
	s18 =	simm.s32 $0x80;
	v7 =	vmul.f32 v7, v3;
	v11 =	vmul.f32 v19, v6;
	[tilespmem:s12+$0xC10] =	vst v13  }
0x248: {  	s19 =	sand.u32 $0xF000, s19;
	s20 =	sand.u32 $0x380, s18;
	[tilespmem:s12+$0xC20] =	vst v4;
	v4 =	vmul.f32 v5, v3;
	v12 =	vmul.f32 v17, v6  }
0x249: {  	s20 =	sor.u32 s20, s19;
	[tilespmem:s12+$0xC30] =	vst v7;
	v7 =	vmul.f32 v18, v6;
	v11 =	vmul.f32 v11, v3  }
0x24a: {  	v5 =	vld [tilespmem:s20+$0x800];
	[tilespmem:s12+$0xC40] =	vst v4;
	v12 =	vmul.f32 v12, v3  }
0x24b: {  	v6 =	vld [tilespmem:s20+$0x840];
	v3 =	vmul.f32 v7, v3;
	[tilespmem:s12+$0xC50] =	vst v11  }
0x24c: {  	s19 =	simm.s32 $0x400;
	v7 =	vld [tilespmem:s20+$0x860];
	[tilespmem:s12+$0xC60] =	vst v12  }
.LBB2_13:
0x24d: {  	p0 =	sne.s32 s19, $0x9400;
	v11 =	vld [tilespmem:s20+$0x870];
	[tilespmem:s12+$0xC70] =	vst v3;
	s10 =	sadd.s32 $0x10, s10;
	s12 =	smov.u32 s20  }
0x24e: {  	v4 =	vld [tilespmem:s10+$0x0]  }
0x24f: {  	s11 =	sadd.s32 $0x10, s11;
	v12 =	vld [tilespmem:s12+$0x850]  }
0x250: {  	v3 =	vld [tilespmem:s11+$0x0]  }
0x251: {  	v13 =	vld [tilespmem:s12+$0x820]  }
0x252: {  	v17 =	vld [tilespmem:s12+$0x830]  }
0x253: {  	v18 =	vld [tilespmem:s12+$0x810];
	v7 =	vmul.f32 v7, v4;
	v11 =	vmul.f32 v11, v4  }
0x254: {  	v6 =	vmul.f32 v6, v4;
	v19 =	vld [tilespmem:s12+$0x440];
	v12 =	vmul.f32 v12, v4  }
0x255: {  	v23 =	vld [tilespmem:s12+$0x460];
	v7 =	vmul.f32 v7, v3;
	v11 =	vmul.f32 v11, v3  }
0x256: {  	v6 =	vmul.f32 v6, v3;
	v24 =	vld [tilespmem:s12+$0x470];
	v12 =	vmul.f32 v12, v3  }
0x257: {  	v13 =	vmul.f32 v13, v4;
	v25 =	vld [tilespmem:s12+$0x450];
	v17 =	vmul.f32 v17, v4;
	[tilespmem:s12+$0x870] =	vst v11  }
0x258: {  	v5 =	vmul.f32 v5, v4;
	v11 =	vld [tilespmem:s12+$0x400];
	v18 =	vmul.f32 v18, v4;
	[tilespmem:s12+$0x860] =	vst v7  }
0x259: {  	v13 =	vmul.f32 v13, v3;
	v7 =	vld [tilespmem:s12+$0x420];
	v17 =	vmul.f32 v17, v3;
	[tilespmem:s12+$0x850] =	vst v12  }
0x25a: {  	v5 =	vmul.f32 v5, v3;
	v12 =	vld [tilespmem:s12+$0x430];
	v18 =	vmul.f32 v18, v3;
	[tilespmem:s12+$0x840] =	vst v6  }
0x25b: {  	v23 =	vmul.f32 v23, v4;
	v6 =	vld [tilespmem:s12+$0x410];
	v24 =	vmul.f32 v24, v4;
	[tilespmem:s12+$0x830] =	vst v17  }
0x25c: {  	v19 =	vmul.f32 v19, v4;
	v17 =	vld [tilespmem:s12+$0x40];
	v25 =	vmul.f32 v25, v4;
	[tilespmem:s12+$0x820] =	vst v13  }
0x25d: {  	v23 =	vmul.f32 v23, v3;
	v13 =	vld [tilespmem:s12+$0x60];
	v24 =	vmul.f32 v24, v3;
	[tilespmem:s12+$0x810] =	vst v18  }
0x25e: {  	v19 =	vmul.f32 v19, v3;
	v18 =	vld [tilespmem:s12+$0x70];
	v25 =	vmul.f32 v25, v3;
	[tilespmem:s12+$0x800] =	vst v5  }
0x25f: {  	v7 =	vmul.f32 v7, v4;
	v5 =	vld [tilespmem:s12+$0x50];
	v12 =	vmul.f32 v12, v4;
	[tilespmem:s12+$0x470] =	vst v24  }
0x260: {  	v11 =	vmul.f32 v11, v4;
	v24 =	vld [tilespmem:s12+$0x0];
	v6 =	vmul.f32 v6, v4;
	[tilespmem:s12+$0x460] =	vst v23  }
0x261: {  	v7 =	vmul.f32 v7, v3;
	v23 =	vld [tilespmem:s12+$0x20];
	v12 =	vmul.f32 v12, v3;
	[tilespmem:s12+$0x450] =	vst v25  }
0x262: {  	v11 =	vmul.f32 v11, v3;
	v25 =	vld [tilespmem:s12+$0x30];
	v6 =	vmul.f32 v6, v3;
	[tilespmem:s12+$0x440] =	vst v19  }
0x263: {  	v13 =	vmul.f32 v13, v4;
	v19 =	vld [tilespmem:s12+$0x10];
	v18 =	vmul.f32 v18, v4;
	[tilespmem:s12+$0x430] =	vst v12  }
0x264: {  	v12 =	vmul.f32 v17, v4;
	v5 =	vmul.f32 v5, v4;
	[tilespmem:s12+$0x420] =	vst v7;
	v7 =	vld [tilespmem:s12+$0xC30]  }
0x265: {  	v13 =	vmul.f32 v13, v3;
	v17 =	vmul.f32 v18, v3;
	[tilespmem:s12+$0x410] =	vst v6;
	v6 =	vld [tilespmem:s12+$0xC10]  }
0x266: {  	v12 =	vmul.f32 v12, v3;
	v5 =	vmul.f32 v5, v3;
	[tilespmem:s12+$0x400] =	vst v11;
	v11 =	vld [tilespmem:s12+$0xC00]  }
0x267: {  	v18 =	vmul.f32 v23, v4;
	v23 =	vmul.f32 v25, v4;
	[tilespmem:s12+$0x70] =	vst v17;
	v17 =	vld [tilespmem:s12+$0xC20]  }
0x268: {  	v24 =	vmul.f32 v24, v4;
	v19 =	vmul.f32 v19, v4;
	[tilespmem:s12+$0x60] =	vst v13;
	v13 =	vld [tilespmem:s12+$0xC70]  }
0x269: {  	v18 =	vmul.f32 v18, v3;
	v23 =	vmul.f32 v23, v3;
	[tilespmem:s12+$0x50] =	vst v5;
	v5 =	vld [tilespmem:s12+$0xC50]  }
0x26a: {  	v24 =	vmul.f32 v24, v3;
	v19 =	vmul.f32 v19, v3;
	[tilespmem:s12+$0x40] =	vst v12;
	v12 =	vld [tilespmem:s12+$0xC40]  }
0x26b: {  	v6 =	vmul.f32 v6, v4;
	[tilespmem:s12+$0x30] =	vst v23;
	v11 =	vmul.f32 v11, v4;
	v23 =	vld [tilespmem:s12+$0xC60]  }
0x26c: {  	v7 =	vmul.f32 v7, v4;
	[tilespmem:s12+$0x20] =	vst v18;
	v17 =	vmul.f32 v17, v4  }
0x26d: {  	v6 =	vmul.f32 v6, v3;
	[tilespmem:s12+$0x10] =	vst v19;
	v11 =	vmul.f32 v11, v3  }
0x26e: {  	v7 =	vmul.f32 v7, v3;
	[tilespmem:s12+$0x0] =	vst v24;
	v17 =	vmul.f32 v17, v3  }
0x26f: {  	v5 =	vmul.f32 v5, v4;
	[tilespmem:s12+$0xC00] =	vst v11;
	v11 =	vmul.f32 v12, v4  }
0x270: {  	s18 =	sadd.s32 $0x80, s18;
	[tilespmem:s12+$0xC10] =	vst v6;
	v6 =	vmul.f32 v23, v4;
	v4 =	vmul.f32 v13, v4  }
.Ltmp5:
0x271: {  	s20 =	sand.u32 $0xF000, s19;
	s5 =	sand.u32 $0x380, s18;
	v12 =	vmul.f32 v5, v3;
	[tilespmem:s12+$0xC20] =	vst v17;
	v11 =	vmul.f32 v11, v3;
	(pc) =	sbr.rel @p0 .LBB2_13-.Ltmp5, $4  }
0x272: {  	s20 =	sor.u32 s5, s20;
	[tilespmem:s12+$0xC30] =	vst v7;
	v13 =	vmul.f32 v6, v3;
	v3 =	vmul.f32 v4, v3  }
0x273: {  	v5 =	vld [tilespmem:s20+$0x800];
	[tilespmem:s12+$0xC40] =	vst v11  }
0x274: {  	v6 =	vld [tilespmem:s20+$0x840];
	[tilespmem:s12+$0xC50] =	vst v12  }
0x275: {  	s19 =	sadd.s32 $0x200, s19;
	v7 =	vld [tilespmem:s20+$0x860];
	[tilespmem:s12+$0xC60] =	vst v13  }
0x276: {  	v4 =	vld [tilespmem:s20+$0x870]  }
0x277: {  	[tilespmem:s12+$0xC70] =	vst v3;
	s5 =	sadd.s32 $0x10, s10;
	v11 =	vld [tilespmem:s20+$0x850]  }
0x278: {  	v3 =	vld [tilespmem:s5+$0x0]  }
0x279: {  	s10 =	sadd.s32 $0x10, s11;
	v13 =	vld [tilespmem:s20+$0x830]  }
0x27a: {  	v12 =	vld [tilespmem:s10+$0x0]  }
0x27b: {  	v17 =	vld [tilespmem:s20+$0x820]  }
0x27c: {  	v18 =	vld [tilespmem:s20+$0x810]  }
0x27d: {  	v4 =	vmul.f32 v4, v3;
	v7 =	vmul.f32 v7, v3  }
0x27e: {  	v11 =	vmul.f32 v11, v3;
	v6 =	vmul.f32 v6, v3  }
0x27f: {  	v13 =	vmul.f32 v13, v3;
	v4 =	vmul.f32 v4, v12  }
0x280: {  	v19 =	vld [tilespmem:s20+$0x470];
	v17 =	vmul.f32 v17, v3;
	v7 =	vmul.f32 v7, v12  }
0x281: {  	v23 =	vld [tilespmem:s20+$0x460];
	v18 =	vmul.f32 v18, v3;
	v11 =	vmul.f32 v11, v12;
	[tilespmem:s20+$0x870] =	vst v4  }
0x282: {  	v13 =	vmul.f32 v13, v12;
	v4 =	vmul.f32 v6, v12;
	v6 =	vld [tilespmem:s20+$0x450];
	[tilespmem:s20+$0x860] =	vst v7  }
0x283: {  	v18 =	vmul.f32 v18, v12;
	v7 =	vld [tilespmem:s20+$0x440];
	[tilespmem:s20+$0x850] =	vst v11  }
0x284: {  	v5 =	vmul.f32 v5, v3;
	v11 =	vmul.f32 v17, v12;
	v17 =	vld [tilespmem:s20+$0x430];
	[tilespmem:s20+$0x830] =	vst v13  }
0x285: {  	v19 =	vmul.f32 v19, v3;
	v13 =	vld [tilespmem:s20+$0x410];
	[tilespmem:s20+$0x810] =	vst v18  }
0x286: {  	v23 =	vmul.f32 v23, v3;
	v5 =	vmul.f32 v5, v12;
	[tilespmem:s20+$0x840] =	vst v4;
	v4 =	vld [tilespmem:s20+$0x420]  }
0x287: {  	v19 =	vmul.f32 v19, v12;
	[tilespmem:s20+$0x820] =	vst v11;
	v11 =	vld [tilespmem:s20+$0x400];
	v6 =	vmul.f32 v6, v3  }
0x288: {  	v18 =	vmul.f32 v23, v12;
	v23 =	vld [tilespmem:s20+$0x70];
	[tilespmem:s20+$0x800] =	vst v5;
	v7 =	vmul.f32 v7, v3  }
0x289: {  	v5 =	vld [tilespmem:s20+$0x60];
	[tilespmem:s20+$0x470] =	vst v19;
	v17 =	vmul.f32 v17, v3;
	v6 =	vmul.f32 v6, v12  }
0x28a: {  	v19 =	vld [tilespmem:s20+$0x50];
	[tilespmem:s20+$0x460] =	vst v18;
	v13 =	vmul.f32 v13, v3;
	v7 =	vmul.f32 v7, v12  }
0x28b: {  	v18 =	vld [tilespmem:s20+$0x40];
	v4 =	vmul.f32 v4, v3;
	v17 =	vmul.f32 v17, v12;
	[tilespmem:s20+$0x450] =	vst v6  }
0x28c: {  	v13 =	vmul.f32 v13, v12;
	v6 =	vmul.f32 v11, v3;
	v11 =	vld [tilespmem:s20+$0x30];
	[tilespmem:s20+$0x440] =	vst v7  }
0x28d: {  	v23 =	vmul.f32 v23, v3;
	v4 =	vmul.f32 v4, v12;
	v7 =	vld [tilespmem:s20+$0x20];
	[tilespmem:s20+$0x430] =	vst v17  }
0x28e: {  	v5 =	vmul.f32 v5, v3;
	v17 =	vld [tilespmem:s20+$0x10];
	[tilespmem:s20+$0x410] =	vst v13;
	v6 =	vmul.f32 v6, v12  }
0x28f: {  	v19 =	vmul.f32 v19, v3;
	v23 =	vmul.f32 v23, v12;
	[tilespmem:s20+$0x420] =	vst v4;
	v4 =	vld [tilespmem:s20+$0x0]  }
0x290: {  	v5 =	vmul.f32 v5, v12;
	v13 =	vmul.f32 v18, v3;
	[tilespmem:s20+$0x400] =	vst v6;
	v6 =	vld [tilespmem:s20+$0xC00]  }
0x291: {  	v19 =	vmul.f32 v19, v12;
	v18 =	vld [tilespmem:s20+$0xC10];
	[tilespmem:s20+$0x70] =	vst v23;
	v11 =	vmul.f32 v11, v3  }
0x292: {  	v23 =	vld [tilespmem:s20+$0xC20];
	[tilespmem:s20+$0x60] =	vst v5;
	v13 =	vmul.f32 v13, v12;
	v7 =	vmul.f32 v7, v3  }
0x293: {  	v5 =	vld [tilespmem:s20+$0xC30];
	[tilespmem:s20+$0x50] =	vst v19;
	v17 =	vmul.f32 v17, v3;
	v11 =	vmul.f32 v11, v12  }
0x294: {  	[tilespmem:s20+$0x40] =	vst v13;
	v13 =	vld [tilespmem:s20+$0xC40];
	v4 =	vmul.f32 v4, v3;
	v7 =	vmul.f32 v7, v12  }
0x295: {  	v19 =	vld [tilespmem:s20+$0xC50];
	v17 =	vmul.f32 v17, v12;
	[tilespmem:s20+$0x30] =	vst v11;
	v6 =	vmul.f32 v6, v3  }
0x296: {  	v4 =	vmul.f32 v4, v12;
	v11 =	vmul.f32 v18, v3;
	v18 =	vld [tilespmem:s20+$0xC60];
	[tilespmem:s20+$0x20] =	vst v7  }
0x297: {  	v23 =	vmul.f32 v23, v3;
	v7 =	vld [tilespmem:s20+$0xC70];
	[tilespmem:s20+$0x10] =	vst v17;
	v6 =	vmul.f32 v6, v12  }
0x298: {  	v5 =	vmul.f32 v5, v3;
	v11 =	vmul.f32 v11, v12;
	[tilespmem:s20+$0x0] =	vst v4  }
0x299: {  	v4 =	vmul.f32 v23, v12;
	[tilespmem:s20+$0xC00] =	vst v6;
	v6 =	vmul.f32 v13, v3  }
0x29a: {  	v5 =	vmul.f32 v5, v12;
	v13 =	vmul.f32 v19, v3;
	[tilespmem:s20+$0xC10] =	vst v11  }
0x29b: {  	[tilespmem:s20+$0xC20] =	vst v4;
	v11 =	vmul.f32 v18, v3;
	v4 =	vmul.f32 v6, v12  }
0x29c: {  	[tilespmem:s20+$0xC30] =	vst v5;
	v3 =	vmul.f32 v7, v3;
	v6 =	vmul.f32 v13, v12  }
0x29d: {  	v5 =	vmul.f32 v11, v12;
	[tilespmem:s20+$0xC40] =	vst v4  }
0x29e: {  	v3 =	vmul.f32 v3, v12;
	[tilespmem:s20+$0xC50] =	vst v6  }
0x29f: {  	[tilespmem:s20+$0xC60] =	vst v5  }
0x2a0: {  	s11 =	sadd.s32 s9, s14;
	s12 =	simm.s32 $0x0;
	[tilespmem:s20+$0xC70] =	vst v3  }
0x2a1: {  	[hbm4b:s11+s22] =	stream.strided.scatter [tilespmem:s12], [sflag:$0x4], $0xA000, s23, s22, $0x38;
	[tilespmem:$0x1EA00] =	vst v63  }
0x2a2: {  	_ =	swait.ge [sflag:s28], $0xA000  }
0x2a3: {  	[sflag:s28] =	ssyncset.done $0x0  }
0x2a4: {  	[sflag:s28] =	ssyncadd.s32 $0xFFFF6000  }
0x2a5: {  	_ =	swait.ge [sflag:s29], $0xA000  }
0x2a6: {  	s18 =	sadd.s32 s9, s15;
	[sflag:s29] =	ssyncset.done $0x0  }
0x2a7: {  	s19 =	sand.u32 $0xF000, s12;
	s10 =	sand.u32 $0x380, s12;
	[sflag:s29] =	ssyncadd.s32 $0xFFFF6000  }
0x2a8: {  	[tilespmem:s12], [sflag:$0x1] =	stream.strided.gather [hbm4b:s18+s22], $0xA000, s23, s22, $0x38;
	[tilespmem:$0x1EA00] =	vst v63  }
0x2a9: {  	s12 =	sor.u32 s10, s19  }
0x2aa: {  	v4 =	vld [tilespmem:s12+$0xA860]  }
0x2ab: {  	s10 =	simm.s32 $0x1E000;
	v5 =	vld [tilespmem:s12+$0xA870]  }
0x2ac: {  	v6 =	vld [tilespmem:s10+$0x0]  }
0x2ad: {  	s11 =	simm.s32 $0x1E500;
	v7 =	vld [tilespmem:s12+$0xA850]  }
0x2ae: {  	v3 =	vld [tilespmem:s11+$0x0]  }
0x2af: {  	v11 =	vld [tilespmem:s12+$0xA840]  }
0x2b0: {  	v12 =	vld [tilespmem:s12+$0xA830]  }
0x2b1: {  	v13 =	vld [tilespmem:s12+$0xA820]  }
0x2b2: {  	v17 =	vld [tilespmem:s12+$0xA810];
	v5 =	vmul.f32 v5, v6  }
0x2b3: {  	v18 =	vld [tilespmem:s12+$0xA800];
	v4 =	vmul.f32 v4, v6;
	v7 =	vmul.f32 v7, v6  }
0x2b4: {  	v19 =	vld [tilespmem:s12+$0xA470];
	v11 =	vmul.f32 v11, v6;
	v5 =	vmul.f32 v5, v3  }
0x2b5: {  	v23 =	vld [tilespmem:s12+$0xA460];
	v12 =	vmul.f32 v12, v6;
	v4 =	vmul.f32 v4, v3  }
0x2b6: {  	v13 =	vmul.f32 v13, v6;
	v7 =	vmul.f32 v7, v3;
	[tilespmem:s12+$0xA870] =	vst v5  }
0x2b7: {  	v12 =	vmul.f32 v12, v3;
	v5 =	vmul.f32 v11, v3;
	v11 =	vld [tilespmem:s12+$0xA450];
	[tilespmem:s12+$0xA860] =	vst v4  }
0x2b8: {  	v17 =	vmul.f32 v17, v6;
	v13 =	vmul.f32 v13, v3;
	v4 =	vld [tilespmem:s12+$0xA440];
	[tilespmem:s12+$0xA850] =	vst v7  }
0x2b9: {  	v19 =	vmul.f32 v19, v6;
	v7 =	vmul.f32 v18, v6;
	v18 =	vld [tilespmem:s12+$0xA430];
	[tilespmem:s12+$0xA830] =	vst v12  }
0x2ba: {  	v23 =	vmul.f32 v23, v6;
	v17 =	vmul.f32 v17, v3;
	v12 =	vld [tilespmem:s12+$0xA410];
	[tilespmem:s12+$0xA820] =	vst v13  }
0x2bb: {  	v19 =	vmul.f32 v19, v3;
	[tilespmem:s12+$0xA840] =	vst v5;
	v5 =	vld [tilespmem:s12+$0xA420]  }
0x2bc: {  	v13 =	vld [tilespmem:s12+$0xA400];
	[tilespmem:s12+$0xA810] =	vst v17;
	v17 =	vmul.f32 v23, v3;
	v11 =	vmul.f32 v11, v6  }
0x2bd: {  	v23 =	vld [tilespmem:s12+$0xA070];
	[tilespmem:s12+$0xA470] =	vst v19;
	v7 =	vmul.f32 v7, v3;
	v4 =	vmul.f32 v4, v6  }
0x2be: {  	v19 =	vld [tilespmem:s12+$0xA050];
	[tilespmem:s12+$0xA460] =	vst v17;
	v18 =	vmul.f32 v18, v6;
	v11 =	vmul.f32 v11, v3  }
0x2bf: {  	[tilespmem:s12+$0xA800] =	vst v7;
	v7 =	vld [tilespmem:s12+$0xA060];
	v12 =	vmul.f32 v12, v6;
	v4 =	vmul.f32 v4, v3  }
0x2c0: {  	v17 =	vld [tilespmem:s12+$0xA040];
	v5 =	vmul.f32 v5, v6;
	v18 =	vmul.f32 v18, v3;
	[tilespmem:s12+$0xA450] =	vst v11  }
0x2c1: {  	v12 =	vmul.f32 v12, v3;
	v11 =	vmul.f32 v13, v6;
	v13 =	vld [tilespmem:s12+$0xA030];
	[tilespmem:s12+$0xA440] =	vst v4  }
0x2c2: {  	v23 =	vmul.f32 v23, v6;
	v5 =	vmul.f32 v5, v3;
	v4 =	vld [tilespmem:s12+$0xA020];
	[tilespmem:s12+$0xA430] =	vst v18  }
0x2c3: {  	v19 =	vmul.f32 v19, v6;
	v18 =	vld [tilespmem:s12+$0xA010];
	[tilespmem:s12+$0xA410] =	vst v12;
	v11 =	vmul.f32 v11, v3  }
0x2c4: {  	v23 =	vmul.f32 v23, v3;
	v7 =	vmul.f32 v7, v6;
	[tilespmem:s12+$0xA420] =	vst v5;
	v5 =	vld [tilespmem:s12+$0xA000]  }
0x2c5: {  	v19 =	vmul.f32 v19, v3;
	v12 =	vmul.f32 v17, v6;
	[tilespmem:s12+$0xA400] =	vst v11;
	v11 =	vld [tilespmem:s12+$0xAC00]  }
0x2c6: {  	v17 =	vld [tilespmem:s12+$0xAC10];
	[tilespmem:s12+$0xA070] =	vst v23;
	v7 =	vmul.f32 v7, v3;
	v13 =	vmul.f32 v13, v6  }
0x2c7: {  	v23 =	vld [tilespmem:s12+$0xAC20];
	[tilespmem:s12+$0xA050] =	vst v19;
	v12 =	vmul.f32 v12, v3;
	v4 =	vmul.f32 v4, v6  }
0x2c8: {  	[tilespmem:s12+$0xA060] =	vst v7;
	v7 =	vld [tilespmem:s12+$0xAC30];
	v18 =	vmul.f32 v18, v6;
	v13 =	vmul.f32 v13, v3  }
0x2c9: {  	[tilespmem:s12+$0xA040] =	vst v12;
	v12 =	vld [tilespmem:s12+$0xAC40];
	v5 =	vmul.f32 v5, v6;
	v4 =	vmul.f32 v4, v3  }
0x2ca: {  	v19 =	vld [tilespmem:s12+$0xAC50];
	v18 =	vmul.f32 v18, v3;
	[tilespmem:s12+$0xA030] =	vst v13;
	v11 =	vmul.f32 v11, v6  }
0x2cb: {  	v5 =	vmul.f32 v5, v3;
	v13 =	vmul.f32 v17, v6;
	v17 =	vld [tilespmem:s12+$0xAC60];
	[tilespmem:s12+$0xA020] =	vst v4  }
0x2cc: {  	v4 =	vmul.f32 v23, v6;
	[tilespmem:s12+$0xA010] =	vst v18;
	v18 =	vld [tilespmem:s12+$0xAC70];
	v11 =	vmul.f32 v11, v3  }
0x2cd: {  	v7 =	vmul.f32 v7, v6;
	v13 =	vmul.f32 v13, v3;
	[tilespmem:s12+$0xA000] =	vst v5  }
0x2ce: {  	v4 =	vmul.f32 v4, v3;
	v5 =	vmul.f32 v12, v6;
	[tilespmem:s12+$0xAC00] =	vst v11  }
0x2cf: {  	s20 =	simm.s32 $0x200;
	s18 =	simm.s32 $0x80;
	v7 =	vmul.f32 v7, v3;
	v11 =	vmul.f32 v19, v6;
	[tilespmem:s12+$0xAC10] =	vst v13  }
0x2d0: {  	s5 =	sand.u32 $0xF000, s20;
	s19 =	sand.u32 $0x380, s18;
	[tilespmem:s12+$0xAC20] =	vst v4;
	v4 =	vmul.f32 v5, v3;
	v12 =	vmul.f32 v17, v6  }
0x2d1: {  	s20 =	sor.u32 s19, s5;
	[tilespmem:s12+$0xAC30] =	vst v7;
	v7 =	vmul.f32 v18, v6;
	v11 =	vmul.f32 v11, v3  }
0x2d2: {  	v5 =	vld [tilespmem:s20+$0xA800];
	[tilespmem:s12+$0xAC40] =	vst v4;
	v12 =	vmul.f32 v12, v3  }
0x2d3: {  	v6 =	vld [tilespmem:s20+$0xA840];
	v3 =	vmul.f32 v7, v3;
	[tilespmem:s12+$0xAC50] =	vst v11  }
0x2d4: {  	s19 =	simm.s32 $0x400;
	v7 =	vld [tilespmem:s20+$0xA860];
	[tilespmem:s12+$0xAC60] =	vst v12  }
.LBB2_15:
0x2d5: {  	p0 =	sne.s32 s19, $0x9400;
	v11 =	vld [tilespmem:s20+$0xA870];
	[tilespmem:s12+$0xAC70] =	vst v3;
	s10 =	sadd.s32 $0x10, s10;
	s12 =	smov.u32 s20  }
0x2d6: {  	v4 =	vld [tilespmem:s10+$0x0]  }
0x2d7: {  	s11 =	sadd.s32 $0x10, s11;
	v12 =	vld [tilespmem:s12+$0xA850]  }
0x2d8: {  	v3 =	vld [tilespmem:s11+$0x0]  }
0x2d9: {  	v13 =	vld [tilespmem:s12+$0xA820]  }
0x2da: {  	v17 =	vld [tilespmem:s12+$0xA830]  }
0x2db: {  	v18 =	vld [tilespmem:s12+$0xA810];
	v7 =	vmul.f32 v7, v4;
	v11 =	vmul.f32 v11, v4  }
0x2dc: {  	v6 =	vmul.f32 v6, v4;
	v19 =	vld [tilespmem:s12+$0xA440];
	v12 =	vmul.f32 v12, v4  }
0x2dd: {  	v23 =	vld [tilespmem:s12+$0xA460];
	v7 =	vmul.f32 v7, v3;
	v11 =	vmul.f32 v11, v3  }
0x2de: {  	v6 =	vmul.f32 v6, v3;
	v24 =	vld [tilespmem:s12+$0xA470];
	v12 =	vmul.f32 v12, v3  }
0x2df: {  	v13 =	vmul.f32 v13, v4;
	v25 =	vld [tilespmem:s12+$0xA450];
	v17 =	vmul.f32 v17, v4;
	[tilespmem:s12+$0xA870] =	vst v11  }
0x2e0: {  	v5 =	vmul.f32 v5, v4;
	v11 =	vld [tilespmem:s12+$0xA400];
	v18 =	vmul.f32 v18, v4;
	[tilespmem:s12+$0xA860] =	vst v7  }
0x2e1: {  	v13 =	vmul.f32 v13, v3;
	v7 =	vld [tilespmem:s12+$0xA420];
	v17 =	vmul.f32 v17, v3;
	[tilespmem:s12+$0xA850] =	vst v12  }
0x2e2: {  	v5 =	vmul.f32 v5, v3;
	v12 =	vld [tilespmem:s12+$0xA430];
	v18 =	vmul.f32 v18, v3;
	[tilespmem:s12+$0xA840] =	vst v6  }
0x2e3: {  	v23 =	vmul.f32 v23, v4;
	v6 =	vld [tilespmem:s12+$0xA410];
	v24 =	vmul.f32 v24, v4;
	[tilespmem:s12+$0xA830] =	vst v17  }
0x2e4: {  	v19 =	vmul.f32 v19, v4;
	v17 =	vld [tilespmem:s12+$0xA040];
	v25 =	vmul.f32 v25, v4;
	[tilespmem:s12+$0xA820] =	vst v13  }
0x2e5: {  	v23 =	vmul.f32 v23, v3;
	v13 =	vld [tilespmem:s12+$0xA060];
	v24 =	vmul.f32 v24, v3;
	[tilespmem:s12+$0xA810] =	vst v18  }
0x2e6: {  	v19 =	vmul.f32 v19, v3;
	v18 =	vld [tilespmem:s12+$0xA070];
	v25 =	vmul.f32 v25, v3;
	[tilespmem:s12+$0xA800] =	vst v5  }
0x2e7: {  	v7 =	vmul.f32 v7, v4;
	v5 =	vld [tilespmem:s12+$0xA050];
	v12 =	vmul.f32 v12, v4;
	[tilespmem:s12+$0xA470] =	vst v24  }
0x2e8: {  	v11 =	vmul.f32 v11, v4;
	v24 =	vld [tilespmem:s12+$0xA000];
	v6 =	vmul.f32 v6, v4;
	[tilespmem:s12+$0xA460] =	vst v23  }
0x2e9: {  	v7 =	vmul.f32 v7, v3;
	v23 =	vld [tilespmem:s12+$0xA020];
	v12 =	vmul.f32 v12, v3;
	[tilespmem:s12+$0xA450] =	vst v25  }
0x2ea: {  	v11 =	vmul.f32 v11, v3;
	v25 =	vld [tilespmem:s12+$0xA030];
	v6 =	vmul.f32 v6, v3;
	[tilespmem:s12+$0xA440] =	vst v19  }
0x2eb: {  	v13 =	vmul.f32 v13, v4;
	v19 =	vld [tilespmem:s12+$0xA010];
	v18 =	vmul.f32 v18, v4;
	[tilespmem:s12+$0xA430] =	vst v12  }
0x2ec: {  	v12 =	vmul.f32 v17, v4;
	v5 =	vmul.f32 v5, v4;
	[tilespmem:s12+$0xA420] =	vst v7;
	v7 =	vld [tilespmem:s12+$0xAC30]  }
0x2ed: {  	v13 =	vmul.f32 v13, v3;
	v17 =	vmul.f32 v18, v3;
	[tilespmem:s12+$0xA410] =	vst v6;
	v6 =	vld [tilespmem:s12+$0xAC10]  }
0x2ee: {  	v12 =	vmul.f32 v12, v3;
	v5 =	vmul.f32 v5, v3;
	[tilespmem:s12+$0xA400] =	vst v11;
	v11 =	vld [tilespmem:s12+$0xAC00]  }
0x2ef: {  	v18 =	vmul.f32 v23, v4;
	v23 =	vmul.f32 v25, v4;
	[tilespmem:s12+$0xA070] =	vst v17;
	v17 =	vld [tilespmem:s12+$0xAC20]  }
0x2f0: {  	v24 =	vmul.f32 v24, v4;
	v19 =	vmul.f32 v19, v4;
	[tilespmem:s12+$0xA060] =	vst v13;
	v13 =	vld [tilespmem:s12+$0xAC70]  }
0x2f1: {  	v18 =	vmul.f32 v18, v3;
	v23 =	vmul.f32 v23, v3;
	[tilespmem:s12+$0xA050] =	vst v5;
	v5 =	vld [tilespmem:s12+$0xAC50]  }
0x2f2: {  	v24 =	vmul.f32 v24, v3;
	v19 =	vmul.f32 v19, v3;
	[tilespmem:s12+$0xA040] =	vst v12;
	v12 =	vld [tilespmem:s12+$0xAC40]  }
0x2f3: {  	v6 =	vmul.f32 v6, v4;
	[tilespmem:s12+$0xA030] =	vst v23;
	v11 =	vmul.f32 v11, v4;
	v23 =	vld [tilespmem:s12+$0xAC60]  }
0x2f4: {  	v7 =	vmul.f32 v7, v4;
	[tilespmem:s12+$0xA020] =	vst v18;
	v17 =	vmul.f32 v17, v4  }
0x2f5: {  	v6 =	vmul.f32 v6, v3;
	[tilespmem:s12+$0xA010] =	vst v19;
	v11 =	vmul.f32 v11, v3  }
0x2f6: {  	v7 =	vmul.f32 v7, v3;
	[tilespmem:s12+$0xA000] =	vst v24;
	v17 =	vmul.f32 v17, v3  }
0x2f7: {  	v5 =	vmul.f32 v5, v4;
	[tilespmem:s12+$0xAC00] =	vst v11;
	v11 =	vmul.f32 v12, v4  }
0x2f8: {  	s18 =	sadd.s32 $0x80, s18;
	[tilespmem:s12+$0xAC10] =	vst v6;
	v6 =	vmul.f32 v23, v4;
	v4 =	vmul.f32 v13, v4  }
.Ltmp6:
0x2f9: {  	s5 =	sand.u32 $0xF000, s19;
	s20 =	sand.u32 $0x380, s18;
	v12 =	vmul.f32 v5, v3;
	[tilespmem:s12+$0xAC20] =	vst v17;
	v11 =	vmul.f32 v11, v3;
	(pc) =	sbr.rel @p0 .LBB2_15-.Ltmp6, $4  }
0x2fa: {  	s20 =	sor.u32 s20, s5;
	[tilespmem:s12+$0xAC30] =	vst v7;
	v13 =	vmul.f32 v6, v3;
	v3 =	vmul.f32 v4, v3  }
0x2fb: {  	v5 =	vld [tilespmem:s20+$0xA800];
	[tilespmem:s12+$0xAC40] =	vst v11  }
0x2fc: {  	v6 =	vld [tilespmem:s20+$0xA840];
	[tilespmem:s12+$0xAC50] =	vst v12  }
0x2fd: {  	s19 =	sadd.s32 $0x200, s19;
	v7 =	vld [tilespmem:s20+$0xA860];
	[tilespmem:s12+$0xAC60] =	vst v13  }
0x2fe: {  	v4 =	vld [tilespmem:s20+$0xA870]  }
0x2ff: {  	[tilespmem:s12+$0xAC70] =	vst v3;
	s5 =	sadd.s32 $0x10, s10;
	v11 =	vld [tilespmem:s20+$0xA850]  }
0x300: {  	v3 =	vld [tilespmem:s5+$0x0]  }
0x301: {  	s11 =	sadd.s32 $0x10, s11;
	v13 =	vld [tilespmem:s20+$0xA830]  }
0x302: {  	v12 =	vld [tilespmem:s11+$0x0]  }
0x303: {  	v17 =	vld [tilespmem:s20+$0xA820]  }
0x304: {  	v18 =	vld [tilespmem:s20+$0xA810]  }
0x305: {  	v4 =	vmul.f32 v4, v3;
	v7 =	vmul.f32 v7, v3  }
0x306: {  	v11 =	vmul.f32 v11, v3;
	v6 =	vmul.f32 v6, v3  }
0x307: {  	v13 =	vmul.f32 v13, v3;
	v4 =	vmul.f32 v4, v12  }
0x308: {  	v19 =	vld [tilespmem:s20+$0xA470];
	v17 =	vmul.f32 v17, v3;
	v7 =	vmul.f32 v7, v12  }
0x309: {  	v23 =	vld [tilespmem:s20+$0xA460];
	v18 =	vmul.f32 v18, v3;
	v11 =	vmul.f32 v11, v12;
	[tilespmem:s20+$0xA870] =	vst v4  }
0x30a: {  	v13 =	vmul.f32 v13, v12;
	v4 =	vmul.f32 v6, v12;
	v6 =	vld [tilespmem:s20+$0xA450];
	[tilespmem:s20+$0xA860] =	vst v7  }
0x30b: {  	v18 =	vmul.f32 v18, v12;
	v7 =	vld [tilespmem:s20+$0xA440];
	[tilespmem:s20+$0xA850] =	vst v11  }
0x30c: {  	v5 =	vmul.f32 v5, v3;
	v11 =	vmul.f32 v17, v12;
	v17 =	vld [tilespmem:s20+$0xA430];
	[tilespmem:s20+$0xA830] =	vst v13  }
0x30d: {  	v19 =	vmul.f32 v19, v3;
	v13 =	vld [tilespmem:s20+$0xA410];
	[tilespmem:s20+$0xA810] =	vst v18  }
0x30e: {  	v23 =	vmul.f32 v23, v3;
	v5 =	vmul.f32 v5, v12;
	[tilespmem:s20+$0xA840] =	vst v4;
	v4 =	vld [tilespmem:s20+$0xA420]  }
0x30f: {  	v19 =	vmul.f32 v19, v12;
	[tilespmem:s20+$0xA820] =	vst v11;
	v11 =	vld [tilespmem:s20+$0xA400];
	v6 =	vmul.f32 v6, v3  }
0x310: {  	v18 =	vmul.f32 v23, v12;
	v23 =	vld [tilespmem:s20+$0xA070];
	[tilespmem:s20+$0xA800] =	vst v5;
	v7 =	vmul.f32 v7, v3  }
0x311: {  	v5 =	vld [tilespmem:s20+$0xA060];
	[tilespmem:s20+$0xA470] =	vst v19;
	v17 =	vmul.f32 v17, v3;
	v6 =	vmul.f32 v6, v12  }
0x312: {  	v19 =	vld [tilespmem:s20+$0xA050];
	[tilespmem:s20+$0xA460] =	vst v18;
	v13 =	vmul.f32 v13, v3;
	v7 =	vmul.f32 v7, v12  }
0x313: {  	v18 =	vld [tilespmem:s20+$0xA040];
	v4 =	vmul.f32 v4, v3;
	v17 =	vmul.f32 v17, v12;
	[tilespmem:s20+$0xA450] =	vst v6  }
0x314: {  	v13 =	vmul.f32 v13, v12;
	v6 =	vmul.f32 v11, v3;
	v11 =	vld [tilespmem:s20+$0xA030];
	[tilespmem:s20+$0xA440] =	vst v7  }
0x315: {  	v23 =	vmul.f32 v23, v3;
	v4 =	vmul.f32 v4, v12;
	v7 =	vld [tilespmem:s20+$0xA020];
	[tilespmem:s20+$0xA430] =	vst v17  }
0x316: {  	v5 =	vmul.f32 v5, v3;
	v17 =	vld [tilespmem:s20+$0xA010];
	[tilespmem:s20+$0xA410] =	vst v13;
	v6 =	vmul.f32 v6, v12  }
0x317: {  	v19 =	vmul.f32 v19, v3;
	v23 =	vmul.f32 v23, v12;
	[tilespmem:s20+$0xA420] =	vst v4;
	v4 =	vld [tilespmem:s20+$0xA000]  }
0x318: {  	v5 =	vmul.f32 v5, v12;
	v13 =	vmul.f32 v18, v3;
	[tilespmem:s20+$0xA400] =	vst v6;
	v6 =	vld [tilespmem:s20+$0xAC00]  }
0x319: {  	v19 =	vmul.f32 v19, v12;
	v18 =	vld [tilespmem:s20+$0xAC10];
	[tilespmem:s20+$0xA070] =	vst v23;
	v11 =	vmul.f32 v11, v3  }
0x31a: {  	v23 =	vld [tilespmem:s20+$0xAC20];
	[tilespmem:s20+$0xA060] =	vst v5;
	v13 =	vmul.f32 v13, v12;
	v7 =	vmul.f32 v7, v3  }
0x31b: {  	v5 =	vld [tilespmem:s20+$0xAC30];
	[tilespmem:s20+$0xA050] =	vst v19;
	v17 =	vmul.f32 v17, v3;
	v11 =	vmul.f32 v11, v12  }
0x31c: {  	[tilespmem:s20+$0xA040] =	vst v13;
	v13 =	vld [tilespmem:s20+$0xAC40];
	v4 =	vmul.f32 v4, v3;
	v7 =	vmul.f32 v7, v12  }
0x31d: {  	v19 =	vld [tilespmem:s20+$0xAC50];
	v17 =	vmul.f32 v17, v12;
	[tilespmem:s20+$0xA030] =	vst v11;
	v6 =	vmul.f32 v6, v3  }
0x31e: {  	v4 =	vmul.f32 v4, v12;
	v11 =	vmul.f32 v18, v3;
	v18 =	vld [tilespmem:s20+$0xAC60];
	[tilespmem:s20+$0xA020] =	vst v7  }
0x31f: {  	v23 =	vmul.f32 v23, v3;
	v7 =	vld [tilespmem:s20+$0xAC70];
	[tilespmem:s20+$0xA010] =	vst v17;
	v6 =	vmul.f32 v6, v12  }
0x320: {  	v5 =	vmul.f32 v5, v3;
	v11 =	vmul.f32 v11, v12;
	[tilespmem:s20+$0xA000] =	vst v4  }
0x321: {  	v4 =	vmul.f32 v23, v12;
	[tilespmem:s20+$0xAC00] =	vst v6;
	v6 =	vmul.f32 v13, v3  }
0x322: {  	v5 =	vmul.f32 v5, v12;
	v13 =	vmul.f32 v19, v3;
	[tilespmem:s20+$0xAC10] =	vst v11  }
0x323: {  	[tilespmem:s20+$0xAC20] =	vst v4;
	v11 =	vmul.f32 v18, v3;
	v4 =	vmul.f32 v6, v12  }
0x324: {  	[tilespmem:s20+$0xAC30] =	vst v5;
	v3 =	vmul.f32 v7, v3;
	v6 =	vmul.f32 v13, v12  }
0x325: {  	v5 =	vmul.f32 v11, v12;
	[tilespmem:s20+$0xAC40] =	vst v4  }
0x326: {  	v3 =	vmul.f32 v3, v12;
	[tilespmem:s20+$0xAC50] =	vst v6  }
0x327: {  	[tilespmem:s20+$0xAC60] =	vst v5  }
0x328: {  	s12 =	sadd.s32 s9, s16;
	[tilespmem:s20+$0xAC70] =	vst v3  }
0x329: {  	[hbm4b:s12+s22] =	stream.strided.scatter [tilespmem:s24], [sflag:$0x5], $0xA000, s23, s22, $0x38;
	[tilespmem:$0x1EA00] =	vst v63  }
0x32a: {  	_ =	swait.ge [sflag:s30], $0xA000  }
0x32b: {  	[sflag:s30] =	ssyncset.done $0x0  }
0x32c: {  	[sflag:s30] =	ssyncadd.s32 $0xFFFF6000  }
0x32d: {  	s11 =	simm.s32 $0x0;
	_ =	swait.ge [sflag:s31], $0xA000  }
0x32e: {  	s19 =	sand.u32 $0xF000, s11;
	s20 =	sand.u32 $0x380, s11;
	[sflag:s31] =	ssyncset.done $0x0  }
0x32f: {  	s18 =	sadd.s32 s9, s17;
	s10 =	sor.u32 s20, s19;
	[sflag:s31] =	ssyncadd.s32 $0xFFFF6000  }
0x330: {  	[tilespmem:s24], [sflag:$0x2] =	stream.strided.gather [hbm4b:s18+s22], $0xA000, s23, s22, $0x38;
	[tilespmem:$0x1EA00] =	vst v63  }
0x331: {  	s9 =	sadd.s32 $0x14000, s10;
	v6 =	vld [tilespmem:s10+$0x14000]  }
0x332: {  	v5 =	vld [tilespmem:s9+$0x830]  }
0x333: {  	v7 =	vld [tilespmem:s9+$0xC40]  }
0x334: {  	v11 =	vld [tilespmem:s9+$0xC10]  }
0x335: {  	s12 =	simm.s32 $0x1E000;
	v13 =	vld [tilespmem:s9+$0x70]  }
0x336: {  	s18 =	simm.s32 $0x1E500;
	v4 =	vld [tilespmem:s12+$0x0]  }
0x337: {  	v3 =	vld [tilespmem:s18+$0x0]  }
0x338: {  	v17 =	vld [tilespmem:s9+$0x400]  }
0x339: {  	s19 =	simm.s32 $0x200;
	v12 =	vld [tilespmem:s9+$0xC60]  }
.LBB2_17:
0x33a: {  	v18 =	vld [tilespmem:s9+$0xC20];
	s11 =	sadd.s32 $0x80, s11;
	s12 =	sadd.s32 $0x10, s12;
	s18 =	sadd.s32 $0x10, s18  }
0x33b: {  	p0 =	sne.s32 s19, $0x9400;
	s20 =	smov.u32 s19;
	s19 =	sadd.s32 $0x200, s19;
	v13 =	vmul.f32 v13, v4;
	v19 =	vld [tilespmem:s9+$0xC00];
	v11 =	vmul.f32 v11, v4  }
0x33c: {  	v7 =	vmul.f32 v7, v4;
	v23 =	vld [tilespmem:s9+$0x820]  }
0x33d: {  	v17 =	vmul.f32 v17, v4;
	v24 =	vld [tilespmem:s9+$0x840];
	v11 =	vmul.f32 v11, v3  }
0x33e: {  	v13 =	vmul.f32 v13, v3;
	v25 =	vld [tilespmem:s9+$0x810];
	v12 =	vmul.f32 v12, v4  }
0x33f: {  	v17 =	vmul.f32 v17, v3;
	v29 =	vld [tilespmem:s9+$0x470];
	[tilespmem:s9+$0xC10] =	vst v11;
	v11 =	vmul.f32 v18, v4  }
0x340: {  	[tilespmem:s9+$0x70] =	vst v13;
	v13 =	vld [tilespmem:s9+$0x460];
	v18 =	vmul.f32 v19, v4;
	v12 =	vmul.f32 v12, v3  }
0x341: {  	[tilespmem:s9+$0x400] =	vst v17;
	v17 =	vld [tilespmem:s9+$0x410];
	v19 =	vmul.f32 v23, v4;
	v11 =	vmul.f32 v11, v3  }
0x342: {  	v23 =	vld [tilespmem:s9+$0x50];
	v24 =	vmul.f32 v24, v4;
	v18 =	vmul.f32 v18, v3;
	[tilespmem:s9+$0xC60] =	vst v12  }
0x343: {  	v12 =	vld [tilespmem:s9+$0x430];
	v25 =	vmul.f32 v25, v4;
	v19 =	vmul.f32 v19, v3;
	[tilespmem:s9+$0xC20] =	vst v11  }
0x344: {  	v11 =	vld [tilespmem:s9+$0x440];
	v29 =	vmul.f32 v29, v4;
	v24 =	vmul.f32 v24, v3;
	[tilespmem:s9+$0xC00] =	vst v18  }
0x345: {  	v18 =	vld [tilespmem:s9+$0x450];
	v13 =	vmul.f32 v13, v4;
	v25 =	vmul.f32 v25, v3;
	[tilespmem:s9+$0x820] =	vst v19  }
0x346: {  	v17 =	vmul.f32 v17, v4;
	v19 =	vmul.f32 v29, v3;
	[tilespmem:s9+$0x840] =	vst v24  }
0x347: {  	v23 =	vmul.f32 v23, v4;
	v24 =	vld [tilespmem:s9+$0x420];
	v13 =	vmul.f32 v13, v3;
	[tilespmem:s9+$0x810] =	vst v25  }
0x348: {  	v17 =	vmul.f32 v17, v3;
	v12 =	vmul.f32 v12, v4;
	[tilespmem:s9+$0x470] =	vst v19;
	v19 =	vld [tilespmem:s9+$0xC70]  }
0x349: {  	v6 =	vmul.f32 v6, v4;
	v11 =	vmul.f32 v11, v4;
	[tilespmem:s9+$0x460] =	vst v13;
	v13 =	vld [tilespmem:s9+$0xC30]  }
0x34a: {  	v25 =	vld [tilespmem:s9+$0x60];
	[tilespmem:s9+$0x410] =	vst v17;
	v12 =	vmul.f32 v12, v3;
	v17 =	vmul.f32 v18, v4  }
0x34b: {  	v6 =	vmul.f32 v6, v3;
	v18 =	vld [tilespmem:s9+$0x40];
	v11 =	vmul.f32 v11, v3  }
0x34c: {  	v23 =	vmul.f32 v23, v3;
	[tilespmem:s9+$0x430] =	vst v12;
	v12 =	vmul.f32 v17, v3;
	v17 =	vld [tilespmem:s9+$0x850]  }
0x34d: {  	v5 =	vmul.f32 v5, v4;
	v7 =	vmul.f32 v7, v3;
	[tilespmem:s10+$0x14000] =	vst v6;
	v6 =	vld [tilespmem:s9+$0x860]  }
0x34e: {  	v24 =	vmul.f32 v24, v4;
	v29 =	vld [tilespmem:s9+$0x30];
	[tilespmem:s9+$0x450] =	vst v12;
	v12 =	vmul.f32 v13, v4  }
0x34f: {  	s5 =	sand.u32 $0xF000, s20;
	s10 =	sand.u32 $0x380, s11;
	v13 =	vld [tilespmem:s9+$0x10];
	v25 =	vmul.f32 v25, v4;
	[tilespmem:s9+$0x440] =	vst v11;
	v11 =	vmul.f32 v19, v4  }
0x350: {  	s10 =	sor.u32 s10, s5;
	v19 =	vld [tilespmem:s9+$0x20];
	v18 =	vmul.f32 v18, v4;
	[tilespmem:s9+$0x50] =	vst v23;
	v12 =	vmul.f32 v12, v3  }
0x351: {  	v23 =	vmul.f32 v25, v3;
	v17 =	vmul.f32 v17, v4;
	[tilespmem:s9+$0xC40] =	vst v7  }
0x352: {  	v7 =	vmul.f32 v18, v3;
	v18 =	vld [tilespmem:s9+$0x800];
	v6 =	vmul.f32 v6, v4;
	[tilespmem:s9+$0xC30] =	vst v12  }
0x353: {  	v12 =	vmul.f32 v29, v4;
	[tilespmem:s9+$0x60] =	vst v23;
	v17 =	vmul.f32 v17, v3;
	v23 =	vld [tilespmem:s9+$0xC50]  }
0x354: {  	v13 =	vmul.f32 v13, v4;
	[tilespmem:s9+$0x40] =	vst v7;
	v6 =	vmul.f32 v6, v3;
	v7 =	vld [tilespmem:s9+$0x870]  }
0x355: {  	v19 =	vmul.f32 v19, v4;
	v12 =	vmul.f32 v12, v3;
	[tilespmem:s9+$0x850] =	vst v17  }
0x356: {  	v11 =	vmul.f32 v11, v3;
	v13 =	vmul.f32 v13, v3;
	[tilespmem:s9+$0x860] =	vst v6  }
0x357: {  	v6 =	vmul.f32 v19, v3;
	[tilespmem:s9+$0x30] =	vst v12;
	v12 =	vmul.f32 v24, v3  }
0x358: {  	v5 =	vmul.f32 v5, v3;
	[tilespmem:s9+$0x10] =	vst v13;
	v13 =	vmul.f32 v23, v4  }
0x359: {  	v17 =	vmul.f32 v18, v4;
	[tilespmem:s9+$0x20] =	vst v6;
	v4 =	vmul.f32 v7, v4  }
0x35a: {  	s5 =	sadd.s32 $0x14000, s10;
	v6 =	vld [tilespmem:s10+$0x14000];
	v13 =	vmul.f32 v13, v3;
	[tilespmem:s9+$0xC70] =	vst v11  }
0x35b: {  	v17 =	vmul.f32 v17, v3;
	[tilespmem:s9+$0x830] =	vst v5;
	v3 =	vmul.f32 v4, v3  }
0x35c: {  	v5 =	vld [tilespmem:s5+$0x830];
	[tilespmem:s9+$0x420] =	vst v12  }
0x35d: {  	v7 =	vld [tilespmem:s5+$0xC40];
	[tilespmem:s9+$0xC50] =	vst v13  }
0x35e: {  	v11 =	vld [tilespmem:s5+$0xC10];
	[tilespmem:s9+$0x800] =	vst v17  }
.Ltmp7:
0x35f: {  	v13 =	vld [tilespmem:s5+$0x70];
	[tilespmem:s9+$0x870] =	vst v3;
	s9 =	smov.u32 s5;
	(pc) =	sbr.rel @p0 .LBB2_17-.Ltmp7, $4  }
0x360: {  	v4 =	vld [tilespmem:s12+$0x0]  }
0x361: {  	v3 =	vld [tilespmem:s18+$0x0]  }
0x362: {  	v17 =	vld [tilespmem:s9+$0x400]  }
0x363: {  	v12 =	vld [tilespmem:s9+$0xC60]  }
0x364: {  	_ = 	snop  }
0x365: {  	v11 =	vmul.f32 v11, v4  }
0x366: {  	v18 =	vld [tilespmem:s9+$0xC20];
	v13 =	vmul.f32 v13, v4;
	v6 =	vmul.f32 v6, v4  }
0x367: {  	v19 =	vld [tilespmem:s9+$0xC00];
	v7 =	vmul.f32 v7, v4;
	v11 =	vmul.f32 v11, v3  }
0x368: {  	v23 =	vld [tilespmem:s9+$0x820];
	v5 =	vmul.f32 v5, v4;
	v13 =	vmul.f32 v13, v3  }
0x369: {  	v24 =	vld [tilespmem:s9+$0x840];
	v17 =	vmul.f32 v17, v4;
	v6 =	vmul.f32 v6, v3;
	[tilespmem:s9+$0xC10] =	vst v11  }
0x36a: {  	v25 =	vld [tilespmem:s9+$0x810];
	v7 =	vmul.f32 v7, v3;
	v12 =	vmul.f32 v12, v4;
	[tilespmem:s9+$0x70] =	vst v13  }
0x36b: {  	v29 =	vld [tilespmem:s9+$0x470];
	v17 =	vmul.f32 v17, v3;
	v11 =	vmul.f32 v18, v4;
	[tilespmem:s10+$0x14000] =	vst v6  }
0x36c: {  	v18 =	vld [tilespmem:s9+$0x460];
	v19 =	vmul.f32 v19, v4;
	[tilespmem:s9+$0xC40] =	vst v7;
	v12 =	vmul.f32 v12, v3  }
0x36d: {  	v5 =	vmul.f32 v5, v3;
	v13 =	vld [tilespmem:s9+$0x410];
	[tilespmem:s9+$0x400] =	vst v17;
	v11 =	vmul.f32 v11, v3  }
0x36e: {  	v24 =	vmul.f32 v24, v4;
	v6 =	vld [tilespmem:s9+$0x860];
	v19 =	vmul.f32 v19, v3;
	[tilespmem:s9+$0xC60] =	vst v12  }
0x36f: {  	v25 =	vmul.f32 v25, v4;
	v17 =	vmul.f32 v23, v4;
	v12 =	vld [tilespmem:s9+$0x430];
	[tilespmem:s9+$0xC20] =	vst v11  }
0x370: {  	v24 =	vmul.f32 v24, v3;
	v11 =	vmul.f32 v29, v4;
	[tilespmem:s9+$0xC00] =	vst v19;
	v19 =	vld [tilespmem:s9+$0x450]  }
0x371: {  	[tilespmem:s9+$0x830] =	vst v5;
	v25 =	vmul.f32 v25, v3;
	v29 =	vld [tilespmem:s9+$0x440];
	v18 =	vmul.f32 v18, v4  }
0x372: {  	v23 =	vld [tilespmem:s9+$0x50];
	[tilespmem:s9+$0x840] =	vst v24;
	v13 =	vmul.f32 v13, v4;
	v11 =	vmul.f32 v11, v3  }
0x373: {  	v17 =	vmul.f32 v17, v3;
	[tilespmem:s9+$0x810] =	vst v25;
	v24 =	vld [tilespmem:s9+$0xC30];
	v18 =	vmul.f32 v18, v3  }
0x374: {  	v13 =	vmul.f32 v13, v3;
	v12 =	vmul.f32 v12, v4;
	[tilespmem:s9+$0x470] =	vst v11;
	v11 =	vld [tilespmem:s9+$0x60]  }
0x375: {  	v6 =	vmul.f32 v6, v4;
	[tilespmem:s9+$0x460] =	vst v18;
	v18 =	vmul.f32 v19, v4;
	v19 =	vld [tilespmem:s9+$0x40]  }
0x376: {  	v25 =	vmul.f32 v29, v4;
	[tilespmem:s9+$0x410] =	vst v13;
	v13 =	vld [tilespmem:s9+$0x850];
	v12 =	vmul.f32 v12, v3  }
0x377: {  	[tilespmem:s9+$0x820] =	vst v17;
	v23 =	vmul.f32 v23, v4;
	v18 =	vmul.f32 v18, v3  }
0x378: {  	v6 =	vmul.f32 v6, v3;
	v25 =	vmul.f32 v25, v3;
	[tilespmem:s9+$0x430] =	vst v12;
	v12 =	vld [tilespmem:s9+$0x30]  }
0x379: {  	[tilespmem:s9+$0x450] =	vst v18;
	v18 =	vmul.f32 v24, v4;
	v24 =	vld [tilespmem:s9+$0x10];
	v11 =	vmul.f32 v11, v4  }
0x37a: {  	v23 =	vmul.f32 v23, v3;
	[tilespmem:s9+$0x440] =	vst v25;
	v25 =	vld [tilespmem:s9+$0x20];
	v19 =	vmul.f32 v19, v4  }
0x37b: {  	v29 =	vld [tilespmem:s9+$0xC70];
	[tilespmem:s9+$0x860] =	vst v6;
	v13 =	vmul.f32 v13, v4;
	v11 =	vmul.f32 v11, v3  }
0x37c: {  	v17 =	vld [tilespmem:s9+$0x420];
	[tilespmem:s9+$0x50] =	vst v23;
	v18 =	vmul.f32 v18, v3;
	v7 =	vmul.f32 v19, v3  }
0x37d: {  	v12 =	vmul.f32 v12, v4;
	[tilespmem:s9+$0x60] =	vst v11;
	v11 =	vmul.f32 v13, v3;
	v13 =	vld [tilespmem:s9+$0xC50]  }
0x37e: {  	v19 =	vld [tilespmem:s9+$0x800];
	[tilespmem:s9+$0xC30] =	vst v18;
	v18 =	vmul.f32 v24, v4  }
0x37f: {  	[tilespmem:s9+$0x40] =	vst v7;
	v7 =	vld [tilespmem:s9+$0x870];
	v23 =	vmul.f32 v25, v4;
	v12 =	vmul.f32 v12, v3  }
0x380: {  	[tilespmem:s9+$0x850] =	vst v11;
	v11 =	vmul.f32 v29, v4;
	v18 =	vmul.f32 v18, v3  }
0x381: {  	v6 =	vmul.f32 v23, v3;
	[tilespmem:s9+$0x30] =	vst v12;
	v12 =	vmul.f32 v17, v4  }
0x382: {  	v11 =	vmul.f32 v11, v3;
	[tilespmem:s9+$0x10] =	vst v18;
	v13 =	vmul.f32 v13, v4  }
0x383: {  	s6 =	sadd.s32 $0x1, s6;
	[tilespmem:s9+$0x20] =	vst v6;
	v6 =	vmul.f32 v12, v3;
	v12 =	vmul.f32 v19, v4  }
0x384: {  	p0 =	sne.s32 s6, $0x9;
	[tilespmem:s9+$0xC70] =	vst v11;
	v4 =	vmul.f32 v7, v4;
	v7 =	vmul.f32 v13, v3  }
.Ltmp8:
0x385: {  	v5 =	vmul.f32 v12, v3;
	[tilespmem:s9+$0x420] =	vst v6;
	(pc) =	sbr.rel @p0 .LBB2_12-.Ltmp8, $4  }
0x386: {  	v3 =	vmul.f32 v4, v3;
	[tilespmem:s9+$0xC50] =	vst v7  }
0x387: {  	[tilespmem:s9+$0x800] =	vst v5  }
0x388: {  	s5 =	sadd.s32 s2, s7;
	[tilespmem:s9+$0x870] =	vst v3  }
0x389: {  	[hbm4b:s5+s22] =	stream.strided.scatter [tilespmem:s26], [sflag:$0x6], $0xA000, s23, s22, $0x38;
	[tilespmem:$0x1EA00] =	vst v63  }
0x38a: {  	_ =	swait.ge [sflag:s25], $0xA000;
	s4 =	simm.s32 $0x0  }
0x38b: {  	[sflag:s25] =	ssyncset.done $0x0;
	s5 =	sand.u32 $0xF000, s4;
	s4 =	sand.u32 $0x380, s4  }
0x38c: {  	[sflag:s25] =	ssyncadd.s32 $0xFFFF6000;
	s7 =	sor.u32 s4, s5  }
0x38d: {  	v4 =	vld [tilespmem:s7+$0x860]  }
0x38e: {  	s4 =	simm.s32 $0x1E000;
	v5 =	vld [tilespmem:s7+$0x870]  }
0x38f: {  	v6 =	vld [tilespmem:s4+$0x0]  }
0x390: {  	s6 =	simm.s32 $0x1E500;
	v7 =	vld [tilespmem:s7+$0x850]  }
0x391: {  	v3 =	vld [tilespmem:s6+$0x0]  }
0x392: {  	v11 =	vld [tilespmem:s7+$0x840]  }
0x393: {  	v12 =	vld [tilespmem:s7+$0x830]  }
0x394: {  	v13 =	vld [tilespmem:s7+$0x820]  }
0x395: {  	v17 =	vld [tilespmem:s7+$0x810];
	v5 =	vmul.f32 v5, v6  }
0x396: {  	v18 =	vld [tilespmem:s7+$0x800];
	v4 =	vmul.f32 v4, v6;
	v7 =	vmul.f32 v7, v6  }
0x397: {  	v19 =	vld [tilespmem:s7+$0x470];
	v11 =	vmul.f32 v11, v6;
	v5 =	vmul.f32 v5, v3  }
0x398: {  	v23 =	vld [tilespmem:s7+$0x460];
	v12 =	vmul.f32 v12, v6;
	v4 =	vmul.f32 v4, v3  }
0x399: {  	v13 =	vmul.f32 v13, v6;
	v7 =	vmul.f32 v7, v3;
	[tilespmem:s7+$0x870] =	vst v5  }
0x39a: {  	v12 =	vmul.f32 v12, v3;
	v5 =	vmul.f32 v11, v3;
	v11 =	vld [tilespmem:s7+$0x450];
	[tilespmem:s7+$0x860] =	vst v4  }
0x39b: {  	v17 =	vmul.f32 v17, v6;
	v13 =	vmul.f32 v13, v3;
	v4 =	vld [tilespmem:s7+$0x440];
	[tilespmem:s7+$0x850] =	vst v7  }
0x39c: {  	v19 =	vmul.f32 v19, v6;
	v7 =	vmul.f32 v18, v6;
	v18 =	vld [tilespmem:s7+$0x430];
	[tilespmem:s7+$0x830] =	vst v12  }
0x39d: {  	v23 =	vmul.f32 v23, v6;
	v17 =	vmul.f32 v17, v3;
	v12 =	vld [tilespmem:s7+$0x410];
	[tilespmem:s7+$0x820] =	vst v13  }
0x39e: {  	v19 =	vmul.f32 v19, v3;
	[tilespmem:s7+$0x840] =	vst v5;
	v5 =	vld [tilespmem:s7+$0x420]  }
0x39f: {  	v13 =	vld [tilespmem:s7+$0x400];
	[tilespmem:s7+$0x810] =	vst v17;
	v17 =	vmul.f32 v23, v3;
	v11 =	vmul.f32 v11, v6  }
0x3a0: {  	v23 =	vld [tilespmem:s7+$0x70];
	[tilespmem:s7+$0x470] =	vst v19;
	v7 =	vmul.f32 v7, v3;
	v4 =	vmul.f32 v4, v6  }
0x3a1: {  	v19 =	vld [tilespmem:s7+$0x50];
	[tilespmem:s7+$0x460] =	vst v17;
	v18 =	vmul.f32 v18, v6;
	v11 =	vmul.f32 v11, v3  }
0x3a2: {  	[tilespmem:s7+$0x800] =	vst v7;
	v7 =	vld [tilespmem:s7+$0x60];
	v12 =	vmul.f32 v12, v6;
	v4 =	vmul.f32 v4, v3  }
0x3a3: {  	v17 =	vld [tilespmem:s7+$0x40];
	v5 =	vmul.f32 v5, v6;
	v18 =	vmul.f32 v18, v3;
	[tilespmem:s7+$0x450] =	vst v11  }
0x3a4: {  	v12 =	vmul.f32 v12, v3;
	v11 =	vmul.f32 v13, v6;
	v13 =	vld [tilespmem:s7+$0x30];
	[tilespmem:s7+$0x440] =	vst v4  }
0x3a5: {  	v23 =	vmul.f32 v23, v6;
	v5 =	vmul.f32 v5, v3;
	v4 =	vld [tilespmem:s7+$0x20];
	[tilespmem:s7+$0x430] =	vst v18  }
0x3a6: {  	v19 =	vmul.f32 v19, v6;
	v18 =	vld [tilespmem:s7+$0x10];
	[tilespmem:s7+$0x410] =	vst v12;
	v11 =	vmul.f32 v11, v3  }
0x3a7: {  	v23 =	vmul.f32 v23, v3;
	v7 =	vmul.f32 v7, v6;
	[tilespmem:s7+$0x420] =	vst v5;
	v5 =	vld [tilespmem:s7+$0x0]  }
0x3a8: {  	v19 =	vmul.f32 v19, v3;
	v12 =	vmul.f32 v17, v6;
	[tilespmem:s7+$0x400] =	vst v11;
	v11 =	vld [tilespmem:s7+$0xC00]  }
0x3a9: {  	v17 =	vld [tilespmem:s7+$0xC10];
	[tilespmem:s7+$0x70] =	vst v23;
	v7 =	vmul.f32 v7, v3;
	v13 =	vmul.f32 v13, v6  }
0x3aa: {  	v23 =	vld [tilespmem:s7+$0xC20];
	[tilespmem:s7+$0x50] =	vst v19;
	v12 =	vmul.f32 v12, v3;
	v4 =	vmul.f32 v4, v6  }
0x3ab: {  	[tilespmem:s7+$0x60] =	vst v7;
	v7 =	vld [tilespmem:s7+$0xC30];
	v18 =	vmul.f32 v18, v6;
	v13 =	vmul.f32 v13, v3  }
0x3ac: {  	[tilespmem:s7+$0x40] =	vst v12;
	v12 =	vld [tilespmem:s7+$0xC40];
	v5 =	vmul.f32 v5, v6;
	v4 =	vmul.f32 v4, v3  }
0x3ad: {  	v19 =	vld [tilespmem:s7+$0xC50];
	v18 =	vmul.f32 v18, v3;
	[tilespmem:s7+$0x30] =	vst v13;
	v11 =	vmul.f32 v11, v6  }
0x3ae: {  	v5 =	vmul.f32 v5, v3;
	v13 =	vmul.f32 v17, v6;
	v17 =	vld [tilespmem:s7+$0xC60];
	[tilespmem:s7+$0x20] =	vst v4  }
0x3af: {  	v4 =	vmul.f32 v23, v6;
	[tilespmem:s7+$0x10] =	vst v18;
	v18 =	vld [tilespmem:s7+$0xC70];
	v11 =	vmul.f32 v11, v3  }
0x3b0: {  	v7 =	vmul.f32 v7, v6;
	v13 =	vmul.f32 v13, v3;
	[tilespmem:s7+$0x0] =	vst v5  }
0x3b1: {  	v4 =	vmul.f32 v4, v3;
	v5 =	vmul.f32 v12, v6;
	[tilespmem:s7+$0xC00] =	vst v11  }
0x3b2: {  	s20 =	simm.s32 $0x200;
	s9 =	simm.s32 $0x80;
	v7 =	vmul.f32 v7, v3;
	v11 =	vmul.f32 v19, v6;
	[tilespmem:s7+$0xC10] =	vst v13  }
0x3b3: {  	s10 =	sand.u32 $0x380, s9;
	s5 =	sand.u32 $0xF000, s20;
	[tilespmem:s7+$0xC20] =	vst v4;
	v4 =	vmul.f32 v5, v3;
	v12 =	vmul.f32 v17, v6  }
0x3b4: {  	s11 =	sor.u32 s10, s5;
	[tilespmem:s7+$0xC30] =	vst v7;
	v7 =	vmul.f32 v18, v6;
	v11 =	vmul.f32 v11, v3  }
0x3b5: {  	v5 =	vld [tilespmem:s11+$0x800];
	[tilespmem:s7+$0xC40] =	vst v4;
	v12 =	vmul.f32 v12, v3  }
0x3b6: {  	v6 =	vld [tilespmem:s11+$0x840];
	v3 =	vmul.f32 v7, v3;
	[tilespmem:s7+$0xC50] =	vst v11  }
0x3b7: {  	s10 =	simm.s32 $0x400;
	v7 =	vld [tilespmem:s11+$0x860];
	[tilespmem:s7+$0xC60] =	vst v12  }
.LBB2_20:
0x3b8: {  	p0 =	sne.s32 s10, $0x9400;
	v11 =	vld [tilespmem:s11+$0x870];
	[tilespmem:s7+$0xC70] =	vst v3;
	s4 =	sadd.s32 $0x10, s4;
	s7 =	smov.u32 s11  }
0x3b9: {  	v4 =	vld [tilespmem:s4+$0x0]  }
0x3ba: {  	s6 =	sadd.s32 $0x10, s6;
	v12 =	vld [tilespmem:s7+$0x850]  }
0x3bb: {  	v3 =	vld [tilespmem:s6+$0x0]  }
0x3bc: {  	v13 =	vld [tilespmem:s7+$0x820]  }
0x3bd: {  	v17 =	vld [tilespmem:s7+$0x830]  }
0x3be: {  	v18 =	vld [tilespmem:s7+$0x810];
	v7 =	vmul.f32 v7, v4;
	v11 =	vmul.f32 v11, v4  }
0x3bf: {  	v6 =	vmul.f32 v6, v4;
	v19 =	vld [tilespmem:s7+$0x440];
	v12 =	vmul.f32 v12, v4  }
0x3c0: {  	v23 =	vld [tilespmem:s7+$0x460];
	v7 =	vmul.f32 v7, v3;
	v11 =	vmul.f32 v11, v3  }
0x3c1: {  	v6 =	vmul.f32 v6, v3;
	v24 =	vld [tilespmem:s7+$0x470];
	v12 =	vmul.f32 v12, v3  }
0x3c2: {  	v13 =	vmul.f32 v13, v4;
	v25 =	vld [tilespmem:s7+$0x450];
	v17 =	vmul.f32 v17, v4;
	[tilespmem:s7+$0x870] =	vst v11  }
0x3c3: {  	v5 =	vmul.f32 v5, v4;
	v11 =	vld [tilespmem:s7+$0x400];
	v18 =	vmul.f32 v18, v4;
	[tilespmem:s7+$0x860] =	vst v7  }
0x3c4: {  	v13 =	vmul.f32 v13, v3;
	v7 =	vld [tilespmem:s7+$0x420];
	v17 =	vmul.f32 v17, v3;
	[tilespmem:s7+$0x850] =	vst v12  }
0x3c5: {  	v5 =	vmul.f32 v5, v3;
	v12 =	vld [tilespmem:s7+$0x430];
	v18 =	vmul.f32 v18, v3;
	[tilespmem:s7+$0x840] =	vst v6  }
0x3c6: {  	v23 =	vmul.f32 v23, v4;
	v6 =	vld [tilespmem:s7+$0x410];
	v24 =	vmul.f32 v24, v4;
	[tilespmem:s7+$0x830] =	vst v17  }
0x3c7: {  	v19 =	vmul.f32 v19, v4;
	v17 =	vld [tilespmem:s7+$0x40];
	v25 =	vmul.f32 v25, v4;
	[tilespmem:s7+$0x820] =	vst v13  }
0x3c8: {  	v23 =	vmul.f32 v23, v3;
	v13 =	vld [tilespmem:s7+$0x60];
	v24 =	vmul.f32 v24, v3;
	[tilespmem:s7+$0x810] =	vst v18  }
0x3c9: {  	v19 =	vmul.f32 v19, v3;
	v18 =	vld [tilespmem:s7+$0x70];
	v25 =	vmul.f32 v25, v3;
	[tilespmem:s7+$0x800] =	vst v5  }
0x3ca: {  	v7 =	vmul.f32 v7, v4;
	v5 =	vld [tilespmem:s7+$0x50];
	v12 =	vmul.f32 v12, v4;
	[tilespmem:s7+$0x470] =	vst v24  }
0x3cb: {  	v11 =	vmul.f32 v11, v4;
	v24 =	vld [tilespmem:s7+$0x0];
	v6 =	vmul.f32 v6, v4;
	[tilespmem:s7+$0x460] =	vst v23  }
0x3cc: {  	v7 =	vmul.f32 v7, v3;
	v23 =	vld [tilespmem:s7+$0x20];
	v12 =	vmul.f32 v12, v3;
	[tilespmem:s7+$0x450] =	vst v25  }
0x3cd: {  	v11 =	vmul.f32 v11, v3;
	v25 =	vld [tilespmem:s7+$0x30];
	v6 =	vmul.f32 v6, v3;
	[tilespmem:s7+$0x440] =	vst v19  }
0x3ce: {  	v13 =	vmul.f32 v13, v4;
	v19 =	vld [tilespmem:s7+$0x10];
	v18 =	vmul.f32 v18, v4;
	[tilespmem:s7+$0x430] =	vst v12  }
0x3cf: {  	v12 =	vmul.f32 v17, v4;
	v5 =	vmul.f32 v5, v4;
	[tilespmem:s7+$0x420] =	vst v7;
	v7 =	vld [tilespmem:s7+$0xC30]  }
0x3d0: {  	v13 =	vmul.f32 v13, v3;
	v17 =	vmul.f32 v18, v3;
	[tilespmem:s7+$0x410] =	vst v6;
	v6 =	vld [tilespmem:s7+$0xC10]  }
0x3d1: {  	v12 =	vmul.f32 v12, v3;
	v5 =	vmul.f32 v5, v3;
	[tilespmem:s7+$0x400] =	vst v11;
	v11 =	vld [tilespmem:s7+$0xC00]  }
0x3d2: {  	v18 =	vmul.f32 v23, v4;
	v23 =	vmul.f32 v25, v4;
	[tilespmem:s7+$0x70] =	vst v17;
	v17 =	vld [tilespmem:s7+$0xC20]  }
0x3d3: {  	v24 =	vmul.f32 v24, v4;
	v19 =	vmul.f32 v19, v4;
	[tilespmem:s7+$0x60] =	vst v13;
	v13 =	vld [tilespmem:s7+$0xC70]  }
0x3d4: {  	v18 =	vmul.f32 v18, v3;
	v23 =	vmul.f32 v23, v3;
	[tilespmem:s7+$0x50] =	vst v5;
	v5 =	vld [tilespmem:s7+$0xC50]  }
0x3d5: {  	v24 =	vmul.f32 v24, v3;
	v19 =	vmul.f32 v19, v3;
	[tilespmem:s7+$0x40] =	vst v12;
	v12 =	vld [tilespmem:s7+$0xC40]  }
0x3d6: {  	v6 =	vmul.f32 v6, v4;
	[tilespmem:s7+$0x30] =	vst v23;
	v11 =	vmul.f32 v11, v4;
	v23 =	vld [tilespmem:s7+$0xC60]  }
0x3d7: {  	v7 =	vmul.f32 v7, v4;
	[tilespmem:s7+$0x20] =	vst v18;
	v17 =	vmul.f32 v17, v4  }
0x3d8: {  	v6 =	vmul.f32 v6, v3;
	[tilespmem:s7+$0x10] =	vst v19;
	v11 =	vmul.f32 v11, v3  }
0x3d9: {  	v7 =	vmul.f32 v7, v3;
	[tilespmem:s7+$0x0] =	vst v24;
	v17 =	vmul.f32 v17, v3  }
0x3da: {  	v5 =	vmul.f32 v5, v4;
	[tilespmem:s7+$0xC00] =	vst v11;
	v11 =	vmul.f32 v12, v4  }
0x3db: {  	s9 =	sadd.s32 $0x80, s9;
	[tilespmem:s7+$0xC10] =	vst v6;
	v6 =	vmul.f32 v23, v4;
	v4 =	vmul.f32 v13, v4  }
.Ltmp9:
0x3dc: {  	s5 =	sand.u32 $0xF000, s10;
	s11 =	sand.u32 $0x380, s9;
	v12 =	vmul.f32 v5, v3;
	[tilespmem:s7+$0xC20] =	vst v17;
	v11 =	vmul.f32 v11, v3;
	(pc) =	sbr.rel @p0 .LBB2_20-.Ltmp9, $4  }
0x3dd: {  	s11 =	sor.u32 s11, s5;
	[tilespmem:s7+$0xC30] =	vst v7;
	v13 =	vmul.f32 v6, v3;
	v3 =	vmul.f32 v4, v3  }
0x3de: {  	v5 =	vld [tilespmem:s11+$0x800];
	[tilespmem:s7+$0xC40] =	vst v11  }
0x3df: {  	v6 =	vld [tilespmem:s11+$0x840];
	[tilespmem:s7+$0xC50] =	vst v12  }
0x3e0: {  	s10 =	sadd.s32 $0x200, s10;
	v7 =	vld [tilespmem:s11+$0x860];
	[tilespmem:s7+$0xC60] =	vst v13  }
0x3e1: {  	v4 =	vld [tilespmem:s11+$0x870]  }
0x3e2: {  	[tilespmem:s7+$0xC70] =	vst v3;
	s4 =	sadd.s32 $0x10, s4;
	v11 =	vld [tilespmem:s11+$0x850]  }
0x3e3: {  	v3 =	vld [tilespmem:s4+$0x0]  }
0x3e4: {  	s12 =	sadd.s32 $0x10, s6;
	v13 =	vld [tilespmem:s11+$0x830]  }
0x3e5: {  	v12 =	vld [tilespmem:s12+$0x0]  }
0x3e6: {  	v17 =	vld [tilespmem:s11+$0x820]  }
0x3e7: {  	v18 =	vld [tilespmem:s11+$0x810]  }
0x3e8: {  	v4 =	vmul.f32 v4, v3;
	v7 =	vmul.f32 v7, v3  }
0x3e9: {  	v11 =	vmul.f32 v11, v3;
	v6 =	vmul.f32 v6, v3  }
0x3ea: {  	v13 =	vmul.f32 v13, v3;
	v4 =	vmul.f32 v4, v12  }
0x3eb: {  	v19 =	vld [tilespmem:s11+$0x470];
	v17 =	vmul.f32 v17, v3;
	v7 =	vmul.f32 v7, v12  }
0x3ec: {  	v23 =	vld [tilespmem:s11+$0x460];
	v18 =	vmul.f32 v18, v3;
	v11 =	vmul.f32 v11, v12;
	[tilespmem:s11+$0x870] =	vst v4  }
0x3ed: {  	v13 =	vmul.f32 v13, v12;
	v4 =	vmul.f32 v6, v12;
	v6 =	vld [tilespmem:s11+$0x450];
	[tilespmem:s11+$0x860] =	vst v7  }
0x3ee: {  	v18 =	vmul.f32 v18, v12;
	v7 =	vld [tilespmem:s11+$0x440];
	[tilespmem:s11+$0x850] =	vst v11  }
0x3ef: {  	v5 =	vmul.f32 v5, v3;
	v11 =	vmul.f32 v17, v12;
	v17 =	vld [tilespmem:s11+$0x430];
	[tilespmem:s11+$0x830] =	vst v13  }
0x3f0: {  	v19 =	vmul.f32 v19, v3;
	v13 =	vld [tilespmem:s11+$0x410];
	[tilespmem:s11+$0x810] =	vst v18  }
0x3f1: {  	v23 =	vmul.f32 v23, v3;
	v5 =	vmul.f32 v5, v12;
	[tilespmem:s11+$0x840] =	vst v4;
	v4 =	vld [tilespmem:s11+$0x420]  }
0x3f2: {  	v19 =	vmul.f32 v19, v12;
	[tilespmem:s11+$0x820] =	vst v11;
	v11 =	vld [tilespmem:s11+$0x400];
	v6 =	vmul.f32 v6, v3  }
0x3f3: {  	v18 =	vmul.f32 v23, v12;
	v23 =	vld [tilespmem:s11+$0x70];
	[tilespmem:s11+$0x800] =	vst v5;
	v7 =	vmul.f32 v7, v3  }
0x3f4: {  	v5 =	vld [tilespmem:s11+$0x60];
	[tilespmem:s11+$0x470] =	vst v19;
	v17 =	vmul.f32 v17, v3;
	v6 =	vmul.f32 v6, v12  }
0x3f5: {  	v19 =	vld [tilespmem:s11+$0x50];
	[tilespmem:s11+$0x460] =	vst v18;
	v13 =	vmul.f32 v13, v3;
	v7 =	vmul.f32 v7, v12  }
0x3f6: {  	v18 =	vld [tilespmem:s11+$0x40];
	v4 =	vmul.f32 v4, v3;
	v17 =	vmul.f32 v17, v12;
	[tilespmem:s11+$0x450] =	vst v6  }
0x3f7: {  	v13 =	vmul.f32 v13, v12;
	v6 =	vmul.f32 v11, v3;
	v11 =	vld [tilespmem:s11+$0x30];
	[tilespmem:s11+$0x440] =	vst v7  }
0x3f8: {  	v23 =	vmul.f32 v23, v3;
	v4 =	vmul.f32 v4, v12;
	v7 =	vld [tilespmem:s11+$0x20];
	[tilespmem:s11+$0x430] =	vst v17  }
0x3f9: {  	v5 =	vmul.f32 v5, v3;
	v17 =	vld [tilespmem:s11+$0x10];
	[tilespmem:s11+$0x410] =	vst v13;
	v6 =	vmul.f32 v6, v12  }
0x3fa: {  	v19 =	vmul.f32 v19, v3;
	v23 =	vmul.f32 v23, v12;
	[tilespmem:s11+$0x420] =	vst v4;
	v4 =	vld [tilespmem:s11+$0x0]  }
0x3fb: {  	v5 =	vmul.f32 v5, v12;
	v13 =	vmul.f32 v18, v3;
	[tilespmem:s11+$0x400] =	vst v6;
	v6 =	vld [tilespmem:s11+$0xC00]  }
0x3fc: {  	v19 =	vmul.f32 v19, v12;
	v18 =	vld [tilespmem:s11+$0xC10];
	[tilespmem:s11+$0x70] =	vst v23;
	v11 =	vmul.f32 v11, v3  }
0x3fd: {  	v23 =	vld [tilespmem:s11+$0xC20];
	[tilespmem:s11+$0x60] =	vst v5;
	v13 =	vmul.f32 v13, v12;
	v7 =	vmul.f32 v7, v3  }
0x3fe: {  	v5 =	vld [tilespmem:s11+$0xC30];
	[tilespmem:s11+$0x50] =	vst v19;
	v17 =	vmul.f32 v17, v3;
	v11 =	vmul.f32 v11, v12  }
0x3ff: {  	[tilespmem:s11+$0x40] =	vst v13;
	v13 =	vld [tilespmem:s11+$0xC40];
	v4 =	vmul.f32 v4, v3;
	v7 =	vmul.f32 v7, v12  }
0x400: {  	v19 =	vld [tilespmem:s11+$0xC50];
	v17 =	vmul.f32 v17, v12;
	[tilespmem:s11+$0x30] =	vst v11;
	v6 =	vmul.f32 v6, v3  }
0x401: {  	v4 =	vmul.f32 v4, v12;
	v11 =	vmul.f32 v18, v3;
	v18 =	vld [tilespmem:s11+$0xC60];
	[tilespmem:s11+$0x20] =	vst v7  }
0x402: {  	v23 =	vmul.f32 v23, v3;
	v7 =	vld [tilespmem:s11+$0xC70];
	[tilespmem:s11+$0x10] =	vst v17;
	v6 =	vmul.f32 v6, v12  }
0x403: {  	v5 =	vmul.f32 v5, v3;
	v11 =	vmul.f32 v11, v12;
	[tilespmem:s11+$0x0] =	vst v4  }
0x404: {  	v4 =	vmul.f32 v23, v12;
	[tilespmem:s11+$0xC00] =	vst v6;
	v6 =	vmul.f32 v13, v3  }
0x405: {  	v5 =	vmul.f32 v5, v12;
	v13 =	vmul.f32 v19, v3;
	[tilespmem:s11+$0xC10] =	vst v11  }
0x406: {  	[tilespmem:s11+$0xC20] =	vst v4;
	v11 =	vmul.f32 v18, v3;
	v4 =	vmul.f32 v6, v12  }
0x407: {  	[tilespmem:s11+$0xC30] =	vst v5;
	v3 =	vmul.f32 v7, v3;
	v6 =	vmul.f32 v13, v12  }
0x408: {  	v5 =	vmul.f32 v11, v12;
	[tilespmem:s11+$0xC40] =	vst v4  }
0x409: {  	v3 =	vmul.f32 v3, v12;
	[tilespmem:s11+$0xC50] =	vst v6  }
0x40a: {  	[tilespmem:s11+$0xC60] =	vst v5  }
0x40b: {  	s18 =	simm.s32 $0x0;
	s5 =	rddreg [dreg:$0xa];
	[tilespmem:s11+$0xC70] =	vst v3  }
0x40c: {  	[hbm4b:s5+s22] =	stream.strided.scatter [tilespmem:s18], [sflag:$0x4], $0xA000, s23, s22, $0x38;
	[tilespmem:$0x1EA00] =	vst v63  }
0x40d: {  	_ =	swait.ge [sflag:s28], $0xA000  }
0x40e: {  	s19 =	sand.u32 $0xF000, s18;
	s4 =	sand.u32 $0x380, s18;
	[sflag:s28] =	ssyncset.done $0x0  }
0x40f: {  	s7 =	sor.u32 s4, s19;
	[sflag:s28] =	ssyncadd.s32 $0xFFFF6000  }
0x410: {  	v4 =	vld [tilespmem:s7+$0xA860]  }
0x411: {  	s4 =	simm.s32 $0x1E000;
	v5 =	vld [tilespmem:s7+$0xA870]  }
0x412: {  	v6 =	vld [tilespmem:s4+$0x0]  }
0x413: {  	s6 =	simm.s32 $0x1E500;
	v7 =	vld [tilespmem:s7+$0xA850]  }
0x414: {  	v3 =	vld [tilespmem:s6+$0x0]  }
0x415: {  	v11 =	vld [tilespmem:s7+$0xA840]  }
0x416: {  	v12 =	vld [tilespmem:s7+$0xA830]  }
0x417: {  	v13 =	vld [tilespmem:s7+$0xA820]  }
0x418: {  	v17 =	vld [tilespmem:s7+$0xA810];
	v5 =	vmul.f32 v5, v6  }
0x419: {  	v18 =	vld [tilespmem:s7+$0xA800];
	v4 =	vmul.f32 v4, v6;
	v7 =	vmul.f32 v7, v6  }
0x41a: {  	v19 =	vld [tilespmem:s7+$0xA470];
	v11 =	vmul.f32 v11, v6;
	v5 =	vmul.f32 v5, v3  }
0x41b: {  	v23 =	vld [tilespmem:s7+$0xA460];
	v12 =	vmul.f32 v12, v6;
	v4 =	vmul.f32 v4, v3  }
0x41c: {  	v13 =	vmul.f32 v13, v6;
	v7 =	vmul.f32 v7, v3;
	[tilespmem:s7+$0xA870] =	vst v5  }
0x41d: {  	v12 =	vmul.f32 v12, v3;
	v5 =	vmul.f32 v11, v3;
	v11 =	vld [tilespmem:s7+$0xA450];
	[tilespmem:s7+$0xA860] =	vst v4  }
0x41e: {  	v17 =	vmul.f32 v17, v6;
	v13 =	vmul.f32 v13, v3;
	v4 =	vld [tilespmem:s7+$0xA440];
	[tilespmem:s7+$0xA850] =	vst v7  }
0x41f: {  	v19 =	vmul.f32 v19, v6;
	v7 =	vmul.f32 v18, v6;
	v18 =	vld [tilespmem:s7+$0xA430];
	[tilespmem:s7+$0xA830] =	vst v12  }
0x420: {  	v23 =	vmul.f32 v23, v6;
	v17 =	vmul.f32 v17, v3;
	v12 =	vld [tilespmem:s7+$0xA410];
	[tilespmem:s7+$0xA820] =	vst v13  }
0x421: {  	v19 =	vmul.f32 v19, v3;
	[tilespmem:s7+$0xA840] =	vst v5;
	v5 =	vld [tilespmem:s7+$0xA420]  }
0x422: {  	v13 =	vld [tilespmem:s7+$0xA400];
	[tilespmem:s7+$0xA810] =	vst v17;
	v17 =	vmul.f32 v23, v3;
	v11 =	vmul.f32 v11, v6  }
0x423: {  	v23 =	vld [tilespmem:s7+$0xA070];
	[tilespmem:s7+$0xA470] =	vst v19;
	v7 =	vmul.f32 v7, v3;
	v4 =	vmul.f32 v4, v6  }
0x424: {  	v19 =	vld [tilespmem:s7+$0xA050];
	[tilespmem:s7+$0xA460] =	vst v17;
	v18 =	vmul.f32 v18, v6;
	v11 =	vmul.f32 v11, v3  }
0x425: {  	[tilespmem:s7+$0xA800] =	vst v7;
	v7 =	vld [tilespmem:s7+$0xA060];
	v12 =	vmul.f32 v12, v6;
	v4 =	vmul.f32 v4, v3  }
0x426: {  	v17 =	vld [tilespmem:s7+$0xA040];
	v5 =	vmul.f32 v5, v6;
	v18 =	vmul.f32 v18, v3;
	[tilespmem:s7+$0xA450] =	vst v11  }
0x427: {  	v12 =	vmul.f32 v12, v3;
	v11 =	vmul.f32 v13, v6;
	v13 =	vld [tilespmem:s7+$0xA030];
	[tilespmem:s7+$0xA440] =	vst v4  }
0x428: {  	v23 =	vmul.f32 v23, v6;
	v5 =	vmul.f32 v5, v3;
	v4 =	vld [tilespmem:s7+$0xA020];
	[tilespmem:s7+$0xA430] =	vst v18  }
0x429: {  	v19 =	vmul.f32 v19, v6;
	v18 =	vld [tilespmem:s7+$0xA010];
	[tilespmem:s7+$0xA410] =	vst v12;
	v11 =	vmul.f32 v11, v3  }
0x42a: {  	v23 =	vmul.f32 v23, v3;
	v7 =	vmul.f32 v7, v6;
	[tilespmem:s7+$0xA420] =	vst v5;
	v5 =	vld [tilespmem:s7+$0xA000]  }
0x42b: {  	v19 =	vmul.f32 v19, v3;
	v12 =	vmul.f32 v17, v6;
	[tilespmem:s7+$0xA400] =	vst v11;
	v11 =	vld [tilespmem:s7+$0xAC00]  }
0x42c: {  	v17 =	vld [tilespmem:s7+$0xAC10];
	[tilespmem:s7+$0xA070] =	vst v23;
	v7 =	vmul.f32 v7, v3;
	v13 =	vmul.f32 v13, v6  }
0x42d: {  	v23 =	vld [tilespmem:s7+$0xAC20];
	[tilespmem:s7+$0xA050] =	vst v19;
	v12 =	vmul.f32 v12, v3;
	v4 =	vmul.f32 v4, v6  }
0x42e: {  	[tilespmem:s7+$0xA060] =	vst v7;
	v7 =	vld [tilespmem:s7+$0xAC30];
	v18 =	vmul.f32 v18, v6;
	v13 =	vmul.f32 v13, v3  }
0x42f: {  	[tilespmem:s7+$0xA040] =	vst v12;
	v12 =	vld [tilespmem:s7+$0xAC40];
	v5 =	vmul.f32 v5, v6;
	v4 =	vmul.f32 v4, v3  }
0x430: {  	v19 =	vld [tilespmem:s7+$0xAC50];
	v18 =	vmul.f32 v18, v3;
	[tilespmem:s7+$0xA030] =	vst v13;
	v11 =	vmul.f32 v11, v6  }
0x431: {  	v5 =	vmul.f32 v5, v3;
	v13 =	vmul.f32 v17, v6;
	v17 =	vld [tilespmem:s7+$0xAC60];
	[tilespmem:s7+$0xA020] =	vst v4  }
0x432: {  	v4 =	vmul.f32 v23, v6;
	[tilespmem:s7+$0xA010] =	vst v18;
	v18 =	vld [tilespmem:s7+$0xAC70];
	v11 =	vmul.f32 v11, v3  }
0x433: {  	v7 =	vmul.f32 v7, v6;
	v13 =	vmul.f32 v13, v3;
	[tilespmem:s7+$0xA000] =	vst v5  }
0x434: {  	v4 =	vmul.f32 v4, v3;
	v5 =	vmul.f32 v12, v6;
	[tilespmem:s7+$0xAC00] =	vst v11  }
0x435: {  	s20 =	simm.s32 $0x200;
	s9 =	simm.s32 $0x80;
	v7 =	vmul.f32 v7, v3;
	v11 =	vmul.f32 v19, v6;
	[tilespmem:s7+$0xAC10] =	vst v13  }
0x436: {  	s10 =	sand.u32 $0x380, s9;
	s5 =	sand.u32 $0xF000, s20;
	[tilespmem:s7+$0xAC20] =	vst v4;
	v4 =	vmul.f32 v5, v3;
	v12 =	vmul.f32 v17, v6  }
0x437: {  	s11 =	sor.u32 s10, s5;
	[tilespmem:s7+$0xAC30] =	vst v7;
	v7 =	vmul.f32 v18, v6;
	v11 =	vmul.f32 v11, v3  }
0x438: {  	v5 =	vld [tilespmem:s11+$0xA800];
	[tilespmem:s7+$0xAC40] =	vst v4;
	v12 =	vmul.f32 v12, v3  }
0x439: {  	v6 =	vld [tilespmem:s11+$0xA840];
	v3 =	vmul.f32 v7, v3;
	[tilespmem:s7+$0xAC50] =	vst v11  }
0x43a: {  	s10 =	simm.s32 $0x400;
	v7 =	vld [tilespmem:s11+$0xA860];
	[tilespmem:s7+$0xAC60] =	vst v12  }
.LBB2_22:
0x43b: {  	p0 =	sne.s32 s10, $0x9400;
	v11 =	vld [tilespmem:s11+$0xA870];
	[tilespmem:s7+$0xAC70] =	vst v3;
	s4 =	sadd.s32 $0x10, s4;
	s7 =	smov.u32 s11  }
0x43c: {  	v4 =	vld [tilespmem:s4+$0x0]  }
0x43d: {  	s6 =	sadd.s32 $0x10, s6;
	v12 =	vld [tilespmem:s7+$0xA850]  }
0x43e: {  	v3 =	vld [tilespmem:s6+$0x0]  }
0x43f: {  	v13 =	vld [tilespmem:s7+$0xA820]  }
0x440: {  	v17 =	vld [tilespmem:s7+$0xA830]  }
0x441: {  	v18 =	vld [tilespmem:s7+$0xA810];
	v7 =	vmul.f32 v7, v4;
	v11 =	vmul.f32 v11, v4  }
0x442: {  	v6 =	vmul.f32 v6, v4;
	v19 =	vld [tilespmem:s7+$0xA440];
	v12 =	vmul.f32 v12, v4  }
0x443: {  	v23 =	vld [tilespmem:s7+$0xA460];
	v7 =	vmul.f32 v7, v3;
	v11 =	vmul.f32 v11, v3  }
0x444: {  	v6 =	vmul.f32 v6, v3;
	v24 =	vld [tilespmem:s7+$0xA470];
	v12 =	vmul.f32 v12, v3  }
0x445: {  	v13 =	vmul.f32 v13, v4;
	v25 =	vld [tilespmem:s7+$0xA450];
	v17 =	vmul.f32 v17, v4;
	[tilespmem:s7+$0xA870] =	vst v11  }
0x446: {  	v5 =	vmul.f32 v5, v4;
	v11 =	vld [tilespmem:s7+$0xA400];
	v18 =	vmul.f32 v18, v4;
	[tilespmem:s7+$0xA860] =	vst v7  }
0x447: {  	v13 =	vmul.f32 v13, v3;
	v7 =	vld [tilespmem:s7+$0xA420];
	v17 =	vmul.f32 v17, v3;
	[tilespmem:s7+$0xA850] =	vst v12  }
0x448: {  	v5 =	vmul.f32 v5, v3;
	v12 =	vld [tilespmem:s7+$0xA430];
	v18 =	vmul.f32 v18, v3;
	[tilespmem:s7+$0xA840] =	vst v6  }
0x449: {  	v23 =	vmul.f32 v23, v4;
	v6 =	vld [tilespmem:s7+$0xA410];
	v24 =	vmul.f32 v24, v4;
	[tilespmem:s7+$0xA830] =	vst v17  }
0x44a: {  	v19 =	vmul.f32 v19, v4;
	v17 =	vld [tilespmem:s7+$0xA040];
	v25 =	vmul.f32 v25, v4;
	[tilespmem:s7+$0xA820] =	vst v13  }
0x44b: {  	v23 =	vmul.f32 v23, v3;
	v13 =	vld [tilespmem:s7+$0xA060];
	v24 =	vmul.f32 v24, v3;
	[tilespmem:s7+$0xA810] =	vst v18  }
0x44c: {  	v19 =	vmul.f32 v19, v3;
	v18 =	vld [tilespmem:s7+$0xA070];
	v25 =	vmul.f32 v25, v3;
	[tilespmem:s7+$0xA800] =	vst v5  }
0x44d: {  	v7 =	vmul.f32 v7, v4;
	v5 =	vld [tilespmem:s7+$0xA050];
	v12 =	vmul.f32 v12, v4;
	[tilespmem:s7+$0xA470] =	vst v24  }
0x44e: {  	v11 =	vmul.f32 v11, v4;
	v24 =	vld [tilespmem:s7+$0xA000];
	v6 =	vmul.f32 v6, v4;
	[tilespmem:s7+$0xA460] =	vst v23  }
0x44f: {  	v7 =	vmul.f32 v7, v3;
	v23 =	vld [tilespmem:s7+$0xA020];
	v12 =	vmul.f32 v12, v3;
	[tilespmem:s7+$0xA450] =	vst v25  }
0x450: {  	v11 =	vmul.f32 v11, v3;
	v25 =	vld [tilespmem:s7+$0xA030];
	v6 =	vmul.f32 v6, v3;
	[tilespmem:s7+$0xA440] =	vst v19  }
0x451: {  	v13 =	vmul.f32 v13, v4;
	v19 =	vld [tilespmem:s7+$0xA010];
	v18 =	vmul.f32 v18, v4;
	[tilespmem:s7+$0xA430] =	vst v12  }
0x452: {  	v12 =	vmul.f32 v17, v4;
	v5 =	vmul.f32 v5, v4;
	[tilespmem:s7+$0xA420] =	vst v7;
	v7 =	vld [tilespmem:s7+$0xAC30]  }
0x453: {  	v13 =	vmul.f32 v13, v3;
	v17 =	vmul.f32 v18, v3;
	[tilespmem:s7+$0xA410] =	vst v6;
	v6 =	vld [tilespmem:s7+$0xAC10]  }
0x454: {  	v12 =	vmul.f32 v12, v3;
	v5 =	vmul.f32 v5, v3;
	[tilespmem:s7+$0xA400] =	vst v11;
	v11 =	vld [tilespmem:s7+$0xAC00]  }
0x455: {  	v18 =	vmul.f32 v23, v4;
	v23 =	vmul.f32 v25, v4;
	[tilespmem:s7+$0xA070] =	vst v17;
	v17 =	vld [tilespmem:s7+$0xAC20]  }
0x456: {  	v24 =	vmul.f32 v24, v4;
	v19 =	vmul.f32 v19, v4;
	[tilespmem:s7+$0xA060] =	vst v13;
	v13 =	vld [tilespmem:s7+$0xAC70]  }
0x457: {  	v18 =	vmul.f32 v18, v3;
	v23 =	vmul.f32 v23, v3;
	[tilespmem:s7+$0xA050] =	vst v5;
	v5 =	vld [tilespmem:s7+$0xAC50]  }
0x458: {  	v24 =	vmul.f32 v24, v3;
	v19 =	vmul.f32 v19, v3;
	[tilespmem:s7+$0xA040] =	vst v12;
	v12 =	vld [tilespmem:s7+$0xAC40]  }
0x459: {  	v6 =	vmul.f32 v6, v4;
	[tilespmem:s7+$0xA030] =	vst v23;
	v11 =	vmul.f32 v11, v4;
	v23 =	vld [tilespmem:s7+$0xAC60]  }
0x45a: {  	v7 =	vmul.f32 v7, v4;
	[tilespmem:s7+$0xA020] =	vst v18;
	v17 =	vmul.f32 v17, v4  }
0x45b: {  	v6 =	vmul.f32 v6, v3;
	[tilespmem:s7+$0xA010] =	vst v19;
	v11 =	vmul.f32 v11, v3  }
0x45c: {  	v7 =	vmul.f32 v7, v3;
	[tilespmem:s7+$0xA000] =	vst v24;
	v17 =	vmul.f32 v17, v3  }
0x45d: {  	v5 =	vmul.f32 v5, v4;
	[tilespmem:s7+$0xAC00] =	vst v11;
	v11 =	vmul.f32 v12, v4  }
0x45e: {  	s9 =	sadd.s32 $0x80, s9;
	[tilespmem:s7+$0xAC10] =	vst v6;
	v6 =	vmul.f32 v23, v4;
	v4 =	vmul.f32 v13, v4  }
.Ltmp10:
0x45f: {  	s5 =	sand.u32 $0xF000, s10;
	s11 =	sand.u32 $0x380, s9;
	v12 =	vmul.f32 v5, v3;
	[tilespmem:s7+$0xAC20] =	vst v17;
	v11 =	vmul.f32 v11, v3;
	(pc) =	sbr.rel @p0 .LBB2_22-.Ltmp10, $4  }
0x460: {  	s11 =	sor.u32 s11, s5;
	[tilespmem:s7+$0xAC30] =	vst v7;
	v13 =	vmul.f32 v6, v3;
	v3 =	vmul.f32 v4, v3  }
0x461: {  	v5 =	vld [tilespmem:s11+$0xA800];
	[tilespmem:s7+$0xAC40] =	vst v11  }
0x462: {  	v6 =	vld [tilespmem:s11+$0xA840];
	[tilespmem:s7+$0xAC50] =	vst v12  }
0x463: {  	s10 =	sadd.s32 $0x200, s10;
	v7 =	vld [tilespmem:s11+$0xA860];
	[tilespmem:s7+$0xAC60] =	vst v13  }
0x464: {  	v4 =	vld [tilespmem:s11+$0xA870]  }
0x465: {  	[tilespmem:s7+$0xAC70] =	vst v3;
	s4 =	sadd.s32 $0x10, s4;
	v11 =	vld [tilespmem:s11+$0xA850]  }
0x466: {  	v3 =	vld [tilespmem:s4+$0x0]  }
0x467: {  	s18 =	sadd.s32 $0x10, s6;
	v13 =	vld [tilespmem:s11+$0xA830]  }
0x468: {  	v12 =	vld [tilespmem:s18+$0x0]  }
0x469: {  	v17 =	vld [tilespmem:s11+$0xA820]  }
0x46a: {  	v18 =	vld [tilespmem:s11+$0xA810]  }
0x46b: {  	v4 =	vmul.f32 v4, v3;
	v7 =	vmul.f32 v7, v3  }
0x46c: {  	v11 =	vmul.f32 v11, v3;
	v6 =	vmul.f32 v6, v3  }
0x46d: {  	v13 =	vmul.f32 v13, v3;
	v4 =	vmul.f32 v4, v12  }
0x46e: {  	v19 =	vld [tilespmem:s11+$0xA470];
	v17 =	vmul.f32 v17, v3;
	v7 =	vmul.f32 v7, v12  }
0x46f: {  	v23 =	vld [tilespmem:s11+$0xA460];
	v18 =	vmul.f32 v18, v3;
	v11 =	vmul.f32 v11, v12;
	[tilespmem:s11+$0xA870] =	vst v4  }
0x470: {  	v13 =	vmul.f32 v13, v12;
	v4 =	vmul.f32 v6, v12;
	v6 =	vld [tilespmem:s11+$0xA450];
	[tilespmem:s11+$0xA860] =	vst v7  }
0x471: {  	v18 =	vmul.f32 v18, v12;
	v7 =	vld [tilespmem:s11+$0xA440];
	[tilespmem:s11+$0xA850] =	vst v11  }
0x472: {  	v5 =	vmul.f32 v5, v3;
	v11 =	vmul.f32 v17, v12;
	v17 =	vld [tilespmem:s11+$0xA430];
	[tilespmem:s11+$0xA830] =	vst v13  }
0x473: {  	v19 =	vmul.f32 v19, v3;
	v13 =	vld [tilespmem:s11+$0xA410];
	[tilespmem:s11+$0xA810] =	vst v18  }
0x474: {  	v23 =	vmul.f32 v23, v3;
	v5 =	vmul.f32 v5, v12;
	[tilespmem:s11+$0xA840] =	vst v4;
	v4 =	vld [tilespmem:s11+$0xA420]  }
0x475: {  	v19 =	vmul.f32 v19, v12;
	[tilespmem:s11+$0xA820] =	vst v11;
	v11 =	vld [tilespmem:s11+$0xA400];
	v6 =	vmul.f32 v6, v3  }
0x476: {  	v18 =	vmul.f32 v23, v12;
	v23 =	vld [tilespmem:s11+$0xA070];
	[tilespmem:s11+$0xA800] =	vst v5;
	v7 =	vmul.f32 v7, v3  }
0x477: {  	v5 =	vld [tilespmem:s11+$0xA060];
	[tilespmem:s11+$0xA470] =	vst v19;
	v17 =	vmul.f32 v17, v3;
	v6 =	vmul.f32 v6, v12  }
0x478: {  	v19 =	vld [tilespmem:s11+$0xA050];
	[tilespmem:s11+$0xA460] =	vst v18;
	v13 =	vmul.f32 v13, v3;
	v7 =	vmul.f32 v7, v12  }
0x479: {  	v18 =	vld [tilespmem:s11+$0xA040];
	v4 =	vmul.f32 v4, v3;
	v17 =	vmul.f32 v17, v12;
	[tilespmem:s11+$0xA450] =	vst v6  }
0x47a: {  	v13 =	vmul.f32 v13, v12;
	v6 =	vmul.f32 v11, v3;
	v11 =	vld [tilespmem:s11+$0xA030];
	[tilespmem:s11+$0xA440] =	vst v7  }
0x47b: {  	v23 =	vmul.f32 v23, v3;
	v4 =	vmul.f32 v4, v12;
	v7 =	vld [tilespmem:s11+$0xA020];
	[tilespmem:s11+$0xA430] =	vst v17  }
0x47c: {  	v5 =	vmul.f32 v5, v3;
	v17 =	vld [tilespmem:s11+$0xA010];
	[tilespmem:s11+$0xA410] =	vst v13;
	v6 =	vmul.f32 v6, v12  }
0x47d: {  	v19 =	vmul.f32 v19, v3;
	v23 =	vmul.f32 v23, v12;
	[tilespmem:s11+$0xA420] =	vst v4;
	v4 =	vld [tilespmem:s11+$0xA000]  }
0x47e: {  	v5 =	vmul.f32 v5, v12;
	v13 =	vmul.f32 v18, v3;
	[tilespmem:s11+$0xA400] =	vst v6;
	v6 =	vld [tilespmem:s11+$0xAC00]  }
0x47f: {  	v19 =	vmul.f32 v19, v12;
	v18 =	vld [tilespmem:s11+$0xAC10];
	[tilespmem:s11+$0xA070] =	vst v23;
	v11 =	vmul.f32 v11, v3  }
0x480: {  	v23 =	vld [tilespmem:s11+$0xAC20];
	[tilespmem:s11+$0xA060] =	vst v5;
	v13 =	vmul.f32 v13, v12;
	v7 =	vmul.f32 v7, v3  }
0x481: {  	v5 =	vld [tilespmem:s11+$0xAC30];
	[tilespmem:s11+$0xA050] =	vst v19;
	v17 =	vmul.f32 v17, v3;
	v11 =	vmul.f32 v11, v12  }
0x482: {  	[tilespmem:s11+$0xA040] =	vst v13;
	v13 =	vld [tilespmem:s11+$0xAC40];
	v4 =	vmul.f32 v4, v3;
	v7 =	vmul.f32 v7, v12  }
0x483: {  	v19 =	vld [tilespmem:s11+$0xAC50];
	v17 =	vmul.f32 v17, v12;
	[tilespmem:s11+$0xA030] =	vst v11;
	v6 =	vmul.f32 v6, v3  }
0x484: {  	v4 =	vmul.f32 v4, v12;
	v11 =	vmul.f32 v18, v3;
	v18 =	vld [tilespmem:s11+$0xAC60];
	[tilespmem:s11+$0xA020] =	vst v7  }
0x485: {  	v23 =	vmul.f32 v23, v3;
	v7 =	vld [tilespmem:s11+$0xAC70];
	[tilespmem:s11+$0xA010] =	vst v17;
	v6 =	vmul.f32 v6, v12  }
0x486: {  	v5 =	vmul.f32 v5, v3;
	v11 =	vmul.f32 v11, v12;
	[tilespmem:s11+$0xA000] =	vst v4  }
0x487: {  	v4 =	vmul.f32 v23, v12;
	[tilespmem:s11+$0xAC00] =	vst v6;
	v6 =	vmul.f32 v13, v3  }
0x488: {  	v5 =	vmul.f32 v5, v12;
	v13 =	vmul.f32 v19, v3;
	[tilespmem:s11+$0xAC10] =	vst v11  }
0x489: {  	[tilespmem:s11+$0xAC20] =	vst v4;
	v11 =	vmul.f32 v18, v3;
	v4 =	vmul.f32 v6, v12  }
0x48a: {  	[tilespmem:s11+$0xAC30] =	vst v5;
	v3 =	vmul.f32 v7, v3;
	v6 =	vmul.f32 v13, v12  }
0x48b: {  	v5 =	vmul.f32 v11, v12;
	[tilespmem:s11+$0xAC40] =	vst v4  }
0x48c: {  	v3 =	vmul.f32 v3, v12;
	[tilespmem:s11+$0xAC50] =	vst v6  }
0x48d: {  	[tilespmem:s11+$0xAC60] =	vst v5  }
0x48e: {  	s19 =	rddreg [dreg:$0xb];
	[tilespmem:s11+$0xAC70] =	vst v3  }
0x48f: {  	[hbm4b:s19+s22] =	stream.strided.scatter [tilespmem:s24], [sflag:$0x5], $0xA000, s23, s22, $0x38;
	[tilespmem:$0x1EA00] =	vst v63  }
0x490: {  	_ =	swait.ge [sflag:s1], $0xA000  }
0x491: {  	[sflag:s1] =	ssyncset.done $0x0  }
0x492: {  	[sflag:s1] =	ssyncadd.s32 $0xFFFF6000  }
0x493: {  	_ =	swait.ge [sflag:s29], $0xA000  }
0x494: {  	[sflag:s29] =	ssyncset.done $0x0  }
0x495: {  	[sflag:s29] =	ssyncadd.s32 $0xFFFF6000  }
0x496: {  	_ =	swait.ge [sflag:s31], $0xA000  }
0x497: {  	s3 =	sadd.s32 $0x1, s3;
	s20 =	rddreg [dreg:$0xc]  }
0x498: {  	p0 =	sne.s32 s3, s20  }
.Ltmp11:
0x499: {  	_ = 	snop;
	(pc) =	sbr.rel @p0 .LBB2_1-.Ltmp11, $3  }
0x49a: {  	_ =	sdelay $0x1  }
0x49b: {  	[sflag:s31] =	ssyncset.done $0x0  }
0x49c: {  	[sflag:s31] =	ssyncadd.s32 $0xFFFF6000  }
0x49d: {  	_ =	sfence.sel $0x180000  }
0x49e: {  	[bflag:$0x0] =	sbarrier.arrive $0xFFFF  }
0x49f: {  	_ =	strace $0x90000047  }
0x4a0: {  	s0 =	stileid.u32;
	[bflag:$0x2] =	sbarrier.arrive $0xFFFF  }
0x4a1: {  	p0 =	sne.s32 s0, $0x0;
	s0 =	rddreg [dreg:$0x2]  }
0x4a2: {  	s0 =	sadd.s32 @!p0 $0x100000, s0  }
0x4a3: {  	[sflag:s0] =	ssyncadd.tile.s32 @!p0 $0x1;
	_ =	shalt  }
.Lfunc_end2:
_tile_overlayer_lowered:
.L_overlay_start_2:
0x4a4: {  	(tag) =	ssettag $0x2  }
0x4a5: {  	s0 =	rddreg [dreg:$0x0];
	s2 =	stileid.u32  }
0x4a6: {  	s1 =	rddreg [dreg:$0x1];
	p0 =	sne.s32 s2, $0x0  }
0x4a7: {  	s3 =	rddreg [dreg:$0x2];
	[bflag:$0x3] =	sbarrier.arrive $0xFFFF;
	s2 =	simm.s32 @!p0 $0x1C07  }
0x4a8: {  	[timem:s3], [sflag:s2] =	dma.local @!p0 [hbm:s0], s1  }
0x4a9: {  	s0 =	simm.s32 @!p0 $0x7  }
0x4aa: {  	_ =	swait.ge @!p0 [sflag:s0], s1  }
0x4ab: {  	s1 =	ssub.s32 @!p0 $0x0, s1;
	[sflag:s0] =	ssyncset.done @!p0 $0x0  }
0x4ac: {  	[sflag:s0] =	ssyncadd.s32 @!p0 s1  }
0x4ad: {  	[bflag:$0x3] =	sbarrier.arrive $0xFFFF  }
0x4ae: {  	_ =	shalt  }

</sc_bundles>
